<compile_context>
chip_gen: v7x
topology: tpu7x:2x2x1
jax: 0.10.2.dev20260603
libtpu: 0.0.44.dev20260713+nightly
codegen_flags: <defaults>
</compile_context>

<pallas_src>
import functools

import jax
import jax.numpy as jnp
from jax import lax
from jax.experimental import pallas as pl
from jax.experimental.pallas import tpu as pltpu
from jax.experimental.pallas import tpu_sc as plsc

N = 10000
E = 320000
F = 128
R = 8

NC = 2
NS = 16
NW = NC * NS
EPW = E // NW
EPT = E // NS
CH = 128
EPTP = 20480
NCH = EPTP // CH
BLK = 32
NBLK = NCH // BLK
HB = BLK // 2
FH = F // NC
ACCR = 10240
RPT = ACCR // NS
KEYS = R * N
ER = E // F
L = 16


def _prep_body(src_ref, dst_ref, ew_ref, et_ref, g_ref, k2_ref, wn_ref):
    ew = ew_ref[...]
    lo = jnp.min(ew)
    hi = jnp.max(ew)
    wn_ref[...] = (ew - lo) / (hi - lo + 1e-08)
    t = et_ref[...].astype(jnp.int32)
    dst = dst_ref[...]
    g_ref[...] = t * N + src_ref[...]
    k2_ref[...] = t * N + dst


def _prep(src, dst, ew, et):
    return pl.pallas_call(
        _prep_body,
        out_shape=(
            jax.ShapeDtypeStruct((ER, F), jnp.int32),
            jax.ShapeDtypeStruct((ER, F), jnp.int32),
            jax.ShapeDtypeStruct((ER, F), jnp.float32),
        ),
    )(src, dst, ew, et)


def _count(k2w):
    mesh = plsc.VectorSubcoreMesh(core_axis_name="c", subcore_axis_name="s")

    @functools.partial(
        pl.kernel,
        mesh=mesh,
        compiler_params=pltpu.CompilerParams(needs_layout_passes=False),
        out_type=jax.ShapeDtypeStruct((NW, KEYS), jnp.float32),
        scratch_types=[
            pltpu.VMEM((EPW,), jnp.int32),
            pltpu.VMEM((KEYS,), jnp.float32),
        ],
    )
    def k(k2_hbm, out_hbm, keys_v, cnt_v):
        c = lax.axis_index("c")
        s = lax.axis_index("s")
        wid = s * NC + c
        pltpu.sync_copy(k2_hbm.at[wid], keys_v)
        zeros = jnp.zeros((L,), jnp.float32)

        def zbody(i, carry):
            cnt_v[pl.ds(i * L, L)] = zeros
            return carry

        lax.fori_loop(0, KEYS // L, zbody, 0)

        def body(i, carry):
            kk = keys_v[pl.ds(i * L, L)]
            kcnt, klast = plsc.scan_count(kk)
            plsc.addupdate_scatter(cnt_v, [kk], kcnt.astype(jnp.float32),
                                   mask=klast)
            return carry

        lax.fori_loop(0, EPW // L, body, 0)
        pltpu.sync_copy(cnt_v, out_hbm.at[wid])

    return k(k2w)


def _csum_body(p_ref, o_ref):
    o_ref[...] = jnp.sum(p_ref[...], axis=0)


def _csum(cntp):
    return pl.pallas_call(
        _csum_body,
        out_shape=jax.ShapeDtypeStruct((KEYS // F, F), jnp.float32),
    )(cntp)


def _acoef(k2w, wnw, cnt):
    mesh = plsc.VectorSubcoreMesh(core_axis_name="c", subcore_axis_name="s")

    @functools.partial(
        pl.kernel,
        mesh=mesh,
        compiler_params=pltpu.CompilerParams(needs_layout_passes=False),
        out_type=jax.ShapeDtypeStruct((NW, EPW), jnp.float32),
        scratch_types=[
            pltpu.VMEM((EPW,), jnp.int32),
            pltpu.VMEM((EPW,), jnp.float32),
            pltpu.VMEM((KEYS,), jnp.float32),
            pltpu.VMEM((EPW,), jnp.float32),
        ],
    )
    def k(k2_hbm, wn_hbm, cnt_hbm, out_hbm, keys_v, wn_v, cnt_v, a_v):
        c = lax.axis_index("c")
        s = lax.axis_index("s")
        wid = s * NC + c
        pltpu.sync_copy(k2_hbm.at[wid], keys_v)
        pltpu.sync_copy(wn_hbm.at[wid], wn_v)
        pltpu.sync_copy(cnt_hbm, cnt_v)

        def body(i, carry):
            sl = pl.ds(i * L, L)
            kk = keys_v[sl]
            cc = plsc.load_gather(cnt_v, [kk])
            a_v[sl] = wn_v[sl] / jnp.maximum(cc, 1.0)
            return carry

        lax.fori_loop(0, EPW // L, body, 0)
        pltpu.sync_copy(a_v, out_hbm.at[wid])

    return k(k2w, wnw, cnt)


def _transform_body(x_ref, w_ref, y_ref):
    y_ref[0] = jnp.dot(x_ref[...], w_ref[0],
                       preferred_element_type=jnp.float32,
                       precision=lax.Precision.HIGHEST)


def _transform(x, w9):
    bn = 2000
    return pl.pallas_call(
        _transform_body,
        grid=(R + 1, N // bn),
        in_specs=[
            pl.BlockSpec((bn, F), lambda r, i: (i, 0)),
            pl.BlockSpec((1, F, F), lambda r, i: (r, 0, 0)),
        ],
        out_specs=pl.BlockSpec((1, bn, F), lambda r, i: (r, i, 0)),
        out_shape=jax.ShapeDtypeStruct((R + 1, N, F), jnp.float32),
    )(x, w9)


def _make_scatter():
    mesh = plsc.VectorSubcoreMesh(core_axis_name="c", subcore_axis_name="s")

    @functools.partial(
        pl.kernel,
        mesh=mesh,
        compiler_params=pltpu.CompilerParams(
            needs_layout_passes=False, use_tc_tiling_on_sc=False),
        out_type=jax.ShapeDtypeStruct((NC, ACCR, FH), jnp.float32),
        scratch_types=[
            pltpu.VMEM((BLK, CH), jnp.int32),
            pltpu.VMEM((BLK, CH), jnp.int32),
            pltpu.VMEM((BLK, CH), jnp.float32),
            pltpu.VMEM((CH, FH), jnp.float32),
            pltpu.VMEM((CH, FH), jnp.float32),
            pltpu.VMEM_SHARED((ACCR, FH), jnp.float32),
            pltpu.SemaphoreType.DMA,
            pltpu.SemaphoreType.DMA,
            pltpu.SemaphoreType.DMA,
            pltpu.SemaphoreType.DMA,
        ],
    )
    def k(y_hbm, g_hbm, d_hbm, a_hbm, out_hbm,
          g_v, d_v, a_v, r0, r1, acc_sh, gs0, gs1, ss0, ss1):
        c = lax.axis_index("c")
        s = lax.axis_index("s")

        zeros = jnp.zeros((L,), jnp.float32)

        def zbody(i, carry):
            for kk in range(FH // L):
                r0[i, pl.ds(kk * L, L)] = zeros
            return carry

        lax.fori_loop(0, CH, zbody, 0)
        base = s * RPT
        for j in range(RPT // CH):
            pltpu.sync_copy(r0, acc_sh.at[pl.ds(base + j * CH, CH)])
        plsc.subcore_barrier()

        def do_scale(rows_v, j):
            def scale(g, carry3):
                a16 = a_v[j, pl.ds(g * L, L)]
                for eo in range(L):
                    e = g * L + eo
                    sv = jnp.full((L,), a16[eo], jnp.float32)
                    for kk in range(FH // L):
                        sl = pl.ds(kk * L, L)
                        rows_v[e, sl] = rows_v[e, sl] * sv
                return carry3

            lax.fori_loop(0, CH // L, scale, 0)

        def block(b, carry):
            bs = pl.ds(b * BLK, BLK)
            pltpu.sync_copy(g_hbm.at[s, bs], g_v)
            pltpu.sync_copy(d_hbm.at[s, bs], d_v)
            pltpu.sync_copy(a_hbm.at[s, bs], a_v)

            def gfix(i, carry2):
                jr = i // (CH // L)
                sl = pl.ds((i % (CH // L)) * L, L)
                g_v[jr, sl] = g_v[jr, sl] * 2 + c
                return carry2

            lax.fori_loop(0, BLK * (CH // L), gfix, 0)
            pltpu.async_copy(y_hbm.at[g_v.at[0]], r0, gs0)

            def pair(t, carry2):
                j0 = 2 * t
                @pl.when(t > 0)
                def _():
                    pltpu.make_async_copy(r1, acc_sh.at[d_v.at[j0]], ss1
                                          ).wait()

                pltpu.async_copy(y_hbm.at[g_v.at[j0 + 1]], r1, gs1)
                pltpu.make_async_copy(y_hbm.at[g_v.at[j0]], r0, gs0).wait()
                do_scale(r0, j0)
                pltpu.async_copy(r0, acc_sh.at[d_v.at[j0]], ss0, add=True)

                @pl.when(t < HB - 1)
                def _():
                    pltpu.make_async_copy(r0, acc_sh.at[d_v.at[j0]], ss0
                                          ).wait()
                    pltpu.async_copy(y_hbm.at[g_v.at[j0 + 2]], r0, gs0)

                pltpu.make_async_copy(y_hbm.at[g_v.at[j0 + 1]], r1, gs1
                                      ).wait()
                do_scale(r1, j0 + 1)
                pltpu.async_copy(r1, acc_sh.at[d_v.at[j0 + 1]], ss1, add=True)
                return carry2

            lax.fori_loop(0, HB, pair, 0)
            pltpu.make_async_copy(r0, acc_sh.at[d_v.at[0]], ss0).wait()
            pltpu.make_async_copy(r1, acc_sh.at[d_v.at[0]], ss1).wait()
            return carry

        lax.fori_loop(0, NBLK, block, 0)
        plsc.subcore_barrier()
        pltpu.sync_copy(acc_sh.at[pl.ds(base, RPT)],
                        out_hbm.at[c, pl.ds(base, RPT)])

    return k


_scatter = _make_scatter()


def _combine_body(y8_ref, b_ref, msg_ref, o_ref, *, relu):
    v = y8_ref[...] + b_ref[...] + msg_ref[...]
    o_ref[...] = jnp.maximum(v, 0.0) if relu else v


def _combine(y8, b, msg, relu):
    return pl.pallas_call(
        functools.partial(_combine_body, relu=relu),
        out_shape=jax.ShapeDtypeStruct((N, F), jnp.float32),
    )(y8, b, msg)


def kernel(x, edge_index, edge_attr, w1, root1, b1, w2, root2, b2):
    src = edge_index[0].reshape(ER, F)
    dst = edge_index[1].reshape(ER, F)
    ew = edge_attr[:, 0].reshape(ER, F)
    et = edge_attr[:, 1].reshape(ER, F)

    g, k2, wn = _prep(src, dst, ew, et)
    k2w = k2.reshape(NW, EPW)
    cntp = _count(k2w)
    cnt = _csum(cntp.reshape(NW, KEYS // F, F))
    a = _acoef(k2w, wn.reshape(NW, EPW), cnt.reshape(KEYS))

    pad = ((0, 0), (0, EPTP - EPT))
    gq = jnp.pad(g.reshape(NS, EPT), pad).reshape(NS, NCH, CH)
    dq = jnp.pad(edge_index[1].reshape(NS, EPT), pad).reshape(NS, NCH, CH)
    aq = jnp.pad(a.reshape(NS, EPT), pad).reshape(NS, NCH, CH)

    def _layer(xin, w, root):
        y = _transform(xin, jnp.concatenate([w, root[None]], axis=0))
        m = _scatter(y.reshape((R + 1) * N * NC, FH), gq, dq, aq)
        msg = jnp.concatenate([m[0, :N], m[1, :N]], axis=1)
        return y[R], msg

    y8a, msg1 = _layer(x, w1, root1)
    h = _combine(y8a, b1.reshape(1, F), msg1, relu=True)
    y8b, msg2 = _layer(h, w2, root2)
    return _combine(y8b, b2.reshape(1, F), msg2, relu=False)

# --- scband reference (transcript-rebuilt; emitter-appended) ---
"""Pipeline reference for scband-rgcn-90168543412868 (READ-ONLY COPY).

The authoritative reference and input builder live on the scoring server;
editing this copy changes nothing except your own understanding.
"""

import jax, jax.numpy as jnp
import numpy as np

N = 10000
E = 320000
F = 128
R = 8


def setup_inputs(seed: int = 0) -> dict:
    key = jax.random.key(seed)
    ks = jax.random.split(key, 12)
    x = jax.random.normal(ks[0], (N, F), dtype=jnp.float32)
    edge_index = jax.random.randint(ks[1], (2, E), 0, N, dtype=jnp.int32)
    # edge_attr[:,0] -> edge_weight, edge_attr[:,1] -> edge_type (cast to int in forward)
    edge_attr = jax.random.randint(ks[2], (E, 2), 0, R).astype(jnp.float32)
    s = 0.05
    w1 = jax.random.normal(ks[3], (R, F, F), dtype=jnp.float32) * s
    root1 = jax.random.normal(ks[4], (F, F), dtype=jnp.float32) * s
    b1 = jnp.zeros((F,), dtype=jnp.float32)
    w2 = jax.random.normal(ks[5], (R, F, F), dtype=jnp.float32) * s
    root2 = jax.random.normal(ks[6], (F, F), dtype=jnp.float32) * s
    b2 = jnp.zeros((F,), dtype=jnp.float32)
    return {"x": x, "edge_index": edge_index, "edge_attr": edge_attr,
            "w1": w1, "root1": root1, "b1": b1,
            "w2": w2, "root2": root2, "b2": b2}


def _rgcn_layer(x, src, dst, edge_type, edge_w, weight, root, bias):
    n = x.shape[0]
    # root transform + bias (self-loop)
    out = x @ root + bias
    num_rel = weight.shape[0]
    for i in range(num_rel):
        mask = (edge_type == i)
        w_e = jnp.where(mask, edge_w, 0.0)
        # message: edge_weight * x_j  (gather on src)
        msgs = w_e[:, None] * x[src]
        # mean aggregation over the masked edge subset (RGCNConv default aggr='mean')
        s = jax.ops.segment_sum(msgs, dst, num_segments=n)
        cnt = jax.ops.segment_sum(mask.astype(jnp.float32), dst, num_segments=n)
        mean = s / jnp.maximum(cnt, 1.0)[:, None]
        out = out + mean @ weight[i]
    return out


def reference(x, edge_index, edge_attr, w1, root1, b1, w2, root2, b2):
    src = edge_index[0]
    dst = edge_index[1]
    edge_w = edge_attr[:, 0]
    edge_type = edge_attr[:, 1].astype(jnp.int32)
    # min-max normalize edge weights
    edge_w = (edge_w - edge_w.min()) / (edge_w.max() - edge_w.min() + 1e-08)
    h = jax.nn.relu(_rgcn_layer(x, src, dst, edge_type, edge_w, w1, root1, b1))
    h = _rgcn_layer(h, src, dst, edge_type, edge_w, w2, root2, b2)
    return h


if False:  # reference __main__ guard neutralized (emitter)
    inp = setup_inputs()
    out = reference(**inp)
    print(out.shape, out.dtype)

if __name__ == "__main__":
    import jax
    _d = setup_inputs()
    print(jax.jit(kernel)(*tuple(_d.values())))

</pallas_src>

<mosaic_0001>
#map = affine_map<(d0, d1) -> (0, 0)>
module attributes {stable_mosaic.version = 14 : i64} {
  func.func @k(%arg0: i32, %arg1: i32, %arg2: memref<32x10000xi32, #tpu.memory_space<hbm>>, %arg3: memref<32x80000xf32, #tpu.memory_space<hbm>>, %arg4: memref<10000xi32, #tpu.memory_space<vmem>>, %arg5: memref<80000xf32, #tpu.memory_space<vmem>>) attributes {dimension_semantics = [#tpu.dimension_semantics<core_parallel>, #tpu.dimension_semantics<subcore_parallel>], iteration_bounds = array<i64: 2, 16>, scalar_prefetch = 0 : i64, scratch_operands = 2 : i64, tpu.core_type = #tpu.core_type<sc_vector_subcore>, window_params = [{transform_indices = #map}, {transform_indices = #map}]} {
    %mul3A = arith.constant 2 : i32
    %mul3A_0 = arith.muli %arg1, %mul3A : i32
    %add3A = arith.addi %mul3A_0, %arg0 : i32
    "tpu.region"() ({
      %run_scoped3A = tpu.sem_alloc : memref<!tpu.dma_semaphore, #tpu.memory_space<semaphore_mem>>
      %dma_start3A = arith.constant 0 : i32
      %dma_start3A_13 = tpu.memref_slice %arg2[%add3A, %dma_start3A] : memref<32x10000xi32, #tpu.memory_space<hbm>> -> memref<1x10000xi32, #tpu.memory_space<hbm>>
      %dma_start3A_14 = tpu.memref_squeeze %dma_start3A_13 : memref<1x10000xi32, #tpu.memory_space<hbm>> -> memref<10000xi32, #tpu.memory_space<hbm>>
      %dma_start3A_15 = arith.constant 0 : i32
      %dma_start3A_16 = tpu.memref_slice %arg2[%add3A, %dma_start3A_15] : memref<32x10000xi32, #tpu.memory_space<hbm>> -> memref<1x10000xi32, #tpu.memory_space<hbm>>
      %dma_start3A_17 = tpu.memref_squeeze %dma_start3A_16 : memref<1x10000xi32, #tpu.memory_space<hbm>> -> memref<10000xi32, #tpu.memory_space<hbm>>
      tpu.enqueue_dma source(%dma_start3A_17 : memref<10000xi32, #tpu.memory_space<hbm>>) target(%arg4 : memref<10000xi32, #tpu.memory_space<vmem>>) target_semaphore(%run_scoped3A : memref<!tpu.dma_semaphore, #tpu.memory_space<semaphore_mem>>)
      %dma_wait3A = arith.constant 0 : i32
      %dma_wait3A_18 = tpu.memref_slice %arg2[%add3A, %dma_wait3A] : memref<32x10000xi32, #tpu.memory_space<hbm>> -> memref<1x10000xi32, #tpu.memory_space<hbm>>
      %dma_wait3A_19 = tpu.memref_squeeze %dma_wait3A_18 : memref<1x10000xi32, #tpu.memory_space<hbm>> -> memref<10000xi32, #tpu.memory_space<hbm>>
      %dma_wait3A_20 = arith.constant 0 : i32
      %dma_wait3A_21 = tpu.memref_slice %arg2[%add3A, %dma_wait3A_20] : memref<32x10000xi32, #tpu.memory_space<hbm>> -> memref<1x10000xi32, #tpu.memory_space<hbm>>
      %dma_wait3A_22 = tpu.memref_squeeze %dma_wait3A_21 : memref<1x10000xi32, #tpu.memory_space<hbm>> -> memref<10000xi32, #tpu.memory_space<hbm>>
      tpu.wait_dma2 semaphore(%run_scoped3A : memref<!tpu.dma_semaphore, #tpu.memory_space<semaphore_mem>>) src(%dma_wait3A_22 : memref<10000xi32, #tpu.memory_space<hbm>>) dst(%arg4 : memref<10000xi32, #tpu.memory_space<vmem>>)
      tpu.yield
    }) : () -> ()
    %broadcast_in_dim3A = arith.constant 0.000000e+00 : f32
    %broadcast_in_dim3A_1 = vector.broadcast %broadcast_in_dim3A : f32 to vector<16xf32>
    %scan3A = arith.constant 0 : i32
    %scan3A_2 = arith.constant 0 : i32
    %scan3A_3 = arith.constant 5000 : i32
    %scan3A_4 = arith.addi %scan3A_2, %scan3A_3 : i32
    %scan3A_5 = arith.constant 1 : i32
    scf.for %scan3A_13 = %scan3A_2 to %scan3A_4 step %scan3A_5  : i32 {
      %mul3A_14 = arith.constant 16 : i32
      %mul3A_15 = arith.muli %scan3A_13, %mul3A_14 : i32
      %swap3A = arith.index_cast %mul3A_15 : i32 to index
      %swap3A_16 = tpu.vector_load %arg5[%swap3A] {strides = array<i32>} : memref<80000xf32, #tpu.memory_space<vmem>>, vector<16xf32>,
      tpu.vector_store %arg5[%swap3A], %broadcast_in_dim3A_1 {strides = array<i32>} : memref<80000xf32, #tpu.memory_space<vmem>>, vector<16xf32>,
    }
    %scan3A_6 = arith.constant 5000 : i32
    %scan3A_7 = arith.constant 0 : i32
    %scan3A_8 = arith.constant 0 : i32
    %scan3A_9 = arith.constant 625 : i32
    %scan3A_10 = arith.addi %scan3A_8, %scan3A_9 : i32
    %scan3A_11 = arith.constant 1 : i32
    scf.for %scan3A_13 = %scan3A_8 to %scan3A_10 step %scan3A_11  : i32 {
      %mul3A_14 = arith.constant 16 : i32
      %mul3A_15 = arith.muli %scan3A_13, %mul3A_14 : i32
      %get3A = arith.index_cast %mul3A_15 : i32 to index
      %get3A_16 = tpu.vector_load %arg4[%get3A] {strides = array<i32>} : memref<10000xi32, #tpu.memory_space<vmem>>, vector<16xi32>,
      %broadcast_in_dim3A_17 = arith.constant true
      %broadcast_in_dim3A_18 = vector.broadcast %broadcast_in_dim3A_17 : i1 to vector<16xi1>
      %unique3A, %unique3A_19 = tpu.scan_count mask(%broadcast_in_dim3A_18 : vector<16xi1>) value(%get3A_16 : vector<16xi32>) : vector<16xi1>, vector<16xi32>
      %convert_element_type3A = arith.sitofp %unique3A_19 : vector<16xi32> to vector<16xf32>
      tpu.vector_store_idx %arg5[%get3A_16], %convert_element_type3A masked %unique3A {add = true} : memref<80000xf32, #tpu.memory_space<vmem>>[vector<16xi32>], vector<16xf32>, vector<16xi1>
    }
    %scan3A_12 = arith.constant 625 : i32
    "tpu.region"() ({
      %run_scoped3A = tpu.sem_alloc : memref<!tpu.dma_semaphore, #tpu.memory_space<semaphore_mem>>
      %dma_start3A = arith.constant 0 : i32
      %dma_start3A_13 = tpu.memref_slice %arg3[%add3A, %dma_start3A] : memref<32x80000xf32, #tpu.memory_space<hbm>> -> memref<1x80000xf32, #tpu.memory_space<hbm>>
      %dma_start3A_14 = tpu.memref_squeeze %dma_start3A_13 : memref<1x80000xf32, #tpu.memory_space<hbm>> -> memref<80000xf32, #tpu.memory_space<hbm>>
      %dma_start3A_15 = arith.constant 0 : i32
      %dma_start3A_16 = tpu.memref_slice %arg3[%add3A, %dma_start3A_15] : memref<32x80000xf32, #tpu.memory_space<hbm>> -> memref<1x80000xf32, #tpu.memory_space<hbm>>
      %dma_start3A_17 = tpu.memref_squeeze %dma_start3A_16 : memref<1x80000xf32, #tpu.memory_space<hbm>> -> memref<80000xf32, #tpu.memory_space<hbm>>
      tpu.enqueue_dma source(%arg5 : memref<80000xf32, #tpu.memory_space<vmem>>) target(%dma_start3A_17 : memref<80000xf32, #tpu.memory_space<hbm>>) target_semaphore(%run_scoped3A : memref<!tpu.dma_semaphore, #tpu.memory_space<semaphore_mem>>)
      %dma_wait3A = arith.constant 0 : i32
      %dma_wait3A_18 = tpu.memref_slice %arg3[%add3A, %dma_wait3A] : memref<32x80000xf32, #tpu.memory_space<hbm>> -> memref<1x80000xf32, #tpu.memory_space<hbm>>
      %dma_wait3A_19 = tpu.memref_squeeze %dma_wait3A_18 : memref<1x80000xf32, #tpu.memory_space<hbm>> -> memref<80000xf32, #tpu.memory_space<hbm>>
      %dma_wait3A_20 = arith.constant 0 : i32
      %dma_wait3A_21 = tpu.memref_slice %arg3[%add3A, %dma_wait3A_20] : memref<32x80000xf32, #tpu.memory_space<hbm>> -> memref<1x80000xf32, #tpu.memory_space<hbm>>
      %dma_wait3A_22 = tpu.memref_squeeze %dma_wait3A_21 : memref<1x80000xf32, #tpu.memory_space<hbm>> -> memref<80000xf32, #tpu.memory_space<hbm>>
      tpu.wait_dma2 semaphore(%run_scoped3A : memref<!tpu.dma_semaphore, #tpu.memory_space<semaphore_mem>>) src(%arg5 : memref<80000xf32, #tpu.memory_space<vmem>>) dst(%dma_wait3A_22 : memref<80000xf32, #tpu.memory_space<hbm>>)
      tpu.yield
    }) : () -> ()
    return
  }
}

#map = affine_map<(d0, d1) -> (0, 0)>
#map1 = affine_map<(d0, d1) -> (0)>
module attributes {stable_mosaic.version = 14 : i64} {
  func.func @k(%arg0: i32, %arg1: i32, %arg2: memref<32x10000xi32, #tpu.memory_space<hbm>>, %arg3: memref<32x10000xf32, #tpu.memory_space<hbm>>, %arg4: memref<80000xf32, #tpu.memory_space<hbm>>, %arg5: memref<32x10000xf32, #tpu.memory_space<hbm>>, %arg6: memref<10000xi32, #tpu.memory_space<vmem>>, %arg7: memref<10000xf32, #tpu.memory_space<vmem>>, %arg8: memref<80000xf32, #tpu.memory_space<vmem>>, %arg9: memref<10000xf32, #tpu.memory_space<vmem>>) attributes {dimension_semantics = [#tpu.dimension_semantics<core_parallel>, #tpu.dimension_semantics<subcore_parallel>], iteration_bounds = array<i64: 2, 16>, scalar_prefetch = 0 : i64, scratch_operands = 4 : i64, tpu.core_type = #tpu.core_type<sc_vector_subcore>, window_params = [{transform_indices = #map}, {transform_indices = #map}, {transform_indices = #map1}, {transform_indices = #map}]} {
    %mul3A = arith.constant 2 : i32
    %mul3A_0 = arith.muli %arg1, %mul3A : i32
    %add3A = arith.addi %mul3A_0, %arg0 : i32
    "tpu.region"() ({
      %run_scoped3A = tpu.sem_alloc : memref<!tpu.dma_semaphore, #tpu.memory_space<semaphore_mem>>
      %dma_start3A = arith.constant 0 : i32
      %dma_start3A_6 = tpu.memref_slice %arg2[%add3A, %dma_start3A] : memref<32x10000xi32, #tpu.memory_space<hbm>> -> memref<1x10000xi32, #tpu.memory_space<hbm>>
      %dma_start3A_7 = tpu.memref_squeeze %dma_start3A_6 : memref<1x10000xi32, #tpu.memory_space<hbm>> -> memref<10000xi32, #tpu.memory_space<hbm>>
      %dma_start3A_8 = arith.constant 0 : i32
      %dma_start3A_9 = tpu.memref_slice %arg2[%add3A, %dma_start3A_8] : memref<32x10000xi32, #tpu.memory_space<hbm>> -> memref<1x10000xi32, #tpu.memory_space<hbm>>
      %dma_start3A_10 = tpu.memref_squeeze %dma_start3A_9 : memref<1x10000xi32, #tpu.memory_space<hbm>> -> memref<10000xi32, #tpu.memory_space<hbm>>
      tpu.enqueue_dma source(%dma_start3A_10 : memref<10000xi32, #tpu.memory_space<hbm>>) target(%arg6 : memref<10000xi32, #tpu.memory_space<vmem>>) target_semaphore(%run_scoped3A : memref<!tpu.dma_semaphore, #tpu.memory_space<semaphore_mem>>)
      %dma_wait3A = arith.constant 0 : i32
      %dma_wait3A_11 = tpu.memref_slice %arg2[%add3A, %dma_wait3A] : memref<32x10000xi32, #tpu.memory_space<hbm>> -> memref<1x10000xi32, #tpu.memory_space<hbm>>
      %dma_wait3A_12 = tpu.memref_squeeze %dma_wait3A_11 : memref<1x10000xi32, #tpu.memory_space<hbm>> -> memref<10000xi32, #tpu.memory_space<hbm>>
      %dma_wait3A_13 = arith.constant 0 : i32
      %dma_wait3A_14 = tpu.memref_slice %arg2[%add3A, %dma_wait3A_13] : memref<32x10000xi32, #tpu.memory_space<hbm>> -> memref<1x10000xi32, #tpu.memory_space<hbm>>
      %dma_wait3A_15 = tpu.memref_squeeze %dma_wait3A_14 : memref<1x10000xi32, #tpu.memory_space<hbm>> -> memref<10000xi32, #tpu.memory_space<hbm>>
      tpu.wait_dma2 semaphore(%run_scoped3A : memref<!tpu.dma_semaphore, #tpu.memory_space<semaphore_mem>>) src(%dma_wait3A_15 : memref<10000xi32, #tpu.memory_space<hbm>>) dst(%arg6 : memref<10000xi32, #tpu.memory_space<vmem>>)
      tpu.yield
    }) : () -> ()
    "tpu.region"() ({
      %run_scoped3A = tpu.sem_alloc : memref<!tpu.dma_semaphore, #tpu.memory_space<semaphore_mem>>
      %dma_start3A = arith.constant 0 : i32
      %dma_start3A_6 = tpu.memref_slice %arg3[%add3A, %dma_start3A] : memref<32x10000xf32, #tpu.memory_space<hbm>> -> memref<1x10000xf32, #tpu.memory_space<hbm>>
      %dma_start3A_7 = tpu.memref_squeeze %dma_start3A_6 : memref<1x10000xf32, #tpu.memory_space<hbm>> -> memref<10000xf32, #tpu.memory_space<hbm>>
      %dma_start3A_8 = arith.constant 0 : i32
      %dma_start3A_9 = tpu.memref_slice %arg3[%add3A, %dma_start3A_8] : memref<32x10000xf32, #tpu.memory_space<hbm>> -> memref<1x10000xf32, #tpu.memory_space<hbm>>
      %dma_start3A_10 = tpu.memref_squeeze %dma_start3A_9 : memref<1x10000xf32, #tpu.memory_space<hbm>> -> memref<10000xf32, #tpu.memory_space<hbm>>
      tpu.enqueue_dma source(%dma_start3A_10 : memref<10000xf32, #tpu.memory_space<hbm>>) target(%arg7 : memref<10000xf32, #tpu.memory_space<vmem>>) target_semaphore(%run_scoped3A : memref<!tpu.dma_semaphore, #tpu.memory_space<semaphore_mem>>)
      %dma_wait3A = arith.constant 0 : i32
      %dma_wait3A_11 = tpu.memref_slice %arg3[%add3A, %dma_wait3A] : memref<32x10000xf32, #tpu.memory_space<hbm>> -> memref<1x10000xf32, #tpu.memory_space<hbm>>
      %dma_wait3A_12 = tpu.memref_squeeze %dma_wait3A_11 : memref<1x10000xf32, #tpu.memory_space<hbm>> -> memref<10000xf32, #tpu.memory_space<hbm>>
      %dma_wait3A_13 = arith.constant 0 : i32
      %dma_wait3A_14 = tpu.memref_slice %arg3[%add3A, %dma_wait3A_13] : memref<32x10000xf32, #tpu.memory_space<hbm>> -> memref<1x10000xf32, #tpu.memory_space<hbm>>
      %dma_wait3A_15 = tpu.memref_squeeze %dma_wait3A_14 : memref<1x10000xf32, #tpu.memory_space<hbm>> -> memref<10000xf32, #tpu.memory_space<hbm>>
      tpu.wait_dma2 semaphore(%run_scoped3A : memref<!tpu.dma_semaphore, #tpu.memory_space<semaphore_mem>>) src(%dma_wait3A_15 : memref<10000xf32, #tpu.memory_space<hbm>>) dst(%arg7 : memref<10000xf32, #tpu.memory_space<vmem>>)
      tpu.yield
    }) : () -> ()
    "tpu.region"() ({
      %run_scoped3A = tpu.sem_alloc : memref<!tpu.dma_semaphore, #tpu.memory_space<semaphore_mem>>
      tpu.enqueue_dma source(%arg4 : memref<80000xf32, #tpu.memory_space<hbm>>) target(%arg8 : memref<80000xf32, #tpu.memory_space<vmem>>) target_semaphore(%run_scoped3A : memref<!tpu.dma_semaphore, #tpu.memory_space<semaphore_mem>>)
      tpu.wait_dma2 semaphore(%run_scoped3A : memref<!tpu.dma_semaphore, #tpu.memory_space<semaphore_mem>>) src(%arg4 : memref<80000xf32, #tpu.memory_space<hbm>>) dst(%arg8 : memref<80000xf32, #tpu.memory_space<vmem>>)
      tpu.yield
    }) : () -> ()
    %scan3A = arith.constant 0 : i32
    %scan3A_1 = arith.constant 0 : i32
    %scan3A_2 = arith.constant 625 : i32
    %scan3A_3 = arith.addi %scan3A_1, %scan3A_2 : i32
    %scan3A_4 = arith.constant 1 : i32
    scf.for %scan3A_6 = %scan3A_1 to %scan3A_3 step %scan3A_4  : i32 {
      %mul3A_7 = arith.constant 16 : i32
      %mul3A_8 = arith.muli %scan3A_6, %mul3A_7 : i32
      %get3A = arith.index_cast %mul3A_8 : i32 to index
      %get3A_9 = tpu.vector_load %arg6[%get3A] {strides = array<i32>} : memref<10000xi32, #tpu.memory_space<vmem>>, vector<16xi32>,
      %gather3A = tpu.vector_load_idx %arg8[%get3A_9] : memref<80000xf32, #tpu.memory_space<vmem>>[vector<16xi32>], vector<16xf32>,
      %get3A_10 = arith.index_cast %mul3A_8 : i32 to index
      %get3A_11 = tpu.vector_load %arg7[%get3A_10] {strides = array<i32>} : memref<10000xf32, #tpu.memory_space<vmem>>, vector<16xf32>,
      %max3A = arith.constant 1.000000e+00 : f32
      %max3A_12 = vector.broadcast %max3A : f32 to vector<16xf32>
      %max3A_13 = arith.maximumf %gather3A, %max3A_12 : vector<16xf32>
      %div3A = arith.divf %get3A_11, %max3A_13 : vector<16xf32>
      %swap3A = arith.index_cast %mul3A_8 : i32 to index
      %swap3A_14 = tpu.vector_load %arg9[%swap3A] {strides = array<i32>} : memref<10000xf32, #tpu.memory_space<vmem>>, vector<16xf32>,
      tpu.vector_store %arg9[%swap3A], %div3A {strides = array<i32>} : memref<10000xf32, #tpu.memory_space<vmem>>, vector<16xf32>,
    }
    %scan3A_5 = arith.constant 625 : i32
    "tpu.region"() ({
      %run_scoped3A = tpu.sem_alloc : memref<!tpu.dma_semaphore, #tpu.memory_space<semaphore_mem>>
      %dma_start3A = arith.constant 0 : i32
      %dma_start3A_6 = tpu.memref_slice %arg5[%add3A, %dma_start3A] : memref<32x10000xf32, #tpu.memory_space<hbm>> -> memref<1x10000xf32, #tpu.memory_space<hbm>>
      %dma_start3A_7 = tpu.memref_squeeze %dma_start3A_6 : memref<1x10000xf32, #tpu.memory_space<hbm>> -> memref<10000xf32, #tpu.memory_space<hbm>>
      %dma_start3A_8 = arith.constant 0 : i32
      %dma_start3A_9 = tpu.memref_slice %arg5[%add3A, %dma_start3A_8] : memref<32x10000xf32, #tpu.memory_space<hbm>> -> memref<1x10000xf32, #tpu.memory_space<hbm>>
      %dma_start3A_10 = tpu.memref_squeeze %dma_start3A_9 : memref<1x10000xf32, #tpu.memory_space<hbm>> -> memref<10000xf32, #tpu.memory_space<hbm>>
      tpu.enqueue_dma source(%arg9 : memref<10000xf32, #tpu.memory_space<vmem>>) target(%dma_start3A_10 : memref<10000xf32, #tpu.memory_space<hbm>>) target_semaphore(%run_scoped3A : memref<!tpu.dma_semaphore, #tpu.memory_space<semaphore_mem>>)
      %dma_wait3A = arith.constant 0 : i32
      %dma_wait3A_11 = tpu.memref_slice %arg5[%add3A, %dma_wait3A] : memref<32x10000xf32, #tpu.memory_space<hbm>> -> memref<1x10000xf32, #tpu.memory_space<hbm>>
      %dma_wait3A_12 = tpu.memref_squeeze %dma_wait3A_11 : memref<1x10000xf32, #tpu.memory_space<hbm>> -> memref<10000xf32, #tpu.memory_space<hbm>>
      %dma_wait3A_13 = arith.constant 0 : i32
      %dma_wait3A_14 = tpu.memref_slice %arg5[%add3A, %dma_wait3A_13] : memref<32x10000xf32, #tpu.memory_space<hbm>> -> memref<1x10000xf32, #tpu.memory_space<hbm>>
      %dma_wait3A_15 = tpu.memref_squeeze %dma_wait3A_14 : memref<1x10000xf32, #tpu.memory_space<hbm>> -> memref<10000xf32, #tpu.memory_space<hbm>>
      tpu.wait_dma2 semaphore(%run_scoped3A : memref<!tpu.dma_semaphore, #tpu.memory_space<semaphore_mem>>) src(%arg9 : memref<10000xf32, #tpu.memory_space<vmem>>) dst(%dma_wait3A_15 : memref<10000xf32, #tpu.memory_space<hbm>>)
      tpu.yield
    }) : () -> ()
    return
  }
}

#map = affine_map<(d0, d1) -> (0, 0)>
#map1 = affine_map<(d0, d1) -> (0, 0, 0)>
module attributes {stable_mosaic.version = 14 : i64} {
  func.func @k(%arg0: i32, %arg1: i32, %arg2: memref<180000x64xf32, #tpu.memory_space<hbm>>, %arg3: memref<16x160x128xi32, #tpu.memory_space<hbm>>, %arg4: memref<16x160x128xi32, #tpu.memory_space<hbm>>, %arg5: memref<16x160x128xf32, #tpu.memory_space<hbm>>, %arg6: memref<2x10240x64xf32, #tpu.memory_space<hbm>>, %arg7: memref<32x128xi32, #tpu.memory_space<vmem>>, %arg8: memref<32x128xi32, #tpu.memory_space<vmem>>, %arg9: memref<32x128xf32, #tpu.memory_space<vmem>>, %arg10: memref<128x64xf32, #tpu.memory_space<vmem>>, %arg11: memref<128x64xf32, #tpu.memory_space<vmem>>, %arg12: memref<10240x64xf32, #tpu.memory_space<vmem_shared>>, %arg13: memref<!tpu.dma_semaphore, #tpu.memory_space<semaphore_mem>>, %arg14: memref<!tpu.dma_semaphore, #tpu.memory_space<semaphore_mem>>, %arg15: memref<!tpu.dma_semaphore, #tpu.memory_space<semaphore_mem>>, %arg16: memref<!tpu.dma_semaphore, #tpu.memory_space<semaphore_mem>>) attributes {dimension_semantics = [#tpu.dimension_semantics<core_parallel>, #tpu.dimension_semantics<subcore_parallel>], iteration_bounds = array<i64: 2, 16>, scalar_prefetch = 0 : i64, scratch_operands = 10 : i64, tpu.core_type = #tpu.core_type<sc_vector_subcore>, window_params = [{transform_indices = #map}, {transform_indices = #map1}, {transform_indices = #map1}, {transform_indices = #map1}, {transform_indices = #map1}]} {
    %broadcast_in_dim3A = arith.constant 0.000000e+00 : f32
    %broadcast_in_dim3A_0 = vector.broadcast %broadcast_in_dim3A : f32 to vector<16xf32>
    %scan3A = arith.constant 0 : i32
    %scan3A_1 = arith.constant 0 : i32
    %scan3A_2 = arith.constant 128 : i32
    %scan3A_3 = arith.addi %scan3A_1, %scan3A_2 : i32
    %scan3A_4 = arith.constant 1 : i32
    scf.for %scan3A_23 = %scan3A_1 to %scan3A_3 step %scan3A_4  : i32 {
      %swap3A = arith.index_cast %scan3A_23 : i32 to index
      %swap3A_24 = arith.constant 0 : index
      %swap3A_25 = tpu.vector_load %arg10[%swap3A, %swap3A_24] {strides = array<i32>} : memref<128x64xf32, #tpu.memory_space<vmem>>, vector<16xf32>,
      tpu.vector_store %arg10[%swap3A, %swap3A_24], %broadcast_in_dim3A_0 {strides = array<i32>} : memref<128x64xf32, #tpu.memory_space<vmem>>, vector<16xf32>,
      %swap3A_26 = arith.index_cast %scan3A_23 : i32 to index
      %swap3A_27 = arith.constant 16 : index
      %swap3A_28 = tpu.vector_load %arg10[%swap3A_26, %swap3A_27] {strides = array<i32>} : memref<128x64xf32, #tpu.memory_space<vmem>>, vector<16xf32>,
      tpu.vector_store %arg10[%swap3A_26, %swap3A_27], %broadcast_in_dim3A_0 {strides = array<i32>} : memref<128x64xf32, #tpu.memory_space<vmem>>, vector<16xf32>,
      %swap3A_29 = arith.index_cast %scan3A_23 : i32 to index
      %swap3A_30 = arith.constant 32 : index
      %swap3A_31 = tpu.vector_load %arg10[%swap3A_29, %swap3A_30] {strides = array<i32>} : memref<128x64xf32, #tpu.memory_space<vmem>>, vector<16xf32>,
      tpu.vector_store %arg10[%swap3A_29, %swap3A_30], %broadcast_in_dim3A_0 {strides = array<i32>} : memref<128x64xf32, #tpu.memory_space<vmem>>, vector<16xf32>,
      %swap3A_32 = arith.index_cast %scan3A_23 : i32 to index
      %swap3A_33 = arith.constant 48 : index
      %swap3A_34 = tpu.vector_load %arg10[%swap3A_32, %swap3A_33] {strides = array<i32>} : memref<128x64xf32, #tpu.memory_space<vmem>>, vector<16xf32>,
      tpu.vector_store %arg10[%swap3A_32, %swap3A_33], %broadcast_in_dim3A_0 {strides = array<i32>} : memref<128x64xf32, #tpu.memory_space<vmem>>, vector<16xf32>,
    }
    %scan3A_5 = arith.constant 128 : i32
    %mul3A = arith.constant 640 : i32
    %mul3A_6 = arith.muli %arg1, %mul3A : i32
    %add3A = arith.constant 0 : i32
    %add3A_7 = arith.addi %mul3A_6, %add3A : i32
    "tpu.region"() ({
      %run_scoped3A = tpu.sem_alloc : memref<!tpu.dma_semaphore, #tpu.memory_space<semaphore_mem>>
      %dma_start3A = arith.constant 0 : i32
      %dma_start3A_23 = tpu.memref_slice %arg12[%add3A_7, %dma_start3A] : memref<10240x64xf32, #tpu.memory_space<vmem_shared>> -> memref<128x64xf32, #tpu.memory_space<vmem_shared>>
      %dma_start3A_24 = arith.constant 0 : i32
      %dma_start3A_25 = tpu.memref_slice %arg12[%add3A_7, %dma_start3A_24] : memref<10240x64xf32, #tpu.memory_space<vmem_shared>> -> memref<128x64xf32, #tpu.memory_space<vmem_shared>>
      tpu.enqueue_dma source(%arg10 : memref<128x64xf32, #tpu.memory_space<vmem>>) target(%dma_start3A_25 : memref<128x64xf32, #tpu.memory_space<vmem_shared>>) target_semaphore(%run_scoped3A : memref<!tpu.dma_semaphore, #tpu.memory_space<semaphore_mem>>)
      %dma_wait3A = arith.constant 0 : i32
      %dma_wait3A_26 = tpu.memref_slice %arg12[%add3A_7, %dma_wait3A] : memref<10240x64xf32, #tpu.memory_space<vmem_shared>> -> memref<128x64xf32, #tpu.memory_space<vmem_shared>>
      %dma_wait3A_27 = arith.constant 0 : i32
      %dma_wait3A_28 = tpu.memref_slice %arg12[%add3A_7, %dma_wait3A_27] : memref<10240x64xf32, #tpu.memory_space<vmem_shared>> -> memref<128x64xf32, #tpu.memory_space<vmem_shared>>
      tpu.wait_dma2 semaphore(%run_scoped3A : memref<!tpu.dma_semaphore, #tpu.memory_space<semaphore_mem>>) src(%arg10 : memref<128x64xf32, #tpu.memory_space<vmem>>) dst(%dma_wait3A_28 : memref<128x64xf32, #tpu.memory_space<vmem_shared>>)
      tpu.yield
    }) : () -> ()
    %add3A_8 = arith.constant 128 : i32
    %add3A_9 = arith.addi %mul3A_6, %add3A_8 : i32
    "tpu.region"() ({
      %run_scoped3A = tpu.sem_alloc : memref<!tpu.dma_semaphore, #tpu.memory_space<semaphore_mem>>
      %dma_start3A = arith.constant 0 : i32
      %dma_start3A_23 = tpu.memref_slice %arg12[%add3A_9, %dma_start3A] : memref<10240x64xf32, #tpu.memory_space<vmem_shared>> -> memref<128x64xf32, #tpu.memory_space<vmem_shared>>
      %dma_start3A_24 = arith.constant 0 : i32
      %dma_start3A_25 = tpu.memref_slice %arg12[%add3A_9, %dma_start3A_24] : memref<10240x64xf32, #tpu.memory_space<vmem_shared>> -> memref<128x64xf32, #tpu.memory_space<vmem_shared>>
      tpu.enqueue_dma source(%arg10 : memref<128x64xf32, #tpu.memory_space<vmem>>) target(%dma_start3A_25 : memref<128x64xf32, #tpu.memory_space<vmem_shared>>) target_semaphore(%run_scoped3A : memref<!tpu.dma_semaphore, #tpu.memory_space<semaphore_mem>>)
      %dma_wait3A = arith.constant 0 : i32
      %dma_wait3A_26 = tpu.memref_slice %arg12[%add3A_9, %dma_wait3A] : memref<10240x64xf32, #tpu.memory_space<vmem_shared>> -> memref<128x64xf32, #tpu.memory_space<vmem_shared>>
      %dma_wait3A_27 = arith.constant 0 : i32
      %dma_wait3A_28 = tpu.memref_slice %arg12[%add3A_9, %dma_wait3A_27] : memref<10240x64xf32, #tpu.memory_space<vmem_shared>> -> memref<128x64xf32, #tpu.memory_space<vmem_shared>>
      tpu.wait_dma2 semaphore(%run_scoped3A : memref<!tpu.dma_semaphore, #tpu.memory_space<semaphore_mem>>) src(%arg10 : memref<128x64xf32, #tpu.memory_space<vmem>>) dst(%dma_wait3A_28 : memref<128x64xf32, #tpu.memory_space<vmem_shared>>)
      tpu.yield
    }) : () -> ()
    %add3A_10 = arith.constant 256 : i32
    %add3A_11 = arith.addi %mul3A_6, %add3A_10 : i32
    "tpu.region"() ({
      %run_scoped3A = tpu.sem_alloc : memref<!tpu.dma_semaphore, #tpu.memory_space<semaphore_mem>>
      %dma_start3A = arith.constant 0 : i32
      %dma_start3A_23 = tpu.memref_slice %arg12[%add3A_11, %dma_start3A] : memref<10240x64xf32, #tpu.memory_space<vmem_shared>> -> memref<128x64xf32, #tpu.memory_space<vmem_shared>>
      %dma_start3A_24 = arith.constant 0 : i32
      %dma_start3A_25 = tpu.memref_slice %arg12[%add3A_11, %dma_start3A_24] : memref<10240x64xf32, #tpu.memory_space<vmem_shared>> -> memref<128x64xf32, #tpu.memory_space<vmem_shared>>
      tpu.enqueue_dma source(%arg10 : memref<128x64xf32, #tpu.memory_space<vmem>>) target(%dma_start3A_25 : memref<128x64xf32, #tpu.memory_space<vmem_shared>>) target_semaphore(%run_scoped3A : memref<!tpu.dma_semaphore, #tpu.memory_space<semaphore_mem>>)
      %dma_wait3A = arith.constant 0 : i32
      %dma_wait3A_26 = tpu.memref_slice %arg12[%add3A_11, %dma_wait3A] : memref<10240x64xf32, #tpu.memory_space<vmem_shared>> -> memref<128x64xf32, #tpu.memory_space<vmem_shared>>
      %dma_wait3A_27 = arith.constant 0 : i32
      %dma_wait3A_28 = tpu.memref_slice %arg12[%add3A_11, %dma_wait3A_27] : memref<10240x64xf32, #tpu.memory_space<vmem_shared>> -> memref<128x64xf32, #tpu.memory_space<vmem_shared>>
      tpu.wait_dma2 semaphore(%run_scoped3A : memref<!tpu.dma_semaphore, #tpu.memory_space<semaphore_mem>>) src(%arg10 : memref<128x64xf32, #tpu.memory_space<vmem>>) dst(%dma_wait3A_28 : memref<128x64xf32, #tpu.memory_space<vmem_shared>>)
      tpu.yield
    }) : () -> ()
    %add3A_12 = arith.constant 384 : i32
    %add3A_13 = arith.addi %mul3A_6, %add3A_12 : i32
    "tpu.region"() ({
      %run_scoped3A = tpu.sem_alloc : memref<!tpu.dma_semaphore, #tpu.memory_space<semaphore_mem>>
      %dma_start3A = arith.constant 0 : i32
      %dma_start3A_23 = tpu.memref_slice %arg12[%add3A_13, %dma_start3A] : memref<10240x64xf32, #tpu.memory_space<vmem_shared>> -> memref<128x64xf32, #tpu.memory_space<vmem_shared>>
      %dma_start3A_24 = arith.constant 0 : i32
      %dma_start3A_25 = tpu.memref_slice %arg12[%add3A_13, %dma_start3A_24] : memref<10240x64xf32, #tpu.memory_space<vmem_shared>> -> memref<128x64xf32, #tpu.memory_space<vmem_shared>>
      tpu.enqueue_dma source(%arg10 : memref<128x64xf32, #tpu.memory_space<vmem>>) target(%dma_start3A_25 : memref<128x64xf32, #tpu.memory_space<vmem_shared>>) target_semaphore(%run_scoped3A : memref<!tpu.dma_semaphore, #tpu.memory_space<semaphore_mem>>)
      %dma_wait3A = arith.constant 0 : i32
      %dma_wait3A_26 = tpu.memref_slice %arg12[%add3A_13, %dma_wait3A] : memref<10240x64xf32, #tpu.memory_space<vmem_shared>> -> memref<128x64xf32, #tpu.memory_space<vmem_shared>>
      %dma_wait3A_27 = arith.constant 0 : i32
      %dma_wait3A_28 = tpu.memref_slice %arg12[%add3A_13, %dma_wait3A_27] : memref<10240x64xf32, #tpu.memory_space<vmem_shared>> -> memref<128x64xf32, #tpu.memory_space<vmem_shared>>
      tpu.wait_dma2 semaphore(%run_scoped3A : memref<!tpu.dma_semaphore, #tpu.memory_space<semaphore_mem>>) src(%arg10 : memref<128x64xf32, #tpu.memory_space<vmem>>) dst(%dma_wait3A_28 : memref<128x64xf32, #tpu.memory_space<vmem_shared>>)
      tpu.yield
    }) : () -> ()
    %add3A_14 = arith.constant 512 : i32
    %add3A_15 = arith.addi %mul3A_6, %add3A_14 : i32
    "tpu.region"() ({
      %run_scoped3A = tpu.sem_alloc : memref<!tpu.dma_semaphore, #tpu.memory_space<semaphore_mem>>
      %dma_start3A = arith.constant 0 : i32
      %dma_start3A_23 = tpu.memref_slice %arg12[%add3A_15, %dma_start3A] : memref<10240x64xf32, #tpu.memory_space<vmem_shared>> -> memref<128x64xf32, #tpu.memory_space<vmem_shared>>
      %dma_start3A_24 = arith.constant 0 : i32
      %dma_start3A_25 = tpu.memref_slice %arg12[%add3A_15, %dma_start3A_24] : memref<10240x64xf32, #tpu.memory_space<vmem_shared>> -> memref<128x64xf32, #tpu.memory_space<vmem_shared>>
      tpu.enqueue_dma source(%arg10 : memref<128x64xf32, #tpu.memory_space<vmem>>) target(%dma_start3A_25 : memref<128x64xf32, #tpu.memory_space<vmem_shared>>) target_semaphore(%run_scoped3A : memref<!tpu.dma_semaphore, #tpu.memory_space<semaphore_mem>>)
      %dma_wait3A = arith.constant 0 : i32
      %dma_wait3A_26 = tpu.memref_slice %arg12[%add3A_15, %dma_wait3A] : memref<10240x64xf32, #tpu.memory_space<vmem_shared>> -> memref<128x64xf32, #tpu.memory_space<vmem_shared>>
      %dma_wait3A_27 = arith.constant 0 : i32
      %dma_wait3A_28 = tpu.memref_slice %arg12[%add3A_15, %dma_wait3A_27] : memref<10240x64xf32, #tpu.memory_space<vmem_shared>> -> memref<128x64xf32, #tpu.memory_space<vmem_shared>>
      tpu.wait_dma2 semaphore(%run_scoped3A : memref<!tpu.dma_semaphore, #tpu.memory_space<semaphore_mem>>) src(%arg10 : memref<128x64xf32, #tpu.memory_space<vmem>>) dst(%dma_wait3A_28 : memref<128x64xf32, #tpu.memory_space<vmem_shared>>)
      tpu.yield
    }) : () -> ()
    %barrier3A = arith.constant 0 : index
    tpu.barrier barrier_id(%barrier3A)
    %scan3A_16 = arith.constant 0 : i32
    %scan3A_17 = arith.constant 0 : i32
    %scan3A_18 = arith.constant 5 : i32
    %scan3A_19 = arith.addi %scan3A_17, %scan3A_18 : i32
    %scan3A_20 = arith.constant 1 : i32
    scf.for %scan3A_23 = %scan3A_17 to %scan3A_19 step %scan3A_20  : i32 {
      %mul3A_24 = arith.constant 32 : i32
      %mul3A_25 = arith.muli %scan3A_23, %mul3A_24 : i32
      "tpu.region"() ({
        %run_scoped3A = tpu.sem_alloc : memref<!tpu.dma_semaphore, #tpu.memory_space<semaphore_mem>>
        %dma_start3A_57 = arith.constant 0 : i32
        %dma_start3A_58 = tpu.memref_slice %arg3[%arg1, %mul3A_25, %dma_start3A_57] : memref<16x160x128xi32, #tpu.memory_space<hbm>> -> memref<1x32x128xi32, #tpu.memory_space<hbm>>
        %dma_start3A_59 = tpu.memref_squeeze %dma_start3A_58 : memref<1x32x128xi32, #tpu.memory_space<hbm>> -> memref<32x128xi32, #tpu.memory_space<hbm>>
        %dma_start3A_60 = arith.constant 0 : i32
        %dma_start3A_61 = tpu.memref_slice %arg3[%arg1, %mul3A_25, %dma_start3A_60] : memref<16x160x128xi32, #tpu.memory_space<hbm>> -> memref<1x32x128xi32, #tpu.memory_space<hbm>>
        %dma_start3A_62 = tpu.memref_squeeze %dma_start3A_61 : memref<1x32x128xi32, #tpu.memory_space<hbm>> -> memref<32x128xi32, #tpu.memory_space<hbm>>
        tpu.enqueue_dma source(%dma_start3A_62 : memref<32x128xi32, #tpu.memory_space<hbm>>) target(%arg7 : memref<32x128xi32, #tpu.memory_space<vmem>>) target_semaphore(%run_scoped3A : memref<!tpu.dma_semaphore, #tpu.memory_space<semaphore_mem>>)
        %dma_wait3A_63 = arith.constant 0 : i32
        %dma_wait3A_64 = tpu.memref_slice %arg3[%arg1, %mul3A_25, %dma_wait3A_63] : memref<16x160x128xi32, #tpu.memory_space<hbm>> -> memref<1x32x128xi32, #tpu.memory_space<hbm>>
        %dma_wait3A_65 = tpu.memref_squeeze %dma_wait3A_64 : memref<1x32x128xi32, #tpu.memory_space<hbm>> -> memref<32x128xi32, #tpu.memory_space<hbm>>
        %dma_wait3A_66 = arith.constant 0 : i32
        %dma_wait3A_67 = tpu.memref_slice %arg3[%arg1, %mul3A_25, %dma_wait3A_66] : memref<16x160x128xi32, #tpu.memory_space<hbm>> -> memref<1x32x128xi32, #tpu.memory_space<hbm>>
        %dma_wait3A_68 = tpu.memref_squeeze %dma_wait3A_67 : memref<1x32x128xi32, #tpu.memory_space<hbm>> -> memref<32x128xi32, #tpu.memory_space<hbm>>
        tpu.wait_dma2 semaphore(%run_scoped3A : memref<!tpu.dma_semaphore, #tpu.memory_space<semaphore_mem>>) src(%dma_wait3A_68 : memref<32x128xi32, #tpu.memory_space<hbm>>) dst(%arg7 : memref<32x128xi32, #tpu.memory_space<vmem>>)
        tpu.yield
      }) : () -> ()
      "tpu.region"() ({
        %run_scoped3A = tpu.sem_alloc : memref<!tpu.dma_semaphore, #tpu.memory_space<semaphore_mem>>
        %dma_start3A_57 = arith.constant 0 : i32
        %dma_start3A_58 = tpu.memref_slice %arg4[%arg1, %mul3A_25, %dma_start3A_57] : memref<16x160x128xi32, #tpu.memory_space<hbm>> -> memref<1x32x128xi32, #tpu.memory_space<hbm>>
        %dma_start3A_59 = tpu.memref_squeeze %dma_start3A_58 : memref<1x32x128xi32, #tpu.memory_space<hbm>> -> memref<32x128xi32, #tpu.memory_space<hbm>>
        %dma_start3A_60 = arith.constant 0 : i32
        %dma_start3A_61 = tpu.memref_slice %arg4[%arg1, %mul3A_25, %dma_start3A_60] : memref<16x160x128xi32, #tpu.memory_space<hbm>> -> memref<1x32x128xi32, #tpu.memory_space<hbm>>
        %dma_start3A_62 = tpu.memref_squeeze %dma_start3A_61 : memref<1x32x128xi32, #tpu.memory_space<hbm>> -> memref<32x128xi32, #tpu.memory_space<hbm>>
        tpu.enqueue_dma source(%dma_start3A_62 : memref<32x128xi32, #tpu.memory_space<hbm>>) target(%arg8 : memref<32x128xi32, #tpu.memory_space<vmem>>) target_semaphore(%run_scoped3A : memref<!tpu.dma_semaphore, #tpu.memory_space<semaphore_mem>>)
        %dma_wait3A_63 = arith.constant 0 : i32
        %dma_wait3A_64 = tpu.memref_slice %arg4[%arg1, %mul3A_25, %dma_wait3A_63] : memref<16x160x128xi32, #tpu.memory_space<hbm>> -> memref<1x32x128xi32, #tpu.memory_space<hbm>>
        %dma_wait3A_65 = tpu.memref_squeeze %dma_wait3A_64 : memref<1x32x128xi32, #tpu.memory_space<hbm>> -> memref<32x128xi32, #tpu.memory_space<hbm>>
        %dma_wait3A_66 = arith.constant 0 : i32
        %dma_wait3A_67 = tpu.memref_slice %arg4[%arg1, %mul3A_25, %dma_wait3A_66] : memref<16x160x128xi32, #tpu.memory_space<hbm>> -> memref<1x32x128xi32, #tpu.memory_space<hbm>>
        %dma_wait3A_68 = tpu.memref_squeeze %dma_wait3A_67 : memref<1x32x128xi32, #tpu.memory_space<hbm>> -> memref<32x128xi32, #tpu.memory_space<hbm>>
        tpu.wait_dma2 semaphore(%run_scoped3A : memref<!tpu.dma_semaphore, #tpu.memory_space<semaphore_mem>>) src(%dma_wait3A_68 : memref<32x128xi32, #tpu.memory_space<hbm>>) dst(%arg8 : memref<32x128xi32, #tpu.memory_space<vmem>>)
        tpu.yield
      }) : () -> ()
      "tpu.region"() ({
        %run_scoped3A = tpu.sem_alloc : memref<!tpu.dma_semaphore, #tpu.memory_space<semaphore_mem>>
        %dma_start3A_57 = arith.constant 0 : i32
        %dma_start3A_58 = tpu.memref_slice %arg5[%arg1, %mul3A_25, %dma_start3A_57] : memref<16x160x128xf32, #tpu.memory_space<hbm>> -> memref<1x32x128xf32, #tpu.memory_space<hbm>>
        %dma_start3A_59 = tpu.memref_squeeze %dma_start3A_58 : memref<1x32x128xf32, #tpu.memory_space<hbm>> -> memref<32x128xf32, #tpu.memory_space<hbm>>
        %dma_start3A_60 = arith.constant 0 : i32
        %dma_start3A_61 = tpu.memref_slice %arg5[%arg1, %mul3A_25, %dma_start3A_60] : memref<16x160x128xf32, #tpu.memory_space<hbm>> -> memref<1x32x128xf32, #tpu.memory_space<hbm>>
        %dma_start3A_62 = tpu.memref_squeeze %dma_start3A_61 : memref<1x32x128xf32, #tpu.memory_space<hbm>> -> memref<32x128xf32, #tpu.memory_space<hbm>>
        tpu.enqueue_dma source(%dma_start3A_62 : memref<32x128xf32, #tpu.memory_space<hbm>>) target(%arg9 : memref<32x128xf32, #tpu.memory_space<vmem>>) target_semaphore(%run_scoped3A : memref<!tpu.dma_semaphore, #tpu.memory_space<semaphore_mem>>)
        %dma_wait3A_63 = arith.constant 0 : i32
        %dma_wait3A_64 = tpu.memref_slice %arg5[%arg1, %mul3A_25, %dma_wait3A_63] : memref<16x160x128xf32, #tpu.memory_space<hbm>> -> memref<1x32x128xf32, #tpu.memory_space<hbm>>
        %dma_wait3A_65 = tpu.memref_squeeze %dma_wait3A_64 : memref<1x32x128xf32, #tpu.memory_space<hbm>> -> memref<32x128xf32, #tpu.memory_space<hbm>>
        %dma_wait3A_66 = arith.constant 0 : i32
        %dma_wait3A_67 = tpu.memref_slice %arg5[%arg1, %mul3A_25, %dma_wait3A_66] : memref<16x160x128xf32, #tpu.memory_space<hbm>> -> memref<1x32x128xf32, #tpu.memory_space<hbm>>
        %dma_wait3A_68 = tpu.memref_squeeze %dma_wait3A_67 : memref<1x32x128xf32, #tpu.memory_space<hbm>> -> memref<32x128xf32, #tpu.memory_space<hbm>>
        tpu.wait_dma2 semaphore(%run_scoped3A : memref<!tpu.dma_semaphore, #tpu.memory_space<semaphore_mem>>) src(%dma_wait3A_68 : memref<32x128xf32, #tpu.memory_space<hbm>>) dst(%arg9 : memref<32x128xf32, #tpu.memory_space<vmem>>)
        tpu.yield
      }) : () -> ()
      %scan3A_26 = arith.constant 0 : i32
      %scan3A_27 = arith.constant 0 : i32
      %scan3A_28 = arith.constant 256 : i32
      %scan3A_29 = arith.addi %scan3A_27, %scan3A_28 : i32
      %scan3A_30 = arith.constant 1 : i32
      scf.for %scan3A_57 = %scan3A_27 to %scan3A_29 step %scan3A_30  : i32 {
        %jit3A = arith.constant 8 : i32
        %div3A = arith.divsi %scan3A_57, %jit3A : i32
        %sign3A = arith.constant 0 : i32
        %sign3A_58 = arith.cmpi sgt, %scan3A_57, %sign3A : i32
        %sign3A_59 = arith.extui %sign3A_58 : i1 to i32
        %sign3A_60 = arith.constant 0 : i32
        %sign3A_61 = arith.cmpi slt, %scan3A_57, %sign3A_60 : i32
        %sign3A_62 = arith.extui %sign3A_61 : i1 to i32
        %sign3A_63 = arith.subi %sign3A_59, %sign3A_62 : i32
        %sign3A_64 = arith.constant 0 : i32
        %sign3A_65 = arith.cmpi sgt, %jit3A, %sign3A_64 : i32
        %sign3A_66 = arith.extui %sign3A_65 : i1 to i32
        %sign3A_67 = arith.constant 0 : i32
        %sign3A_68 = arith.cmpi slt, %jit3A, %sign3A_67 : i32
        %sign3A_69 = arith.extui %sign3A_68 : i1 to i32
        %sign3A_70 = arith.subi %sign3A_66, %sign3A_69 : i32
        %ne3A = arith.cmpi ne, %sign3A_63, %sign3A_70 : i32
        %rem3A = arith.remsi %scan3A_57, %jit3A : i32
        %ne3A_71 = arith.constant 0 : i32
        %ne3A_72 = arith.cmpi ne, %rem3A, %ne3A_71 : i32
        %and3A = arith.andi %ne3A, %ne3A_72 : i1
        %sub3A = arith.constant 1 : i32
        %sub3A_73 = arith.subi %div3A, %sub3A : i32
        %select_n3A = arith.select %and3A, %sub3A_73, %div3A : i32
        %jit3A_74 = arith.constant 8 : i32
        %eq3A = arith.constant 0 : i32
        %eq3A_75 = arith.cmpi eq, %jit3A_74, %eq3A : i32
        %jit3A_76 = arith.constant 1 : i32
        %select_n3A_77 = arith.select %eq3A_75, %jit3A_76, %jit3A_74 : i32
        %rem3A_78 = arith.remsi %scan3A_57, %select_n3A_77 : i32
        %ne3A_79 = arith.constant 0 : i32
        %ne3A_80 = arith.cmpi ne, %rem3A_78, %ne3A_79 : i32
        %lt3A = arith.constant 0 : i32
        %lt3A_81 = arith.cmpi slt, %rem3A_78, %lt3A : i32
        %lt3A_82 = arith.constant 0 : i32
        %lt3A_83 = arith.cmpi slt, %select_n3A_77, %lt3A_82 : i32
        %ne3A_84 = arith.xori %lt3A_81, %lt3A_83 : i1
        %and3A_85 = arith.andi %ne3A_84, %ne3A_80 : i1
        %add3A_86 = arith.addi %rem3A_78, %select_n3A_77 : i32
        %select_n3A_87 = arith.select %and3A_85, %add3A_86, %rem3A_78 : i32
        %mul3A_88 = arith.constant 16 : i32
        %mul3A_89 = arith.muli %select_n3A_87, %mul3A_88 : i32
        %get3A = arith.index_cast %select_n3A : i32 to index
        %get3A_90 = arith.index_cast %mul3A_89 : i32 to index
        %get3A_91 = tpu.vector_load %arg7[%get3A, %get3A_90] {strides = array<i32>} : memref<32x128xi32, #tpu.memory_space<vmem>>, vector<16xi32>,
        %mul3A_92 = arith.constant 2 : i32
        %mul3A_93 = vector.broadcast %mul3A_92 : i32 to vector<16xi32>
        %mul3A_94 = arith.muli %get3A_91, %mul3A_93 : vector<16xi32>
        %add3A_95 = vector.broadcast %arg0 : i32 to vector<16xi32>
        %add3A_96 = arith.addi %mul3A_94, %add3A_95 : vector<16xi32>
        %swap3A = arith.index_cast %select_n3A : i32 to index
        %swap3A_97 = arith.index_cast %mul3A_89 : i32 to index
        %swap3A_98 = tpu.vector_load %arg7[%swap3A, %swap3A_97] {strides = array<i32>} : memref<32x128xi32, #tpu.memory_space<vmem>>, vector<16xi32>,
        tpu.vector_store %arg7[%swap3A, %swap3A_97], %add3A_96 {strides = array<i32>} : memref<32x128xi32, #tpu.memory_space<vmem>>, vector<16xi32>,
      }
      %scan3A_31 = arith.constant 256 : i32
      %dma_start3A = arith.constant 0 : i32
      %dma_start3A_32 = arith.constant 0 : i32
      %dma_start3A_33 = tpu.memref_slice %arg7[%dma_start3A, %dma_start3A_32] : memref<32x128xi32, #tpu.memory_space<vmem>> -> memref<1x128xi32, #tpu.memory_space<vmem>>
      %dma_start3A_34 = tpu.memref_squeeze %dma_start3A_33 : memref<1x128xi32, #tpu.memory_space<vmem>> -> memref<128xi32, #tpu.memory_space<vmem>>
      %dma_start3A_35 = arith.constant 0 : i32
      %dma_start3A_36 = arith.constant 0 : i32
      %dma_start3A_37 = tpu.memref_slice %arg2[%dma_start3A_35, %dma_start3A_36] : memref<180000x64xf32, #tpu.memory_space<hbm>> -> memref<180000x64xf32, #tpu.memory_space<hbm>>
      tpu.enqueue_indirect_dma source(%dma_start3A_37 : memref<180000x64xf32, #tpu.memory_space<hbm>>) target(%arg10 : memref<128x64xf32, #tpu.memory_space<vmem>>) offsets(%dma_start3A_34 : memref<128xi32, #tpu.memory_space<vmem>>) semaphore(%arg13 : memref<!tpu.dma_semaphore, #tpu.memory_space<semaphore_mem>>)
      %scan3A_38 = arith.constant 0 : i32
      %scan3A_39 = arith.constant 0 : i32
      %scan3A_40 = arith.constant 16 : i32
      %scan3A_41 = arith.addi %scan3A_39, %scan3A_40 : i32
      %scan3A_42 = arith.constant 1 : i32
      scf.for %scan3A_57 = %scan3A_39 to %scan3A_41 step %scan3A_42  : i32 {
        %mul3A_58 = arith.constant 2 : i32
        %mul3A_59 = arith.muli %mul3A_58, %scan3A_57 : i32
        %gt3A = arith.constant 0 : i32
        %gt3A_60 = arith.cmpi sgt, %scan3A_57, %gt3A : i32
        %convert_element_type3A = arith.extui %gt3A_60 : i1 to i32
        %cond3A = arith.constant 0 : i32
        %cond3A_61 = arith.cmpi ne, %convert_element_type3A, %cond3A : i32
        scf.if %cond3A_61 {
          %dma_wait3A_116 = arith.constant 0 : i32
          %dma_wait3A_117 = tpu.memref_slice %arg8[%mul3A_59, %dma_wait3A_116] : memref<32x128xi32, #tpu.memory_space<vmem>> -> memref<1x128xi32, #tpu.memory_space<vmem>>
          %dma_wait3A_118 = tpu.memref_squeeze %dma_wait3A_117 : memref<1x128xi32, #tpu.memory_space<vmem>> -> memref<128xi32, #tpu.memory_space<vmem>>
          %dma_wait3A_119 = arith.constant 0 : i32
          %dma_wait3A_120 = arith.constant 0 : i32
          %dma_wait3A_121 = tpu.memref_slice %arg12[%dma_wait3A_119, %dma_wait3A_120] : memref<10240x64xf32, #tpu.memory_space<vmem_shared>> -> memref<10240x64xf32, #tpu.memory_space<vmem_shared>>
          tpu.wait_indirect_dma semaphore(%arg16 : memref<!tpu.dma_semaphore, #tpu.memory_space<semaphore_mem>>) src(%arg11 : memref<128x64xf32, #tpu.memory_space<vmem>>) dst(%dma_wait3A_121 : memref<10240x64xf32, #tpu.memory_space<vmem_shared>>)
        } else {
        }
        %add3A_62 = arith.constant 1 : i32
        %add3A_63 = arith.addi %mul3A_59, %add3A_62 : i32
        %dma_start3A_64 = arith.constant 0 : i32
        %dma_start3A_65 = tpu.memref_slice %arg7[%add3A_63, %dma_start3A_64] : memref<32x128xi32, #tpu.memory_space<vmem>> -> memref<1x128xi32, #tpu.memory_space<vmem>>
        %dma_start3A_66 = tpu.memref_squeeze %dma_start3A_65 : memref<1x128xi32, #tpu.memory_space<vmem>> -> memref<128xi32, #tpu.memory_space<vmem>>
        %dma_start3A_67 = arith.constant 0 : i32
        %dma_start3A_68 = arith.constant 0 : i32
        %dma_start3A_69 = tpu.memref_slice %arg2[%dma_start3A_67, %dma_start3A_68] : memref<180000x64xf32, #tpu.memory_space<hbm>> -> memref<180000x64xf32, #tpu.memory_space<hbm>>
        tpu.enqueue_indirect_dma source(%dma_start3A_69 : memref<180000x64xf32, #tpu.memory_space<hbm>>) target(%arg11 : memref<128x64xf32, #tpu.memory_space<vmem>>) offsets(%dma_start3A_66 : memref<128xi32, #tpu.memory_space<vmem>>) semaphore(%arg14 : memref<!tpu.dma_semaphore, #tpu.memory_space<semaphore_mem>>)
        %dma_wait3A_70 = arith.constant 0 : i32
        %dma_wait3A_71 = tpu.memref_slice %arg7[%mul3A_59, %dma_wait3A_70] : memref<32x128xi32, #tpu.memory_space<vmem>> -> memref<1x128xi32, #tpu.memory_space<vmem>>
        %dma_wait3A_72 = tpu.memref_squeeze %dma_wait3A_71 : memref<1x128xi32, #tpu.memory_space<vmem>> -> memref<128xi32, #tpu.memory_space<vmem>>
        %dma_wait3A_73 = arith.constant 0 : i32
        %dma_wait3A_74 = arith.constant 0 : i32
        %dma_wait3A_75 = tpu.memref_slice %arg2[%dma_wait3A_73, %dma_wait3A_74] : memref<180000x64xf32, #tpu.memory_space<hbm>> -> memref<180000x64xf32, #tpu.memory_space<hbm>>
        tpu.wait_indirect_dma semaphore(%arg13 : memref<!tpu.dma_semaphore, #tpu.memory_space<semaphore_mem>>) src(%dma_wait3A_75 : memref<180000x64xf32, #tpu.memory_space<hbm>>) dst(%arg10 : memref<128x64xf32, #tpu.memory_space<vmem>>)
        %scan3A_76 = arith.constant 0 : i32
        %scan3A_77 = arith.constant 0 : i32
        %scan3A_78 = arith.constant 8 : i32
        %scan3A_79 = arith.addi %scan3A_77, %scan3A_78 : i32
        %scan3A_80 = arith.constant 1 : i32
        scf.for %scan3A_116 = %scan3A_77 to %scan3A_79 step %scan3A_80  : i32 {
          %mul3A_117 = arith.constant 16 : i32
          %mul3A_118 = arith.muli %scan3A_116, %mul3A_117 : i32
          %get3A = arith.index_cast %mul3A_59 : i32 to index
          %get3A_119 = arith.index_cast %mul3A_118 : i32 to index
          %get3A_120 = tpu.vector_load %arg9[%get3A, %get3A_119] {strides = array<i32>} : memref<32x128xf32, #tpu.memory_space<vmem>>, vector<16xf32>,
          %mul3A_121 = arith.constant 16 : i32
          %mul3A_122 = arith.muli %scan3A_116, %mul3A_121 : i32
          %add3A_123 = arith.constant 0 : i32
          %add3A_124 = arith.addi %mul3A_122, %add3A_123 : i32
          %slice3A = vector.extract_strided_slice %get3A_120 {offsets = [0], sizes = [1], strides = [1]} : vector<16xf32> to vector<1xf32>
          %squeeze3A = vector.extract %slice3A[0] : f32 from vector<1xf32>
          %broadcast_in_dim3A_125 = vector.broadcast %squeeze3A : f32 to vector<16xf32>
          %get3A_126 = arith.index_cast %add3A_124 : i32 to index
          %get3A_127 = arith.constant 0 : index
          %get3A_128 = tpu.vector_load %arg10[%get3A_126, %get3A_127] {strides = array<i32>} : memref<128x64xf32, #tpu.memory_space<vmem>>, vector<16xf32>,
          %mul3A_129 = arith.mulf %get3A_128, %broadcast_in_dim3A_125 : vector<16xf32>
          %swap3A = arith.index_cast %add3A_124 : i32 to index
          %swap3A_130 = arith.constant 0 : index
          %swap3A_131 = tpu.vector_load %arg10[%swap3A, %swap3A_130] {strides = array<i32>} : memref<128x64xf32, #tpu.memory_space<vmem>>, vector<16xf32>,
          tpu.vector_store %arg10[%swap3A, %swap3A_130], %mul3A_129 {strides = array<i32>} : memref<128x64xf32, #tpu.memory_space<vmem>>, vector<16xf32>,
          %get3A_132 = arith.index_cast %add3A_124 : i32 to index
          %get3A_133 = arith.constant 16 : index
          %get3A_134 = tpu.vector_load %arg10[%get3A_132, %get3A_133] {strides = array<i32>} : memref<128x64xf32, #tpu.memory_space<vmem>>, vector<16xf32>,
          %mul3A_135 = arith.mulf %get3A_134, %broadcast_in_dim3A_125 : vector<16xf32>
          %swap3A_136 = arith.index_cast %add3A_124 : i32 to index
          %swap3A_137 = arith.constant 16 : index
          %swap3A_138 = tpu.vector_load %arg10[%swap3A_136, %swap3A_137] {strides = array<i32>} : memref<128x64xf32, #tpu.memory_space<vmem>>, vector<16xf32>,
          tpu.vector_store %arg10[%swap3A_136, %swap3A_137], %mul3A_135 {strides = array<i32>} : memref<128x64xf32, #tpu.memory_space<vmem>>, vector<16xf32>,
          %get3A_139 = arith.index_cast %add3A_124 : i32 to index
          %get3A_140 = arith.constant 32 : index
          %get3A_141 = tpu.vector_load %arg10[%get3A_139, %get3A_140] {strides = array<i32>} : memref<128x64xf32, #tpu.memory_space<vmem>>, vector<16xf32>,
          %mul3A_142 = arith.mulf %get3A_141, %broadcast_in_dim3A_125 : vector<16xf32>
          %swap3A_143 = arith.index_cast %add3A_124 : i32 to index
          %swap3A_144 = arith.constant 32 : index
          %swap3A_145 = tpu.vector_load %arg10[%swap3A_143, %swap3A_144] {strides = array<i32>} : memref<128x64xf32, #tpu.memory_space<vmem>>, vector<16xf32>,
          tpu.vector_store %arg10[%swap3A_143, %swap3A_144], %mul3A_142 {strides = array<i32>} : memref<128x64xf32, #tpu.memory_space<vmem>>, vector<16xf32>,
          %get3A_146 = arith.index_cast %add3A_124 : i32 to index
          %get3A_147 = arith.constant 48 : index
          %get3A_148 = tpu.vector_load %arg10[%get3A_146, %get3A_147] {strides = array<i32>} : memref<128x64xf32, #tpu.memory_space<vmem>>, vector<16xf32>,
          %mul3A_149 = arith.mulf %get3A_148, %broadcast_in_dim3A_125 : vector<16xf32>
          %swap3A_150 = arith.index_cast %add3A_124 : i32 to index
          %swap3A_151 = arith.constant 48 : index
          %swap3A_152 = tpu.vector_load %arg10[%swap3A_150, %swap3A_151] {strides = array<i32>} : memref<128x64xf32, #tpu.memory_space<vmem>>, vector<16xf32>,
          tpu.vector_store %arg10[%swap3A_150, %swap3A_151], %mul3A_149 {strides = array<i32>} : memref<128x64xf32, #tpu.memory_space<vmem>>, vector<16xf32>,
          %mul3A_153 = arith.constant 16 : i32
          %mul3A_154 = arith.muli %scan3A_116, %mul3A_153 : i32
          %add3A_155 = arith.constant 1 : i32
          %add3A_156 = arith.addi %mul3A_154, %add3A_155 : i32
          %slice3A_157 = vector.extract_strided_slice %get3A_120 {offsets = [1], sizes = [1], strides = [1]} : vector<16xf32> to vector<1xf32>
          %squeeze3A_158 = vector.extract %slice3A_157[0] : f32 from vector<1xf32>
          %broadcast_in_dim3A_159 = vector.broadcast %squeeze3A_158 : f32 to vector<16xf32>
          %get3A_160 = arith.index_cast %add3A_156 : i32 to index
          %get3A_161 = arith.constant 0 : index
          %get3A_162 = tpu.vector_load %arg10[%get3A_160, %get3A_161] {strides = array<i32>} : memref<128x64xf32, #tpu.memory_space<vmem>>, vector<16xf32>,
          %mul3A_163 = arith.mulf %get3A_162, %broadcast_in_dim3A_159 : vector<16xf32>
          %swap3A_164 = arith.index_cast %add3A_156 : i32 to index
          %swap3A_165 = arith.constant 0 : index
          %swap3A_166 = tpu.vector_load %arg10[%swap3A_164, %swap3A_165] {strides = array<i32>} : memref<128x64xf32, #tpu.memory_space<vmem>>, vector<16xf32>,
          tpu.vector_store %arg10[%swap3A_164, %swap3A_165], %mul3A_163 {strides = array<i32>} : memref<128x64xf32, #tpu.memory_space<vmem>>, vector<16xf32>,
          %get3A_167 = arith.index_cast %add3A_156 : i32 to index
          %get3A_168 = arith.constant 16 : index
          %get3A_169 = tpu.vector_load %arg10[%get3A_167, %get3A_168] {strides = array<i32>} : memref<128x64xf32, #tpu.memory_space<vmem>>, vector<16xf32>,
          %mul3A_170 = arith.mulf %get3A_169, %broadcast_in_dim3A_159 : vector<16xf32>
          %swap3A_171 = arith.index_cast %add3A_156 : i32 to index
          %swap3A_172 = arith.constant 16 : index
          %swap3A_173 = tpu.vector_load %arg10[%swap3A_171, %swap3A_172] {strides = array<i32>} : memref<128x64xf32, #tpu.memory_space<vmem>>, vector<16xf32>,
          tpu.vector_store %arg10[%swap3A_171, %swap3A_172], %mul3A_170 {strides = array<i32>} : memref<128x64xf32, #tpu.memory_space<vmem>>, vector<16xf32>,
          %get3A_174 = arith.index_cast %add3A_156 : i32 to index
          %get3A_175 = arith.constant 32 : index
          %get3A_176 = tpu.vector_load %arg10[%get3A_174, %get3A_175] {strides = array<i32>} : memref<128x64xf32, #tpu.memory_space<vmem>>, vector<16xf32>,
          %mul3A_177 = arith.mulf %get3A_176, %broadcast_in_dim3A_159 : vector<16xf32>
          %swap3A_178 = arith.index_cast %add3A_156 : i32 to index
          %swap3A_179 = arith.constant 32 : index
          %swap3A_180 = tpu.vector_load %arg10[%swap3A_178, %swap3A_179] {strides = array<i32>} : memref<128x64xf32, #tpu.memory_space<vmem>>, vector<16xf32>,
          tpu.vector_store %arg10[%swap3A_178, %swap3A_179], %mul3A_177 {strides = array<i32>} : memref<128x64xf32, #tpu.memory_space<vmem>>, vector<16xf32>,
          %get3A_181 = arith.index_cast %add3A_156 : i32 to index
          %get3A_182 = arith.constant 48 : index
          %get3A_183 = tpu.vector_load %arg10[%get3A_181, %get3A_182] {strides = array<i32>} : memref<128x64xf32, #tpu.memory_space<vmem>>, vector<16xf32>,
          %mul3A_184 = arith.mulf %get3A_183, %broadcast_in_dim3A_159 : vector<16xf32>
          %swap3A_185 = arith.index_cast %add3A_156 : i32 to index
          %swap3A_186 = arith.constant 48 : index
          %swap3A_187 = tpu.vector_load %arg10[%swap3A_185, %swap3A_186] {strides = array<i32>} : memref<128x64xf32, #tpu.memory_space<vmem>>, vector<16xf32>,
          tpu.vector_store %arg10[%swap3A_185, %swap3A_186], %mul3A_184 {strides = array<i32>} : memref<128x64xf32, #tpu.memory_space<vmem>>, vector<16xf32>,
          %mul3A_188 = arith.constant 16 : i32
          %mul3A_189 = arith.muli %scan3A_116, %mul3A_188 : i32
          %add3A_190 = arith.constant 2 : i32
          %add3A_191 = arith.addi %mul3A_189, %add3A_190 : i32
          %slice3A_192 = vector.extract_strided_slice %get3A_120 {offsets = [2], sizes = [1], strides = [1]} : vector<16xf32> to vector<1xf32>
          %squeeze3A_193 = vector.extract %slice3A_192[0] : f32 from vector<1xf32>
          %broadcast_in_dim3A_194 = vector.broadcast %squeeze3A_193 : f32 to vector<16xf32>
          %get3A_195 = arith.index_cast %add3A_191 : i32 to index
          %get3A_196 = arith.constant 0 : index
          %get3A_197 = tpu.vector_load %arg10[%get3A_195, %get3A_196] {strides = array<i32>} : memref<128x64xf32, #tpu.memory_space<vmem>>, vector<16xf32>,
          %mul3A_198 = arith.mulf %get3A_197, %broadcast_in_dim3A_194 : vector<16xf32>
          %swap3A_199 = arith.index_cast %add3A_191 : i32 to index
          %swap3A_200 = arith.constant 0 : index
          %swap3A_201 = tpu.vector_load %arg10[%swap3A_199, %swap3A_200] {strides = array<i32>} : memref<128x64xf32, #tpu.memory_space<vmem>>, vector<16xf32>,
          tpu.vector_store %arg10[%swap3A_199, %swap3A_200], %mul3A_198 {strides = array<i32>} : memref<128x64xf32, #tpu.memory_space<vmem>>, vector<16xf32>,
          %get3A_202 = arith.index_cast %add3A_191 : i32 to index
          %get3A_203 = arith.constant 16 : index
          %get3A_204 = tpu.vector_load %arg10[%get3A_202, %get3A_203] {strides = array<i32>} : memref<128x64xf32, #tpu.memory_space<vmem>>, vector<16xf32>,
          %mul3A_205 = arith.mulf %get3A_204, %broadcast_in_dim3A_194 : vector<16xf32>
          %swap3A_206 = arith.index_cast %add3A_191 : i32 to index
          %swap3A_207 = arith.constant 16 : index
          %swap3A_208 = tpu.vector_load %arg10[%swap3A_206, %swap3A_207] {strides = array<i32>} : memref<128x64xf32, #tpu.memory_space<vmem>>, vector<16xf32>,
          tpu.vector_store %arg10[%swap3A_206, %swap3A_207], %mul3A_205 {strides = array<i32>} : memref<128x64xf32, #tpu.memory_space<vmem>>, vector<16xf32>,
          %get3A_209 = arith.index_cast %add3A_191 : i32 to index
          %get3A_210 = arith.constant 32 : index
          %get3A_211 = tpu.vector_load %arg10[%get3A_209, %get3A_210] {strides = array<i32>} : memref<128x64xf32, #tpu.memory_space<vmem>>, vector<16xf32>,
          %mul3A_212 = arith.mulf %get3A_211, %broadcast_in_dim3A_194 : vector<16xf32>
          %swap3A_213 = arith.index_cast %add3A_191 : i32 to index
          %swap3A_214 = arith.constant 32 : index
          %swap3A_215 = tpu.vector_load %arg10[%swap3A_213, %swap3A_214] {strides = array<i32>} : memref<128x64xf32, #tpu.memory_space<vmem>>, vector<16xf32>,
          tpu.vector_store %arg10[%swap3A_213, %swap3A_214], %mul3A_212 {strides = array<i32>} : memref<128x64xf32, #tpu.memory_space<vmem>>, vector<16xf32>,
          %get3A_216 = arith.index_cast %add3A_191 : i32 to index
          %get3A_217 = arith.constant 48 : index
          %get3A_218 = tpu.vector_load %arg10[%get3A_216, %get3A_217] {strides = array<i32>} : memref<128x64xf32, #tpu.memory_space<vmem>>, vector<16xf32>,
          %mul3A_219 = arith.mulf %get3A_218, %broadcast_in_dim3A_194 : vector<16xf32>
          %swap3A_220 = arith.index_cast %add3A_191 : i32 to index
          %swap3A_221 = arith.constant 48 : index
          %swap3A_222 = tpu.vector_load %arg10[%swap3A_220, %swap3A_221] {strides = array<i32>} : memref<128x64xf32, #tpu.memory_space<vmem>>, vector<16xf32>,
          tpu.vector_store %arg10[%swap3A_220, %swap3A_221], %mul3A_219 {strides = array<i32>} : memref<128x64xf32, #tpu.memory_space<vmem>>, vector<16xf32>,
          %mul3A_223 = arith.constant 16 : i32
          %mul3A_224 = arith.muli %scan3A_116, %mul3A_223 : i32
          %add3A_225 = arith.constant 3 : i32
          %add3A_226 = arith.addi %mul3A_224, %add3A_225 : i32
          %slice3A_227 = vector.extract_strided_slice %get3A_120 {offsets = [3], sizes = [1], strides = [1]} : vector<16xf32> to vector<1xf32>
          %squeeze3A_228 = vector.extract %slice3A_227[0] : f32 from vector<1xf32>
          %broadcast_in_dim3A_229 = vector.broadcast %squeeze3A_228 : f32 to vector<16xf32>
          %get3A_230 = arith.index_cast %add3A_226 : i32 to index
          %get3A_231 = arith.constant 0 : index
          %get3A_232 = tpu.vector_load %arg10[%get3A_230, %get3A_231] {strides = array<i32>} : memref<128x64xf32, #tpu.memory_space<vmem>>, vector<16xf32>,
          %mul3A_233 = arith.mulf %get3A_232, %broadcast_in_dim3A_229 : vector<16xf32>
          %swap3A_234 = arith.index_cast %add3A_226 : i32 to index
          %swap3A_235 = arith.constant 0 : index
          %swap3A_236 = tpu.vector_load %arg10[%swap3A_234, %swap3A_235] {strides = array<i32>} : memref<128x64xf32, #tpu.memory_space<vmem>>, vector<16xf32>,
          tpu.vector_store %arg10[%swap3A_234, %swap3A_235], %mul3A_233 {strides = array<i32>} : memref<128x64xf32, #tpu.memory_space<vmem>>, vector<16xf32>,
          %get3A_237 = arith.index_cast %add3A_226 : i32 to index
          %get3A_238 = arith.constant 16 : index
          %get3A_239 = tpu.vector_load %arg10[%get3A_237, %get3A_238] {strides = array<i32>} : memref<128x64xf32, #tpu.memory_space<vmem>>, vector<16xf32>,
          %mul3A_240 = arith.mulf %get3A_239, %broadcast_in_dim3A_229 : vector<16xf32>
          %swap3A_241 = arith.index_cast %add3A_226 : i32 to index
          %swap3A_242 = arith.constant 16 : index
          %swap3A_243 = tpu.vector_load %arg10[%swap3A_241, %swap3A_242] {strides = array<i32>} : memref<128x64xf32, #tpu.memory_space<vmem>>, vector<16xf32>,
          tpu.vector_store %arg10[%swap3A_241, %swap3A_242], %mul3A_240 {strides = array<i32>} : memref<128x64xf32, #tpu.memory_space<vmem>>, vector<16xf32>,
          %get3A_244 = arith.index_cast %add3A_226 : i32 to index
          %get3A_245 = arith.constant 32 : index
          %get3A_246 = tpu.vector_load %arg10[%get3A_244, %get3A_245] {strides = array<i32>} : memref<128x64xf32, #tpu.memory_space<vmem>>, vector<16xf32>,
          %mul3A_247 = arith.mulf %get3A_246, %broadcast_in_dim3A_229 : vector<16xf32>
          %swap3A_248 = arith.index_cast %add3A_226 : i32 to index
          %swap3A_249 = arith.constant 32 : index
          %swap3A_250 = tpu.vector_load %arg10[%swap3A_248, %swap3A_249] {strides = array<i32>} : memref<128x64xf32, #tpu.memory_space<vmem>>, vector<16xf32>,
          tpu.vector_store %arg10[%swap3A_248, %swap3A_249], %mul3A_247 {strides = array<i32>} : memref<128x64xf32, #tpu.memory_space<vmem>>, vector<16xf32>,
          %get3A_251 = arith.index_cast %add3A_226 : i32 to index
          %get3A_252 = arith.constant 48 : index
          %get3A_253 = tpu.vector_load %arg10[%get3A_251, %get3A_252] {strides = array<i32>} : memref<128x64xf32, #tpu.memory_space<vmem>>, vector<16xf32>,
          %mul3A_254 = arith.mulf %get3A_253, %broadcast_in_dim3A_229 : vector<16xf32>
          %swap3A_255 = arith.index_cast %add3A_226 : i32 to index
          %swap3A_256 = arith.constant 48 : index
          %swap3A_257 = tpu.vector_load %arg10[%swap3A_255, %swap3A_256] {strides = array<i32>} : memref<128x64xf32, #tpu.memory_space<vmem>>, vector<16xf32>,
          tpu.vector_store %arg10[%swap3A_255, %swap3A_256], %mul3A_254 {strides = array<i32>} : memref<128x64xf32, #tpu.memory_space<vmem>>, vector<16xf32>,
          %mul3A_258 = arith.constant 16 : i32
          %mul3A_259 = arith.muli %scan3A_116, %mul3A_258 : i32
          %add3A_260 = arith.constant 4 : i32
          %add3A_261 = arith.addi %mul3A_259, %add3A_260 : i32
          %slice3A_262 = vector.extract_strided_slice %get3A_120 {offsets = [4], sizes = [1], strides = [1]} : vector<16xf32> to vector<1xf32>
          %squeeze3A_263 = vector.extract %slice3A_262[0] : f32 from vector<1xf32>
          %broadcast_in_dim3A_264 = vector.broadcast %squeeze3A_263 : f32 to vector<16xf32>
          %get3A_265 = arith.index_cast %add3A_261 : i32 to index
          %get3A_266 = arith.constant 0 : index
          %get3A_267 = tpu.vector_load %arg10[%get3A_265, %get3A_266] {strides = array<i32>} : memref<128x64xf32, #tpu.memory_space<vmem>>, vector<16xf32>,
          %mul3A_268 = arith.mulf %get3A_267, %broadcast_in_dim3A_264 : vector<16xf32>
          %swap3A_269 = arith.index_cast %add3A_261 : i32 to index
          %swap3A_270 = arith.constant 0 : index
          %swap3A_271 = tpu.vector_load %arg10[%swap3A_269, %swap3A_270] {strides = array<i32>} : memref<128x64xf32, #tpu.memory_space<vmem>>, vector<16xf32>,
          tpu.vector_store %arg10[%swap3A_269, %swap3A_270], %mul3A_268 {strides = array<i32>} : memref<128x64xf32, #tpu.memory_space<vmem>>, vector<16xf32>,
          %get3A_272 = arith.index_cast %add3A_261 : i32 to index
          %get3A_273 = arith.constant 16 : index
          %get3A_274 = tpu.vector_load %arg10[%get3A_272, %get3A_273] {strides = array<i32>} : memref<128x64xf32, #tpu.memory_space<vmem>>, vector<16xf32>,
          %mul3A_275 = arith.mulf %get3A_274, %broadcast_in_dim3A_264 : vector<16xf32>
          %swap3A_276 = arith.index_cast %add3A_261 : i32 to index
          %swap3A_277 = arith.constant 16 : index
          %swap3A_278 = tpu.vector_load %arg10[%swap3A_276, %swap3A_277] {strides = array<i32>} : memref<128x64xf32, #tpu.memory_space<vmem>>, vector<16xf32>,
          tpu.vector_store %arg10[%swap3A_276, %swap3A_277], %mul3A_275 {strides = array<i32>} : memref<128x64xf32, #tpu.memory_space<vmem>>, vector<16xf32>,
          %get3A_279 = arith.index_cast %add3A_261 : i32 to index
          %get3A_280 = arith.constant 32 : index
          %get3A_281 = tpu.vector_load %arg10[%get3A_279, %get3A_280] {strides = array<i32>} : memref<128x64xf32, #tpu.memory_space<vmem>>, vector<16xf32>,
          %mul3A_282 = arith.mulf %get3A_281, %broadcast_in_dim3A_264 : vector<16xf32>
          %swap3A_283 = arith.index_cast %add3A_261 : i32 to index
          %swap3A_284 = arith.constant 32 : index
          %swap3A_285 = tpu.vector_load %arg10[%swap3A_283, %swap3A_284] {strides = array<i32>} : memref<128x64xf32, #tpu.memory_space<vmem>>, vector<16xf32>,
          tpu.vector_store %arg10[%swap3A_283, %swap3A_284], %mul3A_282 {strides = array<i32>} : memref<128x64xf32, #tpu.memory_space<vmem>>, vector<16xf32>,
          %get3A_286 = arith.index_cast %add3A_261 : i32 to index
          %get3A_287 = arith.constant 48 : index
          %get3A_288 = tpu.vector_load %arg10[%get3A_286, %get3A_287] {strides = array<i32>} : memref<128x64xf32, #tpu.memory_space<vmem>>, vector<16xf32>,
          %mul3A_289 = arith.mulf %get3A_288, %broadcast_in_dim3A_264 : vector<16xf32>
          %swap3A_290 = arith.index_cast %add3A_261 : i32 to index
          %swap3A_291 = arith.constant 48 : index
          %swap3A_292 = tpu.vector_load %arg10[%swap3A_290, %swap3A_291] {strides = array<i32>} : memref<128x64xf32, #tpu.memory_space<vmem>>, vector<16xf32>,
          tpu.vector_store %arg10[%swap3A_290, %swap3A_291], %mul3A_289 {strides = array<i32>} : memref<128x64xf32, #tpu.memory_space<vmem>>, vector<16xf32>,
          %mul3A_293 = arith.constant 16 : i32
          %mul3A_294 = arith.muli %scan3A_116, %mul3A_293 : i32
          %add3A_295 = arith.constant 5 : i32
          %add3A_296 = arith.addi %mul3A_294, %add3A_295 : i32
          %slice3A_297 = vector.extract_strided_slice %get3A_120 {offsets = [5], sizes = [1], strides = [1]} : vector<16xf32> to vector<1xf32>
          %squeeze3A_298 = vector.extract %slice3A_297[0] : f32 from vector<1xf32>
          %broadcast_in_dim3A_299 = vector.broadcast %squeeze3A_298 : f32 to vector<16xf32>
          %get3A_300 = arith.index_cast %add3A_296 : i32 to index
          %get3A_301 = arith.constant 0 : index
          %get3A_302 = tpu.vector_load %arg10[%get3A_300, %get3A_301] {strides = array<i32>} : memref<128x64xf32, #tpu.memory_space<vmem>>, vector<16xf32>,
          %mul3A_303 = arith.mulf %get3A_302, %broadcast_in_dim3A_299 : vector<16xf32>
          %swap3A_304 = arith.index_cast %add3A_296 : i32 to index
          %swap3A_305 = arith.constant 0 : index
          %swap3A_306 = tpu.vector_load %arg10[%swap3A_304, %swap3A_305] {strides = array<i32>} : memref<128x64xf32, #tpu.memory_space<vmem>>, vector<16xf32>,
          tpu.vector_store %arg10[%swap3A_304, %swap3A_305], %mul3A_303 {strides = array<i32>} : memref<128x64xf32, #tpu.memory_space<vmem>>, vector<16xf32>,
          %get3A_307 = arith.index_cast %add3A_296 : i32 to index
          %get3A_308 = arith.constant 16 : index
          %get3A_309 = tpu.vector_load %arg10[%get3A_307, %get3A_308] {strides = array<i32>} : memref<128x64xf32, #tpu.memory_space<vmem>>, vector<16xf32>,
          %mul3A_310 = arith.mulf %get3A_309, %broadcast_in_dim3A_299 : vector<16xf32>
          %swap3A_311 = arith.index_cast %add3A_296 : i32 to index
          %swap3A_312 = arith.constant 16 : index
          %swap3A_313 = tpu.vector_load %arg10[%swap3A_311, %swap3A_312] {strides = array<i32>} : memref<128x64xf32, #tpu.memory_space<vmem>>, vector<16xf32>,
          tpu.vector_store %arg10[%swap3A_311, %swap3A_312], %mul3A_310 {strides = array<i32>} : memref<128x64xf32, #tpu.memory_space<vmem>>, vector<16xf32>,
          %get3A_314 = arith.index_cast %add3A_296 : i32 to index
          %get3A_315 = arith.constant 32 : index
          %get3A_316 = tpu.vector_load %arg10[%get3A_314, %get3A_315] {strides = array<i32>} : memref<128x64xf32, #tpu.memory_space<vmem>>, vector<16xf32>,
          %mul3A_317 = arith.mulf %get3A_316, %broadcast_in_dim3A_299 : vector<16xf32>
          %swap3A_318 = arith.index_cast %add3A_296 : i32 to index
          %swap3A_319 = arith.constant 32 : index
          %swap3A_320 = tpu.vector_load %arg10[%swap3A_318, %swap3A_319] {strides = array<i32>} : memref<128x64xf32, #tpu.memory_space<vmem>>, vector<16xf32>,
          tpu.vector_store %arg10[%swap3A_318, %swap3A_319], %mul3A_317 {strides = array<i32>} : memref<128x64xf32, #tpu.memory_space<vmem>>, vector<16xf32>,
          %get3A_321 = arith.index_cast %add3A_296 : i32 to index
          %get3A_322 = arith.constant 48 : index
          %get3A_323 = tpu.vector_load %arg10[%get3A_321, %get3A_322] {strides = array<i32>} : memref<128x64xf32, #tpu.memory_space<vmem>>, vector<16xf32>,
          %mul3A_324 = arith.mulf %get3A_323, %broadcast_in_dim3A_299 : vector<16xf32>
          %swap3A_325 = arith.index_cast %add3A_296 : i32 to index
          %swap3A_326 = arith.constant 48 : index
          %swap3A_327 = tpu.vector_load %arg10[%swap3A_325, %swap3A_326] {strides = array<i32>} : memref<128x64xf32, #tpu.memory_space<vmem>>, vector<16xf32>,
          tpu.vector_store %arg10[%swap3A_325, %swap3A_326], %mul3A_324 {strides = array<i32>} : memref<128x64xf32, #tpu.memory_space<vmem>>, vector<16xf32>,
          %mul3A_328 = arith.constant 16 : i32
          %mul3A_329 = arith.muli %scan3A_116, %mul3A_328 : i32
          %add3A_330 = arith.constant 6 : i32
          %add3A_331 = arith.addi %mul3A_329, %add3A_330 : i32
          %slice3A_332 = vector.extract_strided_slice %get3A_120 {offsets = [6], sizes = [1], strides = [1]} : vector<16xf32> to vector<1xf32>
          %squeeze3A_333 = vector.extract %slice3A_332[0] : f32 from vector<1xf32>
          %broadcast_in_dim3A_334 = vector.broadcast %squeeze3A_333 : f32 to vector<16xf32>
          %get3A_335 = arith.index_cast %add3A_331 : i32 to index
          %get3A_336 = arith.constant 0 : index
          %get3A_337 = tpu.vector_load %arg10[%get3A_335, %get3A_336] {strides = array<i32>} : memref<128x64xf32, #tpu.memory_space<vmem>>, vector<16xf32>,
          %mul3A_338 = arith.mulf %get3A_337, %broadcast_in_dim3A_334 : vector<16xf32>
          %swap3A_339 = arith.index_cast %add3A_331 : i32 to index
          %swap3A_340 = arith.constant 0 : index
          %swap3A_341 = tpu.vector_load %arg10[%swap3A_339, %swap3A_340] {strides = array<i32>} : memref<128x64xf32, #tpu.memory_space<vmem>>, vector<16xf32>,
          tpu.vector_store %arg10[%swap3A_339, %swap3A_340], %mul3A_338 {strides = array<i32>} : memref<128x64xf32, #tpu.memory_space<vmem>>, vector<16xf32>,
          %get3A_342 = arith.index_cast %add3A_331 : i32 to index
          %get3A_343 = arith.constant 16 : index
          %get3A_344 = tpu.vector_load %arg10[%get3A_342, %get3A_343] {strides = array<i32>} : memref<128x64xf32, #tpu.memory_space<vmem>>, vector<16xf32>,
          %mul3A_345 = arith.mulf %get3A_344, %broadcast_in_dim3A_334 : vector<16xf32>
          %swap3A_346 = arith.index_cast %add3A_331 : i32 to index
          %swap3A_347 = arith.constant 16 : index
          %swap3A_348 = tpu.vector_load %arg10[%swap3A_346, %swap3A_347] {strides = array<i32>} : memref<128x64xf32, #tpu.memory_space<vmem>>, vector<16xf32>,
          tpu.vector_store %arg10[%swap3A_346, %swap3A_347], %mul3A_345 {strides = array<i32>} : memref<128x64xf32, #tpu.memory_space<vmem>>, vector<16xf32>,
          %get3A_349 = arith.index_cast %add3A_331 : i32 to index
          %get3A_350 = arith.constant 32 : index
          %get3A_351 = tpu.vector_load %arg10[%get3A_349, %get3A_350] {strides = array<i32>} : memref<128x64xf32, #tpu.memory_space<vmem>>, vector<16xf32>,
          %mul3A_352 = arith.mulf %get3A_351, %broadcast_in_dim3A_334 : vector<16xf32>
          %swap3A_353 = arith.index_cast %add3A_331 : i32 to index
          %swap3A_354 = arith.constant 32 : index
          %swap3A_355 = tpu.vector_load %arg10[%swap3A_353, %swap3A_354] {strides = array<i32>} : memref<128x64xf32, #tpu.memory_space<vmem>>, vector<16xf32>,
          tpu.vector_store %arg10[%swap3A_353, %swap3A_354], %mul3A_352 {strides = array<i32>} : memref<128x64xf32, #tpu.memory_space<vmem>>, vector<16xf32>,
          %get3A_356 = arith.index_cast %add3A_331 : i32 to index
          %get3A_357 = arith.constant 48 : index
          %get3A_358 = tpu.vector_load %arg10[%get3A_356, %get3A_357] {strides = array<i32>} : memref<128x64xf32, #tpu.memory_space<vmem>>, vector<16xf32>,
          %mul3A_359 = arith.mulf %get3A_358, %broadcast_in_dim3A_334 : vector<16xf32>
          %swap3A_360 = arith.index_cast %add3A_331 : i32 to index
          %swap3A_361 = arith.constant 48 : index
          %swap3A_362 = tpu.vector_load %arg10[%swap3A_360, %swap3A_361] {strides = array<i32>} : memref<128x64xf32, #tpu.memory_space<vmem>>, vector<16xf32>,
          tpu.vector_store %arg10[%swap3A_360, %swap3A_361], %mul3A_359 {strides = array<i32>} : memref<128x64xf32, #tpu.memory_space<vmem>>, vector<16xf32>,
          %mul3A_363 = arith.constant 16 : i32
          %mul3A_364 = arith.muli %scan3A_116, %mul3A_363 : i32
          %add3A_365 = arith.constant 7 : i32
          %add3A_366 = arith.addi %mul3A_364, %add3A_365 : i32
          %slice3A_367 = vector.extract_strided_slice %get3A_120 {offsets = [7], sizes = [1], strides = [1]} : vector<16xf32> to vector<1xf32>
          %squeeze3A_368 = vector.extract %slice3A_367[0] : f32 from vector<1xf32>
          %broadcast_in_dim3A_369 = vector.broadcast %squeeze3A_368 : f32 to vector<16xf32>
          %get3A_370 = arith.index_cast %add3A_366 : i32 to index
          %get3A_371 = arith.constant 0 : index
          %get3A_372 = tpu.vector_load %arg10[%get3A_370, %get3A_371] {strides = array<i32>} : memref<128x64xf32, #tpu.memory_space<vmem>>, vector<16xf32>,
          %mul3A_373 = arith.mulf %get3A_372, %broadcast_in_dim3A_369 : vector<16xf32>
          %swap3A_374 = arith.index_cast %add3A_366 : i32 to index
          %swap3A_375 = arith.constant 0 : index
          %swap3A_376 = tpu.vector_load %arg10[%swap3A_374, %swap3A_375] {strides = array<i32>} : memref<128x64xf32, #tpu.memory_space<vmem>>, vector<16xf32>,
          tpu.vector_store %arg10[%swap3A_374, %swap3A_375], %mul3A_373 {strides = array<i32>} : memref<128x64xf32, #tpu.memory_space<vmem>>, vector<16xf32>,
          %get3A_377 = arith.index_cast %add3A_366 : i32 to index
          %get3A_378 = arith.constant 16 : index
          %get3A_379 = tpu.vector_load %arg10[%get3A_377, %get3A_378] {strides = array<i32>} : memref<128x64xf32, #tpu.memory_space<vmem>>, vector<16xf32>,
          %mul3A_380 = arith.mulf %get3A_379, %broadcast_in_dim3A_369 : vector<16xf32>
          %swap3A_381 = arith.index_cast %add3A_366 : i32 to index
          %swap3A_382 = arith.constant 16 : index
          %swap3A_383 = tpu.vector_load %arg10[%swap3A_381, %swap3A_382] {strides = array<i32>} : memref<128x64xf32, #tpu.memory_space<vmem>>, vector<16xf32>,
          tpu.vector_store %arg10[%swap3A_381, %swap3A_382], %mul3A_380 {strides = array<i32>} : memref<128x64xf32, #tpu.memory_space<vmem>>, vector<16xf32>,
          %get3A_384 = arith.index_cast %add3A_366 : i32 to index
          %get3A_385 = arith.constant 32 : index
          %get3A_386 = tpu.vector_load %arg10[%get3A_384, %get3A_385] {strides = array<i32>} : memref<128x64xf32, #tpu.memory_space<vmem>>, vector<16xf32>,
          %mul3A_387 = arith.mulf %get3A_386, %broadcast_in_dim3A_369 : vector<16xf32>
          %swap3A_388 = arith.index_cast %add3A_366 : i32 to index
          %swap3A_389 = arith.constant 32 : index
          %swap3A_390 = tpu.vector_load %arg10[%swap3A_388, %swap3A_389] {strides = array<i32>} : memref<128x64xf32, #tpu.memory_space<vmem>>, vector<16xf32>,
          tpu.vector_store %arg10[%swap3A_388, %swap3A_389], %mul3A_387 {strides = array<i32>} : memref<128x64xf32, #tpu.memory_space<vmem>>, vector<16xf32>,
          %get3A_391 = arith.index_cast %add3A_366 : i32 to index
          %get3A_392 = arith.constant 48 : index
          %get3A_393 = tpu.vector_load %arg10[%get3A_391, %get3A_392] {strides = array<i32>} : memref<128x64xf32, #tpu.memory_space<vmem>>, vector<16xf32>,
          %mul3A_394 = arith.mulf %get3A_393, %broadcast_in_dim3A_369 : vector<16xf32>
          %swap3A_395 = arith.index_cast %add3A_366 : i32 to index
          %swap3A_396 = arith.constant 48 : index
          %swap3A_397 = tpu.vector_load %arg10[%swap3A_395, %swap3A_396] {strides = array<i32>} : memref<128x64xf32, #tpu.memory_space<vmem>>, vector<16xf32>,
          tpu.vector_store %arg10[%swap3A_395, %swap3A_396], %mul3A_394 {strides = array<i32>} : memref<128x64xf32, #tpu.memory_space<vmem>>, vector<16xf32>,
          %mul3A_398 = arith.constant 16 : i32
          %mul3A_399 = arith.muli %scan3A_116, %mul3A_398 : i32
          %add3A_400 = arith.constant 8 : i32
          %add3A_401 = arith.addi %mul3A_399, %add3A_400 : i32
          %slice3A_402 = vector.extract_strided_slice %get3A_120 {offsets = [8], sizes = [1], strides = [1]} : vector<16xf32> to vector<1xf32>
          %squeeze3A_403 = vector.extract %slice3A_402[0] : f32 from vector<1xf32>
          %broadcast_in_dim3A_404 = vector.broadcast %squeeze3A_403 : f32 to vector<16xf32>
          %get3A_405 = arith.index_cast %add3A_401 : i32 to index
          %get3A_406 = arith.constant 0 : index
          %get3A_407 = tpu.vector_load %arg10[%get3A_405, %get3A_406] {strides = array<i32>} : memref<128x64xf32, #tpu.memory_space<vmem>>, vector<16xf32>,
          %mul3A_408 = arith.mulf %get3A_407, %broadcast_in_dim3A_404 : vector<16xf32>
          %swap3A_409 = arith.index_cast %add3A_401 : i32 to index
          %swap3A_410 = arith.constant 0 : index
          %swap3A_411 = tpu.vector_load %arg10[%swap3A_409, %swap3A_410] {strides = array<i32>} : memref<128x64xf32, #tpu.memory_space<vmem>>, vector<16xf32>,
          tpu.vector_store %arg10[%swap3A_409, %swap3A_410], %mul3A_408 {strides = array<i32>} : memref<128x64xf32, #tpu.memory_space<vmem>>, vector<16xf32>,
          %get3A_412 = arith.index_cast %add3A_401 : i32 to index
          %get3A_413 = arith.constant 16 : index
          %get3A_414 = tpu.vector_load %arg10[%get3A_412, %get3A_413] {strides = array<i32>} : memref<128x64xf32, #tpu.memory_space<vmem>>, vector<16xf32>,
          %mul3A_415 = arith.mulf %get3A_414, %broadcast_in_dim3A_404 : vector<16xf32>
          %swap3A_416 = arith.index_cast %add3A_401 : i32 to index
          %swap3A_417 = arith.constant 16 : index
          %swap3A_418 = tpu.vector_load %arg10[%swap3A_416, %swap3A_417] {strides = array<i32>} : memref<128x64xf32, #tpu.memory_space<vmem>>, vector<16xf32>,
          tpu.vector_store %arg10[%swap3A_416, %swap3A_417], %mul3A_415 {strides = array<i32>} : memref<128x64xf32, #tpu.memory_space<vmem>>, vector<16xf32>,
          %get3A_419 = arith.index_cast %add3A_401 : i32 to index
          %get3A_420 = arith.constant 32 : index
          %get3A_421 = tpu.vector_load %arg10[%get3A_419, %get3A_420] {strides = array<i32>} : memref<128x64xf32, #tpu.memory_space<vmem>>, vector<16xf32>,
          %mul3A_422 = arith.mulf %get3A_421, %broadcast_in_dim3A_404 : vector<16xf32>
          %swap3A_423 = arith.index_cast %add3A_401 : i32 to index
          %swap3A_424 = arith.constant 32 : index
          %swap3A_425 = tpu.vector_load %arg10[%swap3A_423, %swap3A_424] {strides = array<i32>} : memref<128x64xf32, #tpu.memory_space<vmem>>, vector<16xf32>,
          tpu.vector_store %arg10[%swap3A_423, %swap3A_424], %mul3A_422 {strides = array<i32>} : memref<128x64xf32, #tpu.memory_space<vmem>>, vector<16xf32>,
          %get3A_426 = arith.index_cast %add3A_401 : i32 to index
          %get3A_427 = arith.constant 48 : index
          %get3A_428 = tpu.vector_load %arg10[%get3A_426, %get3A_427] {strides = array<i32>} : memref<128x64xf32, #tpu.memory_space<vmem>>, vector<16xf32>,
          %mul3A_429 = arith.mulf %get3A_428, %broadcast_in_dim3A_404 : vector<16xf32>
          %swap3A_430 = arith.index_cast %add3A_401 : i32 to index
          %swap3A_431 = arith.constant 48 : index
          %swap3A_432 = tpu.vector_load %arg10[%swap3A_430, %swap3A_431] {strides = array<i32>} : memref<128x64xf32, #tpu.memory_space<vmem>>, vector<16xf32>,
          tpu.vector_store %arg10[%swap3A_430, %swap3A_431], %mul3A_429 {strides = array<i32>} : memref<128x64xf32, #tpu.memory_space<vmem>>, vector<16xf32>,
          %mul3A_433 = arith.constant 16 : i32
          %mul3A_434 = arith.muli %scan3A_116, %mul3A_433 : i32
          %add3A_435 = arith.constant 9 : i32
          %add3A_436 = arith.addi %mul3A_434, %add3A_435 : i32
          %slice3A_437 = vector.extract_strided_slice %get3A_120 {offsets = [9], sizes = [1], strides = [1]} : vector<16xf32> to vector<1xf32>
          %squeeze3A_438 = vector.extract %slice3A_437[0] : f32 from vector<1xf32>
          %broadcast_in_dim3A_439 = vector.broadcast %squeeze3A_438 : f32 to vector<16xf32>
          %get3A_440 = arith.index_cast %add3A_436 : i32 to index
          %get3A_441 = arith.constant 0 : index
          %get3A_442 = tpu.vector_load %arg10[%get3A_440, %get3A_441] {strides = array<i32>} : memref<128x64xf32, #tpu.memory_space<vmem>>, vector<16xf32>,
          %mul3A_443 = arith.mulf %get3A_442, %broadcast_in_dim3A_439 : vector<16xf32>
          %swap3A_444 = arith.index_cast %add3A_436 : i32 to index
          %swap3A_445 = arith.constant 0 : index
          %swap3A_446 = tpu.vector_load %arg10[%swap3A_444, %swap3A_445] {strides = array<i32>} : memref<128x64xf32, #tpu.memory_space<vmem>>, vector<16xf32>,
          tpu.vector_store %arg10[%swap3A_444, %swap3A_445], %mul3A_443 {strides = array<i32>} : memref<128x64xf32, #tpu.memory_space<vmem>>, vector<16xf32>,
          %get3A_447 = arith.index_cast %add3A_436 : i32 to index
          %get3A_448 = arith.constant 16 : index
          %get3A_449 = tpu.vector_load %arg10[%get3A_447, %get3A_448] {strides = array<i32>} : memref<128x64xf32, #tpu.memory_space<vmem>>, vector<16xf32>,
          %mul3A_450 = arith.mulf %get3A_449, %broadcast_in_dim3A_439 : vector<16xf32>
          %swap3A_451 = arith.index_cast %add3A_436 : i32 to index
          %swap3A_452 = arith.constant 16 : index
          %swap3A_453 = tpu.vector_load %arg10[%swap3A_451, %swap3A_452] {strides = array<i32>} : memref<128x64xf32, #tpu.memory_space<vmem>>, vector<16xf32>,
          tpu.vector_store %arg10[%swap3A_451, %swap3A_452], %mul3A_450 {strides = array<i32>} : memref<128x64xf32, #tpu.memory_space<vmem>>, vector<16xf32>,
          %get3A_454 = arith.index_cast %add3A_436 : i32 to index
          %get3A_455 = arith.constant 32 : index
          %get3A_456 = tpu.vector_load %arg10[%get3A_454, %get3A_455] {strides = array<i32>} : memref<128x64xf32, #tpu.memory_space<vmem>>, vector<16xf32>,
          %mul3A_457 = arith.mulf %get3A_456, %broadcast_in_dim3A_439 : vector<16xf32>
          %swap3A_458 = arith.index_cast %add3A_436 : i32 to index
          %swap3A_459 = arith.constant 32 : index
          %swap3A_460 = tpu.vector_load %arg10[%swap3A_458, %swap3A_459] {strides = array<i32>} : memref<128x64xf32, #tpu.memory_space<vmem>>, vector<16xf32>,
          tpu.vector_store %arg10[%swap3A_458, %swap3A_459], %mul3A_457 {strides = array<i32>} : memref<128x64xf32, #tpu.memory_space<vmem>>, vector<16xf32>,
          %get3A_461 = arith.index_cast %add3A_436 : i32 to index
          %get3A_462 = arith.constant 48 : index
          %get3A_463 = tpu.vector_load %arg10[%get3A_461, %get3A_462] {strides = array<i32>} : memref<128x64xf32, #tpu.memory_space<vmem>>, vector<16xf32>,
          %mul3A_464 = arith.mulf %get3A_463, %broadcast_in_dim3A_439 : vector<16xf32>
          %swap3A_465 = arith.index_cast %add3A_436 : i32 to index
          %swap3A_466 = arith.constant 48 : index
          %swap3A_467 = tpu.vector_load %arg10[%swap3A_465, %swap3A_466] {strides = array<i32>} : memref<128x64xf32, #tpu.memory_space<vmem>>, vector<16xf32>,
          tpu.vector_store %arg10[%swap3A_465, %swap3A_466], %mul3A_464 {strides = array<i32>} : memref<128x64xf32, #tpu.memory_space<vmem>>, vector<16xf32>,
          %mul3A_468 = arith.constant 16 : i32
          %mul3A_469 = arith.muli %scan3A_116, %mul3A_468 : i32
          %add3A_470 = arith.constant 10 : i32
          %add3A_471 = arith.addi %mul3A_469, %add3A_470 : i32
          %slice3A_472 = vector.extract_strided_slice %get3A_120 {offsets = [10], sizes = [1], strides = [1]} : vector<16xf32> to vector<1xf32>
          %squeeze3A_473 = vector.extract %slice3A_472[0] : f32 from vector<1xf32>
          %broadcast_in_dim3A_474 = vector.broadcast %squeeze3A_473 : f32 to vector<16xf32>
          %get3A_475 = arith.index_cast %add3A_471 : i32 to index
          %get3A_476 = arith.constant 0 : index
          %get3A_477 = tpu.vector_load %arg10[%get3A_475, %get3A_476] {strides = array<i32>} : memref<128x64xf32, #tpu.memory_space<vmem>>, vector<16xf32>,
          %mul3A_478 = arith.mulf %get3A_477, %broadcast_in_dim3A_474 : vector<16xf32>
          %swap3A_479 = arith.index_cast %add3A_471 : i32 to index
          %swap3A_480 = arith.constant 0 : index
          %swap3A_481 = tpu.vector_load %arg10[%swap3A_479, %swap3A_480] {strides = array<i32>} : memref<128x64xf32, #tpu.memory_space<vmem>>, vector<16xf32>,
          tpu.vector_store %arg10[%swap3A_479, %swap3A_480], %mul3A_478 {strides = array<i32>} : memref<128x64xf32, #tpu.memory_space<vmem>>, vector<16xf32>,
          %get3A_482 = arith.index_cast %add3A_471 : i32 to index
          %get3A_483 = arith.constant 16 : index
          %get3A_484 = tpu.vector_load %arg10[%get3A_482, %get3A_483] {strides = array<i32>} : memref<128x64xf32, #tpu.memory_space<vmem>>, vector<16xf32>,
          %mul3A_485 = arith.mulf %get3A_484, %broadcast_in_dim3A_474 : vector<16xf32>
          %swap3A_486 = arith.index_cast %add3A_471 : i32 to index
          %swap3A_487 = arith.constant 16 : index
          %swap3A_488 = tpu.vector_load %arg10[%swap3A_486, %swap3A_487] {strides = array<i32>} : memref<128x64xf32, #tpu.memory_space<vmem>>, vector<16xf32>,
          tpu.vector_store %arg10[%swap3A_486, %swap3A_487], %mul3A_485 {strides = array<i32>} : memref<128x64xf32, #tpu.memory_space<vmem>>, vector<16xf32>,
          %get3A_489 = arith.index_cast %add3A_471 : i32 to index
          %get3A_490 = arith.constant 32 : index
          %get3A_491 = tpu.vector_load %arg10[%get3A_489, %get3A_490] {strides = array<i32>} : memref<128x64xf32, #tpu.memory_space<vmem>>, vector<16xf32>,
          %mul3A_492 = arith.mulf %get3A_491, %broadcast_in_dim3A_474 : vector<16xf32>
          %swap3A_493 = arith.index_cast %add3A_471 : i32 to index
          %swap3A_494 = arith.constant 32 : index
          %swap3A_495 = tpu.vector_load %arg10[%swap3A_493, %swap3A_494] {strides = array<i32>} : memref<128x64xf32, #tpu.memory_space<vmem>>, vector<16xf32>,
          tpu.vector_store %arg10[%swap3A_493, %swap3A_494], %mul3A_492 {strides = array<i32>} : memref<128x64xf32, #tpu.memory_space<vmem>>, vector<16xf32>,
          %get3A_496 = arith.index_cast %add3A_471 : i32 to index
          %get3A_497 = arith.constant 48 : index
          %get3A_498 = tpu.vector_load %arg10[%get3A_496, %get3A_497] {strides = array<i32>} : memref<128x64xf32, #tpu.memory_space<vmem>>, vector<16xf32>,
          %mul3A_499 = arith.mulf %get3A_498, %broadcast_in_dim3A_474 : vector<16xf32>
          %swap3A_500 = arith.index_cast %add3A_471 : i32 to index
          %swap3A_501 = arith.constant 48 : index
          %swap3A_502 = tpu.vector_load %arg10[%swap3A_500, %swap3A_501] {strides = array<i32>} : memref<128x64xf32, #tpu.memory_space<vmem>>, vector<16xf32>,
          tpu.vector_store %arg10[%swap3A_500, %swap3A_501], %mul3A_499 {strides = array<i32>} : memref<128x64xf32, #tpu.memory_space<vmem>>, vector<16xf32>,
          %mul3A_503 = arith.constant 16 : i32
          %mul3A_504 = arith.muli %scan3A_116, %mul3A_503 : i32
          %add3A_505 = arith.constant 11 : i32
          %add3A_506 = arith.addi %mul3A_504, %add3A_505 : i32
          %slice3A_507 = vector.extract_strided_slice %get3A_120 {offsets = [11], sizes = [1], strides = [1]} : vector<16xf32> to vector<1xf32>
          %squeeze3A_508 = vector.extract %slice3A_507[0] : f32 from vector<1xf32>
          %broadcast_in_dim3A_509 = vector.broadcast %squeeze3A_508 : f32 to vector<16xf32>
          %get3A_510 = arith.index_cast %add3A_506 : i32 to index
          %get3A_511 = arith.constant 0 : index
          %get3A_512 = tpu.vector_load %arg10[%get3A_510, %get3A_511] {strides = array<i32>} : memref<128x64xf32, #tpu.memory_space<vmem>>, vector<16xf32>,
          %mul3A_513 = arith.mulf %get3A_512, %broadcast_in_dim3A_509 : vector<16xf32>
          %swap3A_514 = arith.index_cast %add3A_506 : i32 to index
          %swap3A_515 = arith.constant 0 : index
          %swap3A_516 = tpu.vector_load %arg10[%swap3A_514, %swap3A_515] {strides = array<i32>} : memref<128x64xf32, #tpu.memory_space<vmem>>, vector<16xf32>,
          tpu.vector_store %arg10[%swap3A_514, %swap3A_515], %mul3A_513 {strides = array<i32>} : memref<128x64xf32, #tpu.memory_space<vmem>>, vector<16xf32>,
          %get3A_517 = arith.index_cast %add3A_506 : i32 to index
          %get3A_518 = arith.constant 16 : index
          %get3A_519 = tpu.vector_load %arg10[%get3A_517, %get3A_518] {strides = array<i32>} : memref<128x64xf32, #tpu.memory_space<vmem>>, vector<16xf32>,
          %mul3A_520 = arith.mulf %get3A_519, %broadcast_in_dim3A_509 : vector<16xf32>
          %swap3A_521 = arith.index_cast %add3A_506 : i32 to index
          %swap3A_522 = arith.constant 16 : index
          %swap3A_523 = tpu.vector_load %arg10[%swap3A_521, %swap3A_522] {strides = array<i32>} : memref<128x64xf32, #tpu.memory_space<vmem>>, vector<16xf32>,
          tpu.vector_store %arg10[%swap3A_521, %swap3A_522], %mul3A_520 {strides = array<i32>} : memref<128x64xf32, #tpu.memory_space<vmem>>, vector<16xf32>,
          %get3A_524 = arith.index_cast %add3A_506 : i32 to index
          %get3A_525 = arith.constant 32 : index
          %get3A_526 = tpu.vector_load %arg10[%get3A_524, %get3A_525] {strides = array<i32>} : memref<128x64xf32, #tpu.memory_space<vmem>>, vector<16xf32>,
          %mul3A_527 = arith.mulf %get3A_526, %broadcast_in_dim3A_509 : vector<16xf32>
          %swap3A_528 = arith.index_cast %add3A_506 : i32 to index
          %swap3A_529 = arith.constant 32 : index
          %swap3A_530 = tpu.vector_load %arg10[%swap3A_528, %swap3A_529] {strides = array<i32>} : memref<128x64xf32, #tpu.memory_space<vmem>>, vector<16xf32>,
          tpu.vector_store %arg10[%swap3A_528, %swap3A_529], %mul3A_527 {strides = array<i32>} : memref<128x64xf32, #tpu.memory_space<vmem>>, vector<16xf32>,
          %get3A_531 = arith.index_cast %add3A_506 : i32 to index
          %get3A_532 = arith.constant 48 : index
          %get3A_533 = tpu.vector_load %arg10[%get3A_531, %get3A_532] {strides = array<i32>} : memref<128x64xf32, #tpu.memory_space<vmem>>, vector<16xf32>,
          %mul3A_534 = arith.mulf %get3A_533, %broadcast_in_dim3A_509 : vector<16xf32>
          %swap3A_535 = arith.index_cast %add3A_506 : i32 to index
          %swap3A_536 = arith.constant 48 : index
          %swap3A_537 = tpu.vector_load %arg10[%swap3A_535, %swap3A_536] {strides = array<i32>} : memref<128x64xf32, #tpu.memory_space<vmem>>, vector<16xf32>,
          tpu.vector_store %arg10[%swap3A_535, %swap3A_536], %mul3A_534 {strides = array<i32>} : memref<128x64xf32, #tpu.memory_space<vmem>>, vector<16xf32>,
          %mul3A_538 = arith.constant 16 : i32
          %mul3A_539 = arith.muli %scan3A_116, %mul3A_538 : i32
          %add3A_540 = arith.constant 12 : i32
          %add3A_541 = arith.addi %mul3A_539, %add3A_540 : i32
          %slice3A_542 = vector.extract_strided_slice %get3A_120 {offsets = [12], sizes = [1], strides = [1]} : vector<16xf32> to vector<1xf32>
          %squeeze3A_543 = vector.extract %slice3A_542[0] : f32 from vector<1xf32>
          %broadcast_in_dim3A_544 = vector.broadcast %squeeze3A_543 : f32 to vector<16xf32>
          %get3A_545 = arith.index_cast %add3A_541 : i32 to index
          %get3A_546 = arith.constant 0 : index
          %get3A_547 = tpu.vector_load %arg10[%get3A_545, %get3A_546] {strides = array<i32>} : memref<128x64xf32, #tpu.memory_space<vmem>>, vector<16xf32>,
          %mul3A_548 = arith.mulf %get3A_547, %broadcast_in_dim3A_544 : vector<16xf32>
          %swap3A_549 = arith.index_cast %add3A_541 : i32 to index
          %swap3A_550 = arith.constant 0 : index
          %swap3A_551 = tpu.vector_load %arg10[%swap3A_549, %swap3A_550] {strides = array<i32>} : memref<128x64xf32, #tpu.memory_space<vmem>>, vector<16xf32>,
          tpu.vector_store %arg10[%swap3A_549, %swap3A_550], %mul3A_548 {strides = array<i32>} : memref<128x64xf32, #tpu.memory_space<vmem>>, vector<16xf32>,
          %get3A_552 = arith.index_cast %add3A_541 : i32 to index
          %get3A_553 = arith.constant 16 : index
          %get3A_554 = tpu.vector_load %arg10[%get3A_552, %get3A_553] {strides = array<i32>} : memref<128x64xf32, #tpu.memory_space<vmem>>, vector<16xf32>,
          %mul3A_555 = arith.mulf %get3A_554, %broadcast_in_dim3A_544 : vector<16xf32>
          %swap3A_556 = arith.index_cast %add3A_541 : i32 to index
          %swap3A_557 = arith.constant 16 : index
          %swap3A_558 = tpu.vector_load %arg10[%swap3A_556, %swap3A_557] {strides = array<i32>} : memref<128x64xf32, #tpu.memory_space<vmem>>, vector<16xf32>,
          tpu.vector_store %arg10[%swap3A_556, %swap3A_557], %mul3A_555 {strides = array<i32>} : memref<128x64xf32, #tpu.memory_space<vmem>>, vector<16xf32>,
          %get3A_559 = arith.index_cast %add3A_541 : i32 to index
          %get3A_560 = arith.constant 32 : index
          %get3A_561 = tpu.vector_load %arg10[%get3A_559, %get3A_560] {strides = array<i32>} : memref<128x64xf32, #tpu.memory_space<vmem>>, vector<16xf32>,
          %mul3A_562 = arith.mulf %get3A_561, %broadcast_in_dim3A_544 : vector<16xf32>
          %swap3A_563 = arith.index_cast %add3A_541 : i32 to index
          %swap3A_564 = arith.constant 32 : index
          %swap3A_565 = tpu.vector_load %arg10[%swap3A_563, %swap3A_564] {strides = array<i32>} : memref<128x64xf32, #tpu.memory_space<vmem>>, vector<16xf32>,
          tpu.vector_store %arg10[%swap3A_563, %swap3A_564], %mul3A_562 {strides = array<i32>} : memref<128x64xf32, #tpu.memory_space<vmem>>, vector<16xf32>,
          %get3A_566 = arith.index_cast %add3A_541 : i32 to index
          %get3A_567 = arith.constant 48 : index
          %get3A_568 = tpu.vector_load %arg10[%get3A_566, %get3A_567] {strides = array<i32>} : memref<128x64xf32, #tpu.memory_space<vmem>>, vector<16xf32>,
          %mul3A_569 = arith.mulf %get3A_568, %broadcast_in_dim3A_544 : vector<16xf32>
          %swap3A_570 = arith.index_cast %add3A_541 : i32 to index
          %swap3A_571 = arith.constant 48 : index
          %swap3A_572 = tpu.vector_load %arg10[%swap3A_570, %swap3A_571] {strides = array<i32>} : memref<128x64xf32, #tpu.memory_space<vmem>>, vector<16xf32>,
          tpu.vector_store %arg10[%swap3A_570, %swap3A_571], %mul3A_569 {strides = array<i32>} : memref<128x64xf32, #tpu.memory_space<vmem>>, vector<16xf32>,
          %mul3A_573 = arith.constant 16 : i32
          %mul3A_574 = arith.muli %scan3A_116, %mul3A_573 : i32
          %add3A_575 = arith.constant 13 : i32
          %add3A_576 = arith.addi %mul3A_574, %add3A_575 : i32
          %slice3A_577 = vector.extract_strided_slice %get3A_120 {offsets = [13], sizes = [1], strides = [1]} : vector<16xf32> to vector<1xf32>
          %squeeze3A_578 = vector.extract %slice3A_577[0] : f32 from vector<1xf32>
          %broadcast_in_dim3A_579 = vector.broadcast %squeeze3A_578 : f32 to vector<16xf32>
          %get3A_580 = arith.index_cast %add3A_576 : i32 to index
          %get3A_581 = arith.constant 0 : index
          %get3A_582 = tpu.vector_load %arg10[%get3A_580, %get3A_581] {strides = array<i32>} : memref<128x64xf32, #tpu.memory_space<vmem>>, vector<16xf32>,
          %mul3A_583 = arith.mulf %get3A_582, %broadcast_in_dim3A_579 : vector<16xf32>
          %swap3A_584 = arith.index_cast %add3A_576 : i32 to index
          %swap3A_585 = arith.constant 0 : index
          %swap3A_586 = tpu.vector_load %arg10[%swap3A_584, %swap3A_585] {strides = array<i32>} : memref<128x64xf32, #tpu.memory_space<vmem>>, vector<16xf32>,
          tpu.vector_store %arg10[%swap3A_584, %swap3A_585], %mul3A_583 {strides = array<i32>} : memref<128x64xf32, #tpu.memory_space<vmem>>, vector<16xf32>,
          %get3A_587 = arith.index_cast %add3A_576 : i32 to index
          %get3A_588 = arith.constant 16 : index
          %get3A_589 = tpu.vector_load %arg10[%get3A_587, %get3A_588] {strides = array<i32>} : memref<128x64xf32, #tpu.memory_space<vmem>>, vector<16xf32>,
          %mul3A_590 = arith.mulf %get3A_589, %broadcast_in_dim3A_579 : vector<16xf32>
          %swap3A_591 = arith.index_cast %add3A_576 : i32 to index
          %swap3A_592 = arith.constant 16 : index
          %swap3A_593 = tpu.vector_load %arg10[%swap3A_591, %swap3A_592] {strides = array<i32>} : memref<128x64xf32, #tpu.memory_space<vmem>>, vector<16xf32>,
          tpu.vector_store %arg10[%swap3A_591, %swap3A_592], %mul3A_590 {strides = array<i32>} : memref<128x64xf32, #tpu.memory_space<vmem>>, vector<16xf32>,
          %get3A_594 = arith.index_cast %add3A_576 : i32 to index
          %get3A_595 = arith.constant 32 : index
          %get3A_596 = tpu.vector_load %arg10[%get3A_594, %get3A_595] {strides = array<i32>} : memref<128x64xf32, #tpu.memory_space<vmem>>, vector<16xf32>,
          %mul3A_597 = arith.mulf %get3A_596, %broadcast_in_dim3A_579 : vector<16xf32>
          %swap3A_598 = arith.index_cast %add3A_576 : i32 to index
          %swap3A_599 = arith.constant 32 : index
          %swap3A_600 = tpu.vector_load %arg10[%swap3A_598, %swap3A_599] {strides = array<i32>} : memref<128x64xf32, #tpu.memory_space<vmem>>, vector<16xf32>,
          tpu.vector_store %arg10[%swap3A_598, %swap3A_599], %mul3A_597 {strides = array<i32>} : memref<128x64xf32, #tpu.memory_space<vmem>>, vector<16xf32>,
          %get3A_601 = arith.index_cast %add3A_576 : i32 to index
          %get3A_602 = arith.constant 48 : index
          %get3A_603 = tpu.vector_load %arg10[%get3A_601, %get3A_602] {strides = array<i32>} : memref<128x64xf32, #tpu.memory_space<vmem>>, vector<16xf32>,
          %mul3A_604 = arith.mulf %get3A_603, %broadcast_in_dim3A_579 : vector<16xf32>
          %swap3A_605 = arith.index_cast %add3A_576 : i32 to index
          %swap3A_606 = arith.constant 48 : index
          %swap3A_607 = tpu.vector_load %arg10[%swap3A_605, %swap3A_606] {strides = array<i32>} : memref<128x64xf32, #tpu.memory_space<vmem>>, vector<16xf32>,
          tpu.vector_store %arg10[%swap3A_605, %swap3A_606], %mul3A_604 {strides = array<i32>} : memref<128x64xf32, #tpu.memory_space<vmem>>, vector<16xf32>,
          %mul3A_608 = arith.constant 16 : i32
          %mul3A_609 = arith.muli %scan3A_116, %mul3A_608 : i32
          %add3A_610 = arith.constant 14 : i32
          %add3A_611 = arith.addi %mul3A_609, %add3A_610 : i32
          %slice3A_612 = vector.extract_strided_slice %get3A_120 {offsets = [14], sizes = [1], strides = [1]} : vector<16xf32> to vector<1xf32>
          %squeeze3A_613 = vector.extract %slice3A_612[0] : f32 from vector<1xf32>
          %broadcast_in_dim3A_614 = vector.broadcast %squeeze3A_613 : f32 to vector<16xf32>
          %get3A_615 = arith.index_cast %add3A_611 : i32 to index
          %get3A_616 = arith.constant 0 : index
          %get3A_617 = tpu.vector_load %arg10[%get3A_615, %get3A_616] {strides = array<i32>} : memref<128x64xf32, #tpu.memory_space<vmem>>, vector<16xf32>,
          %mul3A_618 = arith.mulf %get3A_617, %broadcast_in_dim3A_614 : vector<16xf32>
          %swap3A_619 = arith.index_cast %add3A_611 : i32 to index
          %swap3A_620 = arith.constant 0 : index
          %swap3A_621 = tpu.vector_load %arg10[%swap3A_619, %swap3A_620] {strides = array<i32>} : memref<128x64xf32, #tpu.memory_space<vmem>>, vector<16xf32>,
          tpu.vector_store %arg10[%swap3A_619, %swap3A_620], %mul3A_618 {strides = array<i32>} : memref<128x64xf32, #tpu.memory_space<vmem>>, vector<16xf32>,
          %get3A_622 = arith.index_cast %add3A_611 : i32 to index
          %get3A_623 = arith.constant 16 : index
          %get3A_624 = tpu.vector_load %arg10[%get3A_622, %get3A_623] {strides = array<i32>} : memref<128x64xf32, #tpu.memory_space<vmem>>, vector<16xf32>,
          %mul3A_625 = arith.mulf %get3A_624, %broadcast_in_dim3A_614 : vector<16xf32>
          %swap3A_626 = arith.index_cast %add3A_611 : i32 to index
          %swap3A_627 = arith.constant 16 : index
          %swap3A_628 = tpu.vector_load %arg10[%swap3A_626, %swap3A_627] {strides = array<i32>} : memref<128x64xf32, #tpu.memory_space<vmem>>, vector<16xf32>,
          tpu.vector_store %arg10[%swap3A_626, %swap3A_627], %mul3A_625 {strides = array<i32>} : memref<128x64xf32, #tpu.memory_space<vmem>>, vector<16xf32>,
          %get3A_629 = arith.index_cast %add3A_611 : i32 to index
          %get3A_630 = arith.constant 32 : index
          %get3A_631 = tpu.vector_load %arg10[%get3A_629, %get3A_630] {strides = array<i32>} : memref<128x64xf32, #tpu.memory_space<vmem>>, vector<16xf32>,
          %mul3A_632 = arith.mulf %get3A_631, %broadcast_in_dim3A_614 : vector<16xf32>
          %swap3A_633 = arith.index_cast %add3A_611 : i32 to index
          %swap3A_634 = arith.constant 32 : index
          %swap3A_635 = tpu.vector_load %arg10[%swap3A_633, %swap3A_634] {strides = array<i32>} : memref<128x64xf32, #tpu.memory_space<vmem>>, vector<16xf32>,
          tpu.vector_store %arg10[%swap3A_633, %swap3A_634], %mul3A_632 {strides = array<i32>} : memref<128x64xf32, #tpu.memory_space<vmem>>, vector<16xf32>,
          %get3A_636 = arith.index_cast %add3A_611 : i32 to index
          %get3A_637 = arith.constant 48 : index
          %get3A_638 = tpu.vector_load %arg10[%get3A_636, %get3A_637] {strides = array<i32>} : memref<128x64xf32, #tpu.memory_space<vmem>>, vector<16xf32>,
          %mul3A_639 = arith.mulf %get3A_638, %broadcast_in_dim3A_614 : vector<16xf32>
          %swap3A_640 = arith.index_cast %add3A_611 : i32 to index
          %swap3A_641 = arith.constant 48 : index
          %swap3A_642 = tpu.vector_load %arg10[%swap3A_640, %swap3A_641] {strides = array<i32>} : memref<128x64xf32, #tpu.memory_space<vmem>>, vector<16xf32>,
          tpu.vector_store %arg10[%swap3A_640, %swap3A_641], %mul3A_639 {strides = array<i32>} : memref<128x64xf32, #tpu.memory_space<vmem>>, vector<16xf32>,
          %mul3A_643 = arith.constant 16 : i32
          %mul3A_644 = arith.muli %scan3A_116, %mul3A_643 : i32
          %add3A_645 = arith.constant 15 : i32
          %add3A_646 = arith.addi %mul3A_644, %add3A_645 : i32
          %slice3A_647 = vector.extract_strided_slice %get3A_120 {offsets = [15], sizes = [1], strides = [1]} : vector<16xf32> to vector<1xf32>
          %squeeze3A_648 = vector.extract %slice3A_647[0] : f32 from vector<1xf32>
          %broadcast_in_dim3A_649 = vector.broadcast %squeeze3A_648 : f32 to vector<16xf32>
          %get3A_650 = arith.index_cast %add3A_646 : i32 to index
          %get3A_651 = arith.constant 0 : index
          %get3A_652 = tpu.vector_load %arg10[%get3A_650, %get3A_651] {strides = array<i32>} : memref<128x64xf32, #tpu.memory_space<vmem>>, vector<16xf32>,
          %mul3A_653 = arith.mulf %get3A_652, %broadcast_in_dim3A_649 : vector<16xf32>
          %swap3A_654 = arith.index_cast %add3A_646 : i32 to index
          %swap3A_655 = arith.constant 0 : index
          %swap3A_656 = tpu.vector_load %arg10[%swap3A_654, %swap3A_655] {strides = array<i32>} : memref<128x64xf32, #tpu.memory_space<vmem>>, vector<16xf32>,
          tpu.vector_store %arg10[%swap3A_654, %swap3A_655], %mul3A_653 {strides = array<i32>} : memref<128x64xf32, #tpu.memory_space<vmem>>, vector<16xf32>,
          %get3A_657 = arith.index_cast %add3A_646 : i32 to index
          %get3A_658 = arith.constant 16 : index
          %get3A_659 = tpu.vector_load %arg10[%get3A_657, %get3A_658] {strides = array<i32>} : memref<128x64xf32, #tpu.memory_space<vmem>>, vector<16xf32>,
          %mul3A_660 = arith.mulf %get3A_659, %broadcast_in_dim3A_649 : vector<16xf32>
          %swap3A_661 = arith.index_cast %add3A_646 : i32 to index
          %swap3A_662 = arith.constant 16 : index
          %swap3A_663 = tpu.vector_load %arg10[%swap3A_661, %swap3A_662] {strides = array<i32>} : memref<128x64xf32, #tpu.memory_space<vmem>>, vector<16xf32>,
          tpu.vector_store %arg10[%swap3A_661, %swap3A_662], %mul3A_660 {strides = array<i32>} : memref<128x64xf32, #tpu.memory_space<vmem>>, vector<16xf32>,
          %get3A_664 = arith.index_cast %add3A_646 : i32 to index
          %get3A_665 = arith.constant 32 : index
          %get3A_666 = tpu.vector_load %arg10[%get3A_664, %get3A_665] {strides = array<i32>} : memref<128x64xf32, #tpu.memory_space<vmem>>, vector<16xf32>,
          %mul3A_667 = arith.mulf %get3A_666, %broadcast_in_dim3A_649 : vector<16xf32>
          %swap3A_668 = arith.index_cast %add3A_646 : i32 to index
          %swap3A_669 = arith.constant 32 : index
          %swap3A_670 = tpu.vector_load %arg10[%swap3A_668, %swap3A_669] {strides = array<i32>} : memref<128x64xf32, #tpu.memory_space<vmem>>, vector<16xf32>,
          tpu.vector_store %arg10[%swap3A_668, %swap3A_669], %mul3A_667 {strides = array<i32>} : memref<128x64xf32, #tpu.memory_space<vmem>>, vector<16xf32>,
          %get3A_671 = arith.index_cast %add3A_646 : i32 to index
          %get3A_672 = arith.constant 48 : index
          %get3A_673 = tpu.vector_load %arg10[%get3A_671, %get3A_672] {strides = array<i32>} : memref<128x64xf32, #tpu.memory_space<vmem>>, vector<16xf32>,
          %mul3A_674 = arith.mulf %get3A_673, %broadcast_in_dim3A_649 : vector<16xf32>
          %swap3A_675 = arith.index_cast %add3A_646 : i32 to index
          %swap3A_676 = arith.constant 48 : index
          %swap3A_677 = tpu.vector_load %arg10[%swap3A_675, %swap3A_676] {strides = array<i32>} : memref<128x64xf32, #tpu.memory_space<vmem>>, vector<16xf32>,
          tpu.vector_store %arg10[%swap3A_675, %swap3A_676], %mul3A_674 {strides = array<i32>} : memref<128x64xf32, #tpu.memory_space<vmem>>, vector<16xf32>,
        }
        %scan3A_81 = arith.constant 8 : i32
        %dma_start3A_82 = arith.constant 0 : i32
        %dma_start3A_83 = tpu.memref_slice %arg8[%mul3A_59, %dma_start3A_82] : memref<32x128xi32, #tpu.memory_space<vmem>> -> memref<1x128xi32, #tpu.memory_space<vmem>>
        %dma_start3A_84 = tpu.memref_squeeze %dma_start3A_83 : memref<1x128xi32, #tpu.memory_space<vmem>> -> memref<128xi32, #tpu.memory_space<vmem>>
        %dma_start3A_85 = arith.constant 0 : i32
        %dma_start3A_86 = arith.constant 0 : i32
        %dma_start3A_87 = tpu.memref_slice %arg12[%dma_start3A_85, %dma_start3A_86] : memref<10240x64xf32, #tpu.memory_space<vmem_shared>> -> memref<10240x64xf32, #tpu.memory_space<vmem_shared>>
        tpu.enqueue_indirect_dma source(%arg10 : memref<128x64xf32, #tpu.memory_space<vmem>>) target(%dma_start3A_87 : memref<10240x64xf32, #tpu.memory_space<vmem_shared>>) offsets(%dma_start3A_84 : memref<128xi32, #tpu.memory_space<vmem>>) semaphore(%arg15 : memref<!tpu.dma_semaphore, #tpu.memory_space<semaphore_mem>>) {add = true}
        %lt3A = arith.constant 15 : i32
        %lt3A_88 = arith.cmpi slt, %scan3A_57, %lt3A : i32
        %convert_element_type3A_89 = arith.extui %lt3A_88 : i1 to i32
        %cond3A_90 = arith.constant 0 : i32
        %cond3A_91 = arith.cmpi ne, %convert_element_type3A_89, %cond3A_90 : i32
        scf.if %cond3A_91 {
          %dma_wait3A_116 = arith.constant 0 : i32
          %dma_wait3A_117 = tpu.memref_slice %arg8[%mul3A_59, %dma_wait3A_116] : memref<32x128xi32, #tpu.memory_space<vmem>> -> memref<1x128xi32, #tpu.memory_space<vmem>>
          %dma_wait3A_118 = tpu.memref_squeeze %dma_wait3A_117 : memref<1x128xi32, #tpu.memory_space<vmem>> -> memref<128xi32, #tpu.memory_space<vmem>>
          %dma_wait3A_119 = arith.constant 0 : i32
          %dma_wait3A_120 = arith.constant 0 : i32
          %dma_wait3A_121 = tpu.memref_slice %arg12[%dma_wait3A_119, %dma_wait3A_120] : memref<10240x64xf32, #tpu.memory_space<vmem_shared>> -> memref<10240x64xf32, #tpu.memory_space<vmem_shared>>
          tpu.wait_indirect_dma semaphore(%arg15 : memref<!tpu.dma_semaphore, #tpu.memory_space<semaphore_mem>>) src(%arg10 : memref<128x64xf32, #tpu.memory_space<vmem>>) dst(%dma_wait3A_121 : memref<10240x64xf32, #tpu.memory_space<vmem_shared>>)
          %add3A_122 = arith.constant 2 : i32
          %add3A_123 = arith.addi %mul3A_59, %add3A_122 : i32
          %dma_start3A_124 = arith.constant 0 : i32
          %dma_start3A_125 = tpu.memref_slice %arg7[%add3A_123, %dma_start3A_124] : memref<32x128xi32, #tpu.memory_space<vmem>> -> memref<1x128xi32, #tpu.memory_space<vmem>>
          %dma_start3A_126 = tpu.memref_squeeze %dma_start3A_125 : memref<1x128xi32, #tpu.memory_space<vmem>> -> memref<128xi32, #tpu.memory_space<vmem>>
          %dma_start3A_127 = arith.constant 0 : i32
          %dma_start3A_128 = arith.constant 0 : i32
          %dma_start3A_129 = tpu.memref_slice %arg2[%dma_start3A_127, %dma_start3A_128] : memref<180000x64xf32, #tpu.memory_space<hbm>> -> memref<180000x64xf32, #tpu.memory_space<hbm>>
          tpu.enqueue_indirect_dma source(%dma_start3A_129 : memref<180000x64xf32, #tpu.memory_space<hbm>>) target(%arg10 : memref<128x64xf32, #tpu.memory_space<vmem>>) offsets(%dma_start3A_126 : memref<128xi32, #tpu.memory_space<vmem>>) semaphore(%arg13 : memref<!tpu.dma_semaphore, #tpu.memory_space<semaphore_mem>>)
        } else {
        }
        %add3A_92 = arith.constant 1 : i32
        %add3A_93 = arith.addi %mul3A_59, %add3A_92 : i32
        %dma_wait3A_94 = arith.constant 0 : i32
        %dma_wait3A_95 = tpu.memref_slice %arg7[%add3A_93, %dma_wait3A_94] : memref<32x128xi32, #tpu.memory_space<vmem>> -> memref<1x128xi32, #tpu.memory_space<vmem>>
        %dma_wait3A_96 = tpu.memref_squeeze %dma_wait3A_95 : memref<1x128xi32, #tpu.memory_space<vmem>> -> memref<128xi32, #tpu.memory_space<vmem>>
        %dma_wait3A_97 = arith.constant 0 : i32
        %dma_wait3A_98 = arith.constant 0 : i32
        %dma_wait3A_99 = tpu.memref_slice %arg2[%dma_wait3A_97, %dma_wait3A_98] : memref<180000x64xf32, #tpu.memory_space<hbm>> -> memref<180000x64xf32, #tpu.memory_space<hbm>>
        tpu.wait_indirect_dma semaphore(%arg14 : memref<!tpu.dma_semaphore, #tpu.memory_space<semaphore_mem>>) src(%dma_wait3A_99 : memref<180000x64xf32, #tpu.memory_space<hbm>>) dst(%arg11 : memref<128x64xf32, #tpu.memory_space<vmem>>)
        %add3A_100 = arith.constant 1 : i32
        %add3A_101 = arith.addi %mul3A_59, %add3A_100 : i32
        %scan3A_102 = arith.constant 0 : i32
        %scan3A_103 = arith.constant 0 : i32
        %scan3A_104 = arith.constant 8 : i32
        %scan3A_105 = arith.addi %scan3A_103, %scan3A_104 : i32
        %scan3A_106 = arith.constant 1 : i32
        scf.for %scan3A_116 = %scan3A_103 to %scan3A_105 step %scan3A_106  : i32 {
          %mul3A_117 = arith.constant 16 : i32
          %mul3A_118 = arith.muli %scan3A_116, %mul3A_117 : i32
          %get3A = arith.index_cast %add3A_101 : i32 to index
          %get3A_119 = arith.index_cast %mul3A_118 : i32 to index
          %get3A_120 = tpu.vector_load %arg9[%get3A, %get3A_119] {strides = array<i32>} : memref<32x128xf32, #tpu.memory_space<vmem>>, vector<16xf32>,
          %mul3A_121 = arith.constant 16 : i32
          %mul3A_122 = arith.muli %scan3A_116, %mul3A_121 : i32
          %add3A_123 = arith.constant 0 : i32
          %add3A_124 = arith.addi %mul3A_122, %add3A_123 : i32
          %slice3A = vector.extract_strided_slice %get3A_120 {offsets = [0], sizes = [1], strides = [1]} : vector<16xf32> to vector<1xf32>
          %squeeze3A = vector.extract %slice3A[0] : f32 from vector<1xf32>
          %broadcast_in_dim3A_125 = vector.broadcast %squeeze3A : f32 to vector<16xf32>
          %get3A_126 = arith.index_cast %add3A_124 : i32 to index
          %get3A_127 = arith.constant 0 : index
          %get3A_128 = tpu.vector_load %arg11[%get3A_126, %get3A_127] {strides = array<i32>} : memref<128x64xf32, #tpu.memory_space<vmem>>, vector<16xf32>,
          %mul3A_129 = arith.mulf %get3A_128, %broadcast_in_dim3A_125 : vector<16xf32>
          %swap3A = arith.index_cast %add3A_124 : i32 to index
          %swap3A_130 = arith.constant 0 : index
          %swap3A_131 = tpu.vector_load %arg11[%swap3A, %swap3A_130] {strides = array<i32>} : memref<128x64xf32, #tpu.memory_space<vmem>>, vector<16xf32>,
          tpu.vector_store %arg11[%swap3A, %swap3A_130], %mul3A_129 {strides = array<i32>} : memref<128x64xf32, #tpu.memory_space<vmem>>, vector<16xf32>,
          %get3A_132 = arith.index_cast %add3A_124 : i32 to index
          %get3A_133 = arith.constant 16 : index
          %get3A_134 = tpu.vector_load %arg11[%get3A_132, %get3A_133] {strides = array<i32>} : memref<128x64xf32, #tpu.memory_space<vmem>>, vector<16xf32>,
          %mul3A_135 = arith.mulf %get3A_134, %broadcast_in_dim3A_125 : vector<16xf32>
          %swap3A_136 = arith.index_cast %add3A_124 : i32 to index
          %swap3A_137 = arith.constant 16 : index
          %swap3A_138 = tpu.vector_load %arg11[%swap3A_136, %swap3A_137] {strides = array<i32>} : memref<128x64xf32, #tpu.memory_space<vmem>>, vector<16xf32>,
          tpu.vector_store %arg11[%swap3A_136, %swap3A_137], %mul3A_135 {strides = array<i32>} : memref<128x64xf32, #tpu.memory_space<vmem>>, vector<16xf32>,
          %get3A_139 = arith.index_cast %add3A_124 : i32 to index
          %get3A_140 = arith.constant 32 : index
          %get3A_141 = tpu.vector_load %arg11[%get3A_139, %get3A_140] {strides = array<i32>} : memref<128x64xf32, #tpu.memory_space<vmem>>, vector<16xf32>,
          %mul3A_142 = arith.mulf %get3A_141, %broadcast_in_dim3A_125 : vector<16xf32>
          %swap3A_143 = arith.index_cast %add3A_124 : i32 to index
          %swap3A_144 = arith.constant 32 : index
          %swap3A_145 = tpu.vector_load %arg11[%swap3A_143, %swap3A_144] {strides = array<i32>} : memref<128x64xf32, #tpu.memory_space<vmem>>, vector<16xf32>,
          tpu.vector_store %arg11[%swap3A_143, %swap3A_144], %mul3A_142 {strides = array<i32>} : memref<128x64xf32, #tpu.memory_space<vmem>>, vector<16xf32>,
          %get3A_146 = arith.index_cast %add3A_124 : i32 to index
          %get3A_147 = arith.constant 48 : index
          %get3A_148 = tpu.vector_load %arg11[%get3A_146, %get3A_147] {strides = array<i32>} : memref<128x64xf32, #tpu.memory_space<vmem>>, vector<16xf32>,
          %mul3A_149 = arith.mulf %get3A_148, %broadcast_in_dim3A_125 : vector<16xf32>
          %swap3A_150 = arith.index_cast %add3A_124 : i32 to index
          %swap3A_151 = arith.constant 48 : index
          %swap3A_152 = tpu.vector_load %arg11[%swap3A_150, %swap3A_151] {strides = array<i32>} : memref<128x64xf32, #tpu.memory_space<vmem>>, vector<16xf32>,
          tpu.vector_store %arg11[%swap3A_150, %swap3A_151], %mul3A_149 {strides = array<i32>} : memref<128x64xf32, #tpu.memory_space<vmem>>, vector<16xf32>,
          %mul3A_153 = arith.constant 16 : i32
          %mul3A_154 = arith.muli %scan3A_116, %mul3A_153 : i32
          %add3A_155 = arith.constant 1 : i32
          %add3A_156 = arith.addi %mul3A_154, %add3A_155 : i32
          %slice3A_157 = vector.extract_strided_slice %get3A_120 {offsets = [1], sizes = [1], strides = [1]} : vector<16xf32> to vector<1xf32>
          %squeeze3A_158 = vector.extract %slice3A_157[0] : f32 from vector<1xf32>
          %broadcast_in_dim3A_159 = vector.broadcast %squeeze3A_158 : f32 to vector<16xf32>
          %get3A_160 = arith.index_cast %add3A_156 : i32 to index
          %get3A_161 = arith.constant 0 : index
          %get3A_162 = tpu.vector_load %arg11[%get3A_160, %get3A_161] {strides = array<i32>} : memref<128x64xf32, #tpu.memory_space<vmem>>, vector<16xf32>,
          %mul3A_163 = arith.mulf %get3A_162, %broadcast_in_dim3A_159 : vector<16xf32>
          %swap3A_164 = arith.index_cast %add3A_156 : i32 to index
          %swap3A_165 = arith.constant 0 : index
          %swap3A_166 = tpu.vector_load %arg11[%swap3A_164, %swap3A_165] {strides = array<i32>} : memref<128x64xf32, #tpu.memory_space<vmem>>, vector<16xf32>,
          tpu.vector_store %arg11[%swap3A_164, %swap3A_165], %mul3A_163 {strides = array<i32>} : memref<128x64xf32, #tpu.memory_space<vmem>>, vector<16xf32>,
          %get3A_167 = arith.index_cast %add3A_156 : i32 to index
          %get3A_168 = arith.constant 16 : index
          %get3A_169 = tpu.vector_load %arg11[%get3A_167, %get3A_168] {strides = array<i32>} : memref<128x64xf32, #tpu.memory_space<vmem>>, vector<16xf32>,
          %mul3A_170 = arith.mulf %get3A_169, %broadcast_in_dim3A_159 : vector<16xf32>
          %swap3A_171 = arith.index_cast %add3A_156 : i32 to index
          %swap3A_172 = arith.constant 16 : index
          %swap3A_173 = tpu.vector_load %arg11[%swap3A_171, %swap3A_172] {strides = array<i32>} : memref<128x64xf32, #tpu.memory_space<vmem>>, vector<16xf32>,
          tpu.vector_store %arg11[%swap3A_171, %swap3A_172], %mul3A_170 {strides = array<i32>} : memref<128x64xf32, #tpu.memory_space<vmem>>, vector<16xf32>,
          %get3A_174 = arith.index_cast %add3A_156 : i32 to index
          %get3A_175 = arith.constant 32 : index
          %get3A_176 = tpu.vector_load %arg11[%get3A_174, %get3A_175] {strides = array<i32>} : memref<128x64xf32, #tpu.memory_space<vmem>>, vector<16xf32>,
          %mul3A_177 = arith.mulf %get3A_176, %broadcast_in_dim3A_159 : vector<16xf32>
          %swap3A_178 = arith.index_cast %add3A_156 : i32 to index
          %swap3A_179 = arith.constant 32 : index
          %swap3A_180 = tpu.vector_load %arg11[%swap3A_178, %swap3A_179] {strides = array<i32>} : memref<128x64xf32, #tpu.memory_space<vmem>>, vector<16xf32>,
          tpu.vector_store %arg11[%swap3A_178, %swap3A_179], %mul3A_177 {strides = array<i32>} : memref<128x64xf32, #tpu.memory_space<vmem>>, vector<16xf32>,
          %get3A_181 = arith.index_cast %add3A_156 : i32 to index
          %get3A_182 = arith.constant 48 : index
          %get3A_183 = tpu.vector_load %arg11[%get3A_181, %get3A_182] {strides = array<i32>} : memref<128x64xf32, #tpu.memory_space<vmem>>, vector<16xf32>,
          %mul3A_184 = arith.mulf %get3A_183, %broadcast_in_dim3A_159 : vector<16xf32>
          %swap3A_185 = arith.index_cast %add3A_156 : i32 to index
          %swap3A_186 = arith.constant 48 : index
          %swap3A_187 = tpu.vector_load %arg11[%swap3A_185, %swap3A_186] {strides = array<i32>} : memref<128x64xf32, #tpu.memory_space<vmem>>, vector<16xf32>,
          tpu.vector_store %arg11[%swap3A_185, %swap3A_186], %mul3A_184 {strides = array<i32>} : memref<128x64xf32, #tpu.memory_space<vmem>>, vector<16xf32>,
          %mul3A_188 = arith.constant 16 : i32
          %mul3A_189 = arith.muli %scan3A_116, %mul3A_188 : i32
          %add3A_190 = arith.constant 2 : i32
          %add3A_191 = arith.addi %mul3A_189, %add3A_190 : i32
          %slice3A_192 = vector.extract_strided_slice %get3A_120 {offsets = [2], sizes = [1], strides = [1]} : vector<16xf32> to vector<1xf32>
          %squeeze3A_193 = vector.extract %slice3A_192[0] : f32 from vector<1xf32>
          %broadcast_in_dim3A_194 = vector.broadcast %squeeze3A_193 : f32 to vector<16xf32>
          %get3A_195 = arith.index_cast %add3A_191 : i32 to index
          %get3A_196 = arith.constant 0 : index
          %get3A_197 = tpu.vector_load %arg11[%get3A_195, %get3A_196] {strides = array<i32>} : memref<128x64xf32, #tpu.memory_space<vmem>>, vector<16xf32>,
          %mul3A_198 = arith.mulf %get3A_197, %broadcast_in_dim3A_194 : vector<16xf32>
          %swap3A_199 = arith.index_cast %add3A_191 : i32 to index
          %swap3A_200 = arith.constant 0 : index
          %swap3A_201 = tpu.vector_load %arg11[%swap3A_199, %swap3A_200] {strides = array<i32>} : memref<128x64xf32, #tpu.memory_space<vmem>>, vector<16xf32>,
          tpu.vector_store %arg11[%swap3A_199, %swap3A_200], %mul3A_198 {strides = array<i32>} : memref<128x64xf32, #tpu.memory_space<vmem>>, vector<16xf32>,
          %get3A_202 = arith.index_cast %add3A_191 : i32 to index
          %get3A_203 = arith.constant 16 : index
          %get3A_204 = tpu.vector_load %arg11[%get3A_202, %get3A_203] {strides = array<i32>} : memref<128x64xf32, #tpu.memory_space<vmem>>, vector<16xf32>,
          %mul3A_205 = arith.mulf %get3A_204, %broadcast_in_dim3A_194 : vector<16xf32>
          %swap3A_206 = arith.index_cast %add3A_191 : i32 to index
          %swap3A_207 = arith.constant 16 : index
          %swap3A_208 = tpu.vector_load %arg11[%swap3A_206, %swap3A_207] {strides = array<i32>} : memref<128x64xf32, #tpu.memory_space<vmem>>, vector<16xf32>,
          tpu.vector_store %arg11[%swap3A_206, %swap3A_207], %mul3A_205 {strides = array<i32>} : memref<128x64xf32, #tpu.memory_space<vmem>>, vector<16xf32>,
          %get3A_209 = arith.index_cast %add3A_191 : i32 to index
          %get3A_210 = arith.constant 32 : index
          %get3A_211 = tpu.vector_load %arg11[%get3A_209, %get3A_210] {strides = array<i32>} : memref<128x64xf32, #tpu.memory_space<vmem>>, vector<16xf32>,
          %mul3A_212 = arith.mulf %get3A_211, %broadcast_in_dim3A_194 : vector<16xf32>
          %swap3A_213 = arith.index_cast %add3A_191 : i32 to index
          %swap3A_214 = arith.constant 32 : index
          %swap3A_215 = tpu.vector_load %arg11[%swap3A_213, %swap3A_214] {strides = array<i32>} : memref<128x64xf32, #tpu.memory_space<vmem>>, vector<16xf32>,
          tpu.vector_store %arg11[%swap3A_213, %swap3A_214], %mul3A_212 {strides = array<i32>} : memref<128x64xf32, #tpu.memory_space<vmem>>, vector<16xf32>,
          %get3A_216 = arith.index_cast %add3A_191 : i32 to index
          %get3A_217 = arith.constant 48 : index
          %get3A_218 = tpu.vector_load %arg11[%get3A_216, %get3A_217] {strides = array<i32>} : memref<128x64xf32, #tpu.memory_space<vmem>>, vector<16xf32>,
          %mul3A_219 = arith.mulf %get3A_218, %broadcast_in_dim3A_194 : vector<16xf32>
          %swap3A_220 = arith.index_cast %add3A_191 : i32 to index
          %swap3A_221 = arith.constant 48 : index
          %swap3A_222 = tpu.vector_load %arg11[%swap3A_220, %swap3A_221] {strides = array<i32>} : memref<128x64xf32, #tpu.memory_space<vmem>>, vector<16xf32>,
          tpu.vector_store %arg11[%swap3A_220, %swap3A_221], %mul3A_219 {strides = array<i32>} : memref<128x64xf32, #tpu.memory_space<vmem>>, vector<16xf32>,
          %mul3A_223 = arith.constant 16 : i32
          %mul3A_224 = arith.muli %scan3A_116, %mul3A_223 : i32
          %add3A_225 = arith.constant 3 : i32
          %add3A_226 = arith.addi %mul3A_224, %add3A_225 : i32
          %slice3A_227 = vector.extract_strided_slice %get3A_120 {offsets = [3], sizes = [1], strides = [1]} : vector<16xf32> to vector<1xf32>
          %squeeze3A_228 = vector.extract %slice3A_227[0] : f32 from vector<1xf32>
          %broadcast_in_dim3A_229 = vector.broadcast %squeeze3A_228 : f32 to vector<16xf32>
          %get3A_230 = arith.index_cast %add3A_226 : i32 to index
          %get3A_231 = arith.constant 0 : index
          %get3A_232 = tpu.vector_load %arg11[%get3A_230, %get3A_231] {strides = array<i32>} : memref<128x64xf32, #tpu.memory_space<vmem>>, vector<16xf32>,
          %mul3A_233 = arith.mulf %get3A_232, %broadcast_in_dim3A_229 : vector<16xf32>
          %swap3A_234 = arith.index_cast %add3A_226 : i32 to index
          %swap3A_235 = arith.constant 0 : index
          %swap3A_236 = tpu.vector_load %arg11[%swap3A_234, %swap3A_235] {strides = array<i32>} : memref<128x64xf32, #tpu.memory_space<vmem>>, vector<16xf32>,
          tpu.vector_store %arg11[%swap3A_234, %swap3A_235], %mul3A_233 {strides = array<i32>} : memref<128x64xf32, #tpu.memory_space<vmem>>, vector<16xf32>,
          %get3A_237 = arith.index_cast %add3A_226 : i32 to index
          %get3A_238 = arith.constant 16 : index
          %get3A_239 = tpu.vector_load %arg11[%get3A_237, %get3A_238] {strides = array<i32>} : memref<128x64xf32, #tpu.memory_space<vmem>>, vector<16xf32>,
          %mul3A_240 = arith.mulf %get3A_239, %broadcast_in_dim3A_229 : vector<16xf32>
          %swap3A_241 = arith.index_cast %add3A_226 : i32 to index
          %swap3A_242 = arith.constant 16 : index
          %swap3A_243 = tpu.vector_load %arg11[%swap3A_241, %swap3A_242] {strides = array<i32>} : memref<128x64xf32, #tpu.memory_space<vmem>>, vector<16xf32>,
          tpu.vector_store %arg11[%swap3A_241, %swap3A_242], %mul3A_240 {strides = array<i32>} : memref<128x64xf32, #tpu.memory_space<vmem>>, vector<16xf32>,
          %get3A_244 = arith.index_cast %add3A_226 : i32 to index
          %get3A_245 = arith.constant 32 : index
          %get3A_246 = tpu.vector_load %arg11[%get3A_244, %get3A_245] {strides = array<i32>} : memref<128x64xf32, #tpu.memory_space<vmem>>, vector<16xf32>,
          %mul3A_247 = arith.mulf %get3A_246, %broadcast_in_dim3A_229 : vector<16xf32>
          %swap3A_248 = arith.index_cast %add3A_226 : i32 to index
          %swap3A_249 = arith.constant 32 : index
          %swap3A_250 = tpu.vector_load %arg11[%swap3A_248, %swap3A_249] {strides = array<i32>} : memref<128x64xf32, #tpu.memory_space<vmem>>, vector<16xf32>,
          tpu.vector_store %arg11[%swap3A_248, %swap3A_249], %mul3A_247 {strides = array<i32>} : memref<128x64xf32, #tpu.memory_space<vmem>>, vector<16xf32>,
          %get3A_251 = arith.index_cast %add3A_226 : i32 to index
          %get3A_252 = arith.constant 48 : index
          %get3A_253 = tpu.vector_load %arg11[%get3A_251, %get3A_252] {strides = array<i32>} : memref<128x64xf32, #tpu.memory_space<vmem>>, vector<16xf32>,
          %mul3A_254 = arith.mulf %get3A_253, %broadcast_in_dim3A_229 : vector<16xf32>
          %swap3A_255 = arith.index_cast %add3A_226 : i32 to index
          %swap3A_256 = arith.constant 48 : index
          %swap3A_257 = tpu.vector_load %arg11[%swap3A_255, %swap3A_256] {strides = array<i32>} : memref<128x64xf32, #tpu.memory_space<vmem>>, vector<16xf32>,
          tpu.vector_store %arg11[%swap3A_255, %swap3A_256], %mul3A_254 {strides = array<i32>} : memref<128x64xf32, #tpu.memory_space<vmem>>, vector<16xf32>,
          %mul3A_258 = arith.constant 16 : i32
          %mul3A_259 = arith.muli %scan3A_116, %mul3A_258 : i32
          %add3A_260 = arith.constant 4 : i32
          %add3A_261 = arith.addi %mul3A_259, %add3A_260 : i32
          %slice3A_262 = vector.extract_strided_slice %get3A_120 {offsets = [4], sizes = [1], strides = [1]} : vector<16xf32> to vector<1xf32>
          %squeeze3A_263 = vector.extract %slice3A_262[0] : f32 from vector<1xf32>
          %broadcast_in_dim3A_264 = vector.broadcast %squeeze3A_263 : f32 to vector<16xf32>
          %get3A_265 = arith.index_cast %add3A_261 : i32 to index
          %get3A_266 = arith.constant 0 : index
          %get3A_267 = tpu.vector_load %arg11[%get3A_265, %get3A_266] {strides = array<i32>} : memref<128x64xf32, #tpu.memory_space<vmem>>, vector<16xf32>,
          %mul3A_268 = arith.mulf %get3A_267, %broadcast_in_dim3A_264 : vector<16xf32>
          %swap3A_269 = arith.index_cast %add3A_261 : i32 to index
          %swap3A_270 = arith.constant 0 : index
          %swap3A_271 = tpu.vector_load %arg11[%swap3A_269, %swap3A_270] {strides = array<i32>} : memref<128x64xf32, #tpu.memory_space<vmem>>, vector<16xf32>,
          tpu.vector_store %arg11[%swap3A_269, %swap3A_270], %mul3A_268 {strides = array<i32>} : memref<128x64xf32, #tpu.memory_space<vmem>>, vector<16xf32>,
          %get3A_272 = arith.index_cast %add3A_261 : i32 to index
          %get3A_273 = arith.constant 16 : index
          %get3A_274 = tpu.vector_load %arg11[%get3A_272, %get3A_273] {strides = array<i32>} : memref<128x64xf32, #tpu.memory_space<vmem>>, vector<16xf32>,
          %mul3A_275 = arith.mulf %get3A_274, %broadcast_in_dim3A_264 : vector<16xf32>
          %swap3A_276 = arith.index_cast %add3A_261 : i32 to index
          %swap3A_277 = arith.constant 16 : index
          %swap3A_278 = tpu.vector_load %arg11[%swap3A_276, %swap3A_277] {strides = array<i32>} : memref<128x64xf32, #tpu.memory_space<vmem>>, vector<16xf32>,
          tpu.vector_store %arg11[%swap3A_276, %swap3A_277], %mul3A_275 {strides = array<i32>} : memref<128x64xf32, #tpu.memory_space<vmem>>, vector<16xf32>,
          %get3A_279 = arith.index_cast %add3A_261 : i32 to index
          %get3A_280 = arith.constant 32 : index
          %get3A_281 = tpu.vector_load %arg11[%get3A_279, %get3A_280] {strides = array<i32>} : memref<128x64xf32, #tpu.memory_space<vmem>>, vector<16xf32>,
          %mul3A_282 = arith.mulf %get3A_281, %broadcast_in_dim3A_264 : vector<16xf32>
          %swap3A_283 = arith.index_cast %add3A_261 : i32 to index
          %swap3A_284 = arith.constant 32 : index
          %swap3A_285 = tpu.vector_load %arg11[%swap3A_283, %swap3A_284] {strides = array<i32>} : memref<128x64xf32, #tpu.memory_space<vmem>>, vector<16xf32>,
          tpu.vector_store %arg11[%swap3A_283, %swap3A_284], %mul3A_282 {strides = array<i32>} : memref<128x64xf32, #tpu.memory_space<vmem>>, vector<16xf32>,
          %get3A_286 = arith.index_cast %add3A_261 : i32 to index
          %get3A_287 = arith.constant 48 : index
          %get3A_288 = tpu.vector_load %arg11[%get3A_286, %get3A_287] {strides = array<i32>} : memref<128x64xf32, #tpu.memory_space<vmem>>, vector<16xf32>,
          %mul3A_289 = arith.mulf %get3A_288, %broadcast_in_dim3A_264 : vector<16xf32>
          %swap3A_290 = arith.index_cast %add3A_261 : i32 to index
          %swap3A_291 = arith.constant 48 : index
          %swap3A_292 = tpu.vector_load %arg11[%swap3A_290, %swap3A_291] {strides = array<i32>} : memref<128x64xf32, #tpu.memory_space<vmem>>, vector<16xf32>,
          tpu.vector_store %arg11[%swap3A_290, %swap3A_291], %mul3A_289 {strides = array<i32>} : memref<128x64xf32, #tpu.memory_space<vmem>>, vector<16xf32>,
          %mul3A_293 = arith.constant 16 : i32
          %mul3A_294 = arith.muli %scan3A_116, %mul3A_293 : i32
          %add3A_295 = arith.constant 5 : i32
          %add3A_296 = arith.addi %mul3A_294, %add3A_295 : i32
          %slice3A_297 = vector.extract_strided_slice %get3A_120 {offsets = [5], sizes = [1], strides = [1]} : vector<16xf32> to vector<1xf32>
          %squeeze3A_298 = vector.extract %slice3A_297[0] : f32 from vector<1xf32>
          %broadcast_in_dim3A_299 = vector.broadcast %squeeze3A_298 : f32 to vector<16xf32>
          %get3A_300 = arith.index_cast %add3A_296 : i32 to index
          %get3A_301 = arith.constant 0 : index
          %get3A_302 = tpu.vector_load %arg11[%get3A_300, %get3A_301] {strides = array<i32>} : memref<128x64xf32, #tpu.memory_space<vmem>>, vector<16xf32>,
          %mul3A_303 = arith.mulf %get3A_302, %broadcast_in_dim3A_299 : vector<16xf32>
          %swap3A_304 = arith.index_cast %add3A_296 : i32 to index
          %swap3A_305 = arith.constant 0 : index
          %swap3A_306 = tpu.vector_load %arg11[%swap3A_304, %swap3A_305] {strides = array<i32>} : memref<128x64xf32, #tpu.memory_space<vmem>>, vector<16xf32>,
          tpu.vector_store %arg11[%swap3A_304, %swap3A_305], %mul3A_303 {strides = array<i32>} : memref<128x64xf32, #tpu.memory_space<vmem>>, vector<16xf32>,
          %get3A_307 = arith.index_cast %add3A_296 : i32 to index
          %get3A_308 = arith.constant 16 : index
          %get3A_309 = tpu.vector_load %arg11[%get3A_307, %get3A_308] {strides = array<i32>} : memref<128x64xf32, #tpu.memory_space<vmem>>, vector<16xf32>,
          %mul3A_310 = arith.mulf %get3A_309, %broadcast_in_dim3A_299 : vector<16xf32>
          %swap3A_311 = arith.index_cast %add3A_296 : i32 to index
          %swap3A_312 = arith.constant 16 : index
          %swap3A_313 = tpu.vector_load %arg11[%swap3A_311, %swap3A_312] {strides = array<i32>} : memref<128x64xf32, #tpu.memory_space<vmem>>, vector<16xf32>,
          tpu.vector_store %arg11[%swap3A_311, %swap3A_312], %mul3A_310 {strides = array<i32>} : memref<128x64xf32, #tpu.memory_space<vmem>>, vector<16xf32>,
          %get3A_314 = arith.index_cast %add3A_296 : i32 to index
          %get3A_315 = arith.constant 32 : index
          %get3A_316 = tpu.vector_load %arg11[%get3A_314, %get3A_315] {strides = array<i32>} : memref<128x64xf32, #tpu.memory_space<vmem>>, vector<16xf32>,
          %mul3A_317 = arith.mulf %get3A_316, %broadcast_in_dim3A_299 : vector<16xf32>
          %swap3A_318 = arith.index_cast %add3A_296 : i32 to index
          %swap3A_319 = arith.constant 32 : index
          %swap3A_320 = tpu.vector_load %arg11[%swap3A_318, %swap3A_319] {strides = array<i32>} : memref<128x64xf32, #tpu.memory_space<vmem>>, vector<16xf32>,
          tpu.vector_store %arg11[%swap3A_318, %swap3A_319], %mul3A_317 {strides = array<i32>} : memref<128x64xf32, #tpu.memory_space<vmem>>, vector<16xf32>,
          %get3A_321 = arith.index_cast %add3A_296 : i32 to index
          %get3A_322 = arith.constant 48 : index
          %get3A_323 = tpu.vector_load %arg11[%get3A_321, %get3A_322] {strides = array<i32>} : memref<128x64xf32, #tpu.memory_space<vmem>>, vector<16xf32>,
          %mul3A_324 = arith.mulf %get3A_323, %broadcast_in_dim3A_299 : vector<16xf32>
          %swap3A_325 = arith.index_cast %add3A_296 : i32 to index
          %swap3A_326 = arith.constant 48 : index
          %swap3A_327 = tpu.vector_load %arg11[%swap3A_325, %swap3A_326] {strides = array<i32>} : memref<128x64xf32, #tpu.memory_space<vmem>>, vector<16xf32>,
          tpu.vector_store %arg11[%swap3A_325, %swap3A_326], %mul3A_324 {strides = array<i32>} : memref<128x64xf32, #tpu.memory_space<vmem>>, vector<16xf32>,
          %mul3A_328 = arith.constant 16 : i32
          %mul3A_329 = arith.muli %scan3A_116, %mul3A_328 : i32
          %add3A_330 = arith.constant 6 : i32
          %add3A_331 = arith.addi %mul3A_329, %add3A_330 : i32
          %slice3A_332 = vector.extract_strided_slice %get3A_120 {offsets = [6], sizes = [1], strides = [1]} : vector<16xf32> to vector<1xf32>
          %squeeze3A_333 = vector.extract %slice3A_332[0] : f32 from vector<1xf32>
          %broadcast_in_dim3A_334 = vector.broadcast %squeeze3A_333 : f32 to vector<16xf32>
          %get3A_335 = arith.index_cast %add3A_331 : i32 to index
          %get3A_336 = arith.constant 0 : index
          %get3A_337 = tpu.vector_load %arg11[%get3A_335, %get3A_336] {strides = array<i32>} : memref<128x64xf32, #tpu.memory_space<vmem>>, vector<16xf32>,
          %mul3A_338 = arith.mulf %get3A_337, %broadcast_in_dim3A_334 : vector<16xf32>
          %swap3A_339 = arith.index_cast %add3A_331 : i32 to index
          %swap3A_340 = arith.constant 0 : index
          %swap3A_341 = tpu.vector_load %arg11[%swap3A_339, %swap3A_340] {strides = array<i32>} : memref<128x64xf32, #tpu.memory_space<vmem>>, vector<16xf32>,
          tpu.vector_store %arg11[%swap3A_339, %swap3A_340], %mul3A_338 {strides = array<i32>} : memref<128x64xf32, #tpu.memory_space<vmem>>, vector<16xf32>,
          %get3A_342 = arith.index_cast %add3A_331 : i32 to index
          %get3A_343 = arith.constant 16 : index
          %get3A_344 = tpu.vector_load %arg11[%get3A_342, %get3A_343] {strides = array<i32>} : memref<128x64xf32, #tpu.memory_space<vmem>>, vector<16xf32>,
          %mul3A_345 = arith.mulf %get3A_344, %broadcast_in_dim3A_334 : vector<16xf32>
          %swap3A_346 = arith.index_cast %add3A_331 : i32 to index
          %swap3A_347 = arith.constant 16 : index
          %swap3A_348 = tpu.vector_load %arg11[%swap3A_346, %swap3A_347] {strides = array<i32>} : memref<128x64xf32, #tpu.memory_space<vmem>>, vector<16xf32>,
          tpu.vector_store %arg11[%swap3A_346, %swap3A_347], %mul3A_345 {strides = array<i32>} : memref<128x64xf32, #tpu.memory_space<vmem>>, vector<16xf32>,
          %get3A_349 = arith.index_cast %add3A_331 : i32 to index
          %get3A_350 = arith.constant 32 : index
          %get3A_351 = tpu.vector_load %arg11[%get3A_349, %get3A_350] {strides = array<i32>} : memref<128x64xf32, #tpu.memory_space<vmem>>, vector<16xf32>,
          %mul3A_352 = arith.mulf %get3A_351, %broadcast_in_dim3A_334 : vector<16xf32>
          %swap3A_353 = arith.index_cast %add3A_331 : i32 to index
          %swap3A_354 = arith.constant 32 : index
          %swap3A_355 = tpu.vector_load %arg11[%swap3A_353, %swap3A_354] {strides = array<i32>} : memref<128x64xf32, #tpu.memory_space<vmem>>, vector<16xf32>,
          tpu.vector_store %arg11[%swap3A_353, %swap3A_354], %mul3A_352 {strides = array<i32>} : memref<128x64xf32, #tpu.memory_space<vmem>>, vector<16xf32>,
          %get3A_356 = arith.index_cast %add3A_331 : i32 to index
          %get3A_357 = arith.constant 48 : index
          %get3A_358 = tpu.vector_load %arg11[%get3A_356, %get3A_357] {strides = array<i32>} : memref<128x64xf32, #tpu.memory_space<vmem>>, vector<16xf32>,
          %mul3A_359 = arith.mulf %get3A_358, %broadcast_in_dim3A_334 : vector<16xf32>
          %swap3A_360 = arith.index_cast %add3A_331 : i32 to index
          %swap3A_361 = arith.constant 48 : index
          %swap3A_362 = tpu.vector_load %arg11[%swap3A_360, %swap3A_361] {strides = array<i32>} : memref<128x64xf32, #tpu.memory_space<vmem>>, vector<16xf32>,
          tpu.vector_store %arg11[%swap3A_360, %swap3A_361], %mul3A_359 {strides = array<i32>} : memref<128x64xf32, #tpu.memory_space<vmem>>, vector<16xf32>,
          %mul3A_363 = arith.constant 16 : i32
          %mul3A_364 = arith.muli %scan3A_116, %mul3A_363 : i32
          %add3A_365 = arith.constant 7 : i32
          %add3A_366 = arith.addi %mul3A_364, %add3A_365 : i32
          %slice3A_367 = vector.extract_strided_slice %get3A_120 {offsets = [7], sizes = [1], strides = [1]} : vector<16xf32> to vector<1xf32>
          %squeeze3A_368 = vector.extract %slice3A_367[0] : f32 from vector<1xf32>
          %broadcast_in_dim3A_369 = vector.broadcast %squeeze3A_368 : f32 to vector<16xf32>
          %get3A_370 = arith.index_cast %add3A_366 : i32 to index
          %get3A_371 = arith.constant 0 : index
          %get3A_372 = tpu.vector_load %arg11[%get3A_370, %get3A_371] {strides = array<i32>} : memref<128x64xf32, #tpu.memory_space<vmem>>, vector<16xf32>,
          %mul3A_373 = arith.mulf %get3A_372, %broadcast_in_dim3A_369 : vector<16xf32>
          %swap3A_374 = arith.index_cast %add3A_366 : i32 to index
          %swap3A_375 = arith.constant 0 : index
          %swap3A_376 = tpu.vector_load %arg11[%swap3A_374, %swap3A_375] {strides = array<i32>} : memref<128x64xf32, #tpu.memory_space<vmem>>, vector<16xf32>,
          tpu.vector_store %arg11[%swap3A_374, %swap3A_375], %mul3A_373 {strides = array<i32>} : memref<128x64xf32, #tpu.memory_space<vmem>>, vector<16xf32>,
          %get3A_377 = arith.index_cast %add3A_366 : i32 to index
          %get3A_378 = arith.constant 16 : index
          %get3A_379 = tpu.vector_load %arg11[%get3A_377, %get3A_378] {strides = array<i32>} : memref<128x64xf32, #tpu.memory_space<vmem>>, vector<16xf32>,
          %mul3A_380 = arith.mulf %get3A_379, %broadcast_in_dim3A_369 : vector<16xf32>
          %swap3A_381 = arith.index_cast %add3A_366 : i32 to index
          %swap3A_382 = arith.constant 16 : index
          %swap3A_383 = tpu.vector_load %arg11[%swap3A_381, %swap3A_382] {strides = array<i32>} : memref<128x64xf32, #tpu.memory_space<vmem>>, vector<16xf32>,
          tpu.vector_store %arg11[%swap3A_381, %swap3A_382], %mul3A_380 {strides = array<i32>} : memref<128x64xf32, #tpu.memory_space<vmem>>, vector<16xf32>,
          %get3A_384 = arith.index_cast %add3A_366 : i32 to index
          %get3A_385 = arith.constant 32 : index
          %get3A_386 = tpu.vector_load %arg11[%get3A_384, %get3A_385] {strides = array<i32>} : memref<128x64xf32, #tpu.memory_space<vmem>>, vector<16xf32>,
          %mul3A_387 = arith.mulf %get3A_386, %broadcast_in_dim3A_369 : vector<16xf32>
          %swap3A_388 = arith.index_cast %add3A_366 : i32 to index
          %swap3A_389 = arith.constant 32 : index
          %swap3A_390 = tpu.vector_load %arg11[%swap3A_388, %swap3A_389] {strides = array<i32>} : memref<128x64xf32, #tpu.memory_space<vmem>>, vector<16xf32>,
          tpu.vector_store %arg11[%swap3A_388, %swap3A_389], %mul3A_387 {strides = array<i32>} : memref<128x64xf32, #tpu.memory_space<vmem>>, vector<16xf32>,
          %get3A_391 = arith.index_cast %add3A_366 : i32 to index
          %get3A_392 = arith.constant 48 : index
          %get3A_393 = tpu.vector_load %arg11[%get3A_391, %get3A_392] {strides = array<i32>} : memref<128x64xf32, #tpu.memory_space<vmem>>, vector<16xf32>,
          %mul3A_394 = arith.mulf %get3A_393, %broadcast_in_dim3A_369 : vector<16xf32>
          %swap3A_395 = arith.index_cast %add3A_366 : i32 to index
          %swap3A_396 = arith.constant 48 : index
          %swap3A_397 = tpu.vector_load %arg11[%swap3A_395, %swap3A_396] {strides = array<i32>} : memref<128x64xf32, #tpu.memory_space<vmem>>, vector<16xf32>,
          tpu.vector_store %arg11[%swap3A_395, %swap3A_396], %mul3A_394 {strides = array<i32>} : memref<128x64xf32, #tpu.memory_space<vmem>>, vector<16xf32>,
          %mul3A_398 = arith.constant 16 : i32
          %mul3A_399 = arith.muli %scan3A_116, %mul3A_398 : i32
          %add3A_400 = arith.constant 8 : i32
          %add3A_401 = arith.addi %mul3A_399, %add3A_400 : i32
          %slice3A_402 = vector.extract_strided_slice %get3A_120 {offsets = [8], sizes = [1], strides = [1]} : vector<16xf32> to vector<1xf32>
          %squeeze3A_403 = vector.extract %slice3A_402[0] : f32 from vector<1xf32>
          %broadcast_in_dim3A_404 = vector.broadcast %squeeze3A_403 : f32 to vector<16xf32>
          %get3A_405 = arith.index_cast %add3A_401 : i32 to index
          %get3A_406 = arith.constant 0 : index
          %get3A_407 = tpu.vector_load %arg11[%get3A_405, %get3A_406] {strides = array<i32>} : memref<128x64xf32, #tpu.memory_space<vmem>>, vector<16xf32>,
          %mul3A_408 = arith.mulf %get3A_407, %broadcast_in_dim3A_404 : vector<16xf32>
          %swap3A_409 = arith.index_cast %add3A_401 : i32 to index
          %swap3A_410 = arith.constant 0 : index
          %swap3A_411 = tpu.vector_load %arg11[%swap3A_409, %swap3A_410] {strides = array<i32>} : memref<128x64xf32, #tpu.memory_space<vmem>>, vector<16xf32>,
          tpu.vector_store %arg11[%swap3A_409, %swap3A_410], %mul3A_408 {strides = array<i32>} : memref<128x64xf32, #tpu.memory_space<vmem>>, vector<16xf32>,
          %get3A_412 = arith.index_cast %add3A_401 : i32 to index
          %get3A_413 = arith.constant 16 : index
          %get3A_414 = tpu.vector_load %arg11[%get3A_412, %get3A_413] {strides = array<i32>} : memref<128x64xf32, #tpu.memory_space<vmem>>, vector<16xf32>,
          %mul3A_415 = arith.mulf %get3A_414, %broadcast_in_dim3A_404 : vector<16xf32>
          %swap3A_416 = arith.index_cast %add3A_401 : i32 to index
          %swap3A_417 = arith.constant 16 : index
          %swap3A_418 = tpu.vector_load %arg11[%swap3A_416, %swap3A_417] {strides = array<i32>} : memref<128x64xf32, #tpu.memory_space<vmem>>, vector<16xf32>,
          tpu.vector_store %arg11[%swap3A_416, %swap3A_417], %mul3A_415 {strides = array<i32>} : memref<128x64xf32, #tpu.memory_space<vmem>>, vector<16xf32>,
          %get3A_419 = arith.index_cast %add3A_401 : i32 to index
          %get3A_420 = arith.constant 32 : index
          %get3A_421 = tpu.vector_load %arg11[%get3A_419, %get3A_420] {strides = array<i32>} : memref<128x64xf32, #tpu.memory_space<vmem>>, vector<16xf32>,
          %mul3A_422 = arith.mulf %get3A_421, %broadcast_in_dim3A_404 : vector<16xf32>
          %swap3A_423 = arith.index_cast %add3A_401 : i32 to index
          %swap3A_424 = arith.constant 32 : index
          %swap3A_425 = tpu.vector_load %arg11[%swap3A_423, %swap3A_424] {strides = array<i32>} : memref<128x64xf32, #tpu.memory_space<vmem>>, vector<16xf32>,
          tpu.vector_store %arg11[%swap3A_423, %swap3A_424], %mul3A_422 {strides = array<i32>} : memref<128x64xf32, #tpu.memory_space<vmem>>, vector<16xf32>,
          %get3A_426 = arith.index_cast %add3A_401 : i32 to index
          %get3A_427 = arith.constant 48 : index
          %get3A_428 = tpu.vector_load %arg11[%get3A_426, %get3A_427] {strides = array<i32>} : memref<128x64xf32, #tpu.memory_space<vmem>>, vector<16xf32>,
          %mul3A_429 = arith.mulf %get3A_428, %broadcast_in_dim3A_404 : vector<16xf32>
          %swap3A_430 = arith.index_cast %add3A_401 : i32 to index
          %swap3A_431 = arith.constant 48 : index
          %swap3A_432 = tpu.vector_load %arg11[%swap3A_430, %swap3A_431] {strides = array<i32>} : memref<128x64xf32, #tpu.memory_space<vmem>>, vector<16xf32>,
          tpu.vector_store %arg11[%swap3A_430, %swap3A_431], %mul3A_429 {strides = array<i32>} : memref<128x64xf32, #tpu.memory_space<vmem>>, vector<16xf32>,
          %mul3A_433 = arith.constant 16 : i32
          %mul3A_434 = arith.muli %scan3A_116, %mul3A_433 : i32
          %add3A_435 = arith.constant 9 : i32
          %add3A_436 = arith.addi %mul3A_434, %add3A_435 : i32
          %slice3A_437 = vector.extract_strided_slice %get3A_120 {offsets = [9], sizes = [1], strides = [1]} : vector<16xf32> to vector<1xf32>
          %squeeze3A_438 = vector.extract %slice3A_437[0] : f32 from vector<1xf32>
          %broadcast_in_dim3A_439 = vector.broadcast %squeeze3A_438 : f32 to vector<16xf32>
          %get3A_440 = arith.index_cast %add3A_436 : i32 to index
          %get3A_441 = arith.constant 0 : index
          %get3A_442 = tpu.vector_load %arg11[%get3A_440, %get3A_441] {strides = array<i32>} : memref<128x64xf32, #tpu.memory_space<vmem>>, vector<16xf32>,
          %mul3A_443 = arith.mulf %get3A_442, %broadcast_in_dim3A_439 : vector<16xf32>
          %swap3A_444 = arith.index_cast %add3A_436 : i32 to index
          %swap3A_445 = arith.constant 0 : index
          %swap3A_446 = tpu.vector_load %arg11[%swap3A_444, %swap3A_445] {strides = array<i32>} : memref<128x64xf32, #tpu.memory_space<vmem>>, vector<16xf32>,
          tpu.vector_store %arg11[%swap3A_444, %swap3A_445], %mul3A_443 {strides = array<i32>} : memref<128x64xf32, #tpu.memory_space<vmem>>, vector<16xf32>,
          %get3A_447 = arith.index_cast %add3A_436 : i32 to index
          %get3A_448 = arith.constant 16 : index
          %get3A_449 = tpu.vector_load %arg11[%get3A_447, %get3A_448] {strides = array<i32>} : memref<128x64xf32, #tpu.memory_space<vmem>>, vector<16xf32>,
          %mul3A_450 = arith.mulf %get3A_449, %broadcast_in_dim3A_439 : vector<16xf32>
          %swap3A_451 = arith.index_cast %add3A_436 : i32 to index
          %swap3A_452 = arith.constant 16 : index
          %swap3A_453 = tpu.vector_load %arg11[%swap3A_451, %swap3A_452] {strides = array<i32>} : memref<128x64xf32, #tpu.memory_space<vmem>>, vector<16xf32>,
          tpu.vector_store %arg11[%swap3A_451, %swap3A_452], %mul3A_450 {strides = array<i32>} : memref<128x64xf32, #tpu.memory_space<vmem>>, vector<16xf32>,
          %get3A_454 = arith.index_cast %add3A_436 : i32 to index
          %get3A_455 = arith.constant 32 : index
          %get3A_456 = tpu.vector_load %arg11[%get3A_454, %get3A_455] {strides = array<i32>} : memref<128x64xf32, #tpu.memory_space<vmem>>, vector<16xf32>,
          %mul3A_457 = arith.mulf %get3A_456, %broadcast_in_dim3A_439 : vector<16xf32>
          %swap3A_458 = arith.index_cast %add3A_436 : i32 to index
          %swap3A_459 = arith.constant 32 : index
          %swap3A_460 = tpu.vector_load %arg11[%swap3A_458, %swap3A_459] {strides = array<i32>} : memref<128x64xf32, #tpu.memory_space<vmem>>, vector<16xf32>,
          tpu.vector_store %arg11[%swap3A_458, %swap3A_459], %mul3A_457 {strides = array<i32>} : memref<128x64xf32, #tpu.memory_space<vmem>>, vector<16xf32>,
          %get3A_461 = arith.index_cast %add3A_436 : i32 to index
          %get3A_462 = arith.constant 48 : index
          %get3A_463 = tpu.vector_load %arg11[%get3A_461, %get3A_462] {strides = array<i32>} : memref<128x64xf32, #tpu.memory_space<vmem>>, vector<16xf32>,
          %mul3A_464 = arith.mulf %get3A_463, %broadcast_in_dim3A_439 : vector<16xf32>
          %swap3A_465 = arith.index_cast %add3A_436 : i32 to index
          %swap3A_466 = arith.constant 48 : index
          %swap3A_467 = tpu.vector_load %arg11[%swap3A_465, %swap3A_466] {strides = array<i32>} : memref<128x64xf32, #tpu.memory_space<vmem>>, vector<16xf32>,
          tpu.vector_store %arg11[%swap3A_465, %swap3A_466], %mul3A_464 {strides = array<i32>} : memref<128x64xf32, #tpu.memory_space<vmem>>, vector<16xf32>,
          %mul3A_468 = arith.constant 16 : i32
          %mul3A_469 = arith.muli %scan3A_116, %mul3A_468 : i32
          %add3A_470 = arith.constant 10 : i32
          %add3A_471 = arith.addi %mul3A_469, %add3A_470 : i32
          %slice3A_472 = vector.extract_strided_slice %get3A_120 {offsets = [10], sizes = [1], strides = [1]} : vector<16xf32> to vector<1xf32>
          %squeeze3A_473 = vector.extract %slice3A_472[0] : f32 from vector<1xf32>
          %broadcast_in_dim3A_474 = vector.broadcast %squeeze3A_473 : f32 to vector<16xf32>
          %get3A_475 = arith.index_cast %add3A_471 : i32 to index
          %get3A_476 = arith.constant 0 : index
          %get3A_477 = tpu.vector_load %arg11[%get3A_475, %get3A_476] {strides = array<i32>} : memref<128x64xf32, #tpu.memory_space<vmem>>, vector<16xf32>,
          %mul3A_478 = arith.mulf %get3A_477, %broadcast_in_dim3A_474 : vector<16xf32>
          %swap3A_479 = arith.index_cast %add3A_471 : i32 to index
          %swap3A_480 = arith.constant 0 : index
          %swap3A_481 = tpu.vector_load %arg11[%swap3A_479, %swap3A_480] {strides = array<i32>} : memref<128x64xf32, #tpu.memory_space<vmem>>, vector<16xf32>,
          tpu.vector_store %arg11[%swap3A_479, %swap3A_480], %mul3A_478 {strides = array<i32>} : memref<128x64xf32, #tpu.memory_space<vmem>>, vector<16xf32>,
          %get3A_482 = arith.index_cast %add3A_471 : i32 to index
          %get3A_483 = arith.constant 16 : index
          %get3A_484 = tpu.vector_load %arg11[%get3A_482, %get3A_483] {strides = array<i32>} : memref<128x64xf32, #tpu.memory_space<vmem>>, vector<16xf32>,
          %mul3A_485 = arith.mulf %get3A_484, %broadcast_in_dim3A_474 : vector<16xf32>
          %swap3A_486 = arith.index_cast %add3A_471 : i32 to index
          %swap3A_487 = arith.constant 16 : index
          %swap3A_488 = tpu.vector_load %arg11[%swap3A_486, %swap3A_487] {strides = array<i32>} : memref<128x64xf32, #tpu.memory_space<vmem>>, vector<16xf32>,
          tpu.vector_store %arg11[%swap3A_486, %swap3A_487], %mul3A_485 {strides = array<i32>} : memref<128x64xf32, #tpu.memory_space<vmem>>, vector<16xf32>,
          %get3A_489 = arith.index_cast %add3A_471 : i32 to index
          %get3A_490 = arith.constant 32 : index
          %get3A_491 = tpu.vector_load %arg11[%get3A_489, %get3A_490] {strides = array<i32>} : memref<128x64xf32, #tpu.memory_space<vmem>>, vector<16xf32>,
          %mul3A_492 = arith.mulf %get3A_491, %broadcast_in_dim3A_474 : vector<16xf32>
          %swap3A_493 = arith.index_cast %add3A_471 : i32 to index
          %swap3A_494 = arith.constant 32 : index
          %swap3A_495 = tpu.vector_load %arg11[%swap3A_493, %swap3A_494] {strides = array<i32>} : memref<128x64xf32, #tpu.memory_space<vmem>>, vector<16xf32>,
          tpu.vector_store %arg11[%swap3A_493, %swap3A_494], %mul3A_492 {strides = array<i32>} : memref<128x64xf32, #tpu.memory_space<vmem>>, vector<16xf32>,
          %get3A_496 = arith.index_cast %add3A_471 : i32 to index
          %get3A_497 = arith.constant 48 : index
          %get3A_498 = tpu.vector_load %arg11[%get3A_496, %get3A_497] {strides = array<i32>} : memref<128x64xf32, #tpu.memory_space<vmem>>, vector<16xf32>,
          %mul3A_499 = arith.mulf %get3A_498, %broadcast_in_dim3A_474 : vector<16xf32>
          %swap3A_500 = arith.index_cast %add3A_471 : i32 to index
          %swap3A_501 = arith.constant 48 : index
          %swap3A_502 = tpu.vector_load %arg11[%swap3A_500, %swap3A_501] {strides = array<i32>} : memref<128x64xf32, #tpu.memory_space<vmem>>, vector<16xf32>,
          tpu.vector_store %arg11[%swap3A_500, %swap3A_501], %mul3A_499 {strides = array<i32>} : memref<128x64xf32, #tpu.memory_space<vmem>>, vector<16xf32>,
          %mul3A_503 = arith.constant 16 : i32
          %mul3A_504 = arith.muli %scan3A_116, %mul3A_503 : i32
          %add3A_505 = arith.constant 11 : i32
          %add3A_506 = arith.addi %mul3A_504, %add3A_505 : i32
          %slice3A_507 = vector.extract_strided_slice %get3A_120 {offsets = [11], sizes = [1], strides = [1]} : vector<16xf32> to vector<1xf32>
          %squeeze3A_508 = vector.extract %slice3A_507[0] : f32 from vector<1xf32>
          %broadcast_in_dim3A_509 = vector.broadcast %squeeze3A_508 : f32 to vector<16xf32>
          %get3A_510 = arith.index_cast %add3A_506 : i32 to index
          %get3A_511 = arith.constant 0 : index
          %get3A_512 = tpu.vector_load %arg11[%get3A_510, %get3A_511] {strides = array<i32>} : memref<128x64xf32, #tpu.memory_space<vmem>>, vector<16xf32>,
          %mul3A_513 = arith.mulf %get3A_512, %broadcast_in_dim3A_509 : vector<16xf32>
          %swap3A_514 = arith.index_cast %add3A_506 : i32 to index
          %swap3A_515 = arith.constant 0 : index
          %swap3A_516 = tpu.vector_load %arg11[%swap3A_514, %swap3A_515] {strides = array<i32>} : memref<128x64xf32, #tpu.memory_space<vmem>>, vector<16xf32>,
          tpu.vector_store %arg11[%swap3A_514, %swap3A_515], %mul3A_513 {strides = array<i32>} : memref<128x64xf32, #tpu.memory_space<vmem>>, vector<16xf32>,
          %get3A_517 = arith.index_cast %add3A_506 : i32 to index
          %get3A_518 = arith.constant 16 : index
          %get3A_519 = tpu.vector_load %arg11[%get3A_517, %get3A_518] {strides = array<i32>} : memref<128x64xf32, #tpu.memory_space<vmem>>, vector<16xf32>,
          %mul3A_520 = arith.mulf %get3A_519, %broadcast_in_dim3A_509 : vector<16xf32>
          %swap3A_521 = arith.index_cast %add3A_506 : i32 to index
          %swap3A_522 = arith.constant 16 : index
          %swap3A_523 = tpu.vector_load %arg11[%swap3A_521, %swap3A_522] {strides = array<i32>} : memref<128x64xf32, #tpu.memory_space<vmem>>, vector<16xf32>,
          tpu.vector_store %arg11[%swap3A_521, %swap3A_522], %mul3A_520 {strides = array<i32>} : memref<128x64xf32, #tpu.memory_space<vmem>>, vector<16xf32>,
          %get3A_524 = arith.index_cast %add3A_506 : i32 to index
          %get3A_525 = arith.constant 32 : index
          %get3A_526 = tpu.vector_load %arg11[%get3A_524, %get3A_525] {strides = array<i32>} : memref<128x64xf32, #tpu.memory_space<vmem>>, vector<16xf32>,
          %mul3A_527 = arith.mulf %get3A_526, %broadcast_in_dim3A_509 : vector<16xf32>
          %swap3A_528 = arith.index_cast %add3A_506 : i32 to index
          %swap3A_529 = arith.constant 32 : index
          %swap3A_530 = tpu.vector_load %arg11[%swap3A_528, %swap3A_529] {strides = array<i32>} : memref<128x64xf32, #tpu.memory_space<vmem>>, vector<16xf32>,
          tpu.vector_store %arg11[%swap3A_528, %swap3A_529], %mul3A_527 {strides = array<i32>} : memref<128x64xf32, #tpu.memory_space<vmem>>, vector<16xf32>,
          %get3A_531 = arith.index_cast %add3A_506 : i32 to index
          %get3A_532 = arith.constant 48 : index
          %get3A_533 = tpu.vector_load %arg11[%get3A_531, %get3A_532] {strides = array<i32>} : memref<128x64xf32, #tpu.memory_space<vmem>>, vector<16xf32>,
          %mul3A_534 = arith.mulf %get3A_533, %broadcast_in_dim3A_509 : vector<16xf32>
          %swap3A_535 = arith.index_cast %add3A_506 : i32 to index
          %swap3A_536 = arith.constant 48 : index
          %swap3A_537 = tpu.vector_load %arg11[%swap3A_535, %swap3A_536] {strides = array<i32>} : memref<128x64xf32, #tpu.memory_space<vmem>>, vector<16xf32>,
          tpu.vector_store %arg11[%swap3A_535, %swap3A_536], %mul3A_534 {strides = array<i32>} : memref<128x64xf32, #tpu.memory_space<vmem>>, vector<16xf32>,
          %mul3A_538 = arith.constant 16 : i32
          %mul3A_539 = arith.muli %scan3A_116, %mul3A_538 : i32
          %add3A_540 = arith.constant 12 : i32
          %add3A_541 = arith.addi %mul3A_539, %add3A_540 : i32
          %slice3A_542 = vector.extract_strided_slice %get3A_120 {offsets = [12], sizes = [1], strides = [1]} : vector<16xf32> to vector<1xf32>
          %squeeze3A_543 = vector.extract %slice3A_542[0] : f32 from vector<1xf32>
          %broadcast_in_dim3A_544 = vector.broadcast %squeeze3A_543 : f32 to vector<16xf32>
          %get3A_545 = arith.index_cast %add3A_541 : i32 to index
          %get3A_546 = arith.constant 0 : index
          %get3A_547 = tpu.vector_load %arg11[%get3A_545, %get3A_546] {strides = array<i32>} : memref<128x64xf32, #tpu.memory_space<vmem>>, vector<16xf32>,
          %mul3A_548 = arith.mulf %get3A_547, %broadcast_in_dim3A_544 : vector<16xf32>
          %swap3A_549 = arith.index_cast %add3A_541 : i32 to index
          %swap3A_550 = arith.constant 0 : index
          %swap3A_551 = tpu.vector_load %arg11[%swap3A_549, %swap3A_550] {strides = array<i32>} : memref<128x64xf32, #tpu.memory_space<vmem>>, vector<16xf32>,
          tpu.vector_store %arg11[%swap3A_549, %swap3A_550], %mul3A_548 {strides = array<i32>} : memref<128x64xf32, #tpu.memory_space<vmem>>, vector<16xf32>,
          %get3A_552 = arith.index_cast %add3A_541 : i32 to index
          %get3A_553 = arith.constant 16 : index
          %get3A_554 = tpu.vector_load %arg11[%get3A_552, %get3A_553] {strides = array<i32>} : memref<128x64xf32, #tpu.memory_space<vmem>>, vector<16xf32>,
          %mul3A_555 = arith.mulf %get3A_554, %broadcast_in_dim3A_544 : vector<16xf32>
          %swap3A_556 = arith.index_cast %add3A_541 : i32 to index
          %swap3A_557 = arith.constant 16 : index
          %swap3A_558 = tpu.vector_load %arg11[%swap3A_556, %swap3A_557] {strides = array<i32>} : memref<128x64xf32, #tpu.memory_space<vmem>>, vector<16xf32>,
          tpu.vector_store %arg11[%swap3A_556, %swap3A_557], %mul3A_555 {strides = array<i32>} : memref<128x64xf32, #tpu.memory_space<vmem>>, vector<16xf32>,
          %get3A_559 = arith.index_cast %add3A_541 : i32 to index
          %get3A_560 = arith.constant 32 : index
          %get3A_561 = tpu.vector_load %arg11[%get3A_559, %get3A_560] {strides = array<i32>} : memref<128x64xf32, #tpu.memory_space<vmem>>, vector<16xf32>,
          %mul3A_562 = arith.mulf %get3A_561, %broadcast_in_dim3A_544 : vector<16xf32>
          %swap3A_563 = arith.index_cast %add3A_541 : i32 to index
          %swap3A_564 = arith.constant 32 : index
          %swap3A_565 = tpu.vector_load %arg11[%swap3A_563, %swap3A_564] {strides = array<i32>} : memref<128x64xf32, #tpu.memory_space<vmem>>, vector<16xf32>,
          tpu.vector_store %arg11[%swap3A_563, %swap3A_564], %mul3A_562 {strides = array<i32>} : memref<128x64xf32, #tpu.memory_space<vmem>>, vector<16xf32>,
          %get3A_566 = arith.index_cast %add3A_541 : i32 to index
          %get3A_567 = arith.constant 48 : index
          %get3A_568 = tpu.vector_load %arg11[%get3A_566, %get3A_567] {strides = array<i32>} : memref<128x64xf32, #tpu.memory_space<vmem>>, vector<16xf32>,
          %mul3A_569 = arith.mulf %get3A_568, %broadcast_in_dim3A_544 : vector<16xf32>
          %swap3A_570 = arith.index_cast %add3A_541 : i32 to index
          %swap3A_571 = arith.constant 48 : index
          %swap3A_572 = tpu.vector_load %arg11[%swap3A_570, %swap3A_571] {strides = array<i32>} : memref<128x64xf32, #tpu.memory_space<vmem>>, vector<16xf32>,
          tpu.vector_store %arg11[%swap3A_570, %swap3A_571], %mul3A_569 {strides = array<i32>} : memref<128x64xf32, #tpu.memory_space<vmem>>, vector<16xf32>,
          %mul3A_573 = arith.constant 16 : i32
          %mul3A_574 = arith.muli %scan3A_116, %mul3A_573 : i32
          %add3A_575 = arith.constant 13 : i32
          %add3A_576 = arith.addi %mul3A_574, %add3A_575 : i32
          %slice3A_577 = vector.extract_strided_slice %get3A_120 {offsets = [13], sizes = [1], strides = [1]} : vector<16xf32> to vector<1xf32>
          %squeeze3A_578 = vector.extract %slice3A_577[0] : f32 from vector<1xf32>
          %broadcast_in_dim3A_579 = vector.broadcast %squeeze3A_578 : f32 to vector<16xf32>
          %get3A_580 = arith.index_cast %add3A_576 : i32 to index
          %get3A_581 = arith.constant 0 : index
          %get3A_582 = tpu.vector_load %arg11[%get3A_580, %get3A_581] {strides = array<i32>} : memref<128x64xf32, #tpu.memory_space<vmem>>, vector<16xf32>,
          %mul3A_583 = arith.mulf %get3A_582, %broadcast_in_dim3A_579 : vector<16xf32>
          %swap3A_584 = arith.index_cast %add3A_576 : i32 to index
          %swap3A_585 = arith.constant 0 : index
          %swap3A_586 = tpu.vector_load %arg11[%swap3A_584, %swap3A_585] {strides = array<i32>} : memref<128x64xf32, #tpu.memory_space<vmem>>, vector<16xf32>,
          tpu.vector_store %arg11[%swap3A_584, %swap3A_585], %mul3A_583 {strides = array<i32>} : memref<128x64xf32, #tpu.memory_space<vmem>>, vector<16xf32>,
          %get3A_587 = arith.index_cast %add3A_576 : i32 to index
          %get3A_588 = arith.constant 16 : index
          %get3A_589 = tpu.vector_load %arg11[%get3A_587, %get3A_588] {strides = array<i32>} : memref<128x64xf32, #tpu.memory_space<vmem>>, vector<16xf32>,
          %mul3A_590 = arith.mulf %get3A_589, %broadcast_in_dim3A_579 : vector<16xf32>
          %swap3A_591 = arith.index_cast %add3A_576 : i32 to index
          %swap3A_592 = arith.constant 16 : index
          %swap3A_593 = tpu.vector_load %arg11[%swap3A_591, %swap3A_592] {strides = array<i32>} : memref<128x64xf32, #tpu.memory_space<vmem>>, vector<16xf32>,
          tpu.vector_store %arg11[%swap3A_591, %swap3A_592], %mul3A_590 {strides = array<i32>} : memref<128x64xf32, #tpu.memory_space<vmem>>, vector<16xf32>,
          %get3A_594 = arith.index_cast %add3A_576 : i32 to index
          %get3A_595 = arith.constant 32 : index
          %get3A_596 = tpu.vector_load %arg11[%get3A_594, %get3A_595] {strides = array<i32>} : memref<128x64xf32, #tpu.memory_space<vmem>>, vector<16xf32>,
          %mul3A_597 = arith.mulf %get3A_596, %broadcast_in_dim3A_579 : vector<16xf32>
          %swap3A_598 = arith.index_cast %add3A_576 : i32 to index
          %swap3A_599 = arith.constant 32 : index
          %swap3A_600 = tpu.vector_load %arg11[%swap3A_598, %swap3A_599] {strides = array<i32>} : memref<128x64xf32, #tpu.memory_space<vmem>>, vector<16xf32>,
          tpu.vector_store %arg11[%swap3A_598, %swap3A_599], %mul3A_597 {strides = array<i32>} : memref<128x64xf32, #tpu.memory_space<vmem>>, vector<16xf32>,
          %get3A_601 = arith.index_cast %add3A_576 : i32 to index
          %get3A_602 = arith.constant 48 : index
          %get3A_603 = tpu.vector_load %arg11[%get3A_601, %get3A_602] {strides = array<i32>} : memref<128x64xf32, #tpu.memory_space<vmem>>, vector<16xf32>,
          %mul3A_604 = arith.mulf %get3A_603, %broadcast_in_dim3A_579 : vector<16xf32>
          %swap3A_605 = arith.index_cast %add3A_576 : i32 to index
          %swap3A_606 = arith.constant 48 : index
          %swap3A_607 = tpu.vector_load %arg11[%swap3A_605, %swap3A_606] {strides = array<i32>} : memref<128x64xf32, #tpu.memory_space<vmem>>, vector<16xf32>,
          tpu.vector_store %arg11[%swap3A_605, %swap3A_606], %mul3A_604 {strides = array<i32>} : memref<128x64xf32, #tpu.memory_space<vmem>>, vector<16xf32>,
          %mul3A_608 = arith.constant 16 : i32
          %mul3A_609 = arith.muli %scan3A_116, %mul3A_608 : i32
          %add3A_610 = arith.constant 14 : i32
          %add3A_611 = arith.addi %mul3A_609, %add3A_610 : i32
          %slice3A_612 = vector.extract_strided_slice %get3A_120 {offsets = [14], sizes = [1], strides = [1]} : vector<16xf32> to vector<1xf32>
          %squeeze3A_613 = vector.extract %slice3A_612[0] : f32 from vector<1xf32>
          %broadcast_in_dim3A_614 = vector.broadcast %squeeze3A_613 : f32 to vector<16xf32>
          %get3A_615 = arith.index_cast %add3A_611 : i32 to index
          %get3A_616 = arith.constant 0 : index
          %get3A_617 = tpu.vector_load %arg11[%get3A_615, %get3A_616] {strides = array<i32>} : memref<128x64xf32, #tpu.memory_space<vmem>>, vector<16xf32>,
          %mul3A_618 = arith.mulf %get3A_617, %broadcast_in_dim3A_614 : vector<16xf32>
          %swap3A_619 = arith.index_cast %add3A_611 : i32 to index
          %swap3A_620 = arith.constant 0 : index
          %swap3A_621 = tpu.vector_load %arg11[%swap3A_619, %swap3A_620] {strides = array<i32>} : memref<128x64xf32, #tpu.memory_space<vmem>>, vector<16xf32>,
          tpu.vector_store %arg11[%swap3A_619, %swap3A_620], %mul3A_618 {strides = array<i32>} : memref<128x64xf32, #tpu.memory_space<vmem>>, vector<16xf32>,
          %get3A_622 = arith.index_cast %add3A_611 : i32 to index
          %get3A_623 = arith.constant 16 : index
          %get3A_624 = tpu.vector_load %arg11[%get3A_622, %get3A_623] {strides = array<i32>} : memref<128x64xf32, #tpu.memory_space<vmem>>, vector<16xf32>,
          %mul3A_625 = arith.mulf %get3A_624, %broadcast_in_dim3A_614 : vector<16xf32>
          %swap3A_626 = arith.index_cast %add3A_611 : i32 to index
          %swap3A_627 = arith.constant 16 : index
          %swap3A_628 = tpu.vector_load %arg11[%swap3A_626, %swap3A_627] {strides = array<i32>} : memref<128x64xf32, #tpu.memory_space<vmem>>, vector<16xf32>,
          tpu.vector_store %arg11[%swap3A_626, %swap3A_627], %mul3A_625 {strides = array<i32>} : memref<128x64xf32, #tpu.memory_space<vmem>>, vector<16xf32>,
          %get3A_629 = arith.index_cast %add3A_611 : i32 to index
          %get3A_630 = arith.constant 32 : index
          %get3A_631 = tpu.vector_load %arg11[%get3A_629, %get3A_630] {strides = array<i32>} : memref<128x64xf32, #tpu.memory_space<vmem>>, vector<16xf32>,
          %mul3A_632 = arith.mulf %get3A_631, %broadcast_in_dim3A_614 : vector<16xf32>
          %swap3A_633 = arith.index_cast %add3A_611 : i32 to index
          %swap3A_634 = arith.constant 32 : index
          %swap3A_635 = tpu.vector_load %arg11[%swap3A_633, %swap3A_634] {strides = array<i32>} : memref<128x64xf32, #tpu.memory_space<vmem>>, vector<16xf32>,
          tpu.vector_store %arg11[%swap3A_633, %swap3A_634], %mul3A_632 {strides = array<i32>} : memref<128x64xf32, #tpu.memory_space<vmem>>, vector<16xf32>,
          %get3A_636 = arith.index_cast %add3A_611 : i32 to index
          %get3A_637 = arith.constant 48 : index
          %get3A_638 = tpu.vector_load %arg11[%get3A_636, %get3A_637] {strides = array<i32>} : memref<128x64xf32, #tpu.memory_space<vmem>>, vector<16xf32>,
          %mul3A_639 = arith.mulf %get3A_638, %broadcast_in_dim3A_614 : vector<16xf32>
          %swap3A_640 = arith.index_cast %add3A_611 : i32 to index
          %swap3A_641 = arith.constant 48 : index
          %swap3A_642 = tpu.vector_load %arg11[%swap3A_640, %swap3A_641] {strides = array<i32>} : memref<128x64xf32, #tpu.memory_space<vmem>>, vector<16xf32>,
          tpu.vector_store %arg11[%swap3A_640, %swap3A_641], %mul3A_639 {strides = array<i32>} : memref<128x64xf32, #tpu.memory_space<vmem>>, vector<16xf32>,
          %mul3A_643 = arith.constant 16 : i32
          %mul3A_644 = arith.muli %scan3A_116, %mul3A_643 : i32
          %add3A_645 = arith.constant 15 : i32
          %add3A_646 = arith.addi %mul3A_644, %add3A_645 : i32
          %slice3A_647 = vector.extract_strided_slice %get3A_120 {offsets = [15], sizes = [1], strides = [1]} : vector<16xf32> to vector<1xf32>
          %squeeze3A_648 = vector.extract %slice3A_647[0] : f32 from vector<1xf32>
          %broadcast_in_dim3A_649 = vector.broadcast %squeeze3A_648 : f32 to vector<16xf32>
          %get3A_650 = arith.index_cast %add3A_646 : i32 to index
          %get3A_651 = arith.constant 0 : index
          %get3A_652 = tpu.vector_load %arg11[%get3A_650, %get3A_651] {strides = array<i32>} : memref<128x64xf32, #tpu.memory_space<vmem>>, vector<16xf32>,
          %mul3A_653 = arith.mulf %get3A_652, %broadcast_in_dim3A_649 : vector<16xf32>
          %swap3A_654 = arith.index_cast %add3A_646 : i32 to index
          %swap3A_655 = arith.constant 0 : index
          %swap3A_656 = tpu.vector_load %arg11[%swap3A_654, %swap3A_655] {strides = array<i32>} : memref<128x64xf32, #tpu.memory_space<vmem>>, vector<16xf32>,
          tpu.vector_store %arg11[%swap3A_654, %swap3A_655], %mul3A_653 {strides = array<i32>} : memref<128x64xf32, #tpu.memory_space<vmem>>, vector<16xf32>,
          %get3A_657 = arith.index_cast %add3A_646 : i32 to index
          %get3A_658 = arith.constant 16 : index
          %get3A_659 = tpu.vector_load %arg11[%get3A_657, %get3A_658] {strides = array<i32>} : memref<128x64xf32, #tpu.memory_space<vmem>>, vector<16xf32>,
          %mul3A_660 = arith.mulf %get3A_659, %broadcast_in_dim3A_649 : vector<16xf32>
          %swap3A_661 = arith.index_cast %add3A_646 : i32 to index
          %swap3A_662 = arith.constant 16 : index
          %swap3A_663 = tpu.vector_load %arg11[%swap3A_661, %swap3A_662] {strides = array<i32>} : memref<128x64xf32, #tpu.memory_space<vmem>>, vector<16xf32>,
          tpu.vector_store %arg11[%swap3A_661, %swap3A_662], %mul3A_660 {strides = array<i32>} : memref<128x64xf32, #tpu.memory_space<vmem>>, vector<16xf32>,
          %get3A_664 = arith.index_cast %add3A_646 : i32 to index
          %get3A_665 = arith.constant 32 : index
          %get3A_666 = tpu.vector_load %arg11[%get3A_664, %get3A_665] {strides = array<i32>} : memref<128x64xf32, #tpu.memory_space<vmem>>, vector<16xf32>,
          %mul3A_667 = arith.mulf %get3A_666, %broadcast_in_dim3A_649 : vector<16xf32>
          %swap3A_668 = arith.index_cast %add3A_646 : i32 to index
          %swap3A_669 = arith.constant 32 : index
          %swap3A_670 = tpu.vector_load %arg11[%swap3A_668, %swap3A_669] {strides = array<i32>} : memref<128x64xf32, #tpu.memory_space<vmem>>, vector<16xf32>,
          tpu.vector_store %arg11[%swap3A_668, %swap3A_669], %mul3A_667 {strides = array<i32>} : memref<128x64xf32, #tpu.memory_space<vmem>>, vector<16xf32>,
          %get3A_671 = arith.index_cast %add3A_646 : i32 to index
          %get3A_672 = arith.constant 48 : index
          %get3A_673 = tpu.vector_load %arg11[%get3A_671, %get3A_672] {strides = array<i32>} : memref<128x64xf32, #tpu.memory_space<vmem>>, vector<16xf32>,
          %mul3A_674 = arith.mulf %get3A_673, %broadcast_in_dim3A_649 : vector<16xf32>
          %swap3A_675 = arith.index_cast %add3A_646 : i32 to index
          %swap3A_676 = arith.constant 48 : index
          %swap3A_677 = tpu.vector_load %arg11[%swap3A_675, %swap3A_676] {strides = array<i32>} : memref<128x64xf32, #tpu.memory_space<vmem>>, vector<16xf32>,
          tpu.vector_store %arg11[%swap3A_675, %swap3A_676], %mul3A_674 {strides = array<i32>} : memref<128x64xf32, #tpu.memory_space<vmem>>, vector<16xf32>,
        }
        %scan3A_107 = arith.constant 8 : i32
        %add3A_108 = arith.constant 1 : i32
        %add3A_109 = arith.addi %mul3A_59, %add3A_108 : i32
        %dma_start3A_110 = arith.constant 0 : i32
        %dma_start3A_111 = tpu.memref_slice %arg8[%add3A_109, %dma_start3A_110] : memref<32x128xi32, #tpu.memory_space<vmem>> -> memref<1x128xi32, #tpu.memory_space<vmem>>
        %dma_start3A_112 = tpu.memref_squeeze %dma_start3A_111 : memref<1x128xi32, #tpu.memory_space<vmem>> -> memref<128xi32, #tpu.memory_space<vmem>>
        %dma_start3A_113 = arith.constant 0 : i32
        %dma_start3A_114 = arith.constant 0 : i32
        %dma_start3A_115 = tpu.memref_slice %arg12[%dma_start3A_113, %dma_start3A_114] : memref<10240x64xf32, #tpu.memory_space<vmem_shared>> -> memref<10240x64xf32, #tpu.memory_space<vmem_shared>>
        tpu.enqueue_indirect_dma source(%arg11 : memref<128x64xf32, #tpu.memory_space<vmem>>) target(%dma_start3A_115 : memref<10240x64xf32, #tpu.memory_space<vmem_shared>>) offsets(%dma_start3A_112 : memref<128xi32, #tpu.memory_space<vmem>>) semaphore(%arg16 : memref<!tpu.dma_semaphore, #tpu.memory_space<semaphore_mem>>) {add = true}
      }
      %scan3A_43 = arith.constant 16 : i32
      %dma_wait3A = arith.constant 0 : i32
      %dma_wait3A_44 = arith.constant 0 : i32
      %dma_wait3A_45 = tpu.memref_slice %arg8[%dma_wait3A, %dma_wait3A_44] : memref<32x128xi32, #tpu.memory_space<vmem>> -> memref<1x128xi32, #tpu.memory_space<vmem>>
      %dma_wait3A_46 = tpu.memref_squeeze %dma_wait3A_45 : memref<1x128xi32, #tpu.memory_space<vmem>> -> memref<128xi32, #tpu.memory_space<vmem>>
      %dma_wait3A_47 = arith.constant 0 : i32
      %dma_wait3A_48 = arith.constant 0 : i32
      %dma_wait3A_49 = tpu.memref_slice %arg12[%dma_wait3A_47, %dma_wait3A_48] : memref<10240x64xf32, #tpu.memory_space<vmem_shared>> -> memref<10240x64xf32, #tpu.memory_space<vmem_shared>>
      tpu.wait_indirect_dma semaphore(%arg15 : memref<!tpu.dma_semaphore, #tpu.memory_space<semaphore_mem>>) src(%arg10 : memref<128x64xf32, #tpu.memory_space<vmem>>) dst(%dma_wait3A_49 : memref<10240x64xf32, #tpu.memory_space<vmem_shared>>)
      %dma_wait3A_50 = arith.constant 0 : i32
      %dma_wait3A_51 = arith.constant 0 : i32
      %dma_wait3A_52 = tpu.memref_slice %arg8[%dma_wait3A_50, %dma_wait3A_51] : memref<32x128xi32, #tpu.memory_space<vmem>> -> memref<1x128xi32, #tpu.memory_space<vmem>>
      %dma_wait3A_53 = tpu.memref_squeeze %dma_wait3A_52 : memref<1x128xi32, #tpu.memory_space<vmem>> -> memref<128xi32, #tpu.memory_space<vmem>>
      %dma_wait3A_54 = arith.constant 0 : i32
      %dma_wait3A_55 = arith.constant 0 : i32
      %dma_wait3A_56 = tpu.memref_slice %arg12[%dma_wait3A_54, %dma_wait3A_55] : memref<10240x64xf32, #tpu.memory_space<vmem_shared>> -> memref<10240x64xf32, #tpu.memory_space<vmem_shared>>
      tpu.wait_indirect_dma semaphore(%arg16 : memref<!tpu.dma_semaphore, #tpu.memory_space<semaphore_mem>>) src(%arg11 : memref<128x64xf32, #tpu.memory_space<vmem>>) dst(%dma_wait3A_56 : memref<10240x64xf32, #tpu.memory_space<vmem_shared>>)
    }
    %scan3A_21 = arith.constant 5 : i32
    %barrier3A_22 = arith.constant 0 : index
    tpu.barrier barrier_id(%barrier3A_22)
    "tpu.region"() ({
      %run_scoped3A = tpu.sem_alloc : memref<!tpu.dma_semaphore, #tpu.memory_space<semaphore_mem>>
      %dma_start3A = arith.constant 0 : i32
      %dma_start3A_23 = tpu.memref_slice %arg6[%arg0, %mul3A_6, %dma_start3A] : memref<2x10240x64xf32, #tpu.memory_space<hbm>> -> memref<1x640x64xf32, #tpu.memory_space<hbm>>
      %dma_start3A_24 = tpu.memref_squeeze %dma_start3A_23 : memref<1x640x64xf32, #tpu.memory_space<hbm>> -> memref<640x64xf32, #tpu.memory_space<hbm>>
      %dma_start3A_25 = arith.constant 0 : i32
      %dma_start3A_26 = tpu.memref_slice %arg12[%mul3A_6, %dma_start3A_25] : memref<10240x64xf32, #tpu.memory_space<vmem_shared>> -> memref<640x64xf32, #tpu.memory_space<vmem_shared>>
      tpu.enqueue_dma source(%dma_start3A_26 : memref<640x64xf32, #tpu.memory_space<vmem_shared>>) target(%dma_start3A_24 : memref<640x64xf32, #tpu.memory_space<hbm>>) target_semaphore(%run_scoped3A : memref<!tpu.dma_semaphore, #tpu.memory_space<semaphore_mem>>)
      %dma_wait3A = arith.constant 0 : i32
      %dma_wait3A_27 = tpu.memref_slice %arg6[%arg0, %mul3A_6, %dma_wait3A] : memref<2x10240x64xf32, #tpu.memory_space<hbm>> -> memref<1x640x64xf32, #tpu.memory_space<hbm>>
      %dma_wait3A_28 = tpu.memref_squeeze %dma_wait3A_27 : memref<1x640x64xf32, #tpu.memory_space<hbm>> -> memref<640x64xf32, #tpu.memory_space<hbm>>
      %dma_wait3A_29 = arith.constant 0 : i32
      %dma_wait3A_30 = tpu.memref_slice %arg12[%mul3A_6, %dma_wait3A_29] : memref<10240x64xf32, #tpu.memory_space<vmem_shared>> -> memref<640x64xf32, #tpu.memory_space<vmem_shared>>
      tpu.wait_dma2 semaphore(%run_scoped3A : memref<!tpu.dma_semaphore, #tpu.memory_space<semaphore_mem>>) src(%dma_wait3A_30 : memref<640x64xf32, #tpu.memory_space<vmem_shared>>) dst(%dma_wait3A_28 : memref<640x64xf32, #tpu.memory_space<hbm>>)
      tpu.yield
    }) : () -> ()
    return
  }
}

#map = affine_map<(d0, d1) -> (0, 0)>
#map1 = affine_map<(d0, d1) -> (0, 0, 0)>
module attributes {stable_mosaic.version = 14 : i64} {
  func.func @k(%arg0: i32, %arg1: i32, %arg2: memref<180000x64xf32, #tpu.memory_space<hbm>>, %arg3: memref<16x160x128xi32, #tpu.memory_space<hbm>>, %arg4: memref<16x160x128xi32, #tpu.memory_space<hbm>>, %arg5: memref<16x160x128xf32, #tpu.memory_space<hbm>>, %arg6: memref<2x10240x64xf32, #tpu.memory_space<hbm>>, %arg7: memref<32x128xi32, #tpu.memory_space<vmem>>, %arg8: memref<32x128xi32, #tpu.memory_space<vmem>>, %arg9: memref<32x128xf32, #tpu.memory_space<vmem>>, %arg10: memref<128x64xf32, #tpu.memory_space<vmem>>, %arg11: memref<128x64xf32, #tpu.memory_space<vmem>>, %arg12: memref<10240x64xf32, #tpu.memory_space<vmem_shared>>, %arg13: memref<!tpu.dma_semaphore, #tpu.memory_space<semaphore_mem>>, %arg14: memref<!tpu.dma_semaphore, #tpu.memory_space<semaphore_mem>>, %arg15: memref<!tpu.dma_semaphore, #tpu.memory_space<semaphore_mem>>, %arg16: memref<!tpu.dma_semaphore, #tpu.memory_space<semaphore_mem>>) attributes {dimension_semantics = [#tpu.dimension_semantics<core_parallel>, #tpu.dimension_semantics<subcore_parallel>], iteration_bounds = array<i64: 2, 16>, scalar_prefetch = 0 : i64, scratch_operands = 10 : i64, tpu.core_type = #tpu.core_type<sc_vector_subcore>, window_params = [{transform_indices = #map}, {transform_indices = #map1}, {transform_indices = #map1}, {transform_indices = #map1}, {transform_indices = #map1}]} {
    %broadcast_in_dim3A = arith.constant 0.000000e+00 : f32
    %broadcast_in_dim3A_0 = vector.broadcast %broadcast_in_dim3A : f32 to vector<16xf32>
    %scan3A = arith.constant 0 : i32
    %scan3A_1 = arith.constant 0 : i32
    %scan3A_2 = arith.constant 128 : i32
    %scan3A_3 = arith.addi %scan3A_1, %scan3A_2 : i32
    %scan3A_4 = arith.constant 1 : i32
    scf.for %scan3A_23 = %scan3A_1 to %scan3A_3 step %scan3A_4  : i32 {
      %swap3A = arith.index_cast %scan3A_23 : i32 to index
      %swap3A_24 = arith.constant 0 : index
      %swap3A_25 = tpu.vector_load %arg10[%swap3A, %swap3A_24] {strides = array<i32>} : memref<128x64xf32, #tpu.memory_space<vmem>>, vector<16xf32>,
      tpu.vector_store %arg10[%swap3A, %swap3A_24], %broadcast_in_dim3A_0 {strides = array<i32>} : memref<128x64xf32, #tpu.memory_space<vmem>>, vector<16xf32>,
      %swap3A_26 = arith.index_cast %scan3A_23 : i32 to index
      %swap3A_27 = arith.constant 16 : index
      %swap3A_28 = tpu.vector_load %arg10[%swap3A_26, %swap3A_27] {strides = array<i32>} : memref<128x64xf32, #tpu.memory_space<vmem>>, vector<16xf32>,
      tpu.vector_store %arg10[%swap3A_26, %swap3A_27], %broadcast_in_dim3A_0 {strides = array<i32>} : memref<128x64xf32, #tpu.memory_space<vmem>>, vector<16xf32>,
      %swap3A_29 = arith.index_cast %scan3A_23 : i32 to index
      %swap3A_30 = arith.constant 32 : index
      %swap3A_31 = tpu.vector_load %arg10[%swap3A_29, %swap3A_30] {strides = array<i32>} : memref<128x64xf32, #tpu.memory_space<vmem>>, vector<16xf32>,
      tpu.vector_store %arg10[%swap3A_29, %swap3A_30], %broadcast_in_dim3A_0 {strides = array<i32>} : memref<128x64xf32, #tpu.memory_space<vmem>>, vector<16xf32>,
      %swap3A_32 = arith.index_cast %scan3A_23 : i32 to index
      %swap3A_33 = arith.constant 48 : index
      %swap3A_34 = tpu.vector_load %arg10[%swap3A_32, %swap3A_33] {strides = array<i32>} : memref<128x64xf32, #tpu.memory_space<vmem>>, vector<16xf32>,
      tpu.vector_store %arg10[%swap3A_32, %swap3A_33], %broadcast_in_dim3A_0 {strides = array<i32>} : memref<128x64xf32, #tpu.memory_space<vmem>>, vector<16xf32>,
    }
    %scan3A_5 = arith.constant 128 : i32
    %mul3A = arith.constant 640 : i32
    %mul3A_6 = arith.muli %arg1, %mul3A : i32
    %add3A = arith.constant 0 : i32
    %add3A_7 = arith.addi %mul3A_6, %add3A : i32
    "tpu.region"() ({
      %run_scoped3A = tpu.sem_alloc : memref<!tpu.dma_semaphore, #tpu.memory_space<semaphore_mem>>
      %dma_start3A = arith.constant 0 : i32
      %dma_start3A_23 = tpu.memref_slice %arg12[%add3A_7, %dma_start3A] : memref<10240x64xf32, #tpu.memory_space<vmem_shared>> -> memref<128x64xf32, #tpu.memory_space<vmem_shared>>
      %dma_start3A_24 = arith.constant 0 : i32
      %dma_start3A_25 = tpu.memref_slice %arg12[%add3A_7, %dma_start3A_24] : memref<10240x64xf32, #tpu.memory_space<vmem_shared>> -> memref<128x64xf32, #tpu.memory_space<vmem_shared>>
      tpu.enqueue_dma source(%arg10 : memref<128x64xf32, #tpu.memory_space<vmem>>) target(%dma_start3A_25 : memref<128x64xf32, #tpu.memory_space<vmem_shared>>) target_semaphore(%run_scoped3A : memref<!tpu.dma_semaphore, #tpu.memory_space<semaphore_mem>>)
      %dma_wait3A = arith.constant 0 : i32
      %dma_wait3A_26 = tpu.memref_slice %arg12[%add3A_7, %dma_wait3A] : memref<10240x64xf32, #tpu.memory_space<vmem_shared>> -> memref<128x64xf32, #tpu.memory_space<vmem_shared>>
      %dma_wait3A_27 = arith.constant 0 : i32
      %dma_wait3A_28 = tpu.memref_slice %arg12[%add3A_7, %dma_wait3A_27] : memref<10240x64xf32, #tpu.memory_space<vmem_shared>> -> memref<128x64xf32, #tpu.memory_space<vmem_shared>>
      tpu.wait_dma2 semaphore(%run_scoped3A : memref<!tpu.dma_semaphore, #tpu.memory_space<semaphore_mem>>) src(%arg10 : memref<128x64xf32, #tpu.memory_space<vmem>>) dst(%dma_wait3A_28 : memref<128x64xf32, #tpu.memory_space<vmem_shared>>)
      tpu.yield
    }) : () -> ()
    %add3A_8 = arith.constant 128 : i32
    %add3A_9 = arith.addi %mul3A_6, %add3A_8 : i32
    "tpu.region"() ({
      %run_scoped3A = tpu.sem_alloc : memref<!tpu.dma_semaphore, #tpu.memory_space<semaphore_mem>>
      %dma_start3A = arith.constant 0 : i32
      %dma_start3A_23 = tpu.memref_slice %arg12[%add3A_9, %dma_start3A] : memref<10240x64xf32, #tpu.memory_space<vmem_shared>> -> memref<128x64xf32, #tpu.memory_space<vmem_shared>>
      %dma_start3A_24 = arith.constant 0 : i32
      %dma_start3A_25 = tpu.memref_slice %arg12[%add3A_9, %dma_start3A_24] : memref<10240x64xf32, #tpu.memory_space<vmem_shared>> -> memref<128x64xf32, #tpu.memory_space<vmem_shared>>
      tpu.enqueue_dma source(%arg10 : memref<128x64xf32, #tpu.memory_space<vmem>>) target(%dma_start3A_25 : memref<128x64xf32, #tpu.memory_space<vmem_shared>>) target_semaphore(%run_scoped3A : memref<!tpu.dma_semaphore, #tpu.memory_space<semaphore_mem>>)
      %dma_wait3A = arith.constant 0 : i32
      %dma_wait3A_26 = tpu.memref_slice %arg12[%add3A_9, %dma_wait3A] : memref<10240x64xf32, #tpu.memory_space<vmem_shared>> -> memref<128x64xf32, #tpu.memory_space<vmem_shared>>
      %dma_wait3A_27 = arith.constant 0 : i32
      %dma_wait3A_28 = tpu.memref_slice %arg12[%add3A_9, %dma_wait3A_27] : memref<10240x64xf32, #tpu.memory_space<vmem_shared>> -> memref<128x64xf32, #tpu.memory_space<vmem_shared>>
      tpu.wait_dma2 semaphore(%run_scoped3A : memref<!tpu.dma_semaphore, #tpu.memory_space<semaphore_mem>>) src(%arg10 : memref<128x64xf32, #tpu.memory_space<vmem>>) dst(%dma_wait3A_28 : memref<128x64xf32, #tpu.memory_space<vmem_shared>>)
      tpu.yield
    }) : () -> ()
    %add3A_10 = arith.constant 256 : i32
    %add3A_11 = arith.addi %mul3A_6, %add3A_10 : i32
    "tpu.region"() ({
      %run_scoped3A = tpu.sem_alloc : memref<!tpu.dma_semaphore, #tpu.memory_space<semaphore_mem>>
      %dma_start3A = arith.constant 0 : i32
      %dma_start3A_23 = tpu.memref_slice %arg12[%add3A_11, %dma_start3A] : memref<10240x64xf32, #tpu.memory_space<vmem_shared>> -> memref<128x64xf32, #tpu.memory_space<vmem_shared>>
      %dma_start3A_24 = arith.constant 0 : i32
      %dma_start3A_25 = tpu.memref_slice %arg12[%add3A_11, %dma_start3A_24] : memref<10240x64xf32, #tpu.memory_space<vmem_shared>> -> memref<128x64xf32, #tpu.memory_space<vmem_shared>>
      tpu.enqueue_dma source(%arg10 : memref<128x64xf32, #tpu.memory_space<vmem>>) target(%dma_start3A_25 : memref<128x64xf32, #tpu.memory_space<vmem_shared>>) target_semaphore(%run_scoped3A : memref<!tpu.dma_semaphore, #tpu.memory_space<semaphore_mem>>)
      %dma_wait3A = arith.constant 0 : i32
      %dma_wait3A_26 = tpu.memref_slice %arg12[%add3A_11, %dma_wait3A] : memref<10240x64xf32, #tpu.memory_space<vmem_shared>> -> memref<128x64xf32, #tpu.memory_space<vmem_shared>>
      %dma_wait3A_27 = arith.constant 0 : i32
      %dma_wait3A_28 = tpu.memref_slice %arg12[%add3A_11, %dma_wait3A_27] : memref<10240x64xf32, #tpu.memory_space<vmem_shared>> -> memref<128x64xf32, #tpu.memory_space<vmem_shared>>
      tpu.wait_dma2 semaphore(%run_scoped3A : memref<!tpu.dma_semaphore, #tpu.memory_space<semaphore_mem>>) src(%arg10 : memref<128x64xf32, #tpu.memory_space<vmem>>) dst(%dma_wait3A_28 : memref<128x64xf32, #tpu.memory_space<vmem_shared>>)
      tpu.yield
    }) : () -> ()
    %add3A_12 = arith.constant 384 : i32
    %add3A_13 = arith.addi %mul3A_6, %add3A_12 : i32
    "tpu.region"() ({
      %run_scoped3A = tpu.sem_alloc : memref<!tpu.dma_semaphore, #tpu.memory_space<semaphore_mem>>
      %dma_start3A = arith.constant 0 : i32
      %dma_start3A_23 = tpu.memref_slice %arg12[%add3A_13, %dma_start3A] : memref<10240x64xf32, #tpu.memory_space<vmem_shared>> -> memref<128x64xf32, #tpu.memory_space<vmem_shared>>
      %dma_start3A_24 = arith.constant 0 : i32
      %dma_start3A_25 = tpu.memref_slice %arg12[%add3A_13, %dma_start3A_24] : memref<10240x64xf32, #tpu.memory_space<vmem_shared>> -> memref<128x64xf32, #tpu.memory_space<vmem_shared>>
      tpu.enqueue_dma source(%arg10 : memref<128x64xf32, #tpu.memory_space<vmem>>) target(%dma_start3A_25 : memref<128x64xf32, #tpu.memory_space<vmem_shared>>) target_semaphore(%run_scoped3A : memref<!tpu.dma_semaphore, #tpu.memory_space<semaphore_mem>>)
      %dma_wait3A = arith.constant 0 : i32
      %dma_wait3A_26 = tpu.memref_slice %arg12[%add3A_13, %dma_wait3A] : memref<10240x64xf32, #tpu.memory_space<vmem_shared>> -> memref<128x64xf32, #tpu.memory_space<vmem_shared>>
      %dma_wait3A_27 = arith.constant 0 : i32
      %dma_wait3A_28 = tpu.memref_slice %arg12[%add3A_13, %dma_wait3A_27] : memref<10240x64xf32, #tpu.memory_space<vmem_shared>> -> memref<128x64xf32, #tpu.memory_space<vmem_shared>>
      tpu.wait_dma2 semaphore(%run_scoped3A : memref<!tpu.dma_semaphore, #tpu.memory_space<semaphore_mem>>) src(%arg10 : memref<128x64xf32, #tpu.memory_space<vmem>>) dst(%dma_wait3A_28 : memref<128x64xf32, #tpu.memory_space<vmem_shared>>)
      tpu.yield
    }) : () -> ()
    %add3A_14 = arith.constant 512 : i32
    %add3A_15 = arith.addi %mul3A_6, %add3A_14 : i32
    "tpu.region"() ({
      %run_scoped3A = tpu.sem_alloc : memref<!tpu.dma_semaphore, #tpu.memory_space<semaphore_mem>>
      %dma_start3A = arith.constant 0 : i32
      %dma_start3A_23 = tpu.memref_slice %arg12[%add3A_15, %dma_start3A] : memref<10240x64xf32, #tpu.memory_space<vmem_shared>> -> memref<128x64xf32, #tpu.memory_space<vmem_shared>>
      %dma_start3A_24 = arith.constant 0 : i32
      %dma_start3A_25 = tpu.memref_slice %arg12[%add3A_15, %dma_start3A_24] : memref<10240x64xf32, #tpu.memory_space<vmem_shared>> -> memref<128x64xf32, #tpu.memory_space<vmem_shared>>
      tpu.enqueue_dma source(%arg10 : memref<128x64xf32, #tpu.memory_space<vmem>>) target(%dma_start3A_25 : memref<128x64xf32, #tpu.memory_space<vmem_shared>>) target_semaphore(%run_scoped3A : memref<!tpu.dma_semaphore, #tpu.memory_space<semaphore_mem>>)
      %dma_wait3A = arith.constant 0 : i32
      %dma_wait3A_26 = tpu.memref_slice %arg12[%add3A_15, %dma_wait3A] : memref<10240x64xf32, #tpu.memory_space<vmem_shared>> -> memref<128x64xf32, #tpu.memory_space<vmem_shared>>
      %dma_wait3A_27 = arith.constant 0 : i32
      %dma_wait3A_28 = tpu.memref_slice %arg12[%add3A_15, %dma_wait3A_27] : memref<10240x64xf32, #tpu.memory_space<vmem_shared>> -> memref<128x64xf32, #tpu.memory_space<vmem_shared>>
      tpu.wait_dma2 semaphore(%run_scoped3A : memref<!tpu.dma_semaphore, #tpu.memory_space<semaphore_mem>>) src(%arg10 : memref<128x64xf32, #tpu.memory_space<vmem>>) dst(%dma_wait3A_28 : memref<128x64xf32, #tpu.memory_space<vmem_shared>>)
      tpu.yield
    }) : () -> ()
    %barrier3A = arith.constant 0 : index
    tpu.barrier barrier_id(%barrier3A)
    %scan3A_16 = arith.constant 0 : i32
    %scan3A_17 = arith.constant 0 : i32
    %scan3A_18 = arith.constant 5 : i32
    %scan3A_19 = arith.addi %scan3A_17, %scan3A_18 : i32
    %scan3A_20 = arith.constant 1 : i32
    scf.for %scan3A_23 = %scan3A_17 to %scan3A_19 step %scan3A_20  : i32 {
      %mul3A_24 = arith.constant 32 : i32
      %mul3A_25 = arith.muli %scan3A_23, %mul3A_24 : i32
      "tpu.region"() ({
        %run_scoped3A = tpu.sem_alloc : memref<!tpu.dma_semaphore, #tpu.memory_space<semaphore_mem>>
        %dma_start3A_57 = arith.constant 0 : i32
        %dma_start3A_58 = tpu.memref_slice %arg3[%arg1, %mul3A_25, %dma_start3A_57] : memref<16x160x128xi32, #tpu.memory_space<hbm>> -> memref<1x32x128xi32, #tpu.memory_space<hbm>>
        %dma_start3A_59 = tpu.memref_squeeze %dma_start3A_58 : memref<1x32x128xi32, #tpu.memory_space<hbm>> -> memref<32x128xi32, #tpu.memory_space<hbm>>
        %dma_start3A_60 = arith.constant 0 : i32
        %dma_start3A_61 = tpu.memref_slice %arg3[%arg1, %mul3A_25, %dma_start3A_60] : memref<16x160x128xi32, #tpu.memory_space<hbm>> -> memref<1x32x128xi32, #tpu.memory_space<hbm>>
        %dma_start3A_62 = tpu.memref_squeeze %dma_start3A_61 : memref<1x32x128xi32, #tpu.memory_space<hbm>> -> memref<32x128xi32, #tpu.memory_space<hbm>>
        tpu.enqueue_dma source(%dma_start3A_62 : memref<32x128xi32, #tpu.memory_space<hbm>>) target(%arg7 : memref<32x128xi32, #tpu.memory_space<vmem>>) target_semaphore(%run_scoped3A : memref<!tpu.dma_semaphore, #tpu.memory_space<semaphore_mem>>)
        %dma_wait3A_63 = arith.constant 0 : i32
        %dma_wait3A_64 = tpu.memref_slice %arg3[%arg1, %mul3A_25, %dma_wait3A_63] : memref<16x160x128xi32, #tpu.memory_space<hbm>> -> memref<1x32x128xi32, #tpu.memory_space<hbm>>
        %dma_wait3A_65 = tpu.memref_squeeze %dma_wait3A_64 : memref<1x32x128xi32, #tpu.memory_space<hbm>> -> memref<32x128xi32, #tpu.memory_space<hbm>>
        %dma_wait3A_66 = arith.constant 0 : i32
        %dma_wait3A_67 = tpu.memref_slice %arg3[%arg1, %mul3A_25, %dma_wait3A_66] : memref<16x160x128xi32, #tpu.memory_space<hbm>> -> memref<1x32x128xi32, #tpu.memory_space<hbm>>
        %dma_wait3A_68 = tpu.memref_squeeze %dma_wait3A_67 : memref<1x32x128xi32, #tpu.memory_space<hbm>> -> memref<32x128xi32, #tpu.memory_space<hbm>>
        tpu.wait_dma2 semaphore(%run_scoped3A : memref<!tpu.dma_semaphore, #tpu.memory_space<semaphore_mem>>) src(%dma_wait3A_68 : memref<32x128xi32, #tpu.memory_space<hbm>>) dst(%arg7 : memref<32x128xi32, #tpu.memory_space<vmem>>)
        tpu.yield
      }) : () -> ()
      "tpu.region"() ({
        %run_scoped3A = tpu.sem_alloc : memref<!tpu.dma_semaphore, #tpu.memory_space<semaphore_mem>>
        %dma_start3A_57 = arith.constant 0 : i32
        %dma_start3A_58 = tpu.memref_slice %arg4[%arg1, %mul3A_25, %dma_start3A_57] : memref<16x160x128xi32, #tpu.memory_space<hbm>> -> memref<1x32x128xi32, #tpu.memory_space<hbm>>
        %dma_start3A_59 = tpu.memref_squeeze %dma_start3A_58 : memref<1x32x128xi32, #tpu.memory_space<hbm>> -> memref<32x128xi32, #tpu.memory_space<hbm>>
        %dma_start3A_60 = arith.constant 0 : i32
        %dma_start3A_61 = tpu.memref_slice %arg4[%arg1, %mul3A_25, %dma_start3A_60] : memref<16x160x128xi32, #tpu.memory_space<hbm>> -> memref<1x32x128xi32, #tpu.memory_space<hbm>>
        %dma_start3A_62 = tpu.memref_squeeze %dma_start3A_61 : memref<1x32x128xi32, #tpu.memory_space<hbm>> -> memref<32x128xi32, #tpu.memory_space<hbm>>
        tpu.enqueue_dma source(%dma_start3A_62 : memref<32x128xi32, #tpu.memory_space<hbm>>) target(%arg8 : memref<32x128xi32, #tpu.memory_space<vmem>>) target_semaphore(%run_scoped3A : memref<!tpu.dma_semaphore, #tpu.memory_space<semaphore_mem>>)
        %dma_wait3A_63 = arith.constant 0 : i32
        %dma_wait3A_64 = tpu.memref_slice %arg4[%arg1, %mul3A_25, %dma_wait3A_63] : memref<16x160x128xi32, #tpu.memory_space<hbm>> -> memref<1x32x128xi32, #tpu.memory_space<hbm>>
        %dma_wait3A_65 = tpu.memref_squeeze %dma_wait3A_64 : memref<1x32x128xi32, #tpu.memory_space<hbm>> -> memref<32x128xi32, #tpu.memory_space<hbm>>
        %dma_wait3A_66 = arith.constant 0 : i32
        %dma_wait3A_67 = tpu.memref_slice %arg4[%arg1, %mul3A_25, %dma_wait3A_66] : memref<16x160x128xi32, #tpu.memory_space<hbm>> -> memref<1x32x128xi32, #tpu.memory_space<hbm>>
        %dma_wait3A_68 = tpu.memref_squeeze %dma_wait3A_67 : memref<1x32x128xi32, #tpu.memory_space<hbm>> -> memref<32x128xi32, #tpu.memory_space<hbm>>
        tpu.wait_dma2 semaphore(%run_scoped3A : memref<!tpu.dma_semaphore, #tpu.memory_space<semaphore_mem>>) src(%dma_wait3A_68 : memref<32x128xi32, #tpu.memory_space<hbm>>) dst(%arg8 : memref<32x128xi32, #tpu.memory_space<vmem>>)
        tpu.yield
      }) : () -> ()
      "tpu.region"() ({
        %run_scoped3A = tpu.sem_alloc : memref<!tpu.dma_semaphore, #tpu.memory_space<semaphore_mem>>
        %dma_start3A_57 = arith.constant 0 : i32
        %dma_start3A_58 = tpu.memref_slice %arg5[%arg1, %mul3A_25, %dma_start3A_57] : memref<16x160x128xf32, #tpu.memory_space<hbm>> -> memref<1x32x128xf32, #tpu.memory_space<hbm>>
        %dma_start3A_59 = tpu.memref_squeeze %dma_start3A_58 : memref<1x32x128xf32, #tpu.memory_space<hbm>> -> memref<32x128xf32, #tpu.memory_space<hbm>>
        %dma_start3A_60 = arith.constant 0 : i32
        %dma_start3A_61 = tpu.memref_slice %arg5[%arg1, %mul3A_25, %dma_start3A_60] : memref<16x160x128xf32, #tpu.memory_space<hbm>> -> memref<1x32x128xf32, #tpu.memory_space<hbm>>
        %dma_start3A_62 = tpu.memref_squeeze %dma_start3A_61 : memref<1x32x128xf32, #tpu.memory_space<hbm>> -> memref<32x128xf32, #tpu.memory_space<hbm>>
        tpu.enqueue_dma source(%dma_start3A_62 : memref<32x128xf32, #tpu.memory_space<hbm>>) target(%arg9 : memref<32x128xf32, #tpu.memory_space<vmem>>) target_semaphore(%run_scoped3A : memref<!tpu.dma_semaphore, #tpu.memory_space<semaphore_mem>>)
        %dma_wait3A_63 = arith.constant 0 : i32
        %dma_wait3A_64 = tpu.memref_slice %arg5[%arg1, %mul3A_25, %dma_wait3A_63] : memref<16x160x128xf32, #tpu.memory_space<hbm>> -> memref<1x32x128xf32, #tpu.memory_space<hbm>>
        %dma_wait3A_65 = tpu.memref_squeeze %dma_wait3A_64 : memref<1x32x128xf32, #tpu.memory_space<hbm>> -> memref<32x128xf32, #tpu.memory_space<hbm>>
        %dma_wait3A_66 = arith.constant 0 : i32
        %dma_wait3A_67 = tpu.memref_slice %arg5[%arg1, %mul3A_25, %dma_wait3A_66] : memref<16x160x128xf32, #tpu.memory_space<hbm>> -> memref<1x32x128xf32, #tpu.memory_space<hbm>>
        %dma_wait3A_68 = tpu.memref_squeeze %dma_wait3A_67 : memref<1x32x128xf32, #tpu.memory_space<hbm>> -> memref<32x128xf32, #tpu.memory_space<hbm>>
        tpu.wait_dma2 semaphore(%run_scoped3A : memref<!tpu.dma_semaphore, #tpu.memory_space<semaphore_mem>>) src(%dma_wait3A_68 : memref<32x128xf32, #tpu.memory_space<hbm>>) dst(%arg9 : memref<32x128xf32, #tpu.memory_space<vmem>>)
        tpu.yield
      }) : () -> ()
      %scan3A_26 = arith.constant 0 : i32
      %scan3A_27 = arith.constant 0 : i32
      %scan3A_28 = arith.constant 256 : i32
      %scan3A_29 = arith.addi %scan3A_27, %scan3A_28 : i32
      %scan3A_30 = arith.constant 1 : i32
      scf.for %scan3A_57 = %scan3A_27 to %scan3A_29 step %scan3A_30  : i32 {
        %jit3A = arith.constant 8 : i32
        %div3A = arith.divsi %scan3A_57, %jit3A : i32
        %sign3A = arith.constant 0 : i32
        %sign3A_58 = arith.cmpi sgt, %scan3A_57, %sign3A : i32
        %sign3A_59 = arith.extui %sign3A_58 : i1 to i32
        %sign3A_60 = arith.constant 0 : i32
        %sign3A_61 = arith.cmpi slt, %scan3A_57, %sign3A_60 : i32
        %sign3A_62 = arith.extui %sign3A_61 : i1 to i32
        %sign3A_63 = arith.subi %sign3A_59, %sign3A_62 : i32
        %sign3A_64 = arith.constant 0 : i32
        %sign3A_65 = arith.cmpi sgt, %jit3A, %sign3A_64 : i32
        %sign3A_66 = arith.extui %sign3A_65 : i1 to i32
        %sign3A_67 = arith.constant 0 : i32
        %sign3A_68 = arith.cmpi slt, %jit3A, %sign3A_67 : i32
        %sign3A_69 = arith.extui %sign3A_68 : i1 to i32
        %sign3A_70 = arith.subi %sign3A_66, %sign3A_69 : i32
        %ne3A = arith.cmpi ne, %sign3A_63, %sign3A_70 : i32
        %rem3A = arith.remsi %scan3A_57, %jit3A : i32
        %ne3A_71 = arith.constant 0 : i32
        %ne3A_72 = arith.cmpi ne, %rem3A, %ne3A_71 : i32
        %and3A = arith.andi %ne3A, %ne3A_72 : i1
        %sub3A = arith.constant 1 : i32
        %sub3A_73 = arith.subi %div3A, %sub3A : i32
        %select_n3A = arith.select %and3A, %sub3A_73, %div3A : i32
        %jit3A_74 = arith.constant 8 : i32
        %eq3A = arith.constant 0 : i32
        %eq3A_75 = arith.cmpi eq, %jit3A_74, %eq3A : i32
        %jit3A_76 = arith.constant 1 : i32
        %select_n3A_77 = arith.select %eq3A_75, %jit3A_76, %jit3A_74 : i32
        %rem3A_78 = arith.remsi %scan3A_57, %select_n3A_77 : i32
        %ne3A_79 = arith.constant 0 : i32
        %ne3A_80 = arith.cmpi ne, %rem3A_78, %ne3A_79 : i32
        %lt3A = arith.constant 0 : i32
        %lt3A_81 = arith.cmpi slt, %rem3A_78, %lt3A : i32
        %lt3A_82 = arith.constant 0 : i32
        %lt3A_83 = arith.cmpi slt, %select_n3A_77, %lt3A_82 : i32
        %ne3A_84 = arith.xori %lt3A_81, %lt3A_83 : i1
        %and3A_85 = arith.andi %ne3A_84, %ne3A_80 : i1
        %add3A_86 = arith.addi %rem3A_78, %select_n3A_77 : i32
        %select_n3A_87 = arith.select %and3A_85, %add3A_86, %rem3A_78 : i32
        %mul3A_88 = arith.constant 16 : i32
        %mul3A_89 = arith.muli %select_n3A_87, %mul3A_88 : i32
        %get3A = arith.index_cast %select_n3A : i32 to index
        %get3A_90 = arith.index_cast %mul3A_89 : i32 to index
        %get3A_91 = tpu.vector_load %arg7[%get3A, %get3A_90] {strides = array<i32>} : memref<32x128xi32, #tpu.memory_space<vmem>>, vector<16xi32>,
        %mul3A_92 = arith.constant 2 : i32
        %mul3A_93 = vector.broadcast %mul3A_92 : i32 to vector<16xi32>
        %mul3A_94 = arith.muli %get3A_91, %mul3A_93 : vector<16xi32>
        %add3A_95 = vector.broadcast %arg0 : i32 to vector<16xi32>
        %add3A_96 = arith.addi %mul3A_94, %add3A_95 : vector<16xi32>
        %swap3A = arith.index_cast %select_n3A : i32 to index
        %swap3A_97 = arith.index_cast %mul3A_89 : i32 to index
        %swap3A_98 = tpu.vector_load %arg7[%swap3A, %swap3A_97] {strides = array<i32>} : memref<32x128xi32, #tpu.memory_space<vmem>>, vector<16xi32>,
        tpu.vector_store %arg7[%swap3A, %swap3A_97], %add3A_96 {strides = array<i32>} : memref<32x128xi32, #tpu.memory_space<vmem>>, vector<16xi32>,
      }
      %scan3A_31 = arith.constant 256 : i32
      %dma_start3A = arith.constant 0 : i32
      %dma_start3A_32 = arith.constant 0 : i32
      %dma_start3A_33 = tpu.memref_slice %arg7[%dma_start3A, %dma_start3A_32] : memref<32x128xi32, #tpu.memory_space<vmem>> -> memref<1x128xi32, #tpu.memory_space<vmem>>
      %dma_start3A_34 = tpu.memref_squeeze %dma_start3A_33 : memref<1x128xi32, #tpu.memory_space<vmem>> -> memref<128xi32, #tpu.memory_space<vmem>>
      %dma_start3A_35 = arith.constant 0 : i32
      %dma_start3A_36 = arith.constant 0 : i32
      %dma_start3A_37 = tpu.memref_slice %arg2[%dma_start3A_35, %dma_start3A_36] : memref<180000x64xf32, #tpu.memory_space<hbm>> -> memref<180000x64xf32, #tpu.memory_space<hbm>>
      tpu.enqueue_indirect_dma source(%dma_start3A_37 : memref<180000x64xf32, #tpu.memory_space<hbm>>) target(%arg10 : memref<128x64xf32, #tpu.memory_space<vmem>>) offsets(%dma_start3A_34 : memref<128xi32, #tpu.memory_space<vmem>>) semaphore(%arg13 : memref<!tpu.dma_semaphore, #tpu.memory_space<semaphore_mem>>)
      %scan3A_38 = arith.constant 0 : i32
      %scan3A_39 = arith.constant 0 : i32
      %scan3A_40 = arith.constant 16 : i32
      %scan3A_41 = arith.addi %scan3A_39, %scan3A_40 : i32
      %scan3A_42 = arith.constant 1 : i32
      scf.for %scan3A_57 = %scan3A_39 to %scan3A_41 step %scan3A_42  : i32 {
        %mul3A_58 = arith.constant 2 : i32
        %mul3A_59 = arith.muli %mul3A_58, %scan3A_57 : i32
        %gt3A = arith.constant 0 : i32
        %gt3A_60 = arith.cmpi sgt, %scan3A_57, %gt3A : i32
        %convert_element_type3A = arith.extui %gt3A_60 : i1 to i32
        %cond3A = arith.constant 0 : i32
        %cond3A_61 = arith.cmpi ne, %convert_element_type3A, %cond3A : i32
        scf.if %cond3A_61 {
          %dma_wait3A_116 = arith.constant 0 : i32
          %dma_wait3A_117 = tpu.memref_slice %arg8[%mul3A_59, %dma_wait3A_116] : memref<32x128xi32, #tpu.memory_space<vmem>> -> memref<1x128xi32, #tpu.memory_space<vmem>>
          %dma_wait3A_118 = tpu.memref_squeeze %dma_wait3A_117 : memref<1x128xi32, #tpu.memory_space<vmem>> -> memref<128xi32, #tpu.memory_space<vmem>>
          %dma_wait3A_119 = arith.constant 0 : i32
          %dma_wait3A_120 = arith.constant 0 : i32
          %dma_wait3A_121 = tpu.memref_slice %arg12[%dma_wait3A_119, %dma_wait3A_120] : memref<10240x64xf32, #tpu.memory_space<vmem_shared>> -> memref<10240x64xf32, #tpu.memory_space<vmem_shared>>
          tpu.wait_indirect_dma semaphore(%arg16 : memref<!tpu.dma_semaphore, #tpu.memory_space<semaphore_mem>>) src(%arg11 : memref<128x64xf32, #tpu.memory_space<vmem>>) dst(%dma_wait3A_121 : memref<10240x64xf32, #tpu.memory_space<vmem_shared>>)
        } else {
        }
        %add3A_62 = arith.constant 1 : i32
        %add3A_63 = arith.addi %mul3A_59, %add3A_62 : i32
        %dma_start3A_64 = arith.constant 0 : i32
        %dma_start3A_65 = tpu.memref_slice %arg7[%add3A_63, %dma_start3A_64] : memref<32x128xi32, #tpu.memory_space<vmem>> -> memref<1x128xi32, #tpu.memory_space<vmem>>
        %dma_start3A_66 = tpu.memref_squeeze %dma_start3A_65 : memref<1x128xi32, #tpu.memory_space<vmem>> -> memref<128xi32, #tpu.memory_space<vmem>>
        %dma_start3A_67 = arith.constant 0 : i32
        %dma_start3A_68 = arith.constant 0 : i32
        %dma_start3A_69 = tpu.memref_slice %arg2[%dma_start3A_67, %dma_start3A_68] : memref<180000x64xf32, #tpu.memory_space<hbm>> -> memref<180000x64xf32, #tpu.memory_space<hbm>>
        tpu.enqueue_indirect_dma source(%dma_start3A_69 : memref<180000x64xf32, #tpu.memory_space<hbm>>) target(%arg11 : memref<128x64xf32, #tpu.memory_space<vmem>>) offsets(%dma_start3A_66 : memref<128xi32, #tpu.memory_space<vmem>>) semaphore(%arg14 : memref<!tpu.dma_semaphore, #tpu.memory_space<semaphore_mem>>)
        %dma_wait3A_70 = arith.constant 0 : i32
        %dma_wait3A_71 = tpu.memref_slice %arg7[%mul3A_59, %dma_wait3A_70] : memref<32x128xi32, #tpu.memory_space<vmem>> -> memref<1x128xi32, #tpu.memory_space<vmem>>
        %dma_wait3A_72 = tpu.memref_squeeze %dma_wait3A_71 : memref<1x128xi32, #tpu.memory_space<vmem>> -> memref<128xi32, #tpu.memory_space<vmem>>
        %dma_wait3A_73 = arith.constant 0 : i32
        %dma_wait3A_74 = arith.constant 0 : i32
        %dma_wait3A_75 = tpu.memref_slice %arg2[%dma_wait3A_73, %dma_wait3A_74] : memref<180000x64xf32, #tpu.memory_space<hbm>> -> memref<180000x64xf32, #tpu.memory_space<hbm>>
        tpu.wait_indirect_dma semaphore(%arg13 : memref<!tpu.dma_semaphore, #tpu.memory_space<semaphore_mem>>) src(%dma_wait3A_75 : memref<180000x64xf32, #tpu.memory_space<hbm>>) dst(%arg10 : memref<128x64xf32, #tpu.memory_space<vmem>>)
        %scan3A_76 = arith.constant 0 : i32
        %scan3A_77 = arith.constant 0 : i32
        %scan3A_78 = arith.constant 8 : i32
        %scan3A_79 = arith.addi %scan3A_77, %scan3A_78 : i32
        %scan3A_80 = arith.constant 1 : i32
        scf.for %scan3A_116 = %scan3A_77 to %scan3A_79 step %scan3A_80  : i32 {
          %mul3A_117 = arith.constant 16 : i32
          %mul3A_118 = arith.muli %scan3A_116, %mul3A_117 : i32
          %get3A = arith.index_cast %mul3A_59 : i32 to index
          %get3A_119 = arith.index_cast %mul3A_118 : i32 to index
          %get3A_120 = tpu.vector_load %arg9[%get3A, %get3A_119] {strides = array<i32>} : memref<32x128xf32, #tpu.memory_space<vmem>>, vector<16xf32>,
          %mul3A_121 = arith.constant 16 : i32
          %mul3A_122 = arith.muli %scan3A_116, %mul3A_121 : i32
          %add3A_123 = arith.constant 0 : i32
          %add3A_124 = arith.addi %mul3A_122, %add3A_123 : i32
          %slice3A = vector.extract_strided_slice %get3A_120 {offsets = [0], sizes = [1], strides = [1]} : vector<16xf32> to vector<1xf32>
          %squeeze3A = vector.extract %slice3A[0] : f32 from vector<1xf32>
          %broadcast_in_dim3A_125 = vector.broadcast %squeeze3A : f32 to vector<16xf32>
          %get3A_126 = arith.index_cast %add3A_124 : i32 to index
          %get3A_127 = arith.constant 0 : index
          %get3A_128 = tpu.vector_load %arg10[%get3A_126, %get3A_127] {strides = array<i32>} : memref<128x64xf32, #tpu.memory_space<vmem>>, vector<16xf32>,
          %mul3A_129 = arith.mulf %get3A_128, %broadcast_in_dim3A_125 : vector<16xf32>
          %swap3A = arith.index_cast %add3A_124 : i32 to index
          %swap3A_130 = arith.constant 0 : index
          %swap3A_131 = tpu.vector_load %arg10[%swap3A, %swap3A_130] {strides = array<i32>} : memref<128x64xf32, #tpu.memory_space<vmem>>, vector<16xf32>,
          tpu.vector_store %arg10[%swap3A, %swap3A_130], %mul3A_129 {strides = array<i32>} : memref<128x64xf32, #tpu.memory_space<vmem>>, vector<16xf32>,
          %get3A_132 = arith.index_cast %add3A_124 : i32 to index
          %get3A_133 = arith.constant 16 : index
          %get3A_134 = tpu.vector_load %arg10[%get3A_132, %get3A_133] {strides = array<i32>} : memref<128x64xf32, #tpu.memory_space<vmem>>, vector<16xf32>,
          %mul3A_135 = arith.mulf %get3A_134, %broadcast_in_dim3A_125 : vector<16xf32>
          %swap3A_136 = arith.index_cast %add3A_124 : i32 to index
          %swap3A_137 = arith.constant 16 : index
          %swap3A_138 = tpu.vector_load %arg10[%swap3A_136, %swap3A_137] {strides = array<i32>} : memref<128x64xf32, #tpu.memory_space<vmem>>, vector<16xf32>,
          tpu.vector_store %arg10[%swap3A_136, %swap3A_137], %mul3A_135 {strides = array<i32>} : memref<128x64xf32, #tpu.memory_space<vmem>>, vector<16xf32>,
          %get3A_139 = arith.index_cast %add3A_124 : i32 to index
          %get3A_140 = arith.constant 32 : index
          %get3A_141 = tpu.vector_load %arg10[%get3A_139, %get3A_140] {strides = array<i32>} : memref<128x64xf32, #tpu.memory_space<vmem>>, vector<16xf32>,
          %mul3A_142 = arith.mulf %get3A_141, %broadcast_in_dim3A_125 : vector<16xf32>
          %swap3A_143 = arith.index_cast %add3A_124 : i32 to index
          %swap3A_144 = arith.constant 32 : index
          %swap3A_145 = tpu.vector_load %arg10[%swap3A_143, %swap3A_144] {strides = array<i32>} : memref<128x64xf32, #tpu.memory_space<vmem>>, vector<16xf32>,
          tpu.vector_store %arg10[%swap3A_143, %swap3A_144], %mul3A_142 {strides = array<i32>} : memref<128x64xf32, #tpu.memory_space<vmem>>, vector<16xf32>,
          %get3A_146 = arith.index_cast %add3A_124 : i32 to index
          %get3A_147 = arith.constant 48 : index
          %get3A_148 = tpu.vector_load %arg10[%get3A_146, %get3A_147] {strides = array<i32>} : memref<128x64xf32, #tpu.memory_space<vmem>>, vector<16xf32>,
          %mul3A_149 = arith.mulf %get3A_148, %broadcast_in_dim3A_125 : vector<16xf32>
          %swap3A_150 = arith.index_cast %add3A_124 : i32 to index
          %swap3A_151 = arith.constant 48 : index
          %swap3A_152 = tpu.vector_load %arg10[%swap3A_150, %swap3A_151] {strides = array<i32>} : memref<128x64xf32, #tpu.memory_space<vmem>>, vector<16xf32>,
          tpu.vector_store %arg10[%swap3A_150, %swap3A_151], %mul3A_149 {strides = array<i32>} : memref<128x64xf32, #tpu.memory_space<vmem>>, vector<16xf32>,
          %mul3A_153 = arith.constant 16 : i32
          %mul3A_154 = arith.muli %scan3A_116, %mul3A_153 : i32
          %add3A_155 = arith.constant 1 : i32
          %add3A_156 = arith.addi %mul3A_154, %add3A_155 : i32
          %slice3A_157 = vector.extract_strided_slice %get3A_120 {offsets = [1], sizes = [1], strides = [1]} : vector<16xf32> to vector<1xf32>
          %squeeze3A_158 = vector.extract %slice3A_157[0] : f32 from vector<1xf32>
          %broadcast_in_dim3A_159 = vector.broadcast %squeeze3A_158 : f32 to vector<16xf32>
          %get3A_160 = arith.index_cast %add3A_156 : i32 to index
          %get3A_161 = arith.constant 0 : index
          %get3A_162 = tpu.vector_load %arg10[%get3A_160, %get3A_161] {strides = array<i32>} : memref<128x64xf32, #tpu.memory_space<vmem>>, vector<16xf32>,
          %mul3A_163 = arith.mulf %get3A_162, %broadcast_in_dim3A_159 : vector<16xf32>
          %swap3A_164 = arith.index_cast %add3A_156 : i32 to index
          %swap3A_165 = arith.constant 0 : index
          %swap3A_166 = tpu.vector_load %arg10[%swap3A_164, %swap3A_165] {strides = array<i32>} : memref<128x64xf32, #tpu.memory_space<vmem>>, vector<16xf32>,
          tpu.vector_store %arg10[%swap3A_164, %swap3A_165], %mul3A_163 {strides = array<i32>} : memref<128x64xf32, #tpu.memory_space<vmem>>, vector<16xf32>,
          %get3A_167 = arith.index_cast %add3A_156 : i32 to index
          %get3A_168 = arith.constant 16 : index
          %get3A_169 = tpu.vector_load %arg10[%get3A_167, %get3A_168] {strides = array<i32>} : memref<128x64xf32, #tpu.memory_space<vmem>>, vector<16xf32>,
          %mul3A_170 = arith.mulf %get3A_169, %broadcast_in_dim3A_159 : vector<16xf32>
          %swap3A_171 = arith.index_cast %add3A_156 : i32 to index
          %swap3A_172 = arith.constant 16 : index
          %swap3A_173 = tpu.vector_load %arg10[%swap3A_171, %swap3A_172] {strides = array<i32>} : memref<128x64xf32, #tpu.memory_space<vmem>>, vector<16xf32>,
          tpu.vector_store %arg10[%swap3A_171, %swap3A_172], %mul3A_170 {strides = array<i32>} : memref<128x64xf32, #tpu.memory_space<vmem>>, vector<16xf32>,
          %get3A_174 = arith.index_cast %add3A_156 : i32 to index
          %get3A_175 = arith.constant 32 : index
          %get3A_176 = tpu.vector_load %arg10[%get3A_174, %get3A_175] {strides = array<i32>} : memref<128x64xf32, #tpu.memory_space<vmem>>, vector<16xf32>,
          %mul3A_177 = arith.mulf %get3A_176, %broadcast_in_dim3A_159 : vector<16xf32>
          %swap3A_178 = arith.index_cast %add3A_156 : i32 to index
          %swap3A_179 = arith.constant 32 : index
          %swap3A_180 = tpu.vector_load %arg10[%swap3A_178, %swap3A_179] {strides = array<i32>} : memref<128x64xf32, #tpu.memory_space<vmem>>, vector<16xf32>,
          tpu.vector_store %arg10[%swap3A_178, %swap3A_179], %mul3A_177 {strides = array<i32>} : memref<128x64xf32, #tpu.memory_space<vmem>>, vector<16xf32>,
          %get3A_181 = arith.index_cast %add3A_156 : i32 to index
          %get3A_182 = arith.constant 48 : index
          %get3A_183 = tpu.vector_load %arg10[%get3A_181, %get3A_182] {strides = array<i32>} : memref<128x64xf32, #tpu.memory_space<vmem>>, vector<16xf32>,
          %mul3A_184 = arith.mulf %get3A_183, %broadcast_in_dim3A_159 : vector<16xf32>
          %swap3A_185 = arith.index_cast %add3A_156 : i32 to index
          %swap3A_186 = arith.constant 48 : index
          %swap3A_187 = tpu.vector_load %arg10[%swap3A_185, %swap3A_186] {strides = array<i32>} : memref<128x64xf32, #tpu.memory_space<vmem>>, vector<16xf32>,
          tpu.vector_store %arg10[%swap3A_185, %swap3A_186], %mul3A_184 {strides = array<i32>} : memref<128x64xf32, #tpu.memory_space<vmem>>, vector<16xf32>,
          %mul3A_188 = arith.constant 16 : i32
          %mul3A_189 = arith.muli %scan3A_116, %mul3A_188 : i32
          %add3A_190 = arith.constant 2 : i32
          %add3A_191 = arith.addi %mul3A_189, %add3A_190 : i32
          %slice3A_192 = vector.extract_strided_slice %get3A_120 {offsets = [2], sizes = [1], strides = [1]} : vector<16xf32> to vector<1xf32>
          %squeeze3A_193 = vector.extract %slice3A_192[0] : f32 from vector<1xf32>
          %broadcast_in_dim3A_194 = vector.broadcast %squeeze3A_193 : f32 to vector<16xf32>
          %get3A_195 = arith.index_cast %add3A_191 : i32 to index
          %get3A_196 = arith.constant 0 : index
          %get3A_197 = tpu.vector_load %arg10[%get3A_195, %get3A_196] {strides = array<i32>} : memref<128x64xf32, #tpu.memory_space<vmem>>, vector<16xf32>,
          %mul3A_198 = arith.mulf %get3A_197, %broadcast_in_dim3A_194 : vector<16xf32>
          %swap3A_199 = arith.index_cast %add3A_191 : i32 to index
          %swap3A_200 = arith.constant 0 : index
          %swap3A_201 = tpu.vector_load %arg10[%swap3A_199, %swap3A_200] {strides = array<i32>} : memref<128x64xf32, #tpu.memory_space<vmem>>, vector<16xf32>,
          tpu.vector_store %arg10[%swap3A_199, %swap3A_200], %mul3A_198 {strides = array<i32>} : memref<128x64xf32, #tpu.memory_space<vmem>>, vector<16xf32>,
          %get3A_202 = arith.index_cast %add3A_191 : i32 to index
          %get3A_203 = arith.constant 16 : index
          %get3A_204 = tpu.vector_load %arg10[%get3A_202, %get3A_203] {strides = array<i32>} : memref<128x64xf32, #tpu.memory_space<vmem>>, vector<16xf32>,
          %mul3A_205 = arith.mulf %get3A_204, %broadcast_in_dim3A_194 : vector<16xf32>
          %swap3A_206 = arith.index_cast %add3A_191 : i32 to index
          %swap3A_207 = arith.constant 16 : index
          %swap3A_208 = tpu.vector_load %arg10[%swap3A_206, %swap3A_207] {strides = array<i32>} : memref<128x64xf32, #tpu.memory_space<vmem>>, vector<16xf32>,
          tpu.vector_store %arg10[%swap3A_206, %swap3A_207], %mul3A_205 {strides = array<i32>} : memref<128x64xf32, #tpu.memory_space<vmem>>, vector<16xf32>,
          %get3A_209 = arith.index_cast %add3A_191 : i32 to index
          %get3A_210 = arith.constant 32 : index
          %get3A_211 = tpu.vector_load %arg10[%get3A_209, %get3A_210] {strides = array<i32>} : memref<128x64xf32, #tpu.memory_space<vmem>>, vector<16xf32>,
          %mul3A_212 = arith.mulf %get3A_211, %broadcast_in_dim3A_194 : vector<16xf32>
          %swap3A_213 = arith.index_cast %add3A_191 : i32 to index
          %swap3A_214 = arith.constant 32 : index
          %swap3A_215 = tpu.vector_load %arg10[%swap3A_213, %swap3A_214] {strides = array<i32>} : memref<128x64xf32, #tpu.memory_space<vmem>>, vector<16xf32>,
          tpu.vector_store %arg10[%swap3A_213, %swap3A_214], %mul3A_212 {strides = array<i32>} : memref<128x64xf32, #tpu.memory_space<vmem>>, vector<16xf32>,
          %get3A_216 = arith.index_cast %add3A_191 : i32 to index
          %get3A_217 = arith.constant 48 : index
          %get3A_218 = tpu.vector_load %arg10[%get3A_216, %get3A_217] {strides = array<i32>} : memref<128x64xf32, #tpu.memory_space<vmem>>, vector<16xf32>,
          %mul3A_219 = arith.mulf %get3A_218, %broadcast_in_dim3A_194 : vector<16xf32>
          %swap3A_220 = arith.index_cast %add3A_191 : i32 to index
          %swap3A_221 = arith.constant 48 : index
          %swap3A_222 = tpu.vector_load %arg10[%swap3A_220, %swap3A_221] {strides = array<i32>} : memref<128x64xf32, #tpu.memory_space<vmem>>, vector<16xf32>,
          tpu.vector_store %arg10[%swap3A_220, %swap3A_221], %mul3A_219 {strides = array<i32>} : memref<128x64xf32, #tpu.memory_space<vmem>>, vector<16xf32>,
          %mul3A_223 = arith.constant 16 : i32
          %mul3A_224 = arith.muli %scan3A_116, %mul3A_223 : i32
          %add3A_225 = arith.constant 3 : i32
          %add3A_226 = arith.addi %mul3A_224, %add3A_225 : i32
          %slice3A_227 = vector.extract_strided_slice %get3A_120 {offsets = [3], sizes = [1], strides = [1]} : vector<16xf32> to vector<1xf32>
          %squeeze3A_228 = vector.extract %slice3A_227[0] : f32 from vector<1xf32>
          %broadcast_in_dim3A_229 = vector.broadcast %squeeze3A_228 : f32 to vector<16xf32>
          %get3A_230 = arith.index_cast %add3A_226 : i32 to index
          %get3A_231 = arith.constant 0 : index
          %get3A_232 = tpu.vector_load %arg10[%get3A_230, %get3A_231] {strides = array<i32>} : memref<128x64xf32, #tpu.memory_space<vmem>>, vector<16xf32>,
          %mul3A_233 = arith.mulf %get3A_232, %broadcast_in_dim3A_229 : vector<16xf32>
          %swap3A_234 = arith.index_cast %add3A_226 : i32 to index
          %swap3A_235 = arith.constant 0 : index
          %swap3A_236 = tpu.vector_load %arg10[%swap3A_234, %swap3A_235] {strides = array<i32>} : memref<128x64xf32, #tpu.memory_space<vmem>>, vector<16xf32>,
          tpu.vector_store %arg10[%swap3A_234, %swap3A_235], %mul3A_233 {strides = array<i32>} : memref<128x64xf32, #tpu.memory_space<vmem>>, vector<16xf32>,
          %get3A_237 = arith.index_cast %add3A_226 : i32 to index
          %get3A_238 = arith.constant 16 : index
          %get3A_239 = tpu.vector_load %arg10[%get3A_237, %get3A_238] {strides = array<i32>} : memref<128x64xf32, #tpu.memory_space<vmem>>, vector<16xf32>,
          %mul3A_240 = arith.mulf %get3A_239, %broadcast_in_dim3A_229 : vector<16xf32>
          %swap3A_241 = arith.index_cast %add3A_226 : i32 to index
          %swap3A_242 = arith.constant 16 : index
          %swap3A_243 = tpu.vector_load %arg10[%swap3A_241, %swap3A_242] {strides = array<i32>} : memref<128x64xf32, #tpu.memory_space<vmem>>, vector<16xf32>,
          tpu.vector_store %arg10[%swap3A_241, %swap3A_242], %mul3A_240 {strides = array<i32>} : memref<128x64xf32, #tpu.memory_space<vmem>>, vector<16xf32>,
          %get3A_244 = arith.index_cast %add3A_226 : i32 to index
          %get3A_245 = arith.constant 32 : index
          %get3A_246 = tpu.vector_load %arg10[%get3A_244, %get3A_245] {strides = array<i32>} : memref<128x64xf32, #tpu.memory_space<vmem>>, vector<16xf32>,
          %mul3A_247 = arith.mulf %get3A_246, %broadcast_in_dim3A_229 : vector<16xf32>
          %swap3A_248 = arith.index_cast %add3A_226 : i32 to index
          %swap3A_249 = arith.constant 32 : index
          %swap3A_250 = tpu.vector_load %arg10[%swap3A_248, %swap3A_249] {strides = array<i32>} : memref<128x64xf32, #tpu.memory_space<vmem>>, vector<16xf32>,
          tpu.vector_store %arg10[%swap3A_248, %swap3A_249], %mul3A_247 {strides = array<i32>} : memref<128x64xf32, #tpu.memory_space<vmem>>, vector<16xf32>,
          %get3A_251 = arith.index_cast %add3A_226 : i32 to index
          %get3A_252 = arith.constant 48 : index
          %get3A_253 = tpu.vector_load %arg10[%get3A_251, %get3A_252] {strides = array<i32>} : memref<128x64xf32, #tpu.memory_space<vmem>>, vector<16xf32>,
          %mul3A_254 = arith.mulf %get3A_253, %broadcast_in_dim3A_229 : vector<16xf32>
          %swap3A_255 = arith.index_cast %add3A_226 : i32 to index
          %swap3A_256 = arith.constant 48 : index
          %swap3A_257 = tpu.vector_load %arg10[%swap3A_255, %swap3A_256] {strides = array<i32>} : memref<128x64xf32, #tpu.memory_space<vmem>>, vector<16xf32>,
          tpu.vector_store %arg10[%swap3A_255, %swap3A_256], %mul3A_254 {strides = array<i32>} : memref<128x64xf32, #tpu.memory_space<vmem>>, vector<16xf32>,
          %mul3A_258 = arith.constant 16 : i32
          %mul3A_259 = arith.muli %scan3A_116, %mul3A_258 : i32
          %add3A_260 = arith.constant 4 : i32
          %add3A_261 = arith.addi %mul3A_259, %add3A_260 : i32
          %slice3A_262 = vector.extract_strided_slice %get3A_120 {offsets = [4], sizes = [1], strides = [1]} : vector<16xf32> to vector<1xf32>
          %squeeze3A_263 = vector.extract %slice3A_262[0] : f32 from vector<1xf32>
          %broadcast_in_dim3A_264 = vector.broadcast %squeeze3A_263 : f32 to vector<16xf32>
          %get3A_265 = arith.index_cast %add3A_261 : i32 to index
          %get3A_266 = arith.constant 0 : index
          %get3A_267 = tpu.vector_load %arg10[%get3A_265, %get3A_266] {strides = array<i32>} : memref<128x64xf32, #tpu.memory_space<vmem>>, vector<16xf32>,
          %mul3A_268 = arith.mulf %get3A_267, %broadcast_in_dim3A_264 : vector<16xf32>
          %swap3A_269 = arith.index_cast %add3A_261 : i32 to index
          %swap3A_270 = arith.constant 0 : index
          %swap3A_271 = tpu.vector_load %arg10[%swap3A_269, %swap3A_270] {strides = array<i32>} : memref<128x64xf32, #tpu.memory_space<vmem>>, vector<16xf32>,
          tpu.vector_store %arg10[%swap3A_269, %swap3A_270], %mul3A_268 {strides = array<i32>} : memref<128x64xf32, #tpu.memory_space<vmem>>, vector<16xf32>,
          %get3A_272 = arith.index_cast %add3A_261 : i32 to index
          %get3A_273 = arith.constant 16 : index
          %get3A_274 = tpu.vector_load %arg10[%get3A_272, %get3A_273] {strides = array<i32>} : memref<128x64xf32, #tpu.memory_space<vmem>>, vector<16xf32>,
          %mul3A_275 = arith.mulf %get3A_274, %broadcast_in_dim3A_264 : vector<16xf32>
          %swap3A_276 = arith.index_cast %add3A_261 : i32 to index
          %swap3A_277 = arith.constant 16 : index
          %swap3A_278 = tpu.vector_load %arg10[%swap3A_276, %swap3A_277] {strides = array<i32>} : memref<128x64xf32, #tpu.memory_space<vmem>>, vector<16xf32>,
          tpu.vector_store %arg10[%swap3A_276, %swap3A_277], %mul3A_275 {strides = array<i32>} : memref<128x64xf32, #tpu.memory_space<vmem>>, vector<16xf32>,
          %get3A_279 = arith.index_cast %add3A_261 : i32 to index
          %get3A_280 = arith.constant 32 : index
          %get3A_281 = tpu.vector_load %arg10[%get3A_279, %get3A_280] {strides = array<i32>} : memref<128x64xf32, #tpu.memory_space<vmem>>, vector<16xf32>,
          %mul3A_282 = arith.mulf %get3A_281, %broadcast_in_dim3A_264 : vector<16xf32>
          %swap3A_283 = arith.index_cast %add3A_261 : i32 to index
          %swap3A_284 = arith.constant 32 : index
          %swap3A_285 = tpu.vector_load %arg10[%swap3A_283, %swap3A_284] {strides = array<i32>} : memref<128x64xf32, #tpu.memory_space<vmem>>, vector<16xf32>,
          tpu.vector_store %arg10[%swap3A_283, %swap3A_284], %mul3A_282 {strides = array<i32>} : memref<128x64xf32, #tpu.memory_space<vmem>>, vector<16xf32>,
          %get3A_286 = arith.index_cast %add3A_261 : i32 to index
          %get3A_287 = arith.constant 48 : index
          %get3A_288 = tpu.vector_load %arg10[%get3A_286, %get3A_287] {strides = array<i32>} : memref<128x64xf32, #tpu.memory_space<vmem>>, vector<16xf32>,
          %mul3A_289 = arith.mulf %get3A_288, %broadcast_in_dim3A_264 : vector<16xf32>
          %swap3A_290 = arith.index_cast %add3A_261 : i32 to index
          %swap3A_291 = arith.constant 48 : index
          %swap3A_292 = tpu.vector_load %arg10[%swap3A_290, %swap3A_291] {strides = array<i32>} : memref<128x64xf32, #tpu.memory_space<vmem>>, vector<16xf32>,
          tpu.vector_store %arg10[%swap3A_290, %swap3A_291], %mul3A_289 {strides = array<i32>} : memref<128x64xf32, #tpu.memory_space<vmem>>, vector<16xf32>,
          %mul3A_293 = arith.constant 16 : i32
          %mul3A_294 = arith.muli %scan3A_116, %mul3A_293 : i32
          %add3A_295 = arith.constant 5 : i32
          %add3A_296 = arith.addi %mul3A_294, %add3A_295 : i32
          %slice3A_297 = vector.extract_strided_slice %get3A_120 {offsets = [5], sizes = [1], strides = [1]} : vector<16xf32> to vector<1xf32>
          %squeeze3A_298 = vector.extract %slice3A_297[0] : f32 from vector<1xf32>
          %broadcast_in_dim3A_299 = vector.broadcast %squeeze3A_298 : f32 to vector<16xf32>
          %get3A_300 = arith.index_cast %add3A_296 : i32 to index
          %get3A_301 = arith.constant 0 : index
          %get3A_302 = tpu.vector_load %arg10[%get3A_300, %get3A_301] {strides = array<i32>} : memref<128x64xf32, #tpu.memory_space<vmem>>, vector<16xf32>,
          %mul3A_303 = arith.mulf %get3A_302, %broadcast_in_dim3A_299 : vector<16xf32>
          %swap3A_304 = arith.index_cast %add3A_296 : i32 to index
          %swap3A_305 = arith.constant 0 : index
          %swap3A_306 = tpu.vector_load %arg10[%swap3A_304, %swap3A_305] {strides = array<i32>} : memref<128x64xf32, #tpu.memory_space<vmem>>, vector<16xf32>,
          tpu.vector_store %arg10[%swap3A_304, %swap3A_305], %mul3A_303 {strides = array<i32>} : memref<128x64xf32, #tpu.memory_space<vmem>>, vector<16xf32>,
          %get3A_307 = arith.index_cast %add3A_296 : i32 to index
          %get3A_308 = arith.constant 16 : index
          %get3A_309 = tpu.vector_load %arg10[%get3A_307, %get3A_308] {strides = array<i32>} : memref<128x64xf32, #tpu.memory_space<vmem>>, vector<16xf32>,
          %mul3A_310 = arith.mulf %get3A_309, %broadcast_in_dim3A_299 : vector<16xf32>
          %swap3A_311 = arith.index_cast %add3A_296 : i32 to index
          %swap3A_312 = arith.constant 16 : index
          %swap3A_313 = tpu.vector_load %arg10[%swap3A_311, %swap3A_312] {strides = array<i32>} : memref<128x64xf32, #tpu.memory_space<vmem>>, vector<16xf32>,
          tpu.vector_store %arg10[%swap3A_311, %swap3A_312], %mul3A_310 {strides = array<i32>} : memref<128x64xf32, #tpu.memory_space<vmem>>, vector<16xf32>,
          %get3A_314 = arith.index_cast %add3A_296 : i32 to index
          %get3A_315 = arith.constant 32 : index
          %get3A_316 = tpu.vector_load %arg10[%get3A_314, %get3A_315] {strides = array<i32>} : memref<128x64xf32, #tpu.memory_space<vmem>>, vector<16xf32>,
          %mul3A_317 = arith.mulf %get3A_316, %broadcast_in_dim3A_299 : vector<16xf32>
          %swap3A_318 = arith.index_cast %add3A_296 : i32 to index
          %swap3A_319 = arith.constant 32 : index
          %swap3A_320 = tpu.vector_load %arg10[%swap3A_318, %swap3A_319] {strides = array<i32>} : memref<128x64xf32, #tpu.memory_space<vmem>>, vector<16xf32>,
          tpu.vector_store %arg10[%swap3A_318, %swap3A_319], %mul3A_317 {strides = array<i32>} : memref<128x64xf32, #tpu.memory_space<vmem>>, vector<16xf32>,
          %get3A_321 = arith.index_cast %add3A_296 : i32 to index
          %get3A_322 = arith.constant 48 : index
          %get3A_323 = tpu.vector_load %arg10[%get3A_321, %get3A_322] {strides = array<i32>} : memref<128x64xf32, #tpu.memory_space<vmem>>, vector<16xf32>,
          %mul3A_324 = arith.mulf %get3A_323, %broadcast_in_dim3A_299 : vector<16xf32>
          %swap3A_325 = arith.index_cast %add3A_296 : i32 to index
          %swap3A_326 = arith.constant 48 : index
          %swap3A_327 = tpu.vector_load %arg10[%swap3A_325, %swap3A_326] {strides = array<i32>} : memref<128x64xf32, #tpu.memory_space<vmem>>, vector<16xf32>,
          tpu.vector_store %arg10[%swap3A_325, %swap3A_326], %mul3A_324 {strides = array<i32>} : memref<128x64xf32, #tpu.memory_space<vmem>>, vector<16xf32>,
          %mul3A_328 = arith.constant 16 : i32
          %mul3A_329 = arith.muli %scan3A_116, %mul3A_328 : i32
          %add3A_330 = arith.constant 6 : i32
          %add3A_331 = arith.addi %mul3A_329, %add3A_330 : i32
          %slice3A_332 = vector.extract_strided_slice %get3A_120 {offsets = [6], sizes = [1], strides = [1]} : vector<16xf32> to vector<1xf32>
          %squeeze3A_333 = vector.extract %slice3A_332[0] : f32 from vector<1xf32>
          %broadcast_in_dim3A_334 = vector.broadcast %squeeze3A_333 : f32 to vector<16xf32>
          %get3A_335 = arith.index_cast %add3A_331 : i32 to index
          %get3A_336 = arith.constant 0 : index
          %get3A_337 = tpu.vector_load %arg10[%get3A_335, %get3A_336] {strides = array<i32>} : memref<128x64xf32, #tpu.memory_space<vmem>>, vector<16xf32>,
          %mul3A_338 = arith.mulf %get3A_337, %broadcast_in_dim3A_334 : vector<16xf32>
          %swap3A_339 = arith.index_cast %add3A_331 : i32 to index
          %swap3A_340 = arith.constant 0 : index
          %swap3A_341 = tpu.vector_load %arg10[%swap3A_339, %swap3A_340] {strides = array<i32>} : memref<128x64xf32, #tpu.memory_space<vmem>>, vector<16xf32>,
          tpu.vector_store %arg10[%swap3A_339, %swap3A_340], %mul3A_338 {strides = array<i32>} : memref<128x64xf32, #tpu.memory_space<vmem>>, vector<16xf32>,
          %get3A_342 = arith.index_cast %add3A_331 : i32 to index
          %get3A_343 = arith.constant 16 : index
          %get3A_344 = tpu.vector_load %arg10[%get3A_342, %get3A_343] {strides = array<i32>} : memref<128x64xf32, #tpu.memory_space<vmem>>, vector<16xf32>,
          %mul3A_345 = arith.mulf %get3A_344, %broadcast_in_dim3A_334 : vector<16xf32>
          %swap3A_346 = arith.index_cast %add3A_331 : i32 to index
          %swap3A_347 = arith.constant 16 : index
          %swap3A_348 = tpu.vector_load %arg10[%swap3A_346, %swap3A_347] {strides = array<i32>} : memref<128x64xf32, #tpu.memory_space<vmem>>, vector<16xf32>,
          tpu.vector_store %arg10[%swap3A_346, %swap3A_347], %mul3A_345 {strides = array<i32>} : memref<128x64xf32, #tpu.memory_space<vmem>>, vector<16xf32>,
          %get3A_349 = arith.index_cast %add3A_331 : i32 to index
          %get3A_350 = arith.constant 32 : index
          %get3A_351 = tpu.vector_load %arg10[%get3A_349, %get3A_350] {strides = array<i32>} : memref<128x64xf32, #tpu.memory_space<vmem>>, vector<16xf32>,
          %mul3A_352 = arith.mulf %get3A_351, %broadcast_in_dim3A_334 : vector<16xf32>
          %swap3A_353 = arith.index_cast %add3A_331 : i32 to index
          %swap3A_354 = arith.constant 32 : index
          %swap3A_355 = tpu.vector_load %arg10[%swap3A_353, %swap3A_354] {strides = array<i32>} : memref<128x64xf32, #tpu.memory_space<vmem>>, vector<16xf32>,
          tpu.vector_store %arg10[%swap3A_353, %swap3A_354], %mul3A_352 {strides = array<i32>} : memref<128x64xf32, #tpu.memory_space<vmem>>, vector<16xf32>,
          %get3A_356 = arith.index_cast %add3A_331 : i32 to index
          %get3A_357 = arith.constant 48 : index
          %get3A_358 = tpu.vector_load %arg10[%get3A_356, %get3A_357] {strides = array<i32>} : memref<128x64xf32, #tpu.memory_space<vmem>>, vector<16xf32>,
          %mul3A_359 = arith.mulf %get3A_358, %broadcast_in_dim3A_334 : vector<16xf32>
          %swap3A_360 = arith.index_cast %add3A_331 : i32 to index
          %swap3A_361 = arith.constant 48 : index
          %swap3A_362 = tpu.vector_load %arg10[%swap3A_360, %swap3A_361] {strides = array<i32>} : memref<128x64xf32, #tpu.memory_space<vmem>>, vector<16xf32>,
          tpu.vector_store %arg10[%swap3A_360, %swap3A_361], %mul3A_359 {strides = array<i32>} : memref<128x64xf32, #tpu.memory_space<vmem>>, vector<16xf32>,
          %mul3A_363 = arith.constant 16 : i32
          %mul3A_364 = arith.muli %scan3A_116, %mul3A_363 : i32
          %add3A_365 = arith.constant 7 : i32
          %add3A_366 = arith.addi %mul3A_364, %add3A_365 : i32
          %slice3A_367 = vector.extract_strided_slice %get3A_120 {offsets = [7], sizes = [1], strides = [1]} : vector<16xf32> to vector<1xf32>
          %squeeze3A_368 = vector.extract %slice3A_367[0] : f32 from vector<1xf32>
          %broadcast_in_dim3A_369 = vector.broadcast %squeeze3A_368 : f32 to vector<16xf32>
          %get3A_370 = arith.index_cast %add3A_366 : i32 to index
          %get3A_371 = arith.constant 0 : index
          %get3A_372 = tpu.vector_load %arg10[%get3A_370, %get3A_371] {strides = array<i32>} : memref<128x64xf32, #tpu.memory_space<vmem>>, vector<16xf32>,
          %mul3A_373 = arith.mulf %get3A_372, %broadcast_in_dim3A_369 : vector<16xf32>
          %swap3A_374 = arith.index_cast %add3A_366 : i32 to index
          %swap3A_375 = arith.constant 0 : index
          %swap3A_376 = tpu.vector_load %arg10[%swap3A_374, %swap3A_375] {strides = array<i32>} : memref<128x64xf32, #tpu.memory_space<vmem>>, vector<16xf32>,
          tpu.vector_store %arg10[%swap3A_374, %swap3A_375], %mul3A_373 {strides = array<i32>} : memref<128x64xf32, #tpu.memory_space<vmem>>, vector<16xf32>,
          %get3A_377 = arith.index_cast %add3A_366 : i32 to index
          %get3A_378 = arith.constant 16 : index
          %get3A_379 = tpu.vector_load %arg10[%get3A_377, %get3A_378] {strides = array<i32>} : memref<128x64xf32, #tpu.memory_space<vmem>>, vector<16xf32>,
          %mul3A_380 = arith.mulf %get3A_379, %broadcast_in_dim3A_369 : vector<16xf32>
          %swap3A_381 = arith.index_cast %add3A_366 : i32 to index
          %swap3A_382 = arith.constant 16 : index
          %swap3A_383 = tpu.vector_load %arg10[%swap3A_381, %swap3A_382] {strides = array<i32>} : memref<128x64xf32, #tpu.memory_space<vmem>>, vector<16xf32>,
          tpu.vector_store %arg10[%swap3A_381, %swap3A_382], %mul3A_380 {strides = array<i32>} : memref<128x64xf32, #tpu.memory_space<vmem>>, vector<16xf32>,
          %get3A_384 = arith.index_cast %add3A_366 : i32 to index
          %get3A_385 = arith.constant 32 : index
          %get3A_386 = tpu.vector_load %arg10[%get3A_384, %get3A_385] {strides = array<i32>} : memref<128x64xf32, #tpu.memory_space<vmem>>, vector<16xf32>,
          %mul3A_387 = arith.mulf %get3A_386, %broadcast_in_dim3A_369 : vector<16xf32>
          %swap3A_388 = arith.index_cast %add3A_366 : i32 to index
          %swap3A_389 = arith.constant 32 : index
          %swap3A_390 = tpu.vector_load %arg10[%swap3A_388, %swap3A_389] {strides = array<i32>} : memref<128x64xf32, #tpu.memory_space<vmem>>, vector<16xf32>,
          tpu.vector_store %arg10[%swap3A_388, %swap3A_389], %mul3A_387 {strides = array<i32>} : memref<128x64xf32, #tpu.memory_space<vmem>>, vector<16xf32>,
          %get3A_391 = arith.index_cast %add3A_366 : i32 to index
          %get3A_392 = arith.constant 48 : index
          %get3A_393 = tpu.vector_load %arg10[%get3A_391, %get3A_392] {strides = array<i32>} : memref<128x64xf32, #tpu.memory_space<vmem>>, vector<16xf32>,
          %mul3A_394 = arith.mulf %get3A_393, %broadcast_in_dim3A_369 : vector<16xf32>
          %swap3A_395 = arith.index_cast %add3A_366 : i32 to index
          %swap3A_396 = arith.constant 48 : index
          %swap3A_397 = tpu.vector_load %arg10[%swap3A_395, %swap3A_396] {strides = array<i32>} : memref<128x64xf32, #tpu.memory_space<vmem>>, vector<16xf32>,
          tpu.vector_store %arg10[%swap3A_395, %swap3A_396], %mul3A_394 {strides = array<i32>} : memref<128x64xf32, #tpu.memory_space<vmem>>, vector<16xf32>,
          %mul3A_398 = arith.constant 16 : i32
          %mul3A_399 = arith.muli %scan3A_116, %mul3A_398 : i32
          %add3A_400 = arith.constant 8 : i32
          %add3A_401 = arith.addi %mul3A_399, %add3A_400 : i32
          %slice3A_402 = vector.extract_strided_slice %get3A_120 {offsets = [8], sizes = [1], strides = [1]} : vector<16xf32> to vector<1xf32>
          %squeeze3A_403 = vector.extract %slice3A_402[0] : f32 from vector<1xf32>
          %broadcast_in_dim3A_404 = vector.broadcast %squeeze3A_403 : f32 to vector<16xf32>
          %get3A_405 = arith.index_cast %add3A_401 : i32 to index
          %get3A_406 = arith.constant 0 : index
          %get3A_407 = tpu.vector_load %arg10[%get3A_405, %get3A_406] {strides = array<i32>} : memref<128x64xf32, #tpu.memory_space<vmem>>, vector<16xf32>,
          %mul3A_408 = arith.mulf %get3A_407, %broadcast_in_dim3A_404 : vector<16xf32>
          %swap3A_409 = arith.index_cast %add3A_401 : i32 to index
          %swap3A_410 = arith.constant 0 : index
          %swap3A_411 = tpu.vector_load %arg10[%swap3A_409, %swap3A_410] {strides = array<i32>} : memref<128x64xf32, #tpu.memory_space<vmem>>, vector<16xf32>,
          tpu.vector_store %arg10[%swap3A_409, %swap3A_410], %mul3A_408 {strides = array<i32>} : memref<128x64xf32, #tpu.memory_space<vmem>>, vector<16xf32>,
          %get3A_412 = arith.index_cast %add3A_401 : i32 to index
          %get3A_413 = arith.constant 16 : index
          %get3A_414 = tpu.vector_load %arg10[%get3A_412, %get3A_413] {strides = array<i32>} : memref<128x64xf32, #tpu.memory_space<vmem>>, vector<16xf32>,
          %mul3A_415 = arith.mulf %get3A_414, %broadcast_in_dim3A_404 : vector<16xf32>
          %swap3A_416 = arith.index_cast %add3A_401 : i32 to index
          %swap3A_417 = arith.constant 16 : index
          %swap3A_418 = tpu.vector_load %arg10[%swap3A_416, %swap3A_417] {strides = array<i32>} : memref<128x64xf32, #tpu.memory_space<vmem>>, vector<16xf32>,
          tpu.vector_store %arg10[%swap3A_416, %swap3A_417], %mul3A_415 {strides = array<i32>} : memref<128x64xf32, #tpu.memory_space<vmem>>, vector<16xf32>,
          %get3A_419 = arith.index_cast %add3A_401 : i32 to index
          %get3A_420 = arith.constant 32 : index
          %get3A_421 = tpu.vector_load %arg10[%get3A_419, %get3A_420] {strides = array<i32>} : memref<128x64xf32, #tpu.memory_space<vmem>>, vector<16xf32>,
          %mul3A_422 = arith.mulf %get3A_421, %broadcast_in_dim3A_404 : vector<16xf32>
          %swap3A_423 = arith.index_cast %add3A_401 : i32 to index
          %swap3A_424 = arith.constant 32 : index
          %swap3A_425 = tpu.vector_load %arg10[%swap3A_423, %swap3A_424] {strides = array<i32>} : memref<128x64xf32, #tpu.memory_space<vmem>>, vector<16xf32>,
          tpu.vector_store %arg10[%swap3A_423, %swap3A_424], %mul3A_422 {strides = array<i32>} : memref<128x64xf32, #tpu.memory_space<vmem>>, vector<16xf32>,
          %get3A_426 = arith.index_cast %add3A_401 : i32 to index
          %get3A_427 = arith.constant 48 : index
          %get3A_428 = tpu.vector_load %arg10[%get3A_426, %get3A_427] {strides = array<i32>} : memref<128x64xf32, #tpu.memory_space<vmem>>, vector<16xf32>,
          %mul3A_429 = arith.mulf %get3A_428, %broadcast_in_dim3A_404 : vector<16xf32>
          %swap3A_430 = arith.index_cast %add3A_401 : i32 to index
          %swap3A_431 = arith.constant 48 : index
          %swap3A_432 = tpu.vector_load %arg10[%swap3A_430, %swap3A_431] {strides = array<i32>} : memref<128x64xf32, #tpu.memory_space<vmem>>, vector<16xf32>,
          tpu.vector_store %arg10[%swap3A_430, %swap3A_431], %mul3A_429 {strides = array<i32>} : memref<128x64xf32, #tpu.memory_space<vmem>>, vector<16xf32>,
          %mul3A_433 = arith.constant 16 : i32
          %mul3A_434 = arith.muli %scan3A_116, %mul3A_433 : i32
          %add3A_435 = arith.constant 9 : i32
          %add3A_436 = arith.addi %mul3A_434, %add3A_435 : i32
          %slice3A_437 = vector.extract_strided_slice %get3A_120 {offsets = [9], sizes = [1], strides = [1]} : vector<16xf32> to vector<1xf32>
          %squeeze3A_438 = vector.extract %slice3A_437[0] : f32 from vector<1xf32>
          %broadcast_in_dim3A_439 = vector.broadcast %squeeze3A_438 : f32 to vector<16xf32>
          %get3A_440 = arith.index_cast %add3A_436 : i32 to index
          %get3A_441 = arith.constant 0 : index
          %get3A_442 = tpu.vector_load %arg10[%get3A_440, %get3A_441] {strides = array<i32>} : memref<128x64xf32, #tpu.memory_space<vmem>>, vector<16xf32>,
          %mul3A_443 = arith.mulf %get3A_442, %broadcast_in_dim3A_439 : vector<16xf32>
          %swap3A_444 = arith.index_cast %add3A_436 : i32 to index
          %swap3A_445 = arith.constant 0 : index
          %swap3A_446 = tpu.vector_load %arg10[%swap3A_444, %swap3A_445] {strides = array<i32>} : memref<128x64xf32, #tpu.memory_space<vmem>>, vector<16xf32>,
          tpu.vector_store %arg10[%swap3A_444, %swap3A_445], %mul3A_443 {strides = array<i32>} : memref<128x64xf32, #tpu.memory_space<vmem>>, vector<16xf32>,
          %get3A_447 = arith.index_cast %add3A_436 : i32 to index
          %get3A_448 = arith.constant 16 : index
          %get3A_449 = tpu.vector_load %arg10[%get3A_447, %get3A_448] {strides = array<i32>} : memref<128x64xf32, #tpu.memory_space<vmem>>, vector<16xf32>,
          %mul3A_450 = arith.mulf %get3A_449, %broadcast_in_dim3A_439 : vector<16xf32>
          %swap3A_451 = arith.index_cast %add3A_436 : i32 to index
          %swap3A_452 = arith.constant 16 : index
          %swap3A_453 = tpu.vector_load %arg10[%swap3A_451, %swap3A_452] {strides = array<i32>} : memref<128x64xf32, #tpu.memory_space<vmem>>, vector<16xf32>,
          tpu.vector_store %arg10[%swap3A_451, %swap3A_452], %mul3A_450 {strides = array<i32>} : memref<128x64xf32, #tpu.memory_space<vmem>>, vector<16xf32>,
          %get3A_454 = arith.index_cast %add3A_436 : i32 to index
          %get3A_455 = arith.constant 32 : index
          %get3A_456 = tpu.vector_load %arg10[%get3A_454, %get3A_455] {strides = array<i32>} : memref<128x64xf32, #tpu.memory_space<vmem>>, vector<16xf32>,
          %mul3A_457 = arith.mulf %get3A_456, %broadcast_in_dim3A_439 : vector<16xf32>
          %swap3A_458 = arith.index_cast %add3A_436 : i32 to index
          %swap3A_459 = arith.constant 32 : index
          %swap3A_460 = tpu.vector_load %arg10[%swap3A_458, %swap3A_459] {strides = array<i32>} : memref<128x64xf32, #tpu.memory_space<vmem>>, vector<16xf32>,
          tpu.vector_store %arg10[%swap3A_458, %swap3A_459], %mul3A_457 {strides = array<i32>} : memref<128x64xf32, #tpu.memory_space<vmem>>, vector<16xf32>,
          %get3A_461 = arith.index_cast %add3A_436 : i32 to index
          %get3A_462 = arith.constant 48 : index
          %get3A_463 = tpu.vector_load %arg10[%get3A_461, %get3A_462] {strides = array<i32>} : memref<128x64xf32, #tpu.memory_space<vmem>>, vector<16xf32>,
          %mul3A_464 = arith.mulf %get3A_463, %broadcast_in_dim3A_439 : vector<16xf32>
          %swap3A_465 = arith.index_cast %add3A_436 : i32 to index
          %swap3A_466 = arith.constant 48 : index
          %swap3A_467 = tpu.vector_load %arg10[%swap3A_465, %swap3A_466] {strides = array<i32>} : memref<128x64xf32, #tpu.memory_space<vmem>>, vector<16xf32>,
          tpu.vector_store %arg10[%swap3A_465, %swap3A_466], %mul3A_464 {strides = array<i32>} : memref<128x64xf32, #tpu.memory_space<vmem>>, vector<16xf32>,
          %mul3A_468 = arith.constant 16 : i32
          %mul3A_469 = arith.muli %scan3A_116, %mul3A_468 : i32
          %add3A_470 = arith.constant 10 : i32
          %add3A_471 = arith.addi %mul3A_469, %add3A_470 : i32
          %slice3A_472 = vector.extract_strided_slice %get3A_120 {offsets = [10], sizes = [1], strides = [1]} : vector<16xf32> to vector<1xf32>
          %squeeze3A_473 = vector.extract %slice3A_472[0] : f32 from vector<1xf32>
          %broadcast_in_dim3A_474 = vector.broadcast %squeeze3A_473 : f32 to vector<16xf32>
          %get3A_475 = arith.index_cast %add3A_471 : i32 to index
          %get3A_476 = arith.constant 0 : index
          %get3A_477 = tpu.vector_load %arg10[%get3A_475, %get3A_476] {strides = array<i32>} : memref<128x64xf32, #tpu.memory_space<vmem>>, vector<16xf32>,
          %mul3A_478 = arith.mulf %get3A_477, %broadcast_in_dim3A_474 : vector<16xf32>
          %swap3A_479 = arith.index_cast %add3A_471 : i32 to index
          %swap3A_480 = arith.constant 0 : index
          %swap3A_481 = tpu.vector_load %arg10[%swap3A_479, %swap3A_480] {strides = array<i32>} : memref<128x64xf32, #tpu.memory_space<vmem>>, vector<16xf32>,
          tpu.vector_store %arg10[%swap3A_479, %swap3A_480], %mul3A_478 {strides = array<i32>} : memref<128x64xf32, #tpu.memory_space<vmem>>, vector<16xf32>,
          %get3A_482 = arith.index_cast %add3A_471 : i32 to index
          %get3A_483 = arith.constant 16 : index
          %get3A_484 = tpu.vector_load %arg10[%get3A_482, %get3A_483] {strides = array<i32>} : memref<128x64xf32, #tpu.memory_space<vmem>>, vector<16xf32>,
          %mul3A_485 = arith.mulf %get3A_484, %broadcast_in_dim3A_474 : vector<16xf32>
          %swap3A_486 = arith.index_cast %add3A_471 : i32 to index
          %swap3A_487 = arith.constant 16 : index
          %swap3A_488 = tpu.vector_load %arg10[%swap3A_486, %swap3A_487] {strides = array<i32>} : memref<128x64xf32, #tpu.memory_space<vmem>>, vector<16xf32>,
          tpu.vector_store %arg10[%swap3A_486, %swap3A_487], %mul3A_485 {strides = array<i32>} : memref<128x64xf32, #tpu.memory_space<vmem>>, vector<16xf32>,
          %get3A_489 = arith.index_cast %add3A_471 : i32 to index
          %get3A_490 = arith.constant 32 : index
          %get3A_491 = tpu.vector_load %arg10[%get3A_489, %get3A_490] {strides = array<i32>} : memref<128x64xf32, #tpu.memory_space<vmem>>, vector<16xf32>,
          %mul3A_492 = arith.mulf %get3A_491, %broadcast_in_dim3A_474 : vector<16xf32>
          %swap3A_493 = arith.index_cast %add3A_471 : i32 to index
          %swap3A_494 = arith.constant 32 : index
          %swap3A_495 = tpu.vector_load %arg10[%swap3A_493, %swap3A_494] {strides = array<i32>} : memref<128x64xf32, #tpu.memory_space<vmem>>, vector<16xf32>,
          tpu.vector_store %arg10[%swap3A_493, %swap3A_494], %mul3A_492 {strides = array<i32>} : memref<128x64xf32, #tpu.memory_space<vmem>>, vector<16xf32>,
          %get3A_496 = arith.index_cast %add3A_471 : i32 to index
          %get3A_497 = arith.constant 48 : index
          %get3A_498 = tpu.vector_load %arg10[%get3A_496, %get3A_497] {strides = array<i32>} : memref<128x64xf32, #tpu.memory_space<vmem>>, vector<16xf32>,
          %mul3A_499 = arith.mulf %get3A_498, %broadcast_in_dim3A_474 : vector<16xf32>
          %swap3A_500 = arith.index_cast %add3A_471 : i32 to index
          %swap3A_501 = arith.constant 48 : index
          %swap3A_502 = tpu.vector_load %arg10[%swap3A_500, %swap3A_501] {strides = array<i32>} : memref<128x64xf32, #tpu.memory_space<vmem>>, vector<16xf32>,
          tpu.vector_store %arg10[%swap3A_500, %swap3A_501], %mul3A_499 {strides = array<i32>} : memref<128x64xf32, #tpu.memory_space<vmem>>, vector<16xf32>,
          %mul3A_503 = arith.constant 16 : i32
          %mul3A_504 = arith.muli %scan3A_116, %mul3A_503 : i32
          %add3A_505 = arith.constant 11 : i32
          %add3A_506 = arith.addi %mul3A_504, %add3A_505 : i32
          %slice3A_507 = vector.extract_strided_slice %get3A_120 {offsets = [11], sizes = [1], strides = [1]} : vector<16xf32> to vector<1xf32>
          %squeeze3A_508 = vector.extract %slice3A_507[0] : f32 from vector<1xf32>
          %broadcast_in_dim3A_509 = vector.broadcast %squeeze3A_508 : f32 to vector<16xf32>
          %get3A_510 = arith.index_cast %add3A_506 : i32 to index
          %get3A_511 = arith.constant 0 : index
          %get3A_512 = tpu.vector_load %arg10[%get3A_510, %get3A_511] {strides = array<i32>} : memref<128x64xf32, #tpu.memory_space<vmem>>, vector<16xf32>,
          %mul3A_513 = arith.mulf %get3A_512, %broadcast_in_dim3A_509 : vector<16xf32>
          %swap3A_514 = arith.index_cast %add3A_506 : i32 to index
          %swap3A_515 = arith.constant 0 : index
          %swap3A_516 = tpu.vector_load %arg10[%swap3A_514, %swap3A_515] {strides = array<i32>} : memref<128x64xf32, #tpu.memory_space<vmem>>, vector<16xf32>,
          tpu.vector_store %arg10[%swap3A_514, %swap3A_515], %mul3A_513 {strides = array<i32>} : memref<128x64xf32, #tpu.memory_space<vmem>>, vector<16xf32>,
          %get3A_517 = arith.index_cast %add3A_506 : i32 to index
          %get3A_518 = arith.constant 16 : index
          %get3A_519 = tpu.vector_load %arg10[%get3A_517, %get3A_518] {strides = array<i32>} : memref<128x64xf32, #tpu.memory_space<vmem>>, vector<16xf32>,
          %mul3A_520 = arith.mulf %get3A_519, %broadcast_in_dim3A_509 : vector<16xf32>
          %swap3A_521 = arith.index_cast %add3A_506 : i32 to index
          %swap3A_522 = arith.constant 16 : index
          %swap3A_523 = tpu.vector_load %arg10[%swap3A_521, %swap3A_522] {strides = array<i32>} : memref<128x64xf32, #tpu.memory_space<vmem>>, vector<16xf32>,
          tpu.vector_store %arg10[%swap3A_521, %swap3A_522], %mul3A_520 {strides = array<i32>} : memref<128x64xf32, #tpu.memory_space<vmem>>, vector<16xf32>,
          %get3A_524 = arith.index_cast %add3A_506 : i32 to index
          %get3A_525 = arith.constant 32 : index
          %get3A_526 = tpu.vector_load %arg10[%get3A_524, %get3A_525] {strides = array<i32>} : memref<128x64xf32, #tpu.memory_space<vmem>>, vector<16xf32>,
          %mul3A_527 = arith.mulf %get3A_526, %broadcast_in_dim3A_509 : vector<16xf32>
          %swap3A_528 = arith.index_cast %add3A_506 : i32 to index
          %swap3A_529 = arith.constant 32 : index
          %swap3A_530 = tpu.vector_load %arg10[%swap3A_528, %swap3A_529] {strides = array<i32>} : memref<128x64xf32, #tpu.memory_space<vmem>>, vector<16xf32>,
          tpu.vector_store %arg10[%swap3A_528, %swap3A_529], %mul3A_527 {strides = array<i32>} : memref<128x64xf32, #tpu.memory_space<vmem>>, vector<16xf32>,
          %get3A_531 = arith.index_cast %add3A_506 : i32 to index
          %get3A_532 = arith.constant 48 : index
          %get3A_533 = tpu.vector_load %arg10[%get3A_531, %get3A_532] {strides = array<i32>} : memref<128x64xf32, #tpu.memory_space<vmem>>, vector<16xf32>,
          %mul3A_534 = arith.mulf %get3A_533, %broadcast_in_dim3A_509 : vector<16xf32>
          %swap3A_535 = arith.index_cast %add3A_506 : i32 to index
          %swap3A_536 = arith.constant 48 : index
          %swap3A_537 = tpu.vector_load %arg10[%swap3A_535, %swap3A_536] {strides = array<i32>} : memref<128x64xf32, #tpu.memory_space<vmem>>, vector<16xf32>,
          tpu.vector_store %arg10[%swap3A_535, %swap3A_536], %mul3A_534 {strides = array<i32>} : memref<128x64xf32, #tpu.memory_space<vmem>>, vector<16xf32>,
          %mul3A_538 = arith.constant 16 : i32
          %mul3A_539 = arith.muli %scan3A_116, %mul3A_538 : i32
          %add3A_540 = arith.constant 12 : i32
          %add3A_541 = arith.addi %mul3A_539, %add3A_540 : i32
          %slice3A_542 = vector.extract_strided_slice %get3A_120 {offsets = [12], sizes = [1], strides = [1]} : vector<16xf32> to vector<1xf32>
          %squeeze3A_543 = vector.extract %slice3A_542[0] : f32 from vector<1xf32>
          %broadcast_in_dim3A_544 = vector.broadcast %squeeze3A_543 : f32 to vector<16xf32>
          %get3A_545 = arith.index_cast %add3A_541 : i32 to index
          %get3A_546 = arith.constant 0 : index
          %get3A_547 = tpu.vector_load %arg10[%get3A_545, %get3A_546] {strides = array<i32>} : memref<128x64xf32, #tpu.memory_space<vmem>>, vector<16xf32>,
          %mul3A_548 = arith.mulf %get3A_547, %broadcast_in_dim3A_544 : vector<16xf32>
          %swap3A_549 = arith.index_cast %add3A_541 : i32 to index
          %swap3A_550 = arith.constant 0 : index
          %swap3A_551 = tpu.vector_load %arg10[%swap3A_549, %swap3A_550] {strides = array<i32>} : memref<128x64xf32, #tpu.memory_space<vmem>>, vector<16xf32>,
          tpu.vector_store %arg10[%swap3A_549, %swap3A_550], %mul3A_548 {strides = array<i32>} : memref<128x64xf32, #tpu.memory_space<vmem>>, vector<16xf32>,
          %get3A_552 = arith.index_cast %add3A_541 : i32 to index
          %get3A_553 = arith.constant 16 : index
          %get3A_554 = tpu.vector_load %arg10[%get3A_552, %get3A_553] {strides = array<i32>} : memref<128x64xf32, #tpu.memory_space<vmem>>, vector<16xf32>,
          %mul3A_555 = arith.mulf %get3A_554, %broadcast_in_dim3A_544 : vector<16xf32>
          %swap3A_556 = arith.index_cast %add3A_541 : i32 to index
          %swap3A_557 = arith.constant 16 : index
          %swap3A_558 = tpu.vector_load %arg10[%swap3A_556, %swap3A_557] {strides = array<i32>} : memref<128x64xf32, #tpu.memory_space<vmem>>, vector<16xf32>,
          tpu.vector_store %arg10[%swap3A_556, %swap3A_557], %mul3A_555 {strides = array<i32>} : memref<128x64xf32, #tpu.memory_space<vmem>>, vector<16xf32>,
          %get3A_559 = arith.index_cast %add3A_541 : i32 to index
          %get3A_560 = arith.constant 32 : index
          %get3A_561 = tpu.vector_load %arg10[%get3A_559, %get3A_560] {strides = array<i32>} : memref<128x64xf32, #tpu.memory_space<vmem>>, vector<16xf32>,
          %mul3A_562 = arith.mulf %get3A_561, %broadcast_in_dim3A_544 : vector<16xf32>
          %swap3A_563 = arith.index_cast %add3A_541 : i32 to index
          %swap3A_564 = arith.constant 32 : index
          %swap3A_565 = tpu.vector_load %arg10[%swap3A_563, %swap3A_564] {strides = array<i32>} : memref<128x64xf32, #tpu.memory_space<vmem>>, vector<16xf32>,
          tpu.vector_store %arg10[%swap3A_563, %swap3A_564], %mul3A_562 {strides = array<i32>} : memref<128x64xf32, #tpu.memory_space<vmem>>, vector<16xf32>,
          %get3A_566 = arith.index_cast %add3A_541 : i32 to index
          %get3A_567 = arith.constant 48 : index
          %get3A_568 = tpu.vector_load %arg10[%get3A_566, %get3A_567] {strides = array<i32>} : memref<128x64xf32, #tpu.memory_space<vmem>>, vector<16xf32>,
          %mul3A_569 = arith.mulf %get3A_568, %broadcast_in_dim3A_544 : vector<16xf32>
          %swap3A_570 = arith.index_cast %add3A_541 : i32 to index
          %swap3A_571 = arith.constant 48 : index
          %swap3A_572 = tpu.vector_load %arg10[%swap3A_570, %swap3A_571] {strides = array<i32>} : memref<128x64xf32, #tpu.memory_space<vmem>>, vector<16xf32>,
          tpu.vector_store %arg10[%swap3A_570, %swap3A_571], %mul3A_569 {strides = array<i32>} : memref<128x64xf32, #tpu.memory_space<vmem>>, vector<16xf32>,
          %mul3A_573 = arith.constant 16 : i32
          %mul3A_574 = arith.muli %scan3A_116, %mul3A_573 : i32
          %add3A_575 = arith.constant 13 : i32
          %add3A_576 = arith.addi %mul3A_574, %add3A_575 : i32
          %slice3A_577 = vector.extract_strided_slice %get3A_120 {offsets = [13], sizes = [1], strides = [1]} : vector<16xf32> to vector<1xf32>
          %squeeze3A_578 = vector.extract %slice3A_577[0] : f32 from vector<1xf32>
          %broadcast_in_dim3A_579 = vector.broadcast %squeeze3A_578 : f32 to vector<16xf32>
          %get3A_580 = arith.index_cast %add3A_576 : i32 to index
          %get3A_581 = arith.constant 0 : index
          %get3A_582 = tpu.vector_load %arg10[%get3A_580, %get3A_581] {strides = array<i32>} : memref<128x64xf32, #tpu.memory_space<vmem>>, vector<16xf32>,
          %mul3A_583 = arith.mulf %get3A_582, %broadcast_in_dim3A_579 : vector<16xf32>
          %swap3A_584 = arith.index_cast %add3A_576 : i32 to index
          %swap3A_585 = arith.constant 0 : index
          %swap3A_586 = tpu.vector_load %arg10[%swap3A_584, %swap3A_585] {strides = array<i32>} : memref<128x64xf32, #tpu.memory_space<vmem>>, vector<16xf32>,
          tpu.vector_store %arg10[%swap3A_584, %swap3A_585], %mul3A_583 {strides = array<i32>} : memref<128x64xf32, #tpu.memory_space<vmem>>, vector<16xf32>,
          %get3A_587 = arith.index_cast %add3A_576 : i32 to index
          %get3A_588 = arith.constant 16 : index
          %get3A_589 = tpu.vector_load %arg10[%get3A_587, %get3A_588] {strides = array<i32>} : memref<128x64xf32, #tpu.memory_space<vmem>>, vector<16xf32>,
          %mul3A_590 = arith.mulf %get3A_589, %broadcast_in_dim3A_579 : vector<16xf32>
          %swap3A_591 = arith.index_cast %add3A_576 : i32 to index
          %swap3A_592 = arith.constant 16 : index
          %swap3A_593 = tpu.vector_load %arg10[%swap3A_591, %swap3A_592] {strides = array<i32>} : memref<128x64xf32, #tpu.memory_space<vmem>>, vector<16xf32>,
          tpu.vector_store %arg10[%swap3A_591, %swap3A_592], %mul3A_590 {strides = array<i32>} : memref<128x64xf32, #tpu.memory_space<vmem>>, vector<16xf32>,
          %get3A_594 = arith.index_cast %add3A_576 : i32 to index
          %get3A_595 = arith.constant 32 : index
          %get3A_596 = tpu.vector_load %arg10[%get3A_594, %get3A_595] {strides = array<i32>} : memref<128x64xf32, #tpu.memory_space<vmem>>, vector<16xf32>,
          %mul3A_597 = arith.mulf %get3A_596, %broadcast_in_dim3A_579 : vector<16xf32>
          %swap3A_598 = arith.index_cast %add3A_576 : i32 to index
          %swap3A_599 = arith.constant 32 : index
          %swap3A_600 = tpu.vector_load %arg10[%swap3A_598, %swap3A_599] {strides = array<i32>} : memref<128x64xf32, #tpu.memory_space<vmem>>, vector<16xf32>,
          tpu.vector_store %arg10[%swap3A_598, %swap3A_599], %mul3A_597 {strides = array<i32>} : memref<128x64xf32, #tpu.memory_space<vmem>>, vector<16xf32>,
          %get3A_601 = arith.index_cast %add3A_576 : i32 to index
          %get3A_602 = arith.constant 48 : index
          %get3A_603 = tpu.vector_load %arg10[%get3A_601, %get3A_602] {strides = array<i32>} : memref<128x64xf32, #tpu.memory_space<vmem>>, vector<16xf32>,
          %mul3A_604 = arith.mulf %get3A_603, %broadcast_in_dim3A_579 : vector<16xf32>
          %swap3A_605 = arith.index_cast %add3A_576 : i32 to index
          %swap3A_606 = arith.constant 48 : index
          %swap3A_607 = tpu.vector_load %arg10[%swap3A_605, %swap3A_606] {strides = array<i32>} : memref<128x64xf32, #tpu.memory_space<vmem>>, vector<16xf32>,
          tpu.vector_store %arg10[%swap3A_605, %swap3A_606], %mul3A_604 {strides = array<i32>} : memref<128x64xf32, #tpu.memory_space<vmem>>, vector<16xf32>,
          %mul3A_608 = arith.constant 16 : i32
          %mul3A_609 = arith.muli %scan3A_116, %mul3A_608 : i32
          %add3A_610 = arith.constant 14 : i32
          %add3A_611 = arith.addi %mul3A_609, %add3A_610 : i32
          %slice3A_612 = vector.extract_strided_slice %get3A_120 {offsets = [14], sizes = [1], strides = [1]} : vector<16xf32> to vector<1xf32>
          %squeeze3A_613 = vector.extract %slice3A_612[0] : f32 from vector<1xf32>
          %broadcast_in_dim3A_614 = vector.broadcast %squeeze3A_613 : f32 to vector<16xf32>
          %get3A_615 = arith.index_cast %add3A_611 : i32 to index
          %get3A_616 = arith.constant 0 : index
          %get3A_617 = tpu.vector_load %arg10[%get3A_615, %get3A_616] {strides = array<i32>} : memref<128x64xf32, #tpu.memory_space<vmem>>, vector<16xf32>,
          %mul3A_618 = arith.mulf %get3A_617, %broadcast_in_dim3A_614 : vector<16xf32>
          %swap3A_619 = arith.index_cast %add3A_611 : i32 to index
          %swap3A_620 = arith.constant 0 : index
          %swap3A_621 = tpu.vector_load %arg10[%swap3A_619, %swap3A_620] {strides = array<i32>} : memref<128x64xf32, #tpu.memory_space<vmem>>, vector<16xf32>,
          tpu.vector_store %arg10[%swap3A_619, %swap3A_620], %mul3A_618 {strides = array<i32>} : memref<128x64xf32, #tpu.memory_space<vmem>>, vector<16xf32>,
          %get3A_622 = arith.index_cast %add3A_611 : i32 to index
          %get3A_623 = arith.constant 16 : index
          %get3A_624 = tpu.vector_load %arg10[%get3A_622, %get3A_623] {strides = array<i32>} : memref<128x64xf32, #tpu.memory_space<vmem>>, vector<16xf32>,
          %mul3A_625 = arith.mulf %get3A_624, %broadcast_in_dim3A_614 : vector<16xf32>
          %swap3A_626 = arith.index_cast %add3A_611 : i32 to index
          %swap3A_627 = arith.constant 16 : index
          %swap3A_628 = tpu.vector_load %arg10[%swap3A_626, %swap3A_627] {strides = array<i32>} : memref<128x64xf32, #tpu.memory_space<vmem>>, vector<16xf32>,
          tpu.vector_store %arg10[%swap3A_626, %swap3A_627], %mul3A_625 {strides = array<i32>} : memref<128x64xf32, #tpu.memory_space<vmem>>, vector<16xf32>,
          %get3A_629 = arith.index_cast %add3A_611 : i32 to index
          %get3A_630 = arith.constant 32 : index
          %get3A_631 = tpu.vector_load %arg10[%get3A_629, %get3A_630] {strides = array<i32>} : memref<128x64xf32, #tpu.memory_space<vmem>>, vector<16xf32>,
          %mul3A_632 = arith.mulf %get3A_631, %broadcast_in_dim3A_614 : vector<16xf32>
          %swap3A_633 = arith.index_cast %add3A_611 : i32 to index
          %swap3A_634 = arith.constant 32 : index
          %swap3A_635 = tpu.vector_load %arg10[%swap3A_633, %swap3A_634] {strides = array<i32>} : memref<128x64xf32, #tpu.memory_space<vmem>>, vector<16xf32>,
          tpu.vector_store %arg10[%swap3A_633, %swap3A_634], %mul3A_632 {strides = array<i32>} : memref<128x64xf32, #tpu.memory_space<vmem>>, vector<16xf32>,
          %get3A_636 = arith.index_cast %add3A_611 : i32 to index
          %get3A_637 = arith.constant 48 : index
          %get3A_638 = tpu.vector_load %arg10[%get3A_636, %get3A_637] {strides = array<i32>} : memref<128x64xf32, #tpu.memory_space<vmem>>, vector<16xf32>,
          %mul3A_639 = arith.mulf %get3A_638, %broadcast_in_dim3A_614 : vector<16xf32>
          %swap3A_640 = arith.index_cast %add3A_611 : i32 to index
          %swap3A_641 = arith.constant 48 : index
          %swap3A_642 = tpu.vector_load %arg10[%swap3A_640, %swap3A_641] {strides = array<i32>} : memref<128x64xf32, #tpu.memory_space<vmem>>, vector<16xf32>,
          tpu.vector_store %arg10[%swap3A_640, %swap3A_641], %mul3A_639 {strides = array<i32>} : memref<128x64xf32, #tpu.memory_space<vmem>>, vector<16xf32>,
          %mul3A_643 = arith.constant 16 : i32
          %mul3A_644 = arith.muli %scan3A_116, %mul3A_643 : i32
          %add3A_645 = arith.constant 15 : i32
          %add3A_646 = arith.addi %mul3A_644, %add3A_645 : i32
          %slice3A_647 = vector.extract_strided_slice %get3A_120 {offsets = [15], sizes = [1], strides = [1]} : vector<16xf32> to vector<1xf32>
          %squeeze3A_648 = vector.extract %slice3A_647[0] : f32 from vector<1xf32>
          %broadcast_in_dim3A_649 = vector.broadcast %squeeze3A_648 : f32 to vector<16xf32>
          %get3A_650 = arith.index_cast %add3A_646 : i32 to index
          %get3A_651 = arith.constant 0 : index
          %get3A_652 = tpu.vector_load %arg10[%get3A_650, %get3A_651] {strides = array<i32>} : memref<128x64xf32, #tpu.memory_space<vmem>>, vector<16xf32>,
          %mul3A_653 = arith.mulf %get3A_652, %broadcast_in_dim3A_649 : vector<16xf32>
          %swap3A_654 = arith.index_cast %add3A_646 : i32 to index
          %swap3A_655 = arith.constant 0 : index
          %swap3A_656 = tpu.vector_load %arg10[%swap3A_654, %swap3A_655] {strides = array<i32>} : memref<128x64xf32, #tpu.memory_space<vmem>>, vector<16xf32>,
          tpu.vector_store %arg10[%swap3A_654, %swap3A_655], %mul3A_653 {strides = array<i32>} : memref<128x64xf32, #tpu.memory_space<vmem>>, vector<16xf32>,
          %get3A_657 = arith.index_cast %add3A_646 : i32 to index
          %get3A_658 = arith.constant 16 : index
          %get3A_659 = tpu.vector_load %arg10[%get3A_657, %get3A_658] {strides = array<i32>} : memref<128x64xf32, #tpu.memory_space<vmem>>, vector<16xf32>,
          %mul3A_660 = arith.mulf %get3A_659, %broadcast_in_dim3A_649 : vector<16xf32>
          %swap3A_661 = arith.index_cast %add3A_646 : i32 to index
          %swap3A_662 = arith.constant 16 : index
          %swap3A_663 = tpu.vector_load %arg10[%swap3A_661, %swap3A_662] {strides = array<i32>} : memref<128x64xf32, #tpu.memory_space<vmem>>, vector<16xf32>,
          tpu.vector_store %arg10[%swap3A_661, %swap3A_662], %mul3A_660 {strides = array<i32>} : memref<128x64xf32, #tpu.memory_space<vmem>>, vector<16xf32>,
          %get3A_664 = arith.index_cast %add3A_646 : i32 to index
          %get3A_665 = arith.constant 32 : index
          %get3A_666 = tpu.vector_load %arg10[%get3A_664, %get3A_665] {strides = array<i32>} : memref<128x64xf32, #tpu.memory_space<vmem>>, vector<16xf32>,
          %mul3A_667 = arith.mulf %get3A_666, %broadcast_in_dim3A_649 : vector<16xf32>
          %swap3A_668 = arith.index_cast %add3A_646 : i32 to index
          %swap3A_669 = arith.constant 32 : index
          %swap3A_670 = tpu.vector_load %arg10[%swap3A_668, %swap3A_669] {strides = array<i32>} : memref<128x64xf32, #tpu.memory_space<vmem>>, vector<16xf32>,
          tpu.vector_store %arg10[%swap3A_668, %swap3A_669], %mul3A_667 {strides = array<i32>} : memref<128x64xf32, #tpu.memory_space<vmem>>, vector<16xf32>,
          %get3A_671 = arith.index_cast %add3A_646 : i32 to index
          %get3A_672 = arith.constant 48 : index
          %get3A_673 = tpu.vector_load %arg10[%get3A_671, %get3A_672] {strides = array<i32>} : memref<128x64xf32, #tpu.memory_space<vmem>>, vector<16xf32>,
          %mul3A_674 = arith.mulf %get3A_673, %broadcast_in_dim3A_649 : vector<16xf32>
          %swap3A_675 = arith.index_cast %add3A_646 : i32 to index
          %swap3A_676 = arith.constant 48 : index
          %swap3A_677 = tpu.vector_load %arg10[%swap3A_675, %swap3A_676] {strides = array<i32>} : memref<128x64xf32, #tpu.memory_space<vmem>>, vector<16xf32>,
          tpu.vector_store %arg10[%swap3A_675, %swap3A_676], %mul3A_674 {strides = array<i32>} : memref<128x64xf32, #tpu.memory_space<vmem>>, vector<16xf32>,
        }
        %scan3A_81 = arith.constant 8 : i32
        %dma_start3A_82 = arith.constant 0 : i32
        %dma_start3A_83 = tpu.memref_slice %arg8[%mul3A_59, %dma_start3A_82] : memref<32x128xi32, #tpu.memory_space<vmem>> -> memref<1x128xi32, #tpu.memory_space<vmem>>
        %dma_start3A_84 = tpu.memref_squeeze %dma_start3A_83 : memref<1x128xi32, #tpu.memory_space<vmem>> -> memref<128xi32, #tpu.memory_space<vmem>>
        %dma_start3A_85 = arith.constant 0 : i32
        %dma_start3A_86 = arith.constant 0 : i32
        %dma_start3A_87 = tpu.memref_slice %arg12[%dma_start3A_85, %dma_start3A_86] : memref<10240x64xf32, #tpu.memory_space<vmem_shared>> -> memref<10240x64xf32, #tpu.memory_space<vmem_shared>>
        tpu.enqueue_indirect_dma source(%arg10 : memref<128x64xf32, #tpu.memory_space<vmem>>) target(%dma_start3A_87 : memref<10240x64xf32, #tpu.memory_space<vmem_shared>>) offsets(%dma_start3A_84 : memref<128xi32, #tpu.memory_space<vmem>>) semaphore(%arg15 : memref<!tpu.dma_semaphore, #tpu.memory_space<semaphore_mem>>) {add = true}
        %lt3A = arith.constant 15 : i32
        %lt3A_88 = arith.cmpi slt, %scan3A_57, %lt3A : i32
        %convert_element_type3A_89 = arith.extui %lt3A_88 : i1 to i32
        %cond3A_90 = arith.constant 0 : i32
        %cond3A_91 = arith.cmpi ne, %convert_element_type3A_89, %cond3A_90 : i32
        scf.if %cond3A_91 {
          %dma_wait3A_116 = arith.constant 0 : i32
          %dma_wait3A_117 = tpu.memref_slice %arg8[%mul3A_59, %dma_wait3A_116] : memref<32x128xi32, #tpu.memory_space<vmem>> -> memref<1x128xi32, #tpu.memory_space<vmem>>
          %dma_wait3A_118 = tpu.memref_squeeze %dma_wait3A_117 : memref<1x128xi32, #tpu.memory_space<vmem>> -> memref<128xi32, #tpu.memory_space<vmem>>
          %dma_wait3A_119 = arith.constant 0 : i32
          %dma_wait3A_120 = arith.constant 0 : i32
          %dma_wait3A_121 = tpu.memref_slice %arg12[%dma_wait3A_119, %dma_wait3A_120] : memref<10240x64xf32, #tpu.memory_space<vmem_shared>> -> memref<10240x64xf32, #tpu.memory_space<vmem_shared>>
          tpu.wait_indirect_dma semaphore(%arg15 : memref<!tpu.dma_semaphore, #tpu.memory_space<semaphore_mem>>) src(%arg10 : memref<128x64xf32, #tpu.memory_space<vmem>>) dst(%dma_wait3A_121 : memref<10240x64xf32, #tpu.memory_space<vmem_shared>>)
          %add3A_122 = arith.constant 2 : i32
          %add3A_123 = arith.addi %mul3A_59, %add3A_122 : i32
          %dma_start3A_124 = arith.constant 0 : i32
          %dma_start3A_125 = tpu.memref_slice %arg7[%add3A_123, %dma_start3A_124] : memref<32x128xi32, #tpu.memory_space<vmem>> -> memref<1x128xi32, #tpu.memory_space<vmem>>
          %dma_start3A_126 = tpu.memref_squeeze %dma_start3A_125 : memref<1x128xi32, #tpu.memory_space<vmem>> -> memref<128xi32, #tpu.memory_space<vmem>>
          %dma_start3A_127 = arith.constant 0 : i32
          %dma_start3A_128 = arith.constant 0 : i32
          %dma_start3A_129 = tpu.memref_slice %arg2[%dma_start3A_127, %dma_start3A_128] : memref<180000x64xf32, #tpu.memory_space<hbm>> -> memref<180000x64xf32, #tpu.memory_space<hbm>>
          tpu.enqueue_indirect_dma source(%dma_start3A_129 : memref<180000x64xf32, #tpu.memory_space<hbm>>) target(%arg10 : memref<128x64xf32, #tpu.memory_space<vmem>>) offsets(%dma_start3A_126 : memref<128xi32, #tpu.memory_space<vmem>>) semaphore(%arg13 : memref<!tpu.dma_semaphore, #tpu.memory_space<semaphore_mem>>)
        } else {
        }
        %add3A_92 = arith.constant 1 : i32
        %add3A_93 = arith.addi %mul3A_59, %add3A_92 : i32
        %dma_wait3A_94 = arith.constant 0 : i32
        %dma_wait3A_95 = tpu.memref_slice %arg7[%add3A_93, %dma_wait3A_94] : memref<32x128xi32, #tpu.memory_space<vmem>> -> memref<1x128xi32, #tpu.memory_space<vmem>>
        %dma_wait3A_96 = tpu.memref_squeeze %dma_wait3A_95 : memref<1x128xi32, #tpu.memory_space<vmem>> -> memref<128xi32, #tpu.memory_space<vmem>>
        %dma_wait3A_97 = arith.constant 0 : i32
        %dma_wait3A_98 = arith.constant 0 : i32
        %dma_wait3A_99 = tpu.memref_slice %arg2[%dma_wait3A_97, %dma_wait3A_98] : memref<180000x64xf32, #tpu.memory_space<hbm>> -> memref<180000x64xf32, #tpu.memory_space<hbm>>
        tpu.wait_indirect_dma semaphore(%arg14 : memref<!tpu.dma_semaphore, #tpu.memory_space<semaphore_mem>>) src(%dma_wait3A_99 : memref<180000x64xf32, #tpu.memory_space<hbm>>) dst(%arg11 : memref<128x64xf32, #tpu.memory_space<vmem>>)
        %add3A_100 = arith.constant 1 : i32
        %add3A_101 = arith.addi %mul3A_59, %add3A_100 : i32
        %scan3A_102 = arith.constant 0 : i32
        %scan3A_103 = arith.constant 0 : i32
        %scan3A_104 = arith.constant 8 : i32
        %scan3A_105 = arith.addi %scan3A_103, %scan3A_104 : i32
        %scan3A_106 = arith.constant 1 : i32
        scf.for %scan3A_116 = %scan3A_103 to %scan3A_105 step %scan3A_106  : i32 {
          %mul3A_117 = arith.constant 16 : i32
          %mul3A_118 = arith.muli %scan3A_116, %mul3A_117 : i32
          %get3A = arith.index_cast %add3A_101 : i32 to index
          %get3A_119 = arith.index_cast %mul3A_118 : i32 to index
          %get3A_120 = tpu.vector_load %arg9[%get3A, %get3A_119] {strides = array<i32>} : memref<32x128xf32, #tpu.memory_space<vmem>>, vector<16xf32>,
          %mul3A_121 = arith.constant 16 : i32
          %mul3A_122 = arith.muli %scan3A_116, %mul3A_121 : i32
          %add3A_123 = arith.constant 0 : i32
          %add3A_124 = arith.addi %mul3A_122, %add3A_123 : i32
          %slice3A = vector.extract_strided_slice %get3A_120 {offsets = [0], sizes = [1], strides = [1]} : vector<16xf32> to vector<1xf32>
          %squeeze3A = vector.extract %slice3A[0] : f32 from vector<1xf32>
          %broadcast_in_dim3A_125 = vector.broadcast %squeeze3A : f32 to vector<16xf32>
          %get3A_126 = arith.index_cast %add3A_124 : i32 to index
          %get3A_127 = arith.constant 0 : index
          %get3A_128 = tpu.vector_load %arg11[%get3A_126, %get3A_127] {strides = array<i32>} : memref<128x64xf32, #tpu.memory_space<vmem>>, vector<16xf32>,
          %mul3A_129 = arith.mulf %get3A_128, %broadcast_in_dim3A_125 : vector<16xf32>
          %swap3A = arith.index_cast %add3A_124 : i32 to index
          %swap3A_130 = arith.constant 0 : index
          %swap3A_131 = tpu.vector_load %arg11[%swap3A, %swap3A_130] {strides = array<i32>} : memref<128x64xf32, #tpu.memory_space<vmem>>, vector<16xf32>,
          tpu.vector_store %arg11[%swap3A, %swap3A_130], %mul3A_129 {strides = array<i32>} : memref<128x64xf32, #tpu.memory_space<vmem>>, vector<16xf32>,
          %get3A_132 = arith.index_cast %add3A_124 : i32 to index
          %get3A_133 = arith.constant 16 : index
          %get3A_134 = tpu.vector_load %arg11[%get3A_132, %get3A_133] {strides = array<i32>} : memref<128x64xf32, #tpu.memory_space<vmem>>, vector<16xf32>,
          %mul3A_135 = arith.mulf %get3A_134, %broadcast_in_dim3A_125 : vector<16xf32>
          %swap3A_136 = arith.index_cast %add3A_124 : i32 to index
          %swap3A_137 = arith.constant 16 : index
          %swap3A_138 = tpu.vector_load %arg11[%swap3A_136, %swap3A_137] {strides = array<i32>} : memref<128x64xf32, #tpu.memory_space<vmem>>, vector<16xf32>,
          tpu.vector_store %arg11[%swap3A_136, %swap3A_137], %mul3A_135 {strides = array<i32>} : memref<128x64xf32, #tpu.memory_space<vmem>>, vector<16xf32>,
          %get3A_139 = arith.index_cast %add3A_124 : i32 to index
          %get3A_140 = arith.constant 32 : index
          %get3A_141 = tpu.vector_load %arg11[%get3A_139, %get3A_140] {strides = array<i32>} : memref<128x64xf32, #tpu.memory_space<vmem>>, vector<16xf32>,
          %mul3A_142 = arith.mulf %get3A_141, %broadcast_in_dim3A_125 : vector<16xf32>
          %swap3A_143 = arith.index_cast %add3A_124 : i32 to index
          %swap3A_144 = arith.constant 32 : index
          %swap3A_145 = tpu.vector_load %arg11[%swap3A_143, %swap3A_144] {strides = array<i32>} : memref<128x64xf32, #tpu.memory_space<vmem>>, vector<16xf32>,
          tpu.vector_store %arg11[%swap3A_143, %swap3A_144], %mul3A_142 {strides = array<i32>} : memref<128x64xf32, #tpu.memory_space<vmem>>, vector<16xf32>,
          %get3A_146 = arith.index_cast %add3A_124 : i32 to index
          %get3A_147 = arith.constant 48 : index
          %get3A_148 = tpu.vector_load %arg11[%get3A_146, %get3A_147] {strides = array<i32>} : memref<128x64xf32, #tpu.memory_space<vmem>>, vector<16xf32>,
          %mul3A_149 = arith.mulf %get3A_148, %broadcast_in_dim3A_125 : vector<16xf32>
          %swap3A_150 = arith.index_cast %add3A_124 : i32 to index
          %swap3A_151 = arith.constant 48 : index
          %swap3A_152 = tpu.vector_load %arg11[%swap3A_150, %swap3A_151] {strides = array<i32>} : memref<128x64xf32, #tpu.memory_space<vmem>>, vector<16xf32>,
          tpu.vector_store %arg11[%swap3A_150, %swap3A_151], %mul3A_149 {strides = array<i32>} : memref<128x64xf32, #tpu.memory_space<vmem>>, vector<16xf32>,
          %mul3A_153 = arith.constant 16 : i32
          %mul3A_154 = arith.muli %scan3A_116, %mul3A_153 : i32
          %add3A_155 = arith.constant 1 : i32
          %add3A_156 = arith.addi %mul3A_154, %add3A_155 : i32
          %slice3A_157 = vector.extract_strided_slice %get3A_120 {offsets = [1], sizes = [1], strides = [1]} : vector<16xf32> to vector<1xf32>
          %squeeze3A_158 = vector.extract %slice3A_157[0] : f32 from vector<1xf32>
          %broadcast_in_dim3A_159 = vector.broadcast %squeeze3A_158 : f32 to vector<16xf32>
          %get3A_160 = arith.index_cast %add3A_156 : i32 to index
          %get3A_161 = arith.constant 0 : index
          %get3A_162 = tpu.vector_load %arg11[%get3A_160, %get3A_161] {strides = array<i32>} : memref<128x64xf32, #tpu.memory_space<vmem>>, vector<16xf32>,
          %mul3A_163 = arith.mulf %get3A_162, %broadcast_in_dim3A_159 : vector<16xf32>
          %swap3A_164 = arith.index_cast %add3A_156 : i32 to index
          %swap3A_165 = arith.constant 0 : index
          %swap3A_166 = tpu.vector_load %arg11[%swap3A_164, %swap3A_165] {strides = array<i32>} : memref<128x64xf32, #tpu.memory_space<vmem>>, vector<16xf32>,
          tpu.vector_store %arg11[%swap3A_164, %swap3A_165], %mul3A_163 {strides = array<i32>} : memref<128x64xf32, #tpu.memory_space<vmem>>, vector<16xf32>,
          %get3A_167 = arith.index_cast %add3A_156 : i32 to index
          %get3A_168 = arith.constant 16 : index
          %get3A_169 = tpu.vector_load %arg11[%get3A_167, %get3A_168] {strides = array<i32>} : memref<128x64xf32, #tpu.memory_space<vmem>>, vector<16xf32>,
          %mul3A_170 = arith.mulf %get3A_169, %broadcast_in_dim3A_159 : vector<16xf32>
          %swap3A_171 = arith.index_cast %add3A_156 : i32 to index
          %swap3A_172 = arith.constant 16 : index
          %swap3A_173 = tpu.vector_load %arg11[%swap3A_171, %swap3A_172] {strides = array<i32>} : memref<128x64xf32, #tpu.memory_space<vmem>>, vector<16xf32>,
          tpu.vector_store %arg11[%swap3A_171, %swap3A_172], %mul3A_170 {strides = array<i32>} : memref<128x64xf32, #tpu.memory_space<vmem>>, vector<16xf32>,
          %get3A_174 = arith.index_cast %add3A_156 : i32 to index
          %get3A_175 = arith.constant 32 : index
          %get3A_176 = tpu.vector_load %arg11[%get3A_174, %get3A_175] {strides = array<i32>} : memref<128x64xf32, #tpu.memory_space<vmem>>, vector<16xf32>,
          %mul3A_177 = arith.mulf %get3A_176, %broadcast_in_dim3A_159 : vector<16xf32>
          %swap3A_178 = arith.index_cast %add3A_156 : i32 to index
          %swap3A_179 = arith.constant 32 : index
          %swap3A_180 = tpu.vector_load %arg11[%swap3A_178, %swap3A_179] {strides = array<i32>} : memref<128x64xf32, #tpu.memory_space<vmem>>, vector<16xf32>,
          tpu.vector_store %arg11[%swap3A_178, %swap3A_179], %mul3A_177 {strides = array<i32>} : memref<128x64xf32, #tpu.memory_space<vmem>>, vector<16xf32>,
          %get3A_181 = arith.index_cast %add3A_156 : i32 to index
          %get3A_182 = arith.constant 48 : index
          %get3A_183 = tpu.vector_load %arg11[%get3A_181, %get3A_182] {strides = array<i32>} : memref<128x64xf32, #tpu.memory_space<vmem>>, vector<16xf32>,
          %mul3A_184 = arith.mulf %get3A_183, %broadcast_in_dim3A_159 : vector<16xf32>
          %swap3A_185 = arith.index_cast %add3A_156 : i32 to index
          %swap3A_186 = arith.constant 48 : index
          %swap3A_187 = tpu.vector_load %arg11[%swap3A_185, %swap3A_186] {strides = array<i32>} : memref<128x64xf32, #tpu.memory_space<vmem>>, vector<16xf32>,
          tpu.vector_store %arg11[%swap3A_185, %swap3A_186], %mul3A_184 {strides = array<i32>} : memref<128x64xf32, #tpu.memory_space<vmem>>, vector<16xf32>,
          %mul3A_188 = arith.constant 16 : i32
          %mul3A_189 = arith.muli %scan3A_116, %mul3A_188 : i32
          %add3A_190 = arith.constant 2 : i32
          %add3A_191 = arith.addi %mul3A_189, %add3A_190 : i32
          %slice3A_192 = vector.extract_strided_slice %get3A_120 {offsets = [2], sizes = [1], strides = [1]} : vector<16xf32> to vector<1xf32>
          %squeeze3A_193 = vector.extract %slice3A_192[0] : f32 from vector<1xf32>
          %broadcast_in_dim3A_194 = vector.broadcast %squeeze3A_193 : f32 to vector<16xf32>
          %get3A_195 = arith.index_cast %add3A_191 : i32 to index
          %get3A_196 = arith.constant 0 : index
          %get3A_197 = tpu.vector_load %arg11[%get3A_195, %get3A_196] {strides = array<i32>} : memref<128x64xf32, #tpu.memory_space<vmem>>, vector<16xf32>,
          %mul3A_198 = arith.mulf %get3A_197, %broadcast_in_dim3A_194 : vector<16xf32>
          %swap3A_199 = arith.index_cast %add3A_191 : i32 to index
          %swap3A_200 = arith.constant 0 : index
          %swap3A_201 = tpu.vector_load %arg11[%swap3A_199, %swap3A_200] {strides = array<i32>} : memref<128x64xf32, #tpu.memory_space<vmem>>, vector<16xf32>,
          tpu.vector_store %arg11[%swap3A_199, %swap3A_200], %mul3A_198 {strides = array<i32>} : memref<128x64xf32, #tpu.memory_space<vmem>>, vector<16xf32>,
          %get3A_202 = arith.index_cast %add3A_191 : i32 to index
          %get3A_203 = arith.constant 16 : index
          %get3A_204 = tpu.vector_load %arg11[%get3A_202, %get3A_203] {strides = array<i32>} : memref<128x64xf32, #tpu.memory_space<vmem>>, vector<16xf32>,
          %mul3A_205 = arith.mulf %get3A_204, %broadcast_in_dim3A_194 : vector<16xf32>
          %swap3A_206 = arith.index_cast %add3A_191 : i32 to index
          %swap3A_207 = arith.constant 16 : index
          %swap3A_208 = tpu.vector_load %arg11[%swap3A_206, %swap3A_207] {strides = array<i32>} : memref<128x64xf32, #tpu.memory_space<vmem>>, vector<16xf32>,
          tpu.vector_store %arg11[%swap3A_206, %swap3A_207], %mul3A_205 {strides = array<i32>} : memref<128x64xf32, #tpu.memory_space<vmem>>, vector<16xf32>,
          %get3A_209 = arith.index_cast %add3A_191 : i32 to index
          %get3A_210 = arith.constant 32 : index
          %get3A_211 = tpu.vector_load %arg11[%get3A_209, %get3A_210] {strides = array<i32>} : memref<128x64xf32, #tpu.memory_space<vmem>>, vector<16xf32>,
          %mul3A_212 = arith.mulf %get3A_211, %broadcast_in_dim3A_194 : vector<16xf32>
          %swap3A_213 = arith.index_cast %add3A_191 : i32 to index
          %swap3A_214 = arith.constant 32 : index
          %swap3A_215 = tpu.vector_load %arg11[%swap3A_213, %swap3A_214] {strides = array<i32>} : memref<128x64xf32, #tpu.memory_space<vmem>>, vector<16xf32>,
          tpu.vector_store %arg11[%swap3A_213, %swap3A_214], %mul3A_212 {strides = array<i32>} : memref<128x64xf32, #tpu.memory_space<vmem>>, vector<16xf32>,
          %get3A_216 = arith.index_cast %add3A_191 : i32 to index
          %get3A_217 = arith.constant 48 : index
          %get3A_218 = tpu.vector_load %arg11[%get3A_216, %get3A_217] {strides = array<i32>} : memref<128x64xf32, #tpu.memory_space<vmem>>, vector<16xf32>,
          %mul3A_219 = arith.mulf %get3A_218, %broadcast_in_dim3A_194 : vector<16xf32>
          %swap3A_220 = arith.index_cast %add3A_191 : i32 to index
          %swap3A_221 = arith.constant 48 : index
          %swap3A_222 = tpu.vector_load %arg11[%swap3A_220, %swap3A_221] {strides = array<i32>} : memref<128x64xf32, #tpu.memory_space<vmem>>, vector<16xf32>,
          tpu.vector_store %arg11[%swap3A_220, %swap3A_221], %mul3A_219 {strides = array<i32>} : memref<128x64xf32, #tpu.memory_space<vmem>>, vector<16xf32>,
          %mul3A_223 = arith.constant 16 : i32
          %mul3A_224 = arith.muli %scan3A_116, %mul3A_223 : i32
          %add3A_225 = arith.constant 3 : i32
          %add3A_226 = arith.addi %mul3A_224, %add3A_225 : i32
          %slice3A_227 = vector.extract_strided_slice %get3A_120 {offsets = [3], sizes = [1], strides = [1]} : vector<16xf32> to vector<1xf32>
          %squeeze3A_228 = vector.extract %slice3A_227[0] : f32 from vector<1xf32>
          %broadcast_in_dim3A_229 = vector.broadcast %squeeze3A_228 : f32 to vector<16xf32>
          %get3A_230 = arith.index_cast %add3A_226 : i32 to index
          %get3A_231 = arith.constant 0 : index
          %get3A_232 = tpu.vector_load %arg11[%get3A_230, %get3A_231] {strides = array<i32>} : memref<128x64xf32, #tpu.memory_space<vmem>>, vector<16xf32>,
          %mul3A_233 = arith.mulf %get3A_232, %broadcast_in_dim3A_229 : vector<16xf32>
          %swap3A_234 = arith.index_cast %add3A_226 : i32 to index
          %swap3A_235 = arith.constant 0 : index
          %swap3A_236 = tpu.vector_load %arg11[%swap3A_234, %swap3A_235] {strides = array<i32>} : memref<128x64xf32, #tpu.memory_space<vmem>>, vector<16xf32>,
          tpu.vector_store %arg11[%swap3A_234, %swap3A_235], %mul3A_233 {strides = array<i32>} : memref<128x64xf32, #tpu.memory_space<vmem>>, vector<16xf32>,
          %get3A_237 = arith.index_cast %add3A_226 : i32 to index
          %get3A_238 = arith.constant 16 : index
          %get3A_239 = tpu.vector_load %arg11[%get3A_237, %get3A_238] {strides = array<i32>} : memref<128x64xf32, #tpu.memory_space<vmem>>, vector<16xf32>,
          %mul3A_240 = arith.mulf %get3A_239, %broadcast_in_dim3A_229 : vector<16xf32>
          %swap3A_241 = arith.index_cast %add3A_226 : i32 to index
          %swap3A_242 = arith.constant 16 : index
          %swap3A_243 = tpu.vector_load %arg11[%swap3A_241, %swap3A_242] {strides = array<i32>} : memref<128x64xf32, #tpu.memory_space<vmem>>, vector<16xf32>,
          tpu.vector_store %arg11[%swap3A_241, %swap3A_242], %mul3A_240 {strides = array<i32>} : memref<128x64xf32, #tpu.memory_space<vmem>>, vector<16xf32>,
          %get3A_244 = arith.index_cast %add3A_226 : i32 to index
          %get3A_245 = arith.constant 32 : index
          %get3A_246 = tpu.vector_load %arg11[%get3A_244, %get3A_245] {strides = array<i32>} : memref<128x64xf32, #tpu.memory_space<vmem>>, vector<16xf32>,
          %mul3A_247 = arith.mulf %get3A_246, %broadcast_in_dim3A_229 : vector<16xf32>
          %swap3A_248 = arith.index_cast %add3A_226 : i32 to index
          %swap3A_249 = arith.constant 32 : index
          %swap3A_250 = tpu.vector_load %arg11[%swap3A_248, %swap3A_249] {strides = array<i32>} : memref<128x64xf32, #tpu.memory_space<vmem>>, vector<16xf32>,
          tpu.vector_store %arg11[%swap3A_248, %swap3A_249], %mul3A_247 {strides = array<i32>} : memref<128x64xf32, #tpu.memory_space<vmem>>, vector<16xf32>,
          %get3A_251 = arith.index_cast %add3A_226 : i32 to index
          %get3A_252 = arith.constant 48 : index
          %get3A_253 = tpu.vector_load %arg11[%get3A_251, %get3A_252] {strides = array<i32>} : memref<128x64xf32, #tpu.memory_space<vmem>>, vector<16xf32>,
          %mul3A_254 = arith.mulf %get3A_253, %broadcast_in_dim3A_229 : vector<16xf32>
          %swap3A_255 = arith.index_cast %add3A_226 : i32 to index
          %swap3A_256 = arith.constant 48 : index
          %swap3A_257 = tpu.vector_load %arg11[%swap3A_255, %swap3A_256] {strides = array<i32>} : memref<128x64xf32, #tpu.memory_space<vmem>>, vector<16xf32>,
          tpu.vector_store %arg11[%swap3A_255, %swap3A_256], %mul3A_254 {strides = array<i32>} : memref<128x64xf32, #tpu.memory_space<vmem>>, vector<16xf32>,
          %mul3A_258 = arith.constant 16 : i32
          %mul3A_259 = arith.muli %scan3A_116, %mul3A_258 : i32
          %add3A_260 = arith.constant 4 : i32
          %add3A_261 = arith.addi %mul3A_259, %add3A_260 : i32
          %slice3A_262 = vector.extract_strided_slice %get3A_120 {offsets = [4], sizes = [1], strides = [1]} : vector<16xf32> to vector<1xf32>
          %squeeze3A_263 = vector.extract %slice3A_262[0] : f32 from vector<1xf32>
          %broadcast_in_dim3A_264 = vector.broadcast %squeeze3A_263 : f32 to vector<16xf32>
          %get3A_265 = arith.index_cast %add3A_261 : i32 to index
          %get3A_266 = arith.constant 0 : index
          %get3A_267 = tpu.vector_load %arg11[%get3A_265, %get3A_266] {strides = array<i32>} : memref<128x64xf32, #tpu.memory_space<vmem>>, vector<16xf32>,
          %mul3A_268 = arith.mulf %get3A_267, %broadcast_in_dim3A_264 : vector<16xf32>
          %swap3A_269 = arith.index_cast %add3A_261 : i32 to index
          %swap3A_270 = arith.constant 0 : index
          %swap3A_271 = tpu.vector_load %arg11[%swap3A_269, %swap3A_270] {strides = array<i32>} : memref<128x64xf32, #tpu.memory_space<vmem>>, vector<16xf32>,
          tpu.vector_store %arg11[%swap3A_269, %swap3A_270], %mul3A_268 {strides = array<i32>} : memref<128x64xf32, #tpu.memory_space<vmem>>, vector<16xf32>,
          %get3A_272 = arith.index_cast %add3A_261 : i32 to index
          %get3A_273 = arith.constant 16 : index
          %get3A_274 = tpu.vector_load %arg11[%get3A_272, %get3A_273] {strides = array<i32>} : memref<128x64xf32, #tpu.memory_space<vmem>>, vector<16xf32>,
          %mul3A_275 = arith.mulf %get3A_274, %broadcast_in_dim3A_264 : vector<16xf32>
          %swap3A_276 = arith.index_cast %add3A_261 : i32 to index
          %swap3A_277 = arith.constant 16 : index
          %swap3A_278 = tpu.vector_load %arg11[%swap3A_276, %swap3A_277] {strides = array<i32>} : memref<128x64xf32, #tpu.memory_space<vmem>>, vector<16xf32>,
          tpu.vector_store %arg11[%swap3A_276, %swap3A_277], %mul3A_275 {strides = array<i32>} : memref<128x64xf32, #tpu.memory_space<vmem>>, vector<16xf32>,
          %get3A_279 = arith.index_cast %add3A_261 : i32 to index
          %get3A_280 = arith.constant 32 : index
          %get3A_281 = tpu.vector_load %arg11[%get3A_279, %get3A_280] {strides = array<i32>} : memref<128x64xf32, #tpu.memory_space<vmem>>, vector<16xf32>,
          %mul3A_282 = arith.mulf %get3A_281, %broadcast_in_dim3A_264 : vector<16xf32>
          %swap3A_283 = arith.index_cast %add3A_261 : i32 to index
          %swap3A_284 = arith.constant 32 : index
          %swap3A_285 = tpu.vector_load %arg11[%swap3A_283, %swap3A_284] {strides = array<i32>} : memref<128x64xf32, #tpu.memory_space<vmem>>, vector<16xf32>,
          tpu.vector_store %arg11[%swap3A_283, %swap3A_284], %mul3A_282 {strides = array<i32>} : memref<128x64xf32, #tpu.memory_space<vmem>>, vector<16xf32>,
          %get3A_286 = arith.index_cast %add3A_261 : i32 to index
          %get3A_287 = arith.constant 48 : index
          %get3A_288 = tpu.vector_load %arg11[%get3A_286, %get3A_287] {strides = array<i32>} : memref<128x64xf32, #tpu.memory_space<vmem>>, vector<16xf32>,
          %mul3A_289 = arith.mulf %get3A_288, %broadcast_in_dim3A_264 : vector<16xf32>
          %swap3A_290 = arith.index_cast %add3A_261 : i32 to index
          %swap3A_291 = arith.constant 48 : index
          %swap3A_292 = tpu.vector_load %arg11[%swap3A_290, %swap3A_291] {strides = array<i32>} : memref<128x64xf32, #tpu.memory_space<vmem>>, vector<16xf32>,
          tpu.vector_store %arg11[%swap3A_290, %swap3A_291], %mul3A_289 {strides = array<i32>} : memref<128x64xf32, #tpu.memory_space<vmem>>, vector<16xf32>,
          %mul3A_293 = arith.constant 16 : i32
          %mul3A_294 = arith.muli %scan3A_116, %mul3A_293 : i32
          %add3A_295 = arith.constant 5 : i32
          %add3A_296 = arith.addi %mul3A_294, %add3A_295 : i32
          %slice3A_297 = vector.extract_strided_slice %get3A_120 {offsets = [5], sizes = [1], strides = [1]} : vector<16xf32> to vector<1xf32>
          %squeeze3A_298 = vector.extract %slice3A_297[0] : f32 from vector<1xf32>
          %broadcast_in_dim3A_299 = vector.broadcast %squeeze3A_298 : f32 to vector<16xf32>
          %get3A_300 = arith.index_cast %add3A_296 : i32 to index
          %get3A_301 = arith.constant 0 : index
          %get3A_302 = tpu.vector_load %arg11[%get3A_300, %get3A_301] {strides = array<i32>} : memref<128x64xf32, #tpu.memory_space<vmem>>, vector<16xf32>,
          %mul3A_303 = arith.mulf %get3A_302, %broadcast_in_dim3A_299 : vector<16xf32>
          %swap3A_304 = arith.index_cast %add3A_296 : i32 to index
          %swap3A_305 = arith.constant 0 : index
          %swap3A_306 = tpu.vector_load %arg11[%swap3A_304, %swap3A_305] {strides = array<i32>} : memref<128x64xf32, #tpu.memory_space<vmem>>, vector<16xf32>,
          tpu.vector_store %arg11[%swap3A_304, %swap3A_305], %mul3A_303 {strides = array<i32>} : memref<128x64xf32, #tpu.memory_space<vmem>>, vector<16xf32>,
          %get3A_307 = arith.index_cast %add3A_296 : i32 to index
          %get3A_308 = arith.constant 16 : index
          %get3A_309 = tpu.vector_load %arg11[%get3A_307, %get3A_308] {strides = array<i32>} : memref<128x64xf32, #tpu.memory_space<vmem>>, vector<16xf32>,
          %mul3A_310 = arith.mulf %get3A_309, %broadcast_in_dim3A_299 : vector<16xf32>
          %swap3A_311 = arith.index_cast %add3A_296 : i32 to index
          %swap3A_312 = arith.constant 16 : index
          %swap3A_313 = tpu.vector_load %arg11[%swap3A_311, %swap3A_312] {strides = array<i32>} : memref<128x64xf32, #tpu.memory_space<vmem>>, vector<16xf32>,
          tpu.vector_store %arg11[%swap3A_311, %swap3A_312], %mul3A_310 {strides = array<i32>} : memref<128x64xf32, #tpu.memory_space<vmem>>, vector<16xf32>,
          %get3A_314 = arith.index_cast %add3A_296 : i32 to index
          %get3A_315 = arith.constant 32 : index
          %get3A_316 = tpu.vector_load %arg11[%get3A_314, %get3A_315] {strides = array<i32>} : memref<128x64xf32, #tpu.memory_space<vmem>>, vector<16xf32>,
          %mul3A_317 = arith.mulf %get3A_316, %broadcast_in_dim3A_299 : vector<16xf32>
          %swap3A_318 = arith.index_cast %add3A_296 : i32 to index
          %swap3A_319 = arith.constant 32 : index
          %swap3A_320 = tpu.vector_load %arg11[%swap3A_318, %swap3A_319] {strides = array<i32>} : memref<128x64xf32, #tpu.memory_space<vmem>>, vector<16xf32>,
          tpu.vector_store %arg11[%swap3A_318, %swap3A_319], %mul3A_317 {strides = array<i32>} : memref<128x64xf32, #tpu.memory_space<vmem>>, vector<16xf32>,
          %get3A_321 = arith.index_cast %add3A_296 : i32 to index
          %get3A_322 = arith.constant 48 : index
          %get3A_323 = tpu.vector_load %arg11[%get3A_321, %get3A_322] {strides = array<i32>} : memref<128x64xf32, #tpu.memory_space<vmem>>, vector<16xf32>,
          %mul3A_324 = arith.mulf %get3A_323, %broadcast_in_dim3A_299 : vector<16xf32>
          %swap3A_325 = arith.index_cast %add3A_296 : i32 to index
          %swap3A_326 = arith.constant 48 : index
          %swap3A_327 = tpu.vector_load %arg11[%swap3A_325, %swap3A_326] {strides = array<i32>} : memref<128x64xf32, #tpu.memory_space<vmem>>, vector<16xf32>,
          tpu.vector_store %arg11[%swap3A_325, %swap3A_326], %mul3A_324 {strides = array<i32>} : memref<128x64xf32, #tpu.memory_space<vmem>>, vector<16xf32>,
          %mul3A_328 = arith.constant 16 : i32
          %mul3A_329 = arith.muli %scan3A_116, %mul3A_328 : i32
          %add3A_330 = arith.constant 6 : i32
          %add3A_331 = arith.addi %mul3A_329, %add3A_330 : i32
          %slice3A_332 = vector.extract_strided_slice %get3A_120 {offsets = [6], sizes = [1], strides = [1]} : vector<16xf32> to vector<1xf32>
          %squeeze3A_333 = vector.extract %slice3A_332[0] : f32 from vector<1xf32>
          %broadcast_in_dim3A_334 = vector.broadcast %squeeze3A_333 : f32 to vector<16xf32>
          %get3A_335 = arith.index_cast %add3A_331 : i32 to index
          %get3A_336 = arith.constant 0 : index
          %get3A_337 = tpu.vector_load %arg11[%get3A_335, %get3A_336] {strides = array<i32>} : memref<128x64xf32, #tpu.memory_space<vmem>>, vector<16xf32>,
          %mul3A_338 = arith.mulf %get3A_337, %broadcast_in_dim3A_334 : vector<16xf32>
          %swap3A_339 = arith.index_cast %add3A_331 : i32 to index
          %swap3A_340 = arith.constant 0 : index
          %swap3A_341 = tpu.vector_load %arg11[%swap3A_339, %swap3A_340] {strides = array<i32>} : memref<128x64xf32, #tpu.memory_space<vmem>>, vector<16xf32>,
          tpu.vector_store %arg11[%swap3A_339, %swap3A_340], %mul3A_338 {strides = array<i32>} : memref<128x64xf32, #tpu.memory_space<vmem>>, vector<16xf32>,
          %get3A_342 = arith.index_cast %add3A_331 : i32 to index
          %get3A_343 = arith.constant 16 : index
          %get3A_344 = tpu.vector_load %arg11[%get3A_342, %get3A_343] {strides = array<i32>} : memref<128x64xf32, #tpu.memory_space<vmem>>, vector<16xf32>,
          %mul3A_345 = arith.mulf %get3A_344, %broadcast_in_dim3A_334 : vector<16xf32>
          %swap3A_346 = arith.index_cast %add3A_331 : i32 to index
          %swap3A_347 = arith.constant 16 : index
          %swap3A_348 = tpu.vector_load %arg11[%swap3A_346, %swap3A_347] {strides = array<i32>} : memref<128x64xf32, #tpu.memory_space<vmem>>, vector<16xf32>,
          tpu.vector_store %arg11[%swap3A_346, %swap3A_347], %mul3A_345 {strides = array<i32>} : memref<128x64xf32, #tpu.memory_space<vmem>>, vector<16xf32>,
          %get3A_349 = arith.index_cast %add3A_331 : i32 to index
          %get3A_350 = arith.constant 32 : index
          %get3A_351 = tpu.vector_load %arg11[%get3A_349, %get3A_350] {strides = array<i32>} : memref<128x64xf32, #tpu.memory_space<vmem>>, vector<16xf32>,
          %mul3A_352 = arith.mulf %get3A_351, %broadcast_in_dim3A_334 : vector<16xf32>
          %swap3A_353 = arith.index_cast %add3A_331 : i32 to index
          %swap3A_354 = arith.constant 32 : index
          %swap3A_355 = tpu.vector_load %arg11[%swap3A_353, %swap3A_354] {strides = array<i32>} : memref<128x64xf32, #tpu.memory_space<vmem>>, vector<16xf32>,
          tpu.vector_store %arg11[%swap3A_353, %swap3A_354], %mul3A_352 {strides = array<i32>} : memref<128x64xf32, #tpu.memory_space<vmem>>, vector<16xf32>,
          %get3A_356 = arith.index_cast %add3A_331 : i32 to index
          %get3A_357 = arith.constant 48 : index
          %get3A_358 = tpu.vector_load %arg11[%get3A_356, %get3A_357] {strides = array<i32>} : memref<128x64xf32, #tpu.memory_space<vmem>>, vector<16xf32>,
          %mul3A_359 = arith.mulf %get3A_358, %broadcast_in_dim3A_334 : vector<16xf32>
          %swap3A_360 = arith.index_cast %add3A_331 : i32 to index
          %swap3A_361 = arith.constant 48 : index
          %swap3A_362 = tpu.vector_load %arg11[%swap3A_360, %swap3A_361] {strides = array<i32>} : memref<128x64xf32, #tpu.memory_space<vmem>>, vector<16xf32>,
          tpu.vector_store %arg11[%swap3A_360, %swap3A_361], %mul3A_359 {strides = array<i32>} : memref<128x64xf32, #tpu.memory_space<vmem>>, vector<16xf32>,
          %mul3A_363 = arith.constant 16 : i32
          %mul3A_364 = arith.muli %scan3A_116, %mul3A_363 : i32
          %add3A_365 = arith.constant 7 : i32
          %add3A_366 = arith.addi %mul3A_364, %add3A_365 : i32
          %slice3A_367 = vector.extract_strided_slice %get3A_120 {offsets = [7], sizes = [1], strides = [1]} : vector<16xf32> to vector<1xf32>
          %squeeze3A_368 = vector.extract %slice3A_367[0] : f32 from vector<1xf32>
          %broadcast_in_dim3A_369 = vector.broadcast %squeeze3A_368 : f32 to vector<16xf32>
          %get3A_370 = arith.index_cast %add3A_366 : i32 to index
          %get3A_371 = arith.constant 0 : index
          %get3A_372 = tpu.vector_load %arg11[%get3A_370, %get3A_371] {strides = array<i32>} : memref<128x64xf32, #tpu.memory_space<vmem>>, vector<16xf32>,
          %mul3A_373 = arith.mulf %get3A_372, %broadcast_in_dim3A_369 : vector<16xf32>
          %swap3A_374 = arith.index_cast %add3A_366 : i32 to index
          %swap3A_375 = arith.constant 0 : index
          %swap3A_376 = tpu.vector_load %arg11[%swap3A_374, %swap3A_375] {strides = array<i32>} : memref<128x64xf32, #tpu.memory_space<vmem>>, vector<16xf32>,
          tpu.vector_store %arg11[%swap3A_374, %swap3A_375], %mul3A_373 {strides = array<i32>} : memref<128x64xf32, #tpu.memory_space<vmem>>, vector<16xf32>,
          %get3A_377 = arith.index_cast %add3A_366 : i32 to index
          %get3A_378 = arith.constant 16 : index
          %get3A_379 = tpu.vector_load %arg11[%get3A_377, %get3A_378] {strides = array<i32>} : memref<128x64xf32, #tpu.memory_space<vmem>>, vector<16xf32>,
          %mul3A_380 = arith.mulf %get3A_379, %broadcast_in_dim3A_369 : vector<16xf32>
          %swap3A_381 = arith.index_cast %add3A_366 : i32 to index
          %swap3A_382 = arith.constant 16 : index
          %swap3A_383 = tpu.vector_load %arg11[%swap3A_381, %swap3A_382] {strides = array<i32>} : memref<128x64xf32, #tpu.memory_space<vmem>>, vector<16xf32>,
          tpu.vector_store %arg11[%swap3A_381, %swap3A_382], %mul3A_380 {strides = array<i32>} : memref<128x64xf32, #tpu.memory_space<vmem>>, vector<16xf32>,
          %get3A_384 = arith.index_cast %add3A_366 : i32 to index
          %get3A_385 = arith.constant 32 : index
          %get3A_386 = tpu.vector_load %arg11[%get3A_384, %get3A_385] {strides = array<i32>} : memref<128x64xf32, #tpu.memory_space<vmem>>, vector<16xf32>,
          %mul3A_387 = arith.mulf %get3A_386, %broadcast_in_dim3A_369 : vector<16xf32>
          %swap3A_388 = arith.index_cast %add3A_366 : i32 to index
          %swap3A_389 = arith.constant 32 : index
          %swap3A_390 = tpu.vector_load %arg11[%swap3A_388, %swap3A_389] {strides = array<i32>} : memref<128x64xf32, #tpu.memory_space<vmem>>, vector<16xf32>,
          tpu.vector_store %arg11[%swap3A_388, %swap3A_389], %mul3A_387 {strides = array<i32>} : memref<128x64xf32, #tpu.memory_space<vmem>>, vector<16xf32>,
          %get3A_391 = arith.index_cast %add3A_366 : i32 to index
          %get3A_392 = arith.constant 48 : index
          %get3A_393 = tpu.vector_load %arg11[%get3A_391, %get3A_392] {strides = array<i32>} : memref<128x64xf32, #tpu.memory_space<vmem>>, vector<16xf32>,
          %mul3A_394 = arith.mulf %get3A_393, %broadcast_in_dim3A_369 : vector<16xf32>
          %swap3A_395 = arith.index_cast %add3A_366 : i32 to index
          %swap3A_396 = arith.constant 48 : index
          %swap3A_397 = tpu.vector_load %arg11[%swap3A_395, %swap3A_396] {strides = array<i32>} : memref<128x64xf32, #tpu.memory_space<vmem>>, vector<16xf32>,
          tpu.vector_store %arg11[%swap3A_395, %swap3A_396], %mul3A_394 {strides = array<i32>} : memref<128x64xf32, #tpu.memory_space<vmem>>, vector<16xf32>,
          %mul3A_398 = arith.constant 16 : i32
          %mul3A_399 = arith.muli %scan3A_116, %mul3A_398 : i32
          %add3A_400 = arith.constant 8 : i32
          %add3A_401 = arith.addi %mul3A_399, %add3A_400 : i32
          %slice3A_402 = vector.extract_strided_slice %get3A_120 {offsets = [8], sizes = [1], strides = [1]} : vector<16xf32> to vector<1xf32>
          %squeeze3A_403 = vector.extract %slice3A_402[0] : f32 from vector<1xf32>
          %broadcast_in_dim3A_404 = vector.broadcast %squeeze3A_403 : f32 to vector<16xf32>
          %get3A_405 = arith.index_cast %add3A_401 : i32 to index
          %get3A_406 = arith.constant 0 : index
          %get3A_407 = tpu.vector_load %arg11[%get3A_405, %get3A_406] {strides = array<i32>} : memref<128x64xf32, #tpu.memory_space<vmem>>, vector<16xf32>,
          %mul3A_408 = arith.mulf %get3A_407, %broadcast_in_dim3A_404 : vector<16xf32>
          %swap3A_409 = arith.index_cast %add3A_401 : i32 to index
          %swap3A_410 = arith.constant 0 : index
          %swap3A_411 = tpu.vector_load %arg11[%swap3A_409, %swap3A_410] {strides = array<i32>} : memref<128x64xf32, #tpu.memory_space<vmem>>, vector<16xf32>,
          tpu.vector_store %arg11[%swap3A_409, %swap3A_410], %mul3A_408 {strides = array<i32>} : memref<128x64xf32, #tpu.memory_space<vmem>>, vector<16xf32>,
          %get3A_412 = arith.index_cast %add3A_401 : i32 to index
          %get3A_413 = arith.constant 16 : index
          %get3A_414 = tpu.vector_load %arg11[%get3A_412, %get3A_413] {strides = array<i32>} : memref<128x64xf32, #tpu.memory_space<vmem>>, vector<16xf32>,
          %mul3A_415 = arith.mulf %get3A_414, %broadcast_in_dim3A_404 : vector<16xf32>
          %swap3A_416 = arith.index_cast %add3A_401 : i32 to index
          %swap3A_417 = arith.constant 16 : index
          %swap3A_418 = tpu.vector_load %arg11[%swap3A_416, %swap3A_417] {strides = array<i32>} : memref<128x64xf32, #tpu.memory_space<vmem>>, vector<16xf32>,
          tpu.vector_store %arg11[%swap3A_416, %swap3A_417], %mul3A_415 {strides = array<i32>} : memref<128x64xf32, #tpu.memory_space<vmem>>, vector<16xf32>,
          %get3A_419 = arith.index_cast %add3A_401 : i32 to index
          %get3A_420 = arith.constant 32 : index
          %get3A_421 = tpu.vector_load %arg11[%get3A_419, %get3A_420] {strides = array<i32>} : memref<128x64xf32, #tpu.memory_space<vmem>>, vector<16xf32>,
          %mul3A_422 = arith.mulf %get3A_421, %broadcast_in_dim3A_404 : vector<16xf32>
          %swap3A_423 = arith.index_cast %add3A_401 : i32 to index
          %swap3A_424 = arith.constant 32 : index
          %swap3A_425 = tpu.vector_load %arg11[%swap3A_423, %swap3A_424] {strides = array<i32>} : memref<128x64xf32, #tpu.memory_space<vmem>>, vector<16xf32>,
          tpu.vector_store %arg11[%swap3A_423, %swap3A_424], %mul3A_422 {strides = array<i32>} : memref<128x64xf32, #tpu.memory_space<vmem>>, vector<16xf32>,
          %get3A_426 = arith.index_cast %add3A_401 : i32 to index
          %get3A_427 = arith.constant 48 : index
          %get3A_428 = tpu.vector_load %arg11[%get3A_426, %get3A_427] {strides = array<i32>} : memref<128x64xf32, #tpu.memory_space<vmem>>, vector<16xf32>,
          %mul3A_429 = arith.mulf %get3A_428, %broadcast_in_dim3A_404 : vector<16xf32>
          %swap3A_430 = arith.index_cast %add3A_401 : i32 to index
          %swap3A_431 = arith.constant 48 : index
          %swap3A_432 = tpu.vector_load %arg11[%swap3A_430, %swap3A_431] {strides = array<i32>} : memref<128x64xf32, #tpu.memory_space<vmem>>, vector<16xf32>,
          tpu.vector_store %arg11[%swap3A_430, %swap3A_431], %mul3A_429 {strides = array<i32>} : memref<128x64xf32, #tpu.memory_space<vmem>>, vector<16xf32>,
          %mul3A_433 = arith.constant 16 : i32
          %mul3A_434 = arith.muli %scan3A_116, %mul3A_433 : i32
          %add3A_435 = arith.constant 9 : i32
          %add3A_436 = arith.addi %mul3A_434, %add3A_435 : i32
          %slice3A_437 = vector.extract_strided_slice %get3A_120 {offsets = [9], sizes = [1], strides = [1]} : vector<16xf32> to vector<1xf32>
          %squeeze3A_438 = vector.extract %slice3A_437[0] : f32 from vector<1xf32>
          %broadcast_in_dim3A_439 = vector.broadcast %squeeze3A_438 : f32 to vector<16xf32>
          %get3A_440 = arith.index_cast %add3A_436 : i32 to index
          %get3A_441 = arith.constant 0 : index
          %get3A_442 = tpu.vector_load %arg11[%get3A_440, %get3A_441] {strides = array<i32>} : memref<128x64xf32, #tpu.memory_space<vmem>>, vector<16xf32>,
          %mul3A_443 = arith.mulf %get3A_442, %broadcast_in_dim3A_439 : vector<16xf32>
          %swap3A_444 = arith.index_cast %add3A_436 : i32 to index
          %swap3A_445 = arith.constant 0 : index
          %swap3A_446 = tpu.vector_load %arg11[%swap3A_444, %swap3A_445] {strides = array<i32>} : memref<128x64xf32, #tpu.memory_space<vmem>>, vector<16xf32>,
          tpu.vector_store %arg11[%swap3A_444, %swap3A_445], %mul3A_443 {strides = array<i32>} : memref<128x64xf32, #tpu.memory_space<vmem>>, vector<16xf32>,
          %get3A_447 = arith.index_cast %add3A_436 : i32 to index
          %get3A_448 = arith.constant 16 : index
          %get3A_449 = tpu.vector_load %arg11[%get3A_447, %get3A_448] {strides = array<i32>} : memref<128x64xf32, #tpu.memory_space<vmem>>, vector<16xf32>,
          %mul3A_450 = arith.mulf %get3A_449, %broadcast_in_dim3A_439 : vector<16xf32>
          %swap3A_451 = arith.index_cast %add3A_436 : i32 to index
          %swap3A_452 = arith.constant 16 : index
          %swap3A_453 = tpu.vector_load %arg11[%swap3A_451, %swap3A_452] {strides = array<i32>} : memref<128x64xf32, #tpu.memory_space<vmem>>, vector<16xf32>,
          tpu.vector_store %arg11[%swap3A_451, %swap3A_452], %mul3A_450 {strides = array<i32>} : memref<128x64xf32, #tpu.memory_space<vmem>>, vector<16xf32>,
          %get3A_454 = arith.index_cast %add3A_436 : i32 to index
          %get3A_455 = arith.constant 32 : index
          %get3A_456 = tpu.vector_load %arg11[%get3A_454, %get3A_455] {strides = array<i32>} : memref<128x64xf32, #tpu.memory_space<vmem>>, vector<16xf32>,
          %mul3A_457 = arith.mulf %get3A_456, %broadcast_in_dim3A_439 : vector<16xf32>
          %swap3A_458 = arith.index_cast %add3A_436 : i32 to index
          %swap3A_459 = arith.constant 32 : index
          %swap3A_460 = tpu.vector_load %arg11[%swap3A_458, %swap3A_459] {strides = array<i32>} : memref<128x64xf32, #tpu.memory_space<vmem>>, vector<16xf32>,
          tpu.vector_store %arg11[%swap3A_458, %swap3A_459], %mul3A_457 {strides = array<i32>} : memref<128x64xf32, #tpu.memory_space<vmem>>, vector<16xf32>,
          %get3A_461 = arith.index_cast %add3A_436 : i32 to index
          %get3A_462 = arith.constant 48 : index
          %get3A_463 = tpu.vector_load %arg11[%get3A_461, %get3A_462] {strides = array<i32>} : memref<128x64xf32, #tpu.memory_space<vmem>>, vector<16xf32>,
          %mul3A_464 = arith.mulf %get3A_463, %broadcast_in_dim3A_439 : vector<16xf32>
          %swap3A_465 = arith.index_cast %add3A_436 : i32 to index
          %swap3A_466 = arith.constant 48 : index
          %swap3A_467 = tpu.vector_load %arg11[%swap3A_465, %swap3A_466] {strides = array<i32>} : memref<128x64xf32, #tpu.memory_space<vmem>>, vector<16xf32>,
          tpu.vector_store %arg11[%swap3A_465, %swap3A_466], %mul3A_464 {strides = array<i32>} : memref<128x64xf32, #tpu.memory_space<vmem>>, vector<16xf32>,
          %mul3A_468 = arith.constant 16 : i32
          %mul3A_469 = arith.muli %scan3A_116, %mul3A_468 : i32
          %add3A_470 = arith.constant 10 : i32
          %add3A_471 = arith.addi %mul3A_469, %add3A_470 : i32
          %slice3A_472 = vector.extract_strided_slice %get3A_120 {offsets = [10], sizes = [1], strides = [1]} : vector<16xf32> to vector<1xf32>
          %squeeze3A_473 = vector.extract %slice3A_472[0] : f32 from vector<1xf32>
          %broadcast_in_dim3A_474 = vector.broadcast %squeeze3A_473 : f32 to vector<16xf32>
          %get3A_475 = arith.index_cast %add3A_471 : i32 to index
          %get3A_476 = arith.constant 0 : index
          %get3A_477 = tpu.vector_load %arg11[%get3A_475, %get3A_476] {strides = array<i32>} : memref<128x64xf32, #tpu.memory_space<vmem>>, vector<16xf32>,
          %mul3A_478 = arith.mulf %get3A_477, %broadcast_in_dim3A_474 : vector<16xf32>
          %swap3A_479 = arith.index_cast %add3A_471 : i32 to index
          %swap3A_480 = arith.constant 0 : index
          %swap3A_481 = tpu.vector_load %arg11[%swap3A_479, %swap3A_480] {strides = array<i32>} : memref<128x64xf32, #tpu.memory_space<vmem>>, vector<16xf32>,
          tpu.vector_store %arg11[%swap3A_479, %swap3A_480], %mul3A_478 {strides = array<i32>} : memref<128x64xf32, #tpu.memory_space<vmem>>, vector<16xf32>,
          %get3A_482 = arith.index_cast %add3A_471 : i32 to index
          %get3A_483 = arith.constant 16 : index
          %get3A_484 = tpu.vector_load %arg11[%get3A_482, %get3A_483] {strides = array<i32>} : memref<128x64xf32, #tpu.memory_space<vmem>>, vector<16xf32>,
          %mul3A_485 = arith.mulf %get3A_484, %broadcast_in_dim3A_474 : vector<16xf32>
          %swap3A_486 = arith.index_cast %add3A_471 : i32 to index
          %swap3A_487 = arith.constant 16 : index
          %swap3A_488 = tpu.vector_load %arg11[%swap3A_486, %swap3A_487] {strides = array<i32>} : memref<128x64xf32, #tpu.memory_space<vmem>>, vector<16xf32>,
          tpu.vector_store %arg11[%swap3A_486, %swap3A_487], %mul3A_485 {strides = array<i32>} : memref<128x64xf32, #tpu.memory_space<vmem>>, vector<16xf32>,
          %get3A_489 = arith.index_cast %add3A_471 : i32 to index
          %get3A_490 = arith.constant 32 : index
          %get3A_491 = tpu.vector_load %arg11[%get3A_489, %get3A_490] {strides = array<i32>} : memref<128x64xf32, #tpu.memory_space<vmem>>, vector<16xf32>,
          %mul3A_492 = arith.mulf %get3A_491, %broadcast_in_dim3A_474 : vector<16xf32>
          %swap3A_493 = arith.index_cast %add3A_471 : i32 to index
          %swap3A_494 = arith.constant 32 : index
          %swap3A_495 = tpu.vector_load %arg11[%swap3A_493, %swap3A_494] {strides = array<i32>} : memref<128x64xf32, #tpu.memory_space<vmem>>, vector<16xf32>,
          tpu.vector_store %arg11[%swap3A_493, %swap3A_494], %mul3A_492 {strides = array<i32>} : memref<128x64xf32, #tpu.memory_space<vmem>>, vector<16xf32>,
          %get3A_496 = arith.index_cast %add3A_471 : i32 to index
          %get3A_497 = arith.constant 48 : index
          %get3A_498 = tpu.vector_load %arg11[%get3A_496, %get3A_497] {strides = array<i32>} : memref<128x64xf32, #tpu.memory_space<vmem>>, vector<16xf32>,
          %mul3A_499 = arith.mulf %get3A_498, %broadcast_in_dim3A_474 : vector<16xf32>
          %swap3A_500 = arith.index_cast %add3A_471 : i32 to index
          %swap3A_501 = arith.constant 48 : index
          %swap3A_502 = tpu.vector_load %arg11[%swap3A_500, %swap3A_501] {strides = array<i32>} : memref<128x64xf32, #tpu.memory_space<vmem>>, vector<16xf32>,
          tpu.vector_store %arg11[%swap3A_500, %swap3A_501], %mul3A_499 {strides = array<i32>} : memref<128x64xf32, #tpu.memory_space<vmem>>, vector<16xf32>,
          %mul3A_503 = arith.constant 16 : i32
          %mul3A_504 = arith.muli %scan3A_116, %mul3A_503 : i32
          %add3A_505 = arith.constant 11 : i32
          %add3A_506 = arith.addi %mul3A_504, %add3A_505 : i32
          %slice3A_507 = vector.extract_strided_slice %get3A_120 {offsets = [11], sizes = [1], strides = [1]} : vector<16xf32> to vector<1xf32>
          %squeeze3A_508 = vector.extract %slice3A_507[0] : f32 from vector<1xf32>
          %broadcast_in_dim3A_509 = vector.broadcast %squeeze3A_508 : f32 to vector<16xf32>
          %get3A_510 = arith.index_cast %add3A_506 : i32 to index
          %get3A_511 = arith.constant 0 : index
          %get3A_512 = tpu.vector_load %arg11[%get3A_510, %get3A_511] {strides = array<i32>} : memref<128x64xf32, #tpu.memory_space<vmem>>, vector<16xf32>,
          %mul3A_513 = arith.mulf %get3A_512, %broadcast_in_dim3A_509 : vector<16xf32>
          %swap3A_514 = arith.index_cast %add3A_506 : i32 to index
          %swap3A_515 = arith.constant 0 : index
          %swap3A_516 = tpu.vector_load %arg11[%swap3A_514, %swap3A_515] {strides = array<i32>} : memref<128x64xf32, #tpu.memory_space<vmem>>, vector<16xf32>,
          tpu.vector_store %arg11[%swap3A_514, %swap3A_515], %mul3A_513 {strides = array<i32>} : memref<128x64xf32, #tpu.memory_space<vmem>>, vector<16xf32>,
          %get3A_517 = arith.index_cast %add3A_506 : i32 to index
          %get3A_518 = arith.constant 16 : index
          %get3A_519 = tpu.vector_load %arg11[%get3A_517, %get3A_518] {strides = array<i32>} : memref<128x64xf32, #tpu.memory_space<vmem>>, vector<16xf32>,
          %mul3A_520 = arith.mulf %get3A_519, %broadcast_in_dim3A_509 : vector<16xf32>
          %swap3A_521 = arith.index_cast %add3A_506 : i32 to index
          %swap3A_522 = arith.constant 16 : index
          %swap3A_523 = tpu.vector_load %arg11[%swap3A_521, %swap3A_522] {strides = array<i32>} : memref<128x64xf32, #tpu.memory_space<vmem>>, vector<16xf32>,
          tpu.vector_store %arg11[%swap3A_521, %swap3A_522], %mul3A_520 {strides = array<i32>} : memref<128x64xf32, #tpu.memory_space<vmem>>, vector<16xf32>,
          %get3A_524 = arith.index_cast %add3A_506 : i32 to index
          %get3A_525 = arith.constant 32 : index
          %get3A_526 = tpu.vector_load %arg11[%get3A_524, %get3A_525] {strides = array<i32>} : memref<128x64xf32, #tpu.memory_space<vmem>>, vector<16xf32>,
          %mul3A_527 = arith.mulf %get3A_526, %broadcast_in_dim3A_509 : vector<16xf32>
          %swap3A_528 = arith.index_cast %add3A_506 : i32 to index
          %swap3A_529 = arith.constant 32 : index
          %swap3A_530 = tpu.vector_load %arg11[%swap3A_528, %swap3A_529] {strides = array<i32>} : memref<128x64xf32, #tpu.memory_space<vmem>>, vector<16xf32>,
          tpu.vector_store %arg11[%swap3A_528, %swap3A_529], %mul3A_527 {strides = array<i32>} : memref<128x64xf32, #tpu.memory_space<vmem>>, vector<16xf32>,
          %get3A_531 = arith.index_cast %add3A_506 : i32 to index
          %get3A_532 = arith.constant 48 : index
          %get3A_533 = tpu.vector_load %arg11[%get3A_531, %get3A_532] {strides = array<i32>} : memref<128x64xf32, #tpu.memory_space<vmem>>, vector<16xf32>,
          %mul3A_534 = arith.mulf %get3A_533, %broadcast_in_dim3A_509 : vector<16xf32>
          %swap3A_535 = arith.index_cast %add3A_506 : i32 to index
          %swap3A_536 = arith.constant 48 : index
          %swap3A_537 = tpu.vector_load %arg11[%swap3A_535, %swap3A_536] {strides = array<i32>} : memref<128x64xf32, #tpu.memory_space<vmem>>, vector<16xf32>,
          tpu.vector_store %arg11[%swap3A_535, %swap3A_536], %mul3A_534 {strides = array<i32>} : memref<128x64xf32, #tpu.memory_space<vmem>>, vector<16xf32>,
          %mul3A_538 = arith.constant 16 : i32
          %mul3A_539 = arith.muli %scan3A_116, %mul3A_538 : i32
          %add3A_540 = arith.constant 12 : i32
          %add3A_541 = arith.addi %mul3A_539, %add3A_540 : i32
          %slice3A_542 = vector.extract_strided_slice %get3A_120 {offsets = [12], sizes = [1], strides = [1]} : vector<16xf32> to vector<1xf32>
          %squeeze3A_543 = vector.extract %slice3A_542[0] : f32 from vector<1xf32>
          %broadcast_in_dim3A_544 = vector.broadcast %squeeze3A_543 : f32 to vector<16xf32>
          %get3A_545 = arith.index_cast %add3A_541 : i32 to index
          %get3A_546 = arith.constant 0 : index
          %get3A_547 = tpu.vector_load %arg11[%get3A_545, %get3A_546] {strides = array<i32>} : memref<128x64xf32, #tpu.memory_space<vmem>>, vector<16xf32>,
          %mul3A_548 = arith.mulf %get3A_547, %broadcast_in_dim3A_544 : vector<16xf32>
          %swap3A_549 = arith.index_cast %add3A_541 : i32 to index
          %swap3A_550 = arith.constant 0 : index
          %swap3A_551 = tpu.vector_load %arg11[%swap3A_549, %swap3A_550] {strides = array<i32>} : memref<128x64xf32, #tpu.memory_space<vmem>>, vector<16xf32>,
          tpu.vector_store %arg11[%swap3A_549, %swap3A_550], %mul3A_548 {strides = array<i32>} : memref<128x64xf32, #tpu.memory_space<vmem>>, vector<16xf32>,
          %get3A_552 = arith.index_cast %add3A_541 : i32 to index
          %get3A_553 = arith.constant 16 : index
          %get3A_554 = tpu.vector_load %arg11[%get3A_552, %get3A_553] {strides = array<i32>} : memref<128x64xf32, #tpu.memory_space<vmem>>, vector<16xf32>,
          %mul3A_555 = arith.mulf %get3A_554, %broadcast_in_dim3A_544 : vector<16xf32>
          %swap3A_556 = arith.index_cast %add3A_541 : i32 to index
          %swap3A_557 = arith.constant 16 : index
          %swap3A_558 = tpu.vector_load %arg11[%swap3A_556, %swap3A_557] {strides = array<i32>} : memref<128x64xf32, #tpu.memory_space<vmem>>, vector<16xf32>,
          tpu.vector_store %arg11[%swap3A_556, %swap3A_557], %mul3A_555 {strides = array<i32>} : memref<128x64xf32, #tpu.memory_space<vmem>>, vector<16xf32>,
          %get3A_559 = arith.index_cast %add3A_541 : i32 to index
          %get3A_560 = arith.constant 32 : index
          %get3A_561 = tpu.vector_load %arg11[%get3A_559, %get3A_560] {strides = array<i32>} : memref<128x64xf32, #tpu.memory_space<vmem>>, vector<16xf32>,
          %mul3A_562 = arith.mulf %get3A_561, %broadcast_in_dim3A_544 : vector<16xf32>
          %swap3A_563 = arith.index_cast %add3A_541 : i32 to index
          %swap3A_564 = arith.constant 32 : index
          %swap3A_565 = tpu.vector_load %arg11[%swap3A_563, %swap3A_564] {strides = array<i32>} : memref<128x64xf32, #tpu.memory_space<vmem>>, vector<16xf32>,
          tpu.vector_store %arg11[%swap3A_563, %swap3A_564], %mul3A_562 {strides = array<i32>} : memref<128x64xf32, #tpu.memory_space<vmem>>, vector<16xf32>,
          %get3A_566 = arith.index_cast %add3A_541 : i32 to index
          %get3A_567 = arith.constant 48 : index
          %get3A_568 = tpu.vector_load %arg11[%get3A_566, %get3A_567] {strides = array<i32>} : memref<128x64xf32, #tpu.memory_space<vmem>>, vector<16xf32>,
          %mul3A_569 = arith.mulf %get3A_568, %broadcast_in_dim3A_544 : vector<16xf32>
          %swap3A_570 = arith.index_cast %add3A_541 : i32 to index
          %swap3A_571 = arith.constant 48 : index
          %swap3A_572 = tpu.vector_load %arg11[%swap3A_570, %swap3A_571] {strides = array<i32>} : memref<128x64xf32, #tpu.memory_space<vmem>>, vector<16xf32>,
          tpu.vector_store %arg11[%swap3A_570, %swap3A_571], %mul3A_569 {strides = array<i32>} : memref<128x64xf32, #tpu.memory_space<vmem>>, vector<16xf32>,
          %mul3A_573 = arith.constant 16 : i32
          %mul3A_574 = arith.muli %scan3A_116, %mul3A_573 : i32
          %add3A_575 = arith.constant 13 : i32
          %add3A_576 = arith.addi %mul3A_574, %add3A_575 : i32
          %slice3A_577 = vector.extract_strided_slice %get3A_120 {offsets = [13], sizes = [1], strides = [1]} : vector<16xf32> to vector<1xf32>
          %squeeze3A_578 = vector.extract %slice3A_577[0] : f32 from vector<1xf32>
          %broadcast_in_dim3A_579 = vector.broadcast %squeeze3A_578 : f32 to vector<16xf32>
          %get3A_580 = arith.index_cast %add3A_576 : i32 to index
          %get3A_581 = arith.constant 0 : index
          %get3A_582 = tpu.vector_load %arg11[%get3A_580, %get3A_581] {strides = array<i32>} : memref<128x64xf32, #tpu.memory_space<vmem>>, vector<16xf32>,
          %mul3A_583 = arith.mulf %get3A_582, %broadcast_in_dim3A_579 : vector<16xf32>
          %swap3A_584 = arith.index_cast %add3A_576 : i32 to index
          %swap3A_585 = arith.constant 0 : index
          %swap3A_586 = tpu.vector_load %arg11[%swap3A_584, %swap3A_585] {strides = array<i32>} : memref<128x64xf32, #tpu.memory_space<vmem>>, vector<16xf32>,
          tpu.vector_store %arg11[%swap3A_584, %swap3A_585], %mul3A_583 {strides = array<i32>} : memref<128x64xf32, #tpu.memory_space<vmem>>, vector<16xf32>,
          %get3A_587 = arith.index_cast %add3A_576 : i32 to index
          %get3A_588 = arith.constant 16 : index
          %get3A_589 = tpu.vector_load %arg11[%get3A_587, %get3A_588] {strides = array<i32>} : memref<128x64xf32, #tpu.memory_space<vmem>>, vector<16xf32>,
          %mul3A_590 = arith.mulf %get3A_589, %broadcast_in_dim3A_579 : vector<16xf32>
          %swap3A_591 = arith.index_cast %add3A_576 : i32 to index
          %swap3A_592 = arith.constant 16 : index
          %swap3A_593 = tpu.vector_load %arg11[%swap3A_591, %swap3A_592] {strides = array<i32>} : memref<128x64xf32, #tpu.memory_space<vmem>>, vector<16xf32>,
          tpu.vector_store %arg11[%swap3A_591, %swap3A_592], %mul3A_590 {strides = array<i32>} : memref<128x64xf32, #tpu.memory_space<vmem>>, vector<16xf32>,
          %get3A_594 = arith.index_cast %add3A_576 : i32 to index
          %get3A_595 = arith.constant 32 : index
          %get3A_596 = tpu.vector_load %arg11[%get3A_594, %get3A_595] {strides = array<i32>} : memref<128x64xf32, #tpu.memory_space<vmem>>, vector<16xf32>,
          %mul3A_597 = arith.mulf %get3A_596, %broadcast_in_dim3A_579 : vector<16xf32>
          %swap3A_598 = arith.index_cast %add3A_576 : i32 to index
          %swap3A_599 = arith.constant 32 : index
          %swap3A_600 = tpu.vector_load %arg11[%swap3A_598, %swap3A_599] {strides = array<i32>} : memref<128x64xf32, #tpu.memory_space<vmem>>, vector<16xf32>,
          tpu.vector_store %arg11[%swap3A_598, %swap3A_599], %mul3A_597 {strides = array<i32>} : memref<128x64xf32, #tpu.memory_space<vmem>>, vector<16xf32>,
          %get3A_601 = arith.index_cast %add3A_576 : i32 to index
          %get3A_602 = arith.constant 48 : index
          %get3A_603 = tpu.vector_load %arg11[%get3A_601, %get3A_602] {strides = array<i32>} : memref<128x64xf32, #tpu.memory_space<vmem>>, vector<16xf32>,
          %mul3A_604 = arith.mulf %get3A_603, %broadcast_in_dim3A_579 : vector<16xf32>
          %swap3A_605 = arith.index_cast %add3A_576 : i32 to index
          %swap3A_606 = arith.constant 48 : index
          %swap3A_607 = tpu.vector_load %arg11[%swap3A_605, %swap3A_606] {strides = array<i32>} : memref<128x64xf32, #tpu.memory_space<vmem>>, vector<16xf32>,
          tpu.vector_store %arg11[%swap3A_605, %swap3A_606], %mul3A_604 {strides = array<i32>} : memref<128x64xf32, #tpu.memory_space<vmem>>, vector<16xf32>,
          %mul3A_608 = arith.constant 16 : i32
          %mul3A_609 = arith.muli %scan3A_116, %mul3A_608 : i32
          %add3A_610 = arith.constant 14 : i32
          %add3A_611 = arith.addi %mul3A_609, %add3A_610 : i32
          %slice3A_612 = vector.extract_strided_slice %get3A_120 {offsets = [14], sizes = [1], strides = [1]} : vector<16xf32> to vector<1xf32>
          %squeeze3A_613 = vector.extract %slice3A_612[0] : f32 from vector<1xf32>
          %broadcast_in_dim3A_614 = vector.broadcast %squeeze3A_613 : f32 to vector<16xf32>
          %get3A_615 = arith.index_cast %add3A_611 : i32 to index
          %get3A_616 = arith.constant 0 : index
          %get3A_617 = tpu.vector_load %arg11[%get3A_615, %get3A_616] {strides = array<i32>} : memref<128x64xf32, #tpu.memory_space<vmem>>, vector<16xf32>,
          %mul3A_618 = arith.mulf %get3A_617, %broadcast_in_dim3A_614 : vector<16xf32>
          %swap3A_619 = arith.index_cast %add3A_611 : i32 to index
          %swap3A_620 = arith.constant 0 : index
          %swap3A_621 = tpu.vector_load %arg11[%swap3A_619, %swap3A_620] {strides = array<i32>} : memref<128x64xf32, #tpu.memory_space<vmem>>, vector<16xf32>,
          tpu.vector_store %arg11[%swap3A_619, %swap3A_620], %mul3A_618 {strides = array<i32>} : memref<128x64xf32, #tpu.memory_space<vmem>>, vector<16xf32>,
          %get3A_622 = arith.index_cast %add3A_611 : i32 to index
          %get3A_623 = arith.constant 16 : index
          %get3A_624 = tpu.vector_load %arg11[%get3A_622, %get3A_623] {strides = array<i32>} : memref<128x64xf32, #tpu.memory_space<vmem>>, vector<16xf32>,
          %mul3A_625 = arith.mulf %get3A_624, %broadcast_in_dim3A_614 : vector<16xf32>
          %swap3A_626 = arith.index_cast %add3A_611 : i32 to index
          %swap3A_627 = arith.constant 16 : index
          %swap3A_628 = tpu.vector_load %arg11[%swap3A_626, %swap3A_627] {strides = array<i32>} : memref<128x64xf32, #tpu.memory_space<vmem>>, vector<16xf32>,
          tpu.vector_store %arg11[%swap3A_626, %swap3A_627], %mul3A_625 {strides = array<i32>} : memref<128x64xf32, #tpu.memory_space<vmem>>, vector<16xf32>,
          %get3A_629 = arith.index_cast %add3A_611 : i32 to index
          %get3A_630 = arith.constant 32 : index
          %get3A_631 = tpu.vector_load %arg11[%get3A_629, %get3A_630] {strides = array<i32>} : memref<128x64xf32, #tpu.memory_space<vmem>>, vector<16xf32>,
          %mul3A_632 = arith.mulf %get3A_631, %broadcast_in_dim3A_614 : vector<16xf32>
          %swap3A_633 = arith.index_cast %add3A_611 : i32 to index
          %swap3A_634 = arith.constant 32 : index
          %swap3A_635 = tpu.vector_load %arg11[%swap3A_633, %swap3A_634] {strides = array<i32>} : memref<128x64xf32, #tpu.memory_space<vmem>>, vector<16xf32>,
          tpu.vector_store %arg11[%swap3A_633, %swap3A_634], %mul3A_632 {strides = array<i32>} : memref<128x64xf32, #tpu.memory_space<vmem>>, vector<16xf32>,
          %get3A_636 = arith.index_cast %add3A_611 : i32 to index
          %get3A_637 = arith.constant 48 : index
          %get3A_638 = tpu.vector_load %arg11[%get3A_636, %get3A_637] {strides = array<i32>} : memref<128x64xf32, #tpu.memory_space<vmem>>, vector<16xf32>,
          %mul3A_639 = arith.mulf %get3A_638, %broadcast_in_dim3A_614 : vector<16xf32>
          %swap3A_640 = arith.index_cast %add3A_611 : i32 to index
          %swap3A_641 = arith.constant 48 : index
          %swap3A_642 = tpu.vector_load %arg11[%swap3A_640, %swap3A_641] {strides = array<i32>} : memref<128x64xf32, #tpu.memory_space<vmem>>, vector<16xf32>,
          tpu.vector_store %arg11[%swap3A_640, %swap3A_641], %mul3A_639 {strides = array<i32>} : memref<128x64xf32, #tpu.memory_space<vmem>>, vector<16xf32>,
          %mul3A_643 = arith.constant 16 : i32
          %mul3A_644 = arith.muli %scan3A_116, %mul3A_643 : i32
          %add3A_645 = arith.constant 15 : i32
          %add3A_646 = arith.addi %mul3A_644, %add3A_645 : i32
          %slice3A_647 = vector.extract_strided_slice %get3A_120 {offsets = [15], sizes = [1], strides = [1]} : vector<16xf32> to vector<1xf32>
          %squeeze3A_648 = vector.extract %slice3A_647[0] : f32 from vector<1xf32>
          %broadcast_in_dim3A_649 = vector.broadcast %squeeze3A_648 : f32 to vector<16xf32>
          %get3A_650 = arith.index_cast %add3A_646 : i32 to index
          %get3A_651 = arith.constant 0 : index
          %get3A_652 = tpu.vector_load %arg11[%get3A_650, %get3A_651] {strides = array<i32>} : memref<128x64xf32, #tpu.memory_space<vmem>>, vector<16xf32>,
          %mul3A_653 = arith.mulf %get3A_652, %broadcast_in_dim3A_649 : vector<16xf32>
          %swap3A_654 = arith.index_cast %add3A_646 : i32 to index
          %swap3A_655 = arith.constant 0 : index
          %swap3A_656 = tpu.vector_load %arg11[%swap3A_654, %swap3A_655] {strides = array<i32>} : memref<128x64xf32, #tpu.memory_space<vmem>>, vector<16xf32>,
          tpu.vector_store %arg11[%swap3A_654, %swap3A_655], %mul3A_653 {strides = array<i32>} : memref<128x64xf32, #tpu.memory_space<vmem>>, vector<16xf32>,
          %get3A_657 = arith.index_cast %add3A_646 : i32 to index
          %get3A_658 = arith.constant 16 : index
          %get3A_659 = tpu.vector_load %arg11[%get3A_657, %get3A_658] {strides = array<i32>} : memref<128x64xf32, #tpu.memory_space<vmem>>, vector<16xf32>,
          %mul3A_660 = arith.mulf %get3A_659, %broadcast_in_dim3A_649 : vector<16xf32>
          %swap3A_661 = arith.index_cast %add3A_646 : i32 to index
          %swap3A_662 = arith.constant 16 : index
          %swap3A_663 = tpu.vector_load %arg11[%swap3A_661, %swap3A_662] {strides = array<i32>} : memref<128x64xf32, #tpu.memory_space<vmem>>, vector<16xf32>,
          tpu.vector_store %arg11[%swap3A_661, %swap3A_662], %mul3A_660 {strides = array<i32>} : memref<128x64xf32, #tpu.memory_space<vmem>>, vector<16xf32>,
          %get3A_664 = arith.index_cast %add3A_646 : i32 to index
          %get3A_665 = arith.constant 32 : index
          %get3A_666 = tpu.vector_load %arg11[%get3A_664, %get3A_665] {strides = array<i32>} : memref<128x64xf32, #tpu.memory_space<vmem>>, vector<16xf32>,
          %mul3A_667 = arith.mulf %get3A_666, %broadcast_in_dim3A_649 : vector<16xf32>
          %swap3A_668 = arith.index_cast %add3A_646 : i32 to index
          %swap3A_669 = arith.constant 32 : index
          %swap3A_670 = tpu.vector_load %arg11[%swap3A_668, %swap3A_669] {strides = array<i32>} : memref<128x64xf32, #tpu.memory_space<vmem>>, vector<16xf32>,
          tpu.vector_store %arg11[%swap3A_668, %swap3A_669], %mul3A_667 {strides = array<i32>} : memref<128x64xf32, #tpu.memory_space<vmem>>, vector<16xf32>,
          %get3A_671 = arith.index_cast %add3A_646 : i32 to index
          %get3A_672 = arith.constant 48 : index
          %get3A_673 = tpu.vector_load %arg11[%get3A_671, %get3A_672] {strides = array<i32>} : memref<128x64xf32, #tpu.memory_space<vmem>>, vector<16xf32>,
          %mul3A_674 = arith.mulf %get3A_673, %broadcast_in_dim3A_649 : vector<16xf32>
          %swap3A_675 = arith.index_cast %add3A_646 : i32 to index
          %swap3A_676 = arith.constant 48 : index
          %swap3A_677 = tpu.vector_load %arg11[%swap3A_675, %swap3A_676] {strides = array<i32>} : memref<128x64xf32, #tpu.memory_space<vmem>>, vector<16xf32>,
          tpu.vector_store %arg11[%swap3A_675, %swap3A_676], %mul3A_674 {strides = array<i32>} : memref<128x64xf32, #tpu.memory_space<vmem>>, vector<16xf32>,
        }
        %scan3A_107 = arith.constant 8 : i32
        %add3A_108 = arith.constant 1 : i32
        %add3A_109 = arith.addi %mul3A_59, %add3A_108 : i32
        %dma_start3A_110 = arith.constant 0 : i32
        %dma_start3A_111 = tpu.memref_slice %arg8[%add3A_109, %dma_start3A_110] : memref<32x128xi32, #tpu.memory_space<vmem>> -> memref<1x128xi32, #tpu.memory_space<vmem>>
        %dma_start3A_112 = tpu.memref_squeeze %dma_start3A_111 : memref<1x128xi32, #tpu.memory_space<vmem>> -> memref<128xi32, #tpu.memory_space<vmem>>
        %dma_start3A_113 = arith.constant 0 : i32
        %dma_start3A_114 = arith.constant 0 : i32
        %dma_start3A_115 = tpu.memref_slice %arg12[%dma_start3A_113, %dma_start3A_114] : memref<10240x64xf32, #tpu.memory_space<vmem_shared>> -> memref<10240x64xf32, #tpu.memory_space<vmem_shared>>
        tpu.enqueue_indirect_dma source(%arg11 : memref<128x64xf32, #tpu.memory_space<vmem>>) target(%dma_start3A_115 : memref<10240x64xf32, #tpu.memory_space<vmem_shared>>) offsets(%dma_start3A_112 : memref<128xi32, #tpu.memory_space<vmem>>) semaphore(%arg16 : memref<!tpu.dma_semaphore, #tpu.memory_space<semaphore_mem>>) {add = true}
      }
      %scan3A_43 = arith.constant 16 : i32
      %dma_wait3A = arith.constant 0 : i32
      %dma_wait3A_44 = arith.constant 0 : i32
      %dma_wait3A_45 = tpu.memref_slice %arg8[%dma_wait3A, %dma_wait3A_44] : memref<32x128xi32, #tpu.memory_space<vmem>> -> memref<1x128xi32, #tpu.memory_space<vmem>>
      %dma_wait3A_46 = tpu.memref_squeeze %dma_wait3A_45 : memref<1x128xi32, #tpu.memory_space<vmem>> -> memref<128xi32, #tpu.memory_space<vmem>>
      %dma_wait3A_47 = arith.constant 0 : i32
      %dma_wait3A_48 = arith.constant 0 : i32
      %dma_wait3A_49 = tpu.memref_slice %arg12[%dma_wait3A_47, %dma_wait3A_48] : memref<10240x64xf32, #tpu.memory_space<vmem_shared>> -> memref<10240x64xf32, #tpu.memory_space<vmem_shared>>
      tpu.wait_indirect_dma semaphore(%arg15 : memref<!tpu.dma_semaphore, #tpu.memory_space<semaphore_mem>>) src(%arg10 : memref<128x64xf32, #tpu.memory_space<vmem>>) dst(%dma_wait3A_49 : memref<10240x64xf32, #tpu.memory_space<vmem_shared>>)
      %dma_wait3A_50 = arith.constant 0 : i32
      %dma_wait3A_51 = arith.constant 0 : i32
      %dma_wait3A_52 = tpu.memref_slice %arg8[%dma_wait3A_50, %dma_wait3A_51] : memref<32x128xi32, #tpu.memory_space<vmem>> -> memref<1x128xi32, #tpu.memory_space<vmem>>
      %dma_wait3A_53 = tpu.memref_squeeze %dma_wait3A_52 : memref<1x128xi32, #tpu.memory_space<vmem>> -> memref<128xi32, #tpu.memory_space<vmem>>
      %dma_wait3A_54 = arith.constant 0 : i32
      %dma_wait3A_55 = arith.constant 0 : i32
      %dma_wait3A_56 = tpu.memref_slice %arg12[%dma_wait3A_54, %dma_wait3A_55] : memref<10240x64xf32, #tpu.memory_space<vmem_shared>> -> memref<10240x64xf32, #tpu.memory_space<vmem_shared>>
      tpu.wait_indirect_dma semaphore(%arg16 : memref<!tpu.dma_semaphore, #tpu.memory_space<semaphore_mem>>) src(%arg11 : memref<128x64xf32, #tpu.memory_space<vmem>>) dst(%dma_wait3A_56 : memref<10240x64xf32, #tpu.memory_space<vmem_shared>>)
    }
    %scan3A_21 = arith.constant 5 : i32
    %barrier3A_22 = arith.constant 0 : index
    tpu.barrier barrier_id(%barrier3A_22)
    "tpu.region"() ({
      %run_scoped3A = tpu.sem_alloc : memref<!tpu.dma_semaphore, #tpu.memory_space<semaphore_mem>>
      %dma_start3A = arith.constant 0 : i32
      %dma_start3A_23 = tpu.memref_slice %arg6[%arg0, %mul3A_6, %dma_start3A] : memref<2x10240x64xf32, #tpu.memory_space<hbm>> -> memref<1x640x64xf32, #tpu.memory_space<hbm>>
      %dma_start3A_24 = tpu.memref_squeeze %dma_start3A_23 : memref<1x640x64xf32, #tpu.memory_space<hbm>> -> memref<640x64xf32, #tpu.memory_space<hbm>>
      %dma_start3A_25 = arith.constant 0 : i32
      %dma_start3A_26 = tpu.memref_slice %arg12[%mul3A_6, %dma_start3A_25] : memref<10240x64xf32, #tpu.memory_space<vmem_shared>> -> memref<640x64xf32, #tpu.memory_space<vmem_shared>>
      tpu.enqueue_dma source(%dma_start3A_26 : memref<640x64xf32, #tpu.memory_space<vmem_shared>>) target(%dma_start3A_24 : memref<640x64xf32, #tpu.memory_space<hbm>>) target_semaphore(%run_scoped3A : memref<!tpu.dma_semaphore, #tpu.memory_space<semaphore_mem>>)
      %dma_wait3A = arith.constant 0 : i32
      %dma_wait3A_27 = tpu.memref_slice %arg6[%arg0, %mul3A_6, %dma_wait3A] : memref<2x10240x64xf32, #tpu.memory_space<hbm>> -> memref<1x640x64xf32, #tpu.memory_space<hbm>>
      %dma_wait3A_28 = tpu.memref_squeeze %dma_wait3A_27 : memref<1x640x64xf32, #tpu.memory_space<hbm>> -> memref<640x64xf32, #tpu.memory_space<hbm>>
      %dma_wait3A_29 = arith.constant 0 : i32
      %dma_wait3A_30 = tpu.memref_slice %arg12[%mul3A_6, %dma_wait3A_29] : memref<10240x64xf32, #tpu.memory_space<vmem_shared>> -> memref<640x64xf32, #tpu.memory_space<vmem_shared>>
      tpu.wait_dma2 semaphore(%run_scoped3A : memref<!tpu.dma_semaphore, #tpu.memory_space<semaphore_mem>>) src(%dma_wait3A_30 : memref<640x64xf32, #tpu.memory_space<vmem_shared>>) dst(%dma_wait3A_28 : memref<640x64xf32, #tpu.memory_space<hbm>>)
      tpu.yield
    }) : () -> ()
    return
  }
}

module attributes {stable_mosaic.version = 14 : i64} {
  func.func @_prep_body(%arg0: memref<2500x128xi32, #tpu.memory_space<vmem>>, %arg1: memref<2500x128xi32, #tpu.memory_space<vmem>>, %arg2: memref<2500x128xf32, #tpu.memory_space<vmem>>, %arg3: memref<2500x128xf32, #tpu.memory_space<vmem>>, %arg4: memref<2500x128xi32, #tpu.memory_space<vmem>>, %arg5: memref<2500x128xi32, #tpu.memory_space<vmem>>, %arg6: memref<2500x128xf32, #tpu.memory_space<vmem>>) attributes {dimension_semantics = [], scalar_prefetch = 0 : i64, scratch_operands = 0 : i64, tpu.core_type = #tpu.core_type<tc>} {
    %get3A = arith.constant 0 : index
    %get3A_0 = arith.constant 0 : index
    %get3A_1 = vector.load %arg2[%get3A, %get3A_0] : memref<2500x128xf32, #tpu.memory_space<vmem>>, vector<2500x128xf32>
    %reduce_min3A = vector.shape_cast %get3A_1 : vector<2500x128xf32> to vector<1x2500x128xf32>
    %reduce_min3A_2 = arith.constant dense<0x7F800000> : vector<1xf32>
    %reduce_min3A_3 = vector.multi_reduction <minimumf>, %reduce_min3A, %reduce_min3A_2 [1, 2] : vector<1x2500x128xf32> to vector<1xf32>
    %reduce_min3A_4 = vector.shape_cast %reduce_min3A_3 : vector<1xf32> to vector<1x1x1xf32>
    %reduce_min3A_5 = vector.extract %reduce_min3A_4[0, 0, 0] : f32 from vector<1x1x1xf32>
    %reduce_max3A = vector.shape_cast %get3A_1 : vector<2500x128xf32> to vector<1x2500x128xf32>
    %reduce_max3A_6 = arith.constant dense<0xFF800000> : vector<1xf32>
    %reduce_max3A_7 = vector.multi_reduction <maximumf>, %reduce_max3A, %reduce_max3A_6 [1, 2] : vector<1x2500x128xf32> to vector<1xf32>
    %reduce_max3A_8 = vector.shape_cast %reduce_max3A_7 : vector<1xf32> to vector<1x1x1xf32>
    %reduce_max3A_9 = vector.extract %reduce_max3A_8[0, 0, 0] : f32 from vector<1x1x1xf32>
    %sub3A = vector.broadcast %reduce_min3A_5 : f32 to vector<2500x128xf32>
    %sub3A_10 = arith.subf %get3A_1, %sub3A : vector<2500x128xf32>
    %sub3A_11 = arith.subf %reduce_max3A_9, %reduce_min3A_5 : f32
    %add3A = arith.constant 9.99999993E-9 : f32
    %add3A_12 = arith.addf %sub3A_11, %add3A : f32
    %div3A = vector.broadcast %add3A_12 : f32 to vector<2500x128xf32>
    %div3A_13 = arith.divf %sub3A_10, %div3A : vector<2500x128xf32>
    %swap3A = arith.constant 0 : index
    %swap3A_14 = arith.constant 0 : index
    %swap3A_15 = vector.load %arg6[%swap3A, %swap3A_14] : memref<2500x128xf32, #tpu.memory_space<vmem>>, vector<2500x128xf32>
    tpu.vector_store %arg6[%swap3A, %swap3A_14], %div3A_13 {strides = array<i32>} : memref<2500x128xf32, #tpu.memory_space<vmem>>, vector<2500x128xf32>,
    %get3A_16 = arith.constant 0 : index
    %get3A_17 = arith.constant 0 : index
    %get3A_18 = vector.load %arg3[%get3A_16, %get3A_17] : memref<2500x128xf32, #tpu.memory_space<vmem>>, vector<2500x128xf32>
    %convert_element_type3A = arith.fptosi %get3A_18 : vector<2500x128xf32> to vector<2500x128xi32>
    %get3A_19 = arith.constant 0 : index
    %get3A_20 = arith.constant 0 : index
    %get3A_21 = vector.load %arg1[%get3A_19, %get3A_20] : memref<2500x128xi32, #tpu.memory_space<vmem>>, vector<2500x128xi32>
    %mul3A = arith.constant 10000 : i32
    %mul3A_22 = vector.broadcast %mul3A : i32 to vector<2500x128xi32>
    %mul3A_23 = arith.muli %convert_element_type3A, %mul3A_22 : vector<2500x128xi32>
    %get3A_24 = arith.constant 0 : index
    %get3A_25 = arith.constant 0 : index
    %get3A_26 = vector.load %arg0[%get3A_24, %get3A_25] : memref<2500x128xi32, #tpu.memory_space<vmem>>, vector<2500x128xi32>
    %add3A_27 = arith.addi %mul3A_23, %get3A_26 : vector<2500x128xi32>
    %swap3A_28 = arith.constant 0 : index
    %swap3A_29 = arith.constant 0 : index
    %swap3A_30 = vector.load %arg4[%swap3A_28, %swap3A_29] : memref<2500x128xi32, #tpu.memory_space<vmem>>, vector<2500x128xi32>
    tpu.vector_store %arg4[%swap3A_28, %swap3A_29], %add3A_27 {strides = array<i32>} : memref<2500x128xi32, #tpu.memory_space<vmem>>, vector<2500x128xi32>,
    %mul3A_31 = arith.constant 10000 : i32
    %mul3A_32 = vector.broadcast %mul3A_31 : i32 to vector<2500x128xi32>
    %mul3A_33 = arith.muli %convert_element_type3A, %mul3A_32 : vector<2500x128xi32>
    %add3A_34 = arith.addi %mul3A_33, %get3A_21 : vector<2500x128xi32>
    %swap3A_35 = arith.constant 0 : index
    %swap3A_36 = arith.constant 0 : index
    %swap3A_37 = vector.load %arg5[%swap3A_35, %swap3A_36] : memref<2500x128xi32, #tpu.memory_space<vmem>>, vector<2500x128xi32>
    tpu.vector_store %arg5[%swap3A_35, %swap3A_36], %add3A_34 {strides = array<i32>} : memref<2500x128xi32, #tpu.memory_space<vmem>>, vector<2500x128xi32>,
    return
  }
}

module attributes {stable_mosaic.version = 14 : i64} {
  func.func @_csum_body(%arg0: memref<32x625x128xf32, #tpu.memory_space<vmem>>, %arg1: memref<625x128xf32, #tpu.memory_space<vmem>>) attributes {dimension_semantics = [], scalar_prefetch = 0 : i64, scratch_operands = 0 : i64, tpu.core_type = #tpu.core_type<tc>} {
    %get3A = arith.constant 0 : index
    %get3A_0 = arith.constant 0 : index
    %get3A_1 = arith.constant 0 : index
    %get3A_2 = vector.load %arg0[%get3A, %get3A_0, %get3A_1] : memref<32x625x128xf32, #tpu.memory_space<vmem>>, vector<32x625x128xf32>
    %reduce_sum3A = arith.constant dense<0.000000e+00> : vector<625x128xf32>
    %reduce_sum3A_3 = vector.multi_reduction <add>, %get3A_2, %reduce_sum3A [0] : vector<32x625x128xf32> to vector<625x128xf32>
    %swap3A = arith.constant 0 : index
    %swap3A_4 = arith.constant 0 : index
    %swap3A_5 = vector.load %arg1[%swap3A, %swap3A_4] : memref<625x128xf32, #tpu.memory_space<vmem>>, vector<625x128xf32>
    tpu.vector_store %arg1[%swap3A, %swap3A_4], %reduce_sum3A_3 {strides = array<i32>} : memref<625x128xf32, #tpu.memory_space<vmem>>, vector<625x128xf32>,
    return
  }
}

module attributes {stable_mosaic.version = 14 : i64} {
  func.func @_transform_body(%arg0: i32, %arg1: i32, %arg2: memref<2000x128xf32, #tpu.memory_space<vmem>>, %arg3: memref<1x128x128xf32, #tpu.memory_space<vmem>>, %arg4: memref<1x2000x128xf32, #tpu.memory_space<vmem>>) attributes {dimension_semantics = [#tpu.dimension_semantics<arbitrary>, #tpu.dimension_semantics<arbitrary>], iteration_bounds = array<i64: 9, 5>, scalar_prefetch = 0 : i64, scratch_operands = 0 : i64, tpu.core_type = #tpu.core_type<tc>, window_params = [{transform_indices = @transform_0, window_bounds = array<i64: 2000, 128>}, {transform_indices = @transform_1, window_bounds = array<i64: 1, 128, 128>}, {transform_indices = @transform_2, window_bounds = array<i64: 1, 2000, 128>}]} {
    %get3A = arith.constant 0 : index
    %get3A_0 = arith.constant 0 : index
    %get3A_1 = vector.load %arg2[%get3A, %get3A_0] : memref<2000x128xf32, #tpu.memory_space<vmem>>, vector<2000x128xf32>
    %get3A_2 = arith.constant 0 : index
    %get3A_3 = arith.constant 0 : index
    %get3A_4 = arith.constant 0 : index
    %get3A_5 = vector.load %arg3[%get3A_2, %get3A_3, %get3A_4] : memref<1x128x128xf32, #tpu.memory_space<vmem>>, vector<1x128x128xf32>
    %get3A_6 = vector.shape_cast %get3A_5 : vector<1x128x128xf32> to vector<128x128xf32>
    %dot_general3A = arith.constant dense<0.000000e+00> : vector<2000x128xf32>
    %dot_general3A_7 = tpu.matmul %get3A_1, %get3A_6, %dot_general3A {dimension_numbers = #tpu.dot_dimension_numbers<[1], [0], [0], [1], [0, 0, 1, 1], [], []>, precision = #tpu.contract_precision<fp32>, transpose_lhs_hint = false} : vector<2000x128xf32>, vector<128x128xf32>, vector<2000x128xf32> -> vector<2000x128xf32>
    %swap3A = arith.constant 0 : index
    %swap3A_8 = arith.constant 0 : index
    %swap3A_9 = arith.constant 0 : index
    %swap3A_10 = vector.load %arg4[%swap3A, %swap3A_8, %swap3A_9] : memref<1x2000x128xf32, #tpu.memory_space<vmem>>, vector<1x2000x128xf32>
    %swap3A_11 = vector.shape_cast %swap3A_10 : vector<1x2000x128xf32> to vector<2000x128xf32>
    %swap3A_12 = vector.shape_cast %dot_general3A_7 : vector<2000x128xf32> to vector<1x2000x128xf32>
    tpu.vector_store %arg4[%swap3A, %swap3A_8, %swap3A_9], %swap3A_12 {strides = array<i32>} : memref<1x2000x128xf32, #tpu.memory_space<vmem>>, vector<1x2000x128xf32>,
    return
  }
  func.func @transform_0(%arg0: i32, %arg1: i32) -> (i32, i32) {
    %c0_i32 = arith.constant 0 : i32
    %c0_i32_0 = arith.constant 0 : i32
    return %arg1, %c0_i32 : i32, i32
  }
  func.func @transform_1(%arg0: i32, %arg1: i32) -> (i32, i32, i32) {
    %c0_i32 = arith.constant 0 : i32
    %c0_i32_0 = arith.constant 0 : i32
    %c0_i32_1 = arith.constant 0 : i32
    return %arg0, %c0_i32, %c0_i32_0 : i32, i32, i32
  }
  func.func @transform_2(%arg0: i32, %arg1: i32) -> (i32, i32, i32) {
    %c0_i32 = arith.constant 0 : i32
    %c0_i32_0 = arith.constant 0 : i32
    return %arg0, %arg1, %c0_i32 : i32, i32, i32
  }
}

module attributes {stable_mosaic.version = 14 : i64} {
  func.func @_combine_body(%arg0: memref<10000x128xf32, #tpu.memory_space<vmem>>, %arg1: memref<1x128xf32, #tpu.memory_space<vmem>>, %arg2: memref<10000x128xf32, #tpu.memory_space<vmem>>, %arg3: memref<10000x128xf32, #tpu.memory_space<vmem>>) attributes {dimension_semantics = [], scalar_prefetch = 0 : i64, scratch_operands = 0 : i64, tpu.core_type = #tpu.core_type<tc>} {
    %get3A = arith.constant 0 : index
    %get3A_0 = arith.constant 0 : index
    %get3A_1 = vector.load %arg0[%get3A, %get3A_0] : memref<10000x128xf32, #tpu.memory_space<vmem>>, vector<10000x128xf32>
    %get3A_2 = arith.constant 0 : index
    %get3A_3 = arith.constant 0 : index
    %get3A_4 = vector.load %arg1[%get3A_2, %get3A_3] : memref<1x128xf32, #tpu.memory_space<vmem>>, vector<1x128xf32>
    %add3A = vector.broadcast %get3A_4 : vector<1x128xf32> to vector<10000x128xf32>
    %add3A_5 = arith.addf %get3A_1, %add3A : vector<10000x128xf32>
    %get3A_6 = arith.constant 0 : index
    %get3A_7 = arith.constant 0 : index
    %get3A_8 = vector.load %arg2[%get3A_6, %get3A_7] : memref<10000x128xf32, #tpu.memory_space<vmem>>, vector<10000x128xf32>
    %add3A_9 = arith.addf %add3A_5, %get3A_8 : vector<10000x128xf32>
    %max3A = arith.constant 0.000000e+00 : f32
    %max3A_10 = vector.broadcast %max3A : f32 to vector<10000x128xf32>
    %max3A_11 = arith.maximumf %add3A_9, %max3A_10 : vector<10000x128xf32>
    %swap3A = arith.constant 0 : index
    %swap3A_12 = arith.constant 0 : index
    %swap3A_13 = vector.load %arg3[%swap3A, %swap3A_12] : memref<10000x128xf32, #tpu.memory_space<vmem>>, vector<10000x128xf32>
    tpu.vector_store %arg3[%swap3A, %swap3A_12], %max3A_11 {strides = array<i32>} : memref<10000x128xf32, #tpu.memory_space<vmem>>, vector<10000x128xf32>,
    return
  }
}

module attributes {stable_mosaic.version = 14 : i64} {
  func.func @_combine_body(%arg0: memref<10000x128xf32, #tpu.memory_space<vmem>>, %arg1: memref<1x128xf32, #tpu.memory_space<vmem>>, %arg2: memref<10000x128xf32, #tpu.memory_space<vmem>>, %arg3: memref<10000x128xf32, #tpu.memory_space<vmem>>) attributes {dimension_semantics = [], scalar_prefetch = 0 : i64, scratch_operands = 0 : i64, tpu.core_type = #tpu.core_type<tc>} {
    %get3A = arith.constant 0 : index
    %get3A_0 = arith.constant 0 : index
    %get3A_1 = vector.load %arg0[%get3A, %get3A_0] : memref<10000x128xf32, #tpu.memory_space<vmem>>, vector<10000x128xf32>
    %get3A_2 = arith.constant 0 : index
    %get3A_3 = arith.constant 0 : index
    %get3A_4 = vector.load %arg1[%get3A_2, %get3A_3] : memref<1x128xf32, #tpu.memory_space<vmem>>, vector<1x128xf32>
    %add3A = vector.broadcast %get3A_4 : vector<1x128xf32> to vector<10000x128xf32>
    %add3A_5 = arith.addf %get3A_1, %add3A : vector<10000x128xf32>
    %get3A_6 = arith.constant 0 : index
    %get3A_7 = arith.constant 0 : index
    %get3A_8 = vector.load %arg2[%get3A_6, %get3A_7] : memref<10000x128xf32, #tpu.memory_space<vmem>>, vector<10000x128xf32>
    %add3A_9 = arith.addf %add3A_5, %get3A_8 : vector<10000x128xf32>
    %swap3A = arith.constant 0 : index
    %swap3A_10 = arith.constant 0 : index
    %swap3A_11 = vector.load %arg3[%swap3A, %swap3A_10] : memref<10000x128xf32, #tpu.memory_space<vmem>>, vector<10000x128xf32>
    tpu.vector_store %arg3[%swap3A, %swap3A_10], %add3A_9 {strides = array<i32>} : memref<10000x128xf32, #tpu.memory_space<vmem>>, vector<10000x128xf32>,
    return
  }
}

</mosaic_0001>

<sc_bundles>
// kernel: kernel.12.cloned.1.call-start
scs
__scs_entry_jumppad:
0x0: {  	(pc) =	sbr.rel $0x88, $3  }
0x1: {  	(tag) =	ssettag $0x0;
	lr =	simm.s32 $0x1  }
0x2: {  	[smem:$0x3F98] =	sst lr;
	_ =	strace $0xD0000000  }
0x3: {  	_ = 	snop  }
0x4: {  	_ = 	snop  }
0x5: {  	_ = 	snop  }
0x6: {  	_ = 	snop  }
0x7: {  	_ = 	snop  }
__scs_overlays_trampoline_lowered:
0x8: {  	[smem:$0x3FA7] =	sst s0  }
0x9: {  	[smem:$0x3FA8] =	sst s1  }
0xa: {  	[smem:$0x3FA9] =	sst s2  }
0xb: {  	[smem:$0x3FAA] =	sst s3  }
0xc: {  	[smem:$0x3FAB] =	sst s4  }
0xd: {  	[smem:$0x3FAC] =	sst s5  }
0xe: {  	[smem:$0x3FAD] =	sst s6  }
0xf: {  	[smem:$0x3FAE] =	sst s7  }
0x10: {  	[smem:$0x3FAF] =	sst s8  }
0x11: {  	[smem:$0x3FB0] =	sst s9;
	s0 =	simm.s32 @!p0 $0x0  }
0x12: {  	s1 =	sld [smem:$0x3F96];
	s0 =	simm.s32 @p0 $0x1  }
0x13: {  	[smem:$0x3FB1] =	sst s0;
	s0 =	simm.s32 @!p1 $0x0  }
0x14: {  	s2 =	sld [smem:$0x3F95];
	s0 =	simm.s32 @p1 $0x1  }
0x15: {  	[smem:$0x3FB2] =	sst s0;
	s0 =	simm.s32 @!p2 $0x0  }
0x16: {  	s3 =	sld [smem:$0x3FDB];
	s0 =	simm.s32 @p2 $0x1  }
0x17: {  	s4 =	simm.s32 $0x1BF5;
	[smem:$0x3FB4] =	sst s0  }
0x18: {  	s0 =	sld [smem:$0x3F97];
	_ =	swait.ge [sflag:s4], $0x0  }
0x19: {  	s7 =	sld [smem:$0x3F98]  }
0x1a: {  	s8 =	sadd.s32 $0xFFFFE003, lr  }
0x1b: {  	s9 =	sadd.s32 $0xFFFFFEF7, lr;
	s5 =	simm.s32 $0xFFFFFFFF;
	p2 =	slt.u32 s8, $0xFFFFF086  }
0x1c: {  	p1 =	slt.u32 s9, $0xF7A;
	s5 =	simm.s32 @!p2 $0x0  }
0x1d: {  	s5 =	simm.s32 @p1 $0x1;
	p0 =	seq.s32 s7, s2  }
0x1e: {  	s7 =	smul.u32 @!p0 $0xF7A, s2;
	p2 =	seq.s32 @!p0 s5, $0x0  }
0x1f: {  	s9 =	smul.u32 $0xF7A, s1;
	s8 =	simm.s32 @!p0 $0x1BF5;
	p2 =	por !p2, p0  }
0x20: {  	[sflag:s8] =	ssyncset.s32 @!p0 $0xFFFFF086;
	s6 =	sadd.s32 @!p0 s3, s7;
	s7 =	simm.s32 @!p0 $0x108  }
0x21: {  	s3 =	sadd.s32 s3, s9;
	s6 =	sadd.s32 @!p0 $0x88, s6;
	s7 =	simm.s32 @p2 $0x1082  }
0x22: {  	[simem:s7], [sflag:s8] =	dma.local @!p0 [hbm:s6], $0xF7A  }
0x23: {  	s9 =	sor.u32 $0xD0000000, s2;
	s6 =	simm.s32 $0x108;
	_ =	swait.ge @!p0 [sflag:s8], $0x0  }
0x24: {  	s3 =	sadd.s32 $0x88, s3;
	s6 =	simm.s32 @!p1 $0x1082;
	[sflag:s4] =	ssyncset.s32 $0xFFFFF086  }
0x25: {  	[simem:s6], [sflag:s4] =	dma.local [hbm:s3], $0xF7A  }
0x26: {  	[smem:$0x3F98] =	sst s1;
	(tag) =	ssettag s2;
	_ =	strace s9  }
0x27: {  	s1 =	sld [smem:$0x3FA8]  }
0x28: {  	s2 =	sld [smem:$0x3FA9]  }
0x29: {  	s4 =	sld [smem:$0x3FAB]  }
0x2a: {  	p0 =	seq.s32 s5, $0x0;
	s5 =	sld [smem:$0x3FAC]  }
0x2b: {  	s6 =	sld [smem:$0x3FAD]  }
0x2c: {  	s7 =	sld [smem:$0x3FAE]  }
0x2d: {  	s3 =	simm.s32 $0x108;
	s8 =	sld [smem:$0x3FAF]  }
0x2e: {  	s3 =	simm.s32 @!p0 $0x1082;
	s9 =	sld [smem:$0x3FB0]  }
0x2f: {  	lr =	sadd.s32 s0, s3;
	s0 =	sld [smem:$0x3FA7]  }
0x30: {  	s3 =	sld [smem:$0x3FAA]  }
0x31: {  	[smem:$0x3FB3] =	sst s10  }
0x32: {  	s10 =	sld [smem:$0x3FB1];
	_ =	sdelay $0x3  }
0x33: {  	p0 =	seq.s32 s10, $0x1;
	s10 =	sld [smem:$0x3FB3];
	_ =	sdelay $0x3  }
0x34: {  	[smem:$0x3FB3] =	sst s10  }
0x35: {  	s10 =	sld [smem:$0x3FB2];
	_ =	sdelay $0x3  }
0x36: {  	p1 =	seq.s32 s10, $0x1;
	s10 =	sld [smem:$0x3FB3];
	_ =	sdelay $0x3  }
0x37: {  	[smem:$0x3FB3] =	sst s10  }
0x38: {  	s10 =	sld [smem:$0x3FB4]  }
0x39: {  	_ = 	snop;
	(pc) =	sbr.ind lr, $3  }
0x3a: {  	_ = 	snop  }
0x3b: {  	_ = 	snop  }
0x3c: {  	p2 =	seq.s32 s10, $0x1;
	s10 =	sld [smem:$0x3FB3]  }
0x3d: {  	_ =	shalt  }
0x3e: {  	_ =	shalt  }
0x3f: {  	_ =	shalt  }
0x40: {  	_ =	shalt  }
0x41: {  	_ =	shalt  }
0x42: {  	_ =	shalt  }
0x43: {  	_ =	shalt  }
0x44: {  	_ =	shalt  }
0x45: {  	_ =	shalt  }
0x46: {  	_ =	shalt  }
0x47: {  	_ =	shalt  }
0x48: {  	_ =	shalt  }
0x49: {  	_ =	shalt  }
0x4a: {  	_ =	shalt  }
0x4b: {  	_ =	shalt  }
0x4c: {  	_ =	shalt  }
0x4d: {  	_ =	shalt  }
0x4e: {  	_ =	shalt  }
0x4f: {  	_ =	shalt  }
0x50: {  	_ =	shalt  }
0x51: {  	_ =	shalt  }
0x52: {  	_ =	shalt  }
0x53: {  	_ =	shalt  }
0x54: {  	_ =	shalt  }
0x55: {  	_ =	shalt  }
0x56: {  	_ =	shalt  }
0x57: {  	_ =	shalt  }
0x58: {  	_ =	shalt  }
0x59: {  	_ =	shalt  }
0x5a: {  	_ =	shalt  }
0x5b: {  	_ =	shalt  }
0x5c: {  	_ =	shalt  }
0x5d: {  	_ =	shalt  }
0x5e: {  	_ =	shalt  }
0x5f: {  	_ =	shalt  }
0x60: {  	_ =	shalt  }
0x61: {  	_ =	shalt  }
0x62: {  	_ =	shalt  }
0x63: {  	_ =	shalt  }
0x64: {  	_ =	shalt  }
0x65: {  	_ =	shalt  }
0x66: {  	_ =	shalt  }
0x67: {  	_ =	shalt  }
0x68: {  	_ =	shalt  }
0x69: {  	_ =	shalt  }
0x6a: {  	_ =	shalt  }
0x6b: {  	_ =	shalt  }
0x6c: {  	_ =	shalt  }
0x6d: {  	_ =	shalt  }
0x6e: {  	_ =	shalt  }
0x6f: {  	_ =	shalt  }
0x70: {  	_ =	shalt  }
0x71: {  	_ =	shalt  }
0x72: {  	_ =	shalt  }
0x73: {  	_ =	shalt  }
0x74: {  	_ =	shalt  }
0x75: {  	_ =	shalt  }
0x76: {  	_ =	shalt  }
0x77: {  	_ =	shalt  }
0x78: {  	_ =	shalt  }
0x79: {  	_ =	shalt  }
0x7a: {  	_ =	shalt  }
0x7b: {  	_ =	shalt  }
0x7c: {  	_ =	shalt  }
0x7d: {  	_ =	shalt  }
0x7e: {  	_ =	shalt  }
0x7f: {  	_ =	shalt  }
0x80: {  	_ =	shalt  }
0x81: {  	_ =	shalt  }
0x82: {  	_ =	shalt  }
0x83: {  	_ =	shalt  }
0x84: {  	_ =	shalt  }
0x85: {  	_ =	shalt  }
0x86: {  	_ =	shalt  }
0x87: {  	_ =	shalt  }
.Lfunc_end0:
.L_simem_size_0:
called_computation_lowered:
.L_overlay_start_0:
0x88: {  	s2 =	sld [smem:$0x3FD9]  }
0x89: {  	s3 =	sld [smem:$0x3FFE];
	_ =	sdelay $0x1  }
0x8a: {  	s1 =	srdreg.scid  }
0x8b: {  	s0 =	sand.u32 $0x1, s1  }
0x8c: {  	s16 =	sshll.u32 s0, $0xA;
	s2 =	sadd.s32 s3, s2  }
0x8d: {  	s2 =	sadd.s32 s2, s16  }
0x8e: {  	[smem:$0x3FBF] =	sst s2  }
0x8f: {  	_ = 	snop  }
0x90: {  	(tm) =	ssettm $0x1  }
0x91: {  	s17 =	sld [smem:$0x3FFB];
	_ =	sdelay $0x3  }
0x92: {  	_ =	strace s17  }
0x93: {  	s2 =	sld [smem:$0x3FFC];
	_ =	sdelay $0x3  }
0x94: {  	_ =	strace s2  }
0x95: {  	s2 =	sld [smem:$0x3FFD];
	_ =	sdelay $0x3  }
0x96: {  	_ =	strace s2  }
0x97: {  	_ =	strace $0x8FFFFFFF  }
0x98: {  	s18 =	sld [smem:$0x3FDB];
	_ =	sdelay $0x1  }
0x99: {  	s19 =	simm.s32 $_scs_section_size  }
0x9a: {  	s4 =	simm.s32 $_size__tile_overlayer_lowered;
	s5 =	simm.s32 $_tile_overlayer_lowered  }
0x9b: {  	s22 =	simm.s32 $0x1BFF;
	s21 =	sshll.u32 s5, $0x1;
	s2 =	sadd.s32 s19, s18  }
0x9c: {  	s6 =	simm.s32 $0x0;
	s20 =	sshll.u32 s4, $0x1;
	s4 =	sadd.s32 s21, s2  }
0x9d: {  	[timem:s6], [sflag:s22] =	dma.local [hbm:s4], s20  }
0x9e: {  	_ =	swait.ge [sflag:s22], s20  }
0x9f: {  	s3 =	ssub.s32 $0x0, s20;
	[sflag:s22] =	ssyncset.done $0x0  }
0xa0: {  	[sflag:s22] =	ssyncadd.s32 s3;
	_ =	sdelay $0x1  }
0xa1: {  	s23 =	simm.s32 $0x1B8B  }
0xa2: {  	_ =	swait.ge [sflag:s23], $0x1  }
0xa3: {  	[sflag:s23] =	ssyncset.done $0x0  }
0xa4: {  	s25 =	simm.s32 $0x1B8E;
	s24 =	sld [smem:$0x3FFE];
	[sflag:s23] =	ssyncadd.s32 $0xFFFFFFFF  }
0xa5: {  	s26 =	simm.s32 $execute0_lowered;
	[smem:$0x3FD2] =	sst s25  }
0xa6: {  	s4 =	sshll.u32 s26, $0x1;
	_ =	strace $0x80000046;
	[dreg:$0x1] =	wrdreg $0xFFFFFFFF  }
0xa7: {  	s28 =	simm.s32 $_size_execute0_lowered;
	s2 =	sadd.s32 s2, s4;
	[dreg:$0x0] =	wrdreg $0x0  }
0xa8: {  	s4 =	sshll.u32 s28, $0x1;
	[dreg:$0x2] =	wrdreg s2  }
0xa9: {  	[dreg:$0x3] =	wrdreg s4  }
0xaa: {  	[dreg:$0x4] =	wrdreg $0xC0  }
0xab: {  	_ =	task [dreg:s6], $0x5FFFF  }
0xac: {  	[dreg:$0x1] =	wrdreg $0xFFFFFFFF  }
0xad: {  	[dreg:$0x0] =	wrdreg $0x60  }
0xae: {  	[dreg:$0x2] =	wrdreg s24  }
0xaf: {  	[dreg:$0x3] =	wrdreg $0x9  }
0xb0: {  	_ =	task.clear_ibuf [dreg:s6], $0x4FFFF;
	_ =	strace $0x90000046  }
0xb1: {  	s29 =	simm.s32 $0x9;
	_ =	strace $0x80000048  }
0xb2: {  	_ =	swait.ge [sflag:s29], $0x1  }
0xb3: {  	[sflag:s29] =	ssyncadd.s32 $0xFFFFFFFF  }
0xb4: {  	_ =	strace $0x90000048  }
0xb5: {  	_ =	sfence  }
0xb6: {  	s30 =	sld [smem:$0x0];
	_ =	sdelay $0x2  }
0xb7: {  	s31 =	sshll.u32 s1, $0xD;
	s1 =	sshrl.u32 s1, $0x2  }
0xb8: {  	s3 =	sand.u32 $0x4000, s31;
	s1 =	sadd.s32 s1, s30  }
0xb9: {  	s0 =	sor.u32 s3, s0;
	s1 =	sshll.u32 s1, $0x11  }
0xba: {  	s0 =	sor.u32 s1, s0  }
0xbb: {  	s0 =	sadd.s32 $0x8F2B, s0  }
0xbc: {  	[sflag:s0] =	ssyncadd.remote.s32 $0x1  }
0xbd: {  	_ =	sfence.sel $0xFFFF  }
0xbe: {  	[dreg:$0x0] =	wrdreg $0xFFFFFFFF;
	(pc) =	sbr.abs _section_cstart, $3  }
0xbf: {  	[dreg:$0x1] =	wrdreg $0xFFFFFFFF  }
0xc0: {  	_ =	task.clear_ibuf [dreg:s6], $0x2FFFF;
	_ =	strace $0x9FFFFFFF  }
0xc1: {  	(tm) =	ssettm $0x7FFFFFFF  }
tec
execute0_lowered:
.L_overlay_start_1:
0x0: {  	(tag) =	ssettag $0x1  }
0x1: {  	s3 =	rddreg [dreg:$0x0]  }
0x2: {  	s0 =	rddreg [dreg:$0x1]  }
0x3: {  	s1 =	stileid.u32;
	s2 =	simm.s32 $0x0;
	s4 =	srdreg.scid  }
0x4: {  	s9 =	simm.s32 $0x2780;
	s10 =	simm.s32 $0x0;
	s5 =	sshrl.u32 s1, $0x2  }
0x5: {  	s4 =	sand.u32 $0x1, s4;
	s6 =	sshll.u32 s1, $0x8;
	[smem:$0x7FF] =	sst s2  }
0x6: {  	s7 =	smul.u32 $0x13C00, s5;
	s8 =	sshll.u32 s4, $0x7;
	s6 =	sand.u32 $0x300, s6  }
0x7: {  	s5 =	smul.u32 $0x9C400, s5;
	s4 =	ssub.s32 $0x2, s4;
	s6 =	sor.u32 s8, s6  }
0x8: {  	_ =	strace $0x80000047;
	s30 =	sshrl.u32 s4, $0x1;
	s7 =	sor.u32 s7, s6  }
0x9: {  	s8 =	simm.s32 $0x1;
	s5 =	sor.u32 s5, s6;
	s29 =	sshrl.u32 s7, $0x3  }
0xa: {  	s31 =	ssub.s32 s4, s30;
	s5 =	sshrl.u32 s5, $0x3;
	s6 =	sadd.s32 s29, s3  }
0xb: {  	s7 =	simm.s32 $0x400;
	s5 =	sadd.s32 s5, s3;
	s3 =	sadd.s32 $0x1C00, s6  }
0xc: {  	v0 =	vimm.f32 $0.0e+00;
	s4 =	sadd.s32 $0xBA00, s5;
	s5 =	smax.u32 s31, $0x1;
	s6 =	simm.s32 $0x80  }
.LBB2_1:
0xd: {  	[tilespmem:s2], [sflag:$0x1] =	stream.strided.gather [hbm4b:s3+s6], $0x2780, s7, s6, $0x38;
	[tilespmem:$0x16000] =	vst v63  }
0xe: {  	_ =	swait.ge [sflag:s8], $0x2780  }
0xf: {  	[sflag:s8] =	ssyncset.done $0x0  }
0x10: {  	s11 =	simm.s32 $0x0;
	[sflag:s8] =	ssyncadd.s32 $0xFFFFD880  }
.LBB2_2:
0x11: {  	p0 =	sne.s32 s11, $0x4E1C0  }
.Ltmp0:
0x12: {  	_ = 	snop;
	(pc) =	sbr.rel @p0 .LBB2_2-.Ltmp0, $3  }
0x13: {  	_ =	sdelay $0x1  }
0x14: {  	s12 =	sshra.s32 s11, $0x2  }
0x15: {  	s11 =	sadd.s32 $0x40, s11;
	[tilespmem:s12+$0x2780] =	vst v0  }
0x16: {  	s12 =	simm.s32 $0x0;
	s11 =	simm.s32 $0x40  }
.LBB2_4:
0x17: {  	p0 =	sne.s32 s11, $0x9C00;
	v1 =	vld [tilespmem:s12+$0x0];
	_ =	sdelay $0x4  }
0x18: {  	(xrf1) =	vunique.msk.u32 $0xffff, v1;
	_ =	sdelay $0xd  }
0x19: {  	_, v2, vm0 =	vpop (xrf1);
	_ =	sdelay $0x1  }
.Ltmp1:
0x1a: {  	(pc) =	sbr.rel @p0 .LBB2_4-.Ltmp1, $3  }
0x1b: {  	_ = 	snop  }
0x1c: {  	v2 =	vcvt.s32.f32 v2;
	_ =	sdelay $0x1  }
0x1d: {  	s12 =	sshra.s32 s11, $0x2;
	s11 =	sadd.s32 $0x40, s11;
	[tilespmem:v1+s9+$0x0] =	vst.idx.add.f32.msk vm0, v2  }
0x1e: {  	v1 =	vld [tilespmem:s12+$0x0];
	_ =	sdelay $0x4  }
0x1f: {  	(xrf1) =	vunique.msk.u32 $0xffff, v1;
	_ =	sdelay $0xd  }
0x20: {  	_, v2, vm0 =	vpop (xrf1);
	_ =	sdelay $0x3  }
0x21: {  	s10 =	sadd.s32 $0x1, s10;
	v2 =	vcvt.s32.f32 v2  }
0x22: {  	p0 =	sne.s32 s10, s5  }
.Ltmp2:
0x23: {  	[tilespmem:v1+s9+$0x0] =	vst.idx.add.f32.msk vm0, v2;
	(pc) =	sbr.rel @p0 .LBB2_1-.Ltmp2, $4  }
0x24: {  	[hbm4b:s4+s6] =	stream.strided.scatter [tilespmem:s9], [sflag:$0x1], $0x13880, s7, s6, $0x38;
	[tilespmem:$0x16000] =	vst v63  }
0x25: {  	_ =	swait.ge [sflag:s8], $0x13880  }
0x26: {  	[sflag:s8] =	ssyncset.done $0x0  }
0x27: {  	[sflag:s8] =	ssyncadd.s32 $0xFFFEC780  }
0x28: {  	_ =	sfence.sel $0x180000  }
0x29: {  	[bflag:$0x0] =	sbarrier.arrive $0xFFFF  }
0x2a: {  	p0 =	sne.s32 s1, $0x0;
	_ =	strace $0x90000047  }
0x2b: {  	s0 =	sadd.s32 @!p0 $0x100000, s0;
	[bflag:$0x2] =	sbarrier.arrive $0xFFFF  }
0x2c: {  	[sflag:s0] =	ssyncadd.tile.s32 @!p0 $0x1;
	_ =	shalt  }
.Lfunc_end2:
_tile_overlayer_lowered:
.L_overlay_start_2:
0x2d: {  	(tag) =	ssettag $0x2  }
0x2e: {  	s0 =	rddreg [dreg:$0x0];
	s2 =	stileid.u32  }
0x2f: {  	s1 =	rddreg [dreg:$0x1];
	p0 =	sne.s32 s2, $0x0  }
0x30: {  	s3 =	rddreg [dreg:$0x2];
	[bflag:$0x3] =	sbarrier.arrive $0xFFFF;
	s2 =	simm.s32 @!p0 $0x1C01  }
0x31: {  	[timem:s3], [sflag:s2] =	dma.local @!p0 [hbm:s0], s1  }
0x32: {  	s0 =	simm.s32 @!p0 $0x1  }
0x33: {  	_ =	swait.ge @!p0 [sflag:s0], s1  }
0x34: {  	s1 =	ssub.s32 @!p0 $0x0, s1;
	[sflag:s0] =	ssyncset.done @!p0 $0x0  }
0x35: {  	[sflag:s0] =	ssyncadd.s32 @!p0 s1  }
0x36: {  	[bflag:$0x3] =	sbarrier.arrive $0xFFFF  }
0x37: {  	_ =	shalt  }

// kernel: kernel.15.cloned.1.call-start
scs
__scs_entry_jumppad:
0x0: {  	(pc) =	sbr.rel $0x88, $3  }
0x1: {  	(tag) =	ssettag $0x0;
	lr =	simm.s32 $0x1  }
0x2: {  	[smem:$0x3F98] =	sst lr;
	_ =	strace $0xD0000000  }
0x3: {  	_ = 	snop  }
0x4: {  	_ = 	snop  }
0x5: {  	_ = 	snop  }
0x6: {  	_ = 	snop  }
0x7: {  	_ = 	snop  }
__scs_overlays_trampoline_lowered:
0x8: {  	[smem:$0x3FA7] =	sst s0  }
0x9: {  	[smem:$0x3FA8] =	sst s1  }
0xa: {  	[smem:$0x3FA9] =	sst s2  }
0xb: {  	[smem:$0x3FAA] =	sst s3  }
0xc: {  	[smem:$0x3FAB] =	sst s4  }
0xd: {  	[smem:$0x3FAC] =	sst s5  }
0xe: {  	[smem:$0x3FAD] =	sst s6  }
0xf: {  	[smem:$0x3FAE] =	sst s7  }
0x10: {  	[smem:$0x3FAF] =	sst s8  }
0x11: {  	[smem:$0x3FB0] =	sst s9;
	s0 =	simm.s32 @!p0 $0x0  }
0x12: {  	s1 =	sld [smem:$0x3F96];
	s0 =	simm.s32 @p0 $0x1  }
0x13: {  	[smem:$0x3FB1] =	sst s0;
	s0 =	simm.s32 @!p1 $0x0  }
0x14: {  	s2 =	sld [smem:$0x3F95];
	s0 =	simm.s32 @p1 $0x1  }
0x15: {  	[smem:$0x3FB2] =	sst s0;
	s0 =	simm.s32 @!p2 $0x0  }
0x16: {  	s3 =	sld [smem:$0x3FDB];
	s0 =	simm.s32 @p2 $0x1  }
0x17: {  	s4 =	simm.s32 $0x1BF5;
	[smem:$0x3FB4] =	sst s0  }
0x18: {  	s0 =	sld [smem:$0x3F97];
	_ =	swait.ge [sflag:s4], $0x0  }
0x19: {  	s7 =	sld [smem:$0x3F98]  }
0x1a: {  	s8 =	sadd.s32 $0xFFFFE003, lr  }
0x1b: {  	s9 =	sadd.s32 $0xFFFFFEF7, lr;
	s5 =	simm.s32 $0xFFFFFFFF;
	p2 =	slt.u32 s8, $0xFFFFF086  }
0x1c: {  	p1 =	slt.u32 s9, $0xF7A;
	s5 =	simm.s32 @!p2 $0x0  }
0x1d: {  	s5 =	simm.s32 @p1 $0x1;
	p0 =	seq.s32 s7, s2  }
0x1e: {  	s7 =	smul.u32 @!p0 $0xF7A, s2;
	p2 =	seq.s32 @!p0 s5, $0x0  }
0x1f: {  	s9 =	smul.u32 $0xF7A, s1;
	s8 =	simm.s32 @!p0 $0x1BF5;
	p2 =	por !p2, p0  }
0x20: {  	[sflag:s8] =	ssyncset.s32 @!p0 $0xFFFFF086;
	s6 =	sadd.s32 @!p0 s3, s7;
	s7 =	simm.s32 @!p0 $0x108  }
0x21: {  	s3 =	sadd.s32 s3, s9;
	s6 =	sadd.s32 @!p0 $0x88, s6;
	s7 =	simm.s32 @p2 $0x1082  }
0x22: {  	[simem:s7], [sflag:s8] =	dma.local @!p0 [hbm:s6], $0xF7A  }
0x23: {  	s9 =	sor.u32 $0xD0000000, s2;
	s6 =	simm.s32 $0x108;
	_ =	swait.ge @!p0 [sflag:s8], $0x0  }
0x24: {  	s3 =	sadd.s32 $0x88, s3;
	s6 =	simm.s32 @!p1 $0x1082;
	[sflag:s4] =	ssyncset.s32 $0xFFFFF086  }
0x25: {  	[simem:s6], [sflag:s4] =	dma.local [hbm:s3], $0xF7A  }
0x26: {  	[smem:$0x3F98] =	sst s1;
	(tag) =	ssettag s2;
	_ =	strace s9  }
0x27: {  	s1 =	sld [smem:$0x3FA8]  }
0x28: {  	s2 =	sld [smem:$0x3FA9]  }
0x29: {  	s4 =	sld [smem:$0x3FAB]  }
0x2a: {  	p0 =	seq.s32 s5, $0x0;
	s5 =	sld [smem:$0x3FAC]  }
0x2b: {  	s6 =	sld [smem:$0x3FAD]  }
0x2c: {  	s7 =	sld [smem:$0x3FAE]  }
0x2d: {  	s3 =	simm.s32 $0x108;
	s8 =	sld [smem:$0x3FAF]  }
0x2e: {  	s3 =	simm.s32 @!p0 $0x1082;
	s9 =	sld [smem:$0x3FB0]  }
0x2f: {  	lr =	sadd.s32 s0, s3;
	s0 =	sld [smem:$0x3FA7]  }
0x30: {  	s3 =	sld [smem:$0x3FAA]  }
0x31: {  	[smem:$0x3FB3] =	sst s10  }
0x32: {  	s10 =	sld [smem:$0x3FB1];
	_ =	sdelay $0x3  }
0x33: {  	p0 =	seq.s32 s10, $0x1;
	s10 =	sld [smem:$0x3FB3];
	_ =	sdelay $0x3  }
0x34: {  	[smem:$0x3FB3] =	sst s10  }
0x35: {  	s10 =	sld [smem:$0x3FB2];
	_ =	sdelay $0x3  }
0x36: {  	p1 =	seq.s32 s10, $0x1;
	s10 =	sld [smem:$0x3FB3];
	_ =	sdelay $0x3  }
0x37: {  	[smem:$0x3FB3] =	sst s10  }
0x38: {  	s10 =	sld [smem:$0x3FB4]  }
0x39: {  	_ = 	snop;
	(pc) =	sbr.ind lr, $3  }
0x3a: {  	_ = 	snop  }
0x3b: {  	_ = 	snop  }
0x3c: {  	p2 =	seq.s32 s10, $0x1;
	s10 =	sld [smem:$0x3FB3]  }
0x3d: {  	_ =	shalt  }
0x3e: {  	_ =	shalt  }
0x3f: {  	_ =	shalt  }
0x40: {  	_ =	shalt  }
0x41: {  	_ =	shalt  }
0x42: {  	_ =	shalt  }
0x43: {  	_ =	shalt  }
0x44: {  	_ =	shalt  }
0x45: {  	_ =	shalt  }
0x46: {  	_ =	shalt  }
0x47: {  	_ =	shalt  }
0x48: {  	_ =	shalt  }
0x49: {  	_ =	shalt  }
0x4a: {  	_ =	shalt  }
0x4b: {  	_ =	shalt  }
0x4c: {  	_ =	shalt  }
0x4d: {  	_ =	shalt  }
0x4e: {  	_ =	shalt  }
0x4f: {  	_ =	shalt  }
0x50: {  	_ =	shalt  }
0x51: {  	_ =	shalt  }
0x52: {  	_ =	shalt  }
0x53: {  	_ =	shalt  }
0x54: {  	_ =	shalt  }
0x55: {  	_ =	shalt  }
0x56: {  	_ =	shalt  }
0x57: {  	_ =	shalt  }
0x58: {  	_ =	shalt  }
0x59: {  	_ =	shalt  }
0x5a: {  	_ =	shalt  }
0x5b: {  	_ =	shalt  }
0x5c: {  	_ =	shalt  }
0x5d: {  	_ =	shalt  }
0x5e: {  	_ =	shalt  }
0x5f: {  	_ =	shalt  }
0x60: {  	_ =	shalt  }
0x61: {  	_ =	shalt  }
0x62: {  	_ =	shalt  }
0x63: {  	_ =	shalt  }
0x64: {  	_ =	shalt  }
0x65: {  	_ =	shalt  }
0x66: {  	_ =	shalt  }
0x67: {  	_ =	shalt  }
0x68: {  	_ =	shalt  }
0x69: {  	_ =	shalt  }
0x6a: {  	_ =	shalt  }
0x6b: {  	_ =	shalt  }
0x6c: {  	_ =	shalt  }
0x6d: {  	_ =	shalt  }
0x6e: {  	_ =	shalt  }
0x6f: {  	_ =	shalt  }
0x70: {  	_ =	shalt  }
0x71: {  	_ =	shalt  }
0x72: {  	_ =	shalt  }
0x73: {  	_ =	shalt  }
0x74: {  	_ =	shalt  }
0x75: {  	_ =	shalt  }
0x76: {  	_ =	shalt  }
0x77: {  	_ =	shalt  }
0x78: {  	_ =	shalt  }
0x79: {  	_ =	shalt  }
0x7a: {  	_ =	shalt  }
0x7b: {  	_ =	shalt  }
0x7c: {  	_ =	shalt  }
0x7d: {  	_ =	shalt  }
0x7e: {  	_ =	shalt  }
0x7f: {  	_ =	shalt  }
0x80: {  	_ =	shalt  }
0x81: {  	_ =	shalt  }
0x82: {  	_ =	shalt  }
0x83: {  	_ =	shalt  }
0x84: {  	_ =	shalt  }
0x85: {  	_ =	shalt  }
0x86: {  	_ =	shalt  }
0x87: {  	_ =	shalt  }
.Lfunc_end0:
.L_simem_size_0:
called_computation.1_lowered:
.L_overlay_start_0:
0x88: {  	s2 =	sld [smem:$0x3FD9]  }
0x89: {  	s3 =	sld [smem:$0x3FFE];
	_ =	sdelay $0x1  }
0x8a: {  	s1 =	srdreg.scid  }
0x8b: {  	s0 =	sand.u32 $0x1, s1  }
0x8c: {  	s16 =	sshll.u32 s0, $0xA;
	s2 =	sadd.s32 s3, s2  }
0x8d: {  	s2 =	sadd.s32 s2, s16  }
0x8e: {  	[smem:$0x3FBF] =	sst s2  }
0x8f: {  	_ = 	snop  }
0x90: {  	(tm) =	ssettm $0x1  }
0x91: {  	s17 =	sld [smem:$0x3FFB];
	_ =	sdelay $0x3  }
0x92: {  	_ =	strace s17  }
0x93: {  	s2 =	sld [smem:$0x3FFC];
	_ =	sdelay $0x3  }
0x94: {  	_ =	strace s2  }
0x95: {  	s2 =	sld [smem:$0x3FFD];
	_ =	sdelay $0x3  }
0x96: {  	_ =	strace s2  }
0x97: {  	_ =	strace $0x8FFFFFFF  }
0x98: {  	s18 =	sld [smem:$0x3FDB];
	_ =	sdelay $0x1  }
0x99: {  	s19 =	simm.s32 $_scs_section_size  }
0x9a: {  	s4 =	simm.s32 $_size__tile_overlayer_lowered;
	s5 =	simm.s32 $_tile_overlayer_lowered  }
0x9b: {  	s22 =	simm.s32 $0x1BFF;
	s21 =	sshll.u32 s5, $0x1;
	s2 =	sadd.s32 s19, s18  }
0x9c: {  	s6 =	simm.s32 $0x0;
	s20 =	sshll.u32 s4, $0x1;
	s4 =	sadd.s32 s21, s2  }
0x9d: {  	[timem:s6], [sflag:s22] =	dma.local [hbm:s4], s20  }
0x9e: {  	_ =	swait.ge [sflag:s22], s20  }
0x9f: {  	s3 =	ssub.s32 $0x0, s20;
	[sflag:s22] =	ssyncset.done $0x0  }
0xa0: {  	[sflag:s22] =	ssyncadd.s32 s3;
	_ =	sdelay $0x1  }
0xa1: {  	s23 =	simm.s32 $0x1B8B  }
0xa2: {  	_ =	swait.ge [sflag:s23], $0x1  }
0xa3: {  	[sflag:s23] =	ssyncset.done $0x0  }
0xa4: {  	s25 =	simm.s32 $0x1B8E;
	s24 =	sld [smem:$0x3FFE];
	[sflag:s23] =	ssyncadd.s32 $0xFFFFFFFF  }
0xa5: {  	s26 =	simm.s32 $execute0_lowered;
	[smem:$0x3FD2] =	sst s25  }
0xa6: {  	s4 =	sshll.u32 s26, $0x1;
	_ =	strace $0x80000049;
	[dreg:$0x1] =	wrdreg $0xFFFFFFFF  }
0xa7: {  	s28 =	simm.s32 $_size_execute0_lowered;
	s2 =	sadd.s32 s2, s4;
	[dreg:$0x0] =	wrdreg $0x0  }
0xa8: {  	s4 =	sshll.u32 s28, $0x1;
	[dreg:$0x2] =	wrdreg s2  }
0xa9: {  	[dreg:$0x3] =	wrdreg s4  }
0xaa: {  	[dreg:$0x4] =	wrdreg $0xC0  }
0xab: {  	_ =	task [dreg:s6], $0x5FFFF  }
0xac: {  	[dreg:$0x1] =	wrdreg $0xFFFFFFFF  }
0xad: {  	[dreg:$0x0] =	wrdreg $0x60  }
0xae: {  	[dreg:$0x2] =	wrdreg s24  }
0xaf: {  	[dreg:$0x3] =	wrdreg $0x9  }
0xb0: {  	_ =	task.clear_ibuf [dreg:s6], $0x4FFFF;
	_ =	strace $0x90000049  }
0xb1: {  	s29 =	simm.s32 $0x9;
	_ =	strace $0x8000004B  }
0xb2: {  	_ =	swait.ge [sflag:s29], $0x1  }
0xb3: {  	[sflag:s29] =	ssyncadd.s32 $0xFFFFFFFF  }
0xb4: {  	_ =	strace $0x9000004B  }
0xb5: {  	_ =	sfence  }
0xb6: {  	s30 =	sld [smem:$0x0];
	_ =	sdelay $0x2  }
0xb7: {  	s31 =	sshll.u32 s1, $0xD;
	s1 =	sshrl.u32 s1, $0x2  }
0xb8: {  	s3 =	sand.u32 $0x4000, s31;
	s1 =	sadd.s32 s1, s30  }
0xb9: {  	s0 =	sor.u32 s3, s0;
	s1 =	sshll.u32 s1, $0x11  }
0xba: {  	s0 =	sor.u32 s1, s0  }
0xbb: {  	s0 =	sadd.s32 $0x8F2B, s0  }
0xbc: {  	[sflag:s0] =	ssyncadd.remote.s32 $0x1  }
0xbd: {  	_ =	sfence.sel $0xFFFF  }
0xbe: {  	[dreg:$0x0] =	wrdreg $0xFFFFFFFF;
	(pc) =	sbr.abs _section_cstart, $3  }
0xbf: {  	[dreg:$0x1] =	wrdreg $0xFFFFFFFF  }
0xc0: {  	_ =	task.clear_ibuf [dreg:s6], $0x2FFFF;
	_ =	strace $0x9FFFFFFF  }
0xc1: {  	(tm) =	ssettm $0x7FFFFFFF  }
tec
execute0_lowered:
.L_overlay_start_1:
0x0: {  	(tag) =	ssettag $0x1  }
0x1: {  	s4 =	rddreg [dreg:$0x0];
	s1 =	srdreg.scid  }
0x2: {  	s0 =	stileid.u32;
	s9 =	simm.s32 $0x400;
	s10 =	simm.s32 $0x1  }
0x3: {  	s11 =	simm.s32 $0x2780;
	s12 =	simm.s32 $0x4F00;
	s13 =	simm.s32 $0x18780  }
0x4: {  	s14 =	simm.s32 $0x0;
	s3 =	sand.u32 $0x1, s1;
	s28 =	sshrl.u32 s0, $0x2  }
0x5: {  	s2 =	sshll.u32 s0, $0x8;
	s1 =	rddreg [dreg:$0x1];
	s5 =	smul.u32 $0x13C00, s28  }
0x6: {  	s6 =	sshll.u32 s3, $0x7;
	s7 =	sand.u32 $0x300, s2;
	s2 =	simm.s32 $0x0  }
0x7: {  	s29 =	ssub.s32 $0x2, s3;
	s3 =	sadd.s32 $0xBA00, s4;
	s6 =	sor.u32 s6, s7  }
0x8: {  	[smem:$0x7FF] =	sst s2;
	s31 =	sshrl.u32 s29, $0x1;
	s5 =	sor.u32 s5, s6  }
0x9: {  	_ =	strace $0x8000004A;
	s8 =	ssub.s32 s29, s31;
	s5 =	sshrl.u32 s5, $0x3  }
0xa: {  	s7 =	smax.u32 s8, $0x1;
	s8 =	simm.s32 $0x80;
	s30 =	sadd.s32 s5, s4  }
0xb: {  	s4 =	sadd.s32 $0x1C00, s30;
	s5 =	sadd.s32 $0x59C00, s30;
	s6 =	sadd.s32 $0xE200, s30  }
.LBB2_1:
0xc: {  	[tilespmem:s2], [sflag:$0x1] =	stream.strided.gather [hbm4b:s4+s8], $0x2780, s9, s8, $0x38;
	[tilespmem:$0x1AF00] =	vst v63  }
0xd: {  	_ =	swait.ge [sflag:s10], $0x2780  }
0xe: {  	[sflag:s10] =	ssyncset.done $0x0  }
0xf: {  	[sflag:s10] =	ssyncadd.s32 $0xFFFFD880  }
0x10: {  	[tilespmem:s11], [sflag:$0x1] =	stream.strided.gather [hbm4b:s5+s8], $0x2780, s9, s8, $0x38;
	[tilespmem:$0x1AF00] =	vst v63  }
0x11: {  	_ =	swait.ge [sflag:s10], $0x2780  }
0x12: {  	[sflag:s10] =	ssyncset.done $0x0  }
0x13: {  	[sflag:s10] =	ssyncadd.s32 $0xFFFFD880  }
0x14: {  	[tilespmem:s12], [sflag:$0x1] =	stream.linear.gather [hbm4b:s3+s2], $0x13880, $0x38;
	[tilespmem:$0x1AF00] =	vst v63  }
0x15: {  	_ =	swait.ge [sflag:s10], $0x13880  }
0x16: {  	[sflag:s10] =	ssyncset.done $0x0  }
0x17: {  	s15 =	simm.s32 $0x0;
	[sflag:s10] =	ssyncadd.s32 $0xFFFEC780  }
0x18: {  	v0 =	vld [tilespmem:s15+$0x0];
	_ =	sdelay $0x7  }
0x19: {  	v0 =	vld.idx.msk [tilespmem:v0+s12+$0x0], $0xffff;
	_ =	sdelay $0x4  }
0x1a: {  	v0 =	vmax.f32 v0, $1.000000000e+00  }
0x1b: {  	(erf) = vrcp.f32 v0;
	_ =	sdelay $0x3  }
0x1c: {  	s17 =	simm.s32 $0x10;
	s16 =	simm.s32 $0x80;
	v0 =	vld [tilespmem:s15+$0x2780]  }
.LBB2_2:
0x1d: {  	p0 =	sne.s32 s16, $0x9C00;
	v1 =	vld [tilespmem:s17+$0x0];
	_ =	sdelay $0x3  }
0x1e: {  	v2 =	vpop (erf)  }
0x1f: {  	v0 =	vmul.f32 v2, v0;
	_ =	sdelay $0x1  }
0x20: {  	[tilespmem:s15+$0x18780] =	vst v0;
	s15 =	smov.u32 s17  }
0x21: {  	v0 =	vld.idx.msk [tilespmem:v1+s12+$0x0], $0xffff;
	_ =	sdelay $0x5  }
0x22: {  	v0 =	vmax.f32 v0, $1.000000000e+00  }
.Ltmp0:
0x23: {  	(erf) = vrcp.f32 v0;
	(pc) =	sbr.rel @p0 .LBB2_2-.Ltmp0, $2  }
0x24: {  	_ =	sdelay $0x2  }
0x25: {  	s17 =	sshra.s32 s16, $0x2;
	s16 =	sadd.s32 $0x40, s16;
	v0 =	vld [tilespmem:s15+$0x2780]  }
0x26: {  	v1 =	vld [tilespmem:s17+$0x0];
	_ =	sdelay $0x3  }
0x27: {  	v2 =	vpop (erf)  }
0x28: {  	v0 =	vmul.f32 v2, v0;
	_ =	sdelay $0x1  }
0x29: {  	[tilespmem:s15+$0x18780] =	vst v0  }
0x2a: {  	v0 =	vld.idx.msk [tilespmem:v1+s12+$0x0], $0xffff;
	_ =	sdelay $0x4  }
0x2b: {  	v0 =	vmax.f32 v0, $1.000000000e+00  }
0x2c: {  	(erf) = vrcp.f32 v0;
	_ =	sdelay $0x4  }
0x2d: {  	v62 =	vld [tilespmem:s17+$0x2780];
	_ =	sdelay $0x3  }
0x2e: {  	v63 =	vpop (erf)  }
0x2f: {  	s14 =	sadd.s32 $0x1, s14;
	v0 =	vmul.f32 v63, v62  }
0x30: {  	p0 =	sne.s32 s14, s7  }
.Ltmp1:
0x31: {  	[tilespmem:s17+$0x18780] =	vst v0;
	(pc) =	sbr.rel @p0 .LBB2_1-.Ltmp1, $4  }
0x32: {  	[hbm4b:s6+s8] =	stream.strided.scatter [tilespmem:s13], [sflag:$0x1], $0x2780, s9, s8, $0x38;
	[tilespmem:$0x1AF00] =	vst v63  }
0x33: {  	_ =	swait.ge [sflag:s10], $0x2780  }
0x34: {  	[sflag:s10] =	ssyncset.done $0x0  }
0x35: {  	[sflag:s10] =	ssyncadd.s32 $0xFFFFD880  }
0x36: {  	_ =	sfence.sel $0x180000  }
0x37: {  	[bflag:$0x0] =	sbarrier.arrive $0xFFFF  }
0x38: {  	p0 =	sne.s32 s0, $0x0;
	_ =	strace $0x9000004A  }
0x39: {  	s0 =	sadd.s32 @!p0 $0x100000, s1;
	[bflag:$0x2] =	sbarrier.arrive $0xFFFF  }
0x3a: {  	[sflag:s0] =	ssyncadd.tile.s32 @!p0 $0x1;
	_ =	shalt  }
.Lfunc_end2:
_tile_overlayer_lowered:
.L_overlay_start_2:
0x3b: {  	(tag) =	ssettag $0x2  }
0x3c: {  	s0 =	rddreg [dreg:$0x0];
	s2 =	stileid.u32  }
0x3d: {  	s1 =	rddreg [dreg:$0x1];
	p0 =	sne.s32 s2, $0x0  }
0x3e: {  	s3 =	rddreg [dreg:$0x2];
	[bflag:$0x3] =	sbarrier.arrive $0xFFFF;
	s2 =	simm.s32 @!p0 $0x1C01  }
0x3f: {  	[timem:s3], [sflag:s2] =	dma.local @!p0 [hbm:s0], s1  }
0x40: {  	s0 =	simm.s32 @!p0 $0x1  }
0x41: {  	_ =	swait.ge @!p0 [sflag:s0], s1  }
0x42: {  	s1 =	ssub.s32 @!p0 $0x0, s1;
	[sflag:s0] =	ssyncset.done @!p0 $0x0  }
0x43: {  	[sflag:s0] =	ssyncadd.s32 @!p0 s1  }
0x44: {  	[bflag:$0x3] =	sbarrier.arrive $0xFFFF  }
0x45: {  	_ =	shalt  }

// kernel: kernel.18.cloned.1.call-start
scs
__scs_entry_jumppad:
0x0: {  	(pc) =	sbr.rel $0x88, $3  }
0x1: {  	(tag) =	ssettag $0x0;
	lr =	simm.s32 $0x1  }
0x2: {  	[smem:$0x3F98] =	sst lr;
	_ =	strace $0xD0000000  }
0x3: {  	_ = 	snop  }
0x4: {  	_ = 	snop  }
0x5: {  	_ = 	snop  }
0x6: {  	_ = 	snop  }
0x7: {  	_ = 	snop  }
__scs_overlays_trampoline_lowered:
0x8: {  	[smem:$0x3FA7] =	sst s0  }
0x9: {  	[smem:$0x3FA8] =	sst s1  }
0xa: {  	[smem:$0x3FA9] =	sst s2  }
0xb: {  	[smem:$0x3FAA] =	sst s3  }
0xc: {  	[smem:$0x3FAB] =	sst s4  }
0xd: {  	[smem:$0x3FAC] =	sst s5  }
0xe: {  	[smem:$0x3FAD] =	sst s6  }
0xf: {  	[smem:$0x3FAE] =	sst s7  }
0x10: {  	[smem:$0x3FAF] =	sst s8  }
0x11: {  	[smem:$0x3FB0] =	sst s9;
	s0 =	simm.s32 @!p0 $0x0  }
0x12: {  	s1 =	sld [smem:$0x3F96];
	s0 =	simm.s32 @p0 $0x1  }
0x13: {  	[smem:$0x3FB1] =	sst s0;
	s0 =	simm.s32 @!p1 $0x0  }
0x14: {  	s2 =	sld [smem:$0x3F95];
	s0 =	simm.s32 @p1 $0x1  }
0x15: {  	[smem:$0x3FB2] =	sst s0;
	s0 =	simm.s32 @!p2 $0x0  }
0x16: {  	s3 =	sld [smem:$0x3FDB];
	s0 =	simm.s32 @p2 $0x1  }
0x17: {  	s4 =	simm.s32 $0x1BF5;
	[smem:$0x3FB4] =	sst s0  }
0x18: {  	s0 =	sld [smem:$0x3F97];
	_ =	swait.ge [sflag:s4], $0x0  }
0x19: {  	s7 =	sld [smem:$0x3F98]  }
0x1a: {  	s8 =	sadd.s32 $0xFFFFE003, lr  }
0x1b: {  	s9 =	sadd.s32 $0xFFFFFEF7, lr;
	s5 =	simm.s32 $0xFFFFFFFF;
	p2 =	slt.u32 s8, $0xFFFFF086  }
0x1c: {  	p1 =	slt.u32 s9, $0xF7A;
	s5 =	simm.s32 @!p2 $0x0  }
0x1d: {  	s5 =	simm.s32 @p1 $0x1;
	p0 =	seq.s32 s7, s2  }
0x1e: {  	s7 =	smul.u32 @!p0 $0xF7A, s2;
	p2 =	seq.s32 @!p0 s5, $0x0  }
0x1f: {  	s9 =	smul.u32 $0xF7A, s1;
	s8 =	simm.s32 @!p0 $0x1BF5;
	p2 =	por !p2, p0  }
0x20: {  	[sflag:s8] =	ssyncset.s32 @!p0 $0xFFFFF086;
	s6 =	sadd.s32 @!p0 s3, s7;
	s7 =	simm.s32 @!p0 $0x108  }
0x21: {  	s3 =	sadd.s32 s3, s9;
	s6 =	sadd.s32 @!p0 $0x88, s6;
	s7 =	simm.s32 @p2 $0x1082  }
0x22: {  	[simem:s7], [sflag:s8] =	dma.local @!p0 [hbm:s6], $0xF7A  }
0x23: {  	s9 =	sor.u32 $0xD0000000, s2;
	s6 =	simm.s32 $0x108;
	_ =	swait.ge @!p0 [sflag:s8], $0x0  }
0x24: {  	s3 =	sadd.s32 $0x88, s3;
	s6 =	simm.s32 @!p1 $0x1082;
	[sflag:s4] =	ssyncset.s32 $0xFFFFF086  }
0x25: {  	[simem:s6], [sflag:s4] =	dma.local [hbm:s3], $0xF7A  }
0x26: {  	[smem:$0x3F98] =	sst s1;
	(tag) =	ssettag s2;
	_ =	strace s9  }
0x27: {  	s1 =	sld [smem:$0x3FA8]  }
0x28: {  	s2 =	sld [smem:$0x3FA9]  }
0x29: {  	s4 =	sld [smem:$0x3FAB]  }
0x2a: {  	p0 =	seq.s32 s5, $0x0;
	s5 =	sld [smem:$0x3FAC]  }
0x2b: {  	s6 =	sld [smem:$0x3FAD]  }
0x2c: {  	s7 =	sld [smem:$0x3FAE]  }
0x2d: {  	s3 =	simm.s32 $0x108;
	s8 =	sld [smem:$0x3FAF]  }
0x2e: {  	s3 =	simm.s32 @!p0 $0x1082;
	s9 =	sld [smem:$0x3FB0]  }
0x2f: {  	lr =	sadd.s32 s0, s3;
	s0 =	sld [smem:$0x3FA7]  }
0x30: {  	s3 =	sld [smem:$0x3FAA]  }
0x31: {  	[smem:$0x3FB3] =	sst s10  }
0x32: {  	s10 =	sld [smem:$0x3FB1];
	_ =	sdelay $0x3  }
0x33: {  	p0 =	seq.s32 s10, $0x1;
	s10 =	sld [smem:$0x3FB3];
	_ =	sdelay $0x3  }
0x34: {  	[smem:$0x3FB3] =	sst s10  }
0x35: {  	s10 =	sld [smem:$0x3FB2];
	_ =	sdelay $0x3  }
0x36: {  	p1 =	seq.s32 s10, $0x1;
	s10 =	sld [smem:$0x3FB3];
	_ =	sdelay $0x3  }
0x37: {  	[smem:$0x3FB3] =	sst s10  }
0x38: {  	s10 =	sld [smem:$0x3FB4]  }
0x39: {  	_ = 	snop;
	(pc) =	sbr.ind lr, $3  }
0x3a: {  	_ = 	snop  }
0x3b: {  	_ = 	snop  }
0x3c: {  	p2 =	seq.s32 s10, $0x1;
	s10 =	sld [smem:$0x3FB3]  }
0x3d: {  	_ =	shalt  }
0x3e: {  	_ =	shalt  }
0x3f: {  	_ =	shalt  }
0x40: {  	_ =	shalt  }
0x41: {  	_ =	shalt  }
0x42: {  	_ =	shalt  }
0x43: {  	_ =	shalt  }
0x44: {  	_ =	shalt  }
0x45: {  	_ =	shalt  }
0x46: {  	_ =	shalt  }
0x47: {  	_ =	shalt  }
0x48: {  	_ =	shalt  }
0x49: {  	_ =	shalt  }
0x4a: {  	_ =	shalt  }
0x4b: {  	_ =	shalt  }
0x4c: {  	_ =	shalt  }
0x4d: {  	_ =	shalt  }
0x4e: {  	_ =	shalt  }
0x4f: {  	_ =	shalt  }
0x50: {  	_ =	shalt  }
0x51: {  	_ =	shalt  }
0x52: {  	_ =	shalt  }
0x53: {  	_ =	shalt  }
0x54: {  	_ =	shalt  }
0x55: {  	_ =	shalt  }
0x56: {  	_ =	shalt  }
0x57: {  	_ =	shalt  }
0x58: {  	_ =	shalt  }
0x59: {  	_ =	shalt  }
0x5a: {  	_ =	shalt  }
0x5b: {  	_ =	shalt  }
0x5c: {  	_ =	shalt  }
0x5d: {  	_ =	shalt  }
0x5e: {  	_ =	shalt  }
0x5f: {  	_ =	shalt  }
0x60: {  	_ =	shalt  }
0x61: {  	_ =	shalt  }
0x62: {  	_ =	shalt  }
0x63: {  	_ =	shalt  }
0x64: {  	_ =	shalt  }
0x65: {  	_ =	shalt  }
0x66: {  	_ =	shalt  }
0x67: {  	_ =	shalt  }
0x68: {  	_ =	shalt  }
0x69: {  	_ =	shalt  }
0x6a: {  	_ =	shalt  }
0x6b: {  	_ =	shalt  }
0x6c: {  	_ =	shalt  }
0x6d: {  	_ =	shalt  }
0x6e: {  	_ =	shalt  }
0x6f: {  	_ =	shalt  }
0x70: {  	_ =	shalt  }
0x71: {  	_ =	shalt  }
0x72: {  	_ =	shalt  }
0x73: {  	_ =	shalt  }
0x74: {  	_ =	shalt  }
0x75: {  	_ =	shalt  }
0x76: {  	_ =	shalt  }
0x77: {  	_ =	shalt  }
0x78: {  	_ =	shalt  }
0x79: {  	_ =	shalt  }
0x7a: {  	_ =	shalt  }
0x7b: {  	_ =	shalt  }
0x7c: {  	_ =	shalt  }
0x7d: {  	_ =	shalt  }
0x7e: {  	_ =	shalt  }
0x7f: {  	_ =	shalt  }
0x80: {  	_ =	shalt  }
0x81: {  	_ =	shalt  }
0x82: {  	_ =	shalt  }
0x83: {  	_ =	shalt  }
0x84: {  	_ =	shalt  }
0x85: {  	_ =	shalt  }
0x86: {  	_ =	shalt  }
0x87: {  	_ =	shalt  }
.Lfunc_end0:
.L_simem_size_0:
called_computation.2_lowered:
.L_overlay_start_0:
0x88: {  	s2 =	sld [smem:$0x3FD9]  }
0x89: {  	s3 =	sld [smem:$0x3FFE];
	_ =	sdelay $0x1  }
0x8a: {  	s1 =	srdreg.scid  }
0x8b: {  	s0 =	sand.u32 $0x1, s1  }
0x8c: {  	s17 =	sshll.u32 s0, $0xA;
	s2 =	sadd.s32 s3, s2  }
0x8d: {  	s2 =	sadd.s32 s2, s17  }
0x8e: {  	[smem:$0x3FBF] =	sst s2  }
0x8f: {  	_ = 	snop  }
0x90: {  	s2 =	sld [smem:$0x3FD0];
	(tm) =	ssettm $0x1  }
0x91: {  	s18 =	sld [smem:$0x3FFB];
	_ =	sdelay $0x3  }
0x92: {  	_ =	strace s18  }
0x93: {  	s3 =	sld [smem:$0x3FFC];
	_ =	sdelay $0x3  }
0x94: {  	_ =	strace s3  }
0x95: {  	s3 =	sld [smem:$0x3FFD];
	_ =	sdelay $0x3  }
0x96: {  	_ =	strace s3  }
0x97: {  	_ =	strace $0x8FFFFFFF  }
0x98: {  	s19 =	sld [smem:$0x3FDB];
	_ =	sdelay $0x1  }
0x99: {  	s4 =	simm.s32 $_scs_section_size  }
0x9a: {  	s5 =	simm.s32 $_size__tile_overlayer_lowered;
	s6 =	simm.s32 $_tile_overlayer_lowered  }
0x9b: {  	s22 =	simm.s32 $0x1BFF;
	s21 =	sshll.u32 s6, $0x1;
	s3 =	sadd.s32 s4, s19  }
0x9c: {  	s7 =	simm.s32 $0x0;
	s20 =	sshll.u32 s5, $0x1;
	s5 =	sadd.s32 s21, s3  }
0x9d: {  	[timem:s7], [sflag:s22] =	dma.local [hbm:s5], s20  }
0x9e: {  	_ =	swait.ge [sflag:s22], s20  }
0x9f: {  	s4 =	ssub.s32 $0x0, s20;
	[sflag:s22] =	ssyncset.done $0x0  }
0xa0: {  	[sflag:s22] =	ssyncadd.s32 s4;
	_ =	sdelay $0x1  }
0xa1: {  	s23 =	simm.s32 $0x1B8B  }
0xa2: {  	_ =	swait.ge [sflag:s23], $0x1  }
0xa3: {  	[sflag:s23] =	ssyncset.done $0x0  }
0xa4: {  	s25 =	simm.s32 $0x1B8E;
	s24 =	sld [smem:$0x3FFE];
	[sflag:s23] =	ssyncadd.s32 $0xFFFFFFFF  }
0xa5: {  	s26 =	simm.s32 $execute0_lowered;
	[smem:$0x3FD2] =	sst s25  }
0xa6: {  	s5 =	sshll.u32 s26, $0x1;
	_ =	strace $0x8000004C;
	[dreg:$0x1] =	wrdreg $0xFFFFFFFF  }
0xa7: {  	s28 =	simm.s32 $_size_execute0_lowered;
	s3 =	sadd.s32 s3, s5;
	[dreg:$0x0] =	wrdreg $0x0  }
0xa8: {  	s5 =	sshll.u32 s28, $0x1;
	[dreg:$0x2] =	wrdreg s3  }
0xa9: {  	[dreg:$0x3] =	wrdreg s5  }
0xaa: {  	[dreg:$0x4] =	wrdreg $0xC0  }
0xab: {  	_ =	task [dreg:s7], $0x5FFFF  }
0xac: {  	[dreg:$0x1] =	wrdreg $0xFFFFFFFF  }
0xad: {  	[dreg:$0x0] =	wrdreg $0x60  }
0xae: {  	[dreg:$0x2] =	wrdreg s24  }
0xaf: {  	[dreg:$0x3] =	wrdreg s2  }
0xb0: {  	[dreg:$0x4] =	wrdreg $0x70000  }
0xb1: {  	[dreg:$0x5] =	wrdreg $0x9  }
0xb2: {  	_ =	task.clear_ibuf [dreg:s7], $0x6FFFF;
	_ =	strace $0x9000004C  }
0xb3: {  	s29 =	simm.s32 $0x9;
	_ =	strace $0x8000004E  }
0xb4: {  	_ =	swait.ge [sflag:s29], $0x1  }
0xb5: {  	[sflag:s29] =	ssyncadd.s32 $0xFFFFFFFF  }
0xb6: {  	_ =	strace $0x9000004E  }
0xb7: {  	_ =	sfence  }
0xb8: {  	s30 =	sld [smem:$0x0];
	_ =	sdelay $0x2  }
0xb9: {  	s31 =	sshll.u32 s1, $0xD;
	s1 =	sshrl.u32 s1, $0x2  }
0xba: {  	s3 =	sand.u32 $0x4000, s31;
	s1 =	sadd.s32 s1, s30  }
0xbb: {  	s0 =	sor.u32 s3, s0;
	s1 =	sshll.u32 s1, $0x11  }
0xbc: {  	s0 =	sor.u32 s1, s0  }
0xbd: {  	s0 =	sadd.s32 $0x8F2B, s0  }
0xbe: {  	[sflag:s0] =	ssyncadd.remote.s32 $0x1  }
0xbf: {  	_ =	sfence.sel $0xFFFF  }
0xc0: {  	[dreg:$0x0] =	wrdreg $0xFFFFFFFF;
	(pc) =	sbr.abs _section_cstart, $3  }
0xc1: {  	[dreg:$0x1] =	wrdreg $0xFFFFFFFF  }
0xc2: {  	_ =	task.clear_ibuf [dreg:s7], $0x2FFFF;
	_ =	strace $0x9FFFFFFF  }
0xc3: {  	(tm) =	ssettm $0x7FFFFFFF  }
tec
execute0_lowered:
.L_overlay_start_1:
0x0: {  	(tag) =	ssettag $0x1  }
0x1: {  	s0 =	rddreg [dreg:$0x0]  }
0x2: {  	s1 =	rddreg [dreg:$0x1]  }
0x3: {  	s3 =	rddreg [dreg:$0x2]  }
0x4: {  	s4 =	simm.s32 $0x0;
	s2 =	srdreg.scid;
	s13 =	stileid.u32  }
0x5: {  	s16 =	simm.s32 $0x3000;
	s17 =	simm.s32 $0x5;
	s18 =	simm.s32 $0x1000  }
0x6: {  	s19 =	simm.s32 $0x2000;
	s20 =	simm.s32 $0x80;
	s21 =	simm.s32 $0x5000  }
0x7: {  	s22 =	simm.s32 $0x1;
	s23 =	simm.s32 $0x2;
	s24 =	simm.s32 $0x3  }
0x8: {  	s25 =	simm.s32 $0x4;
	s26 =	simm.s32 $0x0;
	s8 =	smul.u32 $0xA000, s13  }
0x9: {  	[smem:$0x7FF] =	sst s4;
	s2 =	sand.u32 $0x1, s2;
	s10 =	smul.u32 $0x28000, s13  }
0xa: {  	s5 =	sadd.s32 $0x63A00, s0;
	s6 =	sadd.s32 $0x18000, s0;
	s13 =	smul.u32 $0x5000, s13  }
0xb: {  	s7 =	sadd.s32 $0x1C00, s0;
	s9 =	smul.u32 $0xA0000, s2;
	s11 =	ssub.s32 $0x2, s2  }
0xc: {  	_ =	strace $0x8000004D;
	s12 =	sshrl.u32 s11, $0x1;
	s10 =	sshrl.u32 s10, $0x2  }
0xd: {  	s9 =	sadd.s32 s8, s9;
	s28 =	ssub.s32 s11, s12;
	s10 =	sadd.s32 s10, s3  }
0xe: {  	s8 =	sadd.s32 s8, s3;
	s9 =	sshrl.u32 s9, $0x3;
	s29 =	sadd.s32 $0x2000, s10  }
0xf: {  	s30 =	sadd.s32 $0x4000, s10;
	s31 =	sadd.s32 $0x6000, s10;
	[dreg:$0x4] =	wrdreg s29  }
0x10: {  	s12 =	sadd.s32 $0x8000, s10;
	s0 =	sadd.s32 s9, s0;
	[dreg:$0x5] =	wrdreg s30  }
0x11: {  	v1 =	vimm.f32 $0.0e+00;
	v0 =	vmov s2;
	s15 =	smax.u32 s28, $0x1;
	[dreg:$0x6] =	wrdreg s31;
	s14 =	sadd.s32 $0x22000, s0  }
.LBB2_1:
0x12: {  	s2 =	simm.s32 $0x100;
	s0 =	simm.s32 $0x0  }
.LBB2_2:
0x13: {  	p0 =	sne.s32 s2, $0x7F00;
	[tilespmem:s0+$0x3030] =	vst v1;
	s9 =	smov.u32 s2;
	s2 =	sadd.s32 $0x100, s2  }
.Ltmp0:
0x14: {  	[tilespmem:s0+$0x3020] =	vst v1;
	(pc) =	sbr.rel @p0 .LBB2_2-.Ltmp0, $3  }
0x15: {  	[tilespmem:s0+$0x3000] =	vst v1  }
0x16: {  	[tilespmem:s0+$0x3010] =	vst v1;
	_ =	sdelay $0x1  }
0x17: {  	s0 =	sshra.s32 s9, $0x2  }
0x18: {  	[tilespmem:s0+$0x3030] =	vst v1  }
0x19: {  	[tilespmem:s0+$0x3020] =	vst v1  }
0x1a: {  	[tilespmem:s0+$0x3000] =	vst v1  }
0x1b: {  	[tilespmem:s0+$0x3010] =	vst v1  }
0x1c: {  	[spmem:s8] =	stream.linear.scatter [tilespmem:s16], [sflag:$0x5], $0x2000, $0x38;
	[tilespmem:$0x11000] =	vst v63  }
0x1d: {  	_ =	swait.ge [sflag:s17], $0x2000  }
0x1e: {  	[sflag:s17] =	ssyncset.done $0x0  }
0x1f: {  	s29 =	rddreg [dreg:$0x4];
	[sflag:s17] =	ssyncadd.s32 $0xFFFFE000  }
0x20: {  	[spmem:s29] =	stream.linear.scatter [tilespmem:s16], [sflag:$0x5], $0x2000, $0x38;
	[tilespmem:$0x11000] =	vst v63  }
0x21: {  	_ =	swait.ge [sflag:s17], $0x2000  }
0x22: {  	[sflag:s17] =	ssyncset.done $0x0  }
0x23: {  	s30 =	rddreg [dreg:$0x5];
	[sflag:s17] =	ssyncadd.s32 $0xFFFFE000  }
0x24: {  	[spmem:s30] =	stream.linear.scatter [tilespmem:s16], [sflag:$0x5], $0x2000, $0x38;
	[tilespmem:$0x11000] =	vst v63  }
0x25: {  	_ =	swait.ge [sflag:s17], $0x2000  }
0x26: {  	[sflag:s17] =	ssyncset.done $0x0  }
0x27: {  	s31 =	rddreg [dreg:$0x6];
	[sflag:s17] =	ssyncadd.s32 $0xFFFFE000  }
0x28: {  	[spmem:s31] =	stream.linear.scatter [tilespmem:s16], [sflag:$0x5], $0x2000, $0x38;
	[tilespmem:$0x11000] =	vst v63  }
0x29: {  	_ =	swait.ge [sflag:s17], $0x2000  }
0x2a: {  	[sflag:s17] =	ssyncset.done $0x0  }
0x2b: {  	[sflag:s17] =	ssyncadd.s32 $0xFFFFE000  }
0x2c: {  	[spmem:s12] =	stream.linear.scatter [tilespmem:s16], [sflag:$0x5], $0x2000, $0x38;
	[tilespmem:$0x11000] =	vst v63  }
0x2d: {  	_ =	swait.ge [sflag:s17], $0x2000  }
0x2e: {  	[sflag:s17] =	ssyncset.done $0x0  }
0x2f: {  	[sflag:s17] =	ssyncadd.s32 $0xFFFFE000  }
0x30: {  	s28 =	simm.s32 $0x0;
	[bflag:$0x0] =	sbarrier.arrive $0xFFFF  }
.LBB2_4:
0x31: {  	s0 =	sshll.u32 s28, $0xC  }
0x32: {  	s0 =	sadd.s32 s13, s0  }
0x33: {  	s0 =	sshrl.u32 s0, $0x3  }
0x34: {  	s2 =	sadd.s32 s1, s0  }
0x35: {  	[tilespmem:s26], [sflag:$0x5] =	stream.linear.gather [hbm4b:s2+s26], $0x1000, $0x38;
	[tilespmem:$0x11000] =	vst v63  }
0x36: {  	_ =	swait.ge [sflag:s17], $0x1000  }
0x37: {  	[sflag:s17] =	ssyncset.done $0x0  }
0x38: {  	s11 =	sadd.s32 s6, s0;
	[sflag:s17] =	ssyncadd.s32 $0xFFFFF000  }
0x39: {  	[tilespmem:s18], [sflag:$0x5] =	stream.linear.gather [hbm4b:s11+s26], $0x1000, $0x38;
	[tilespmem:$0x11000] =	vst v63  }
0x3a: {  	_ =	swait.ge [sflag:s17], $0x1000  }
0x3b: {  	[sflag:s17] =	ssyncset.done $0x0  }
0x3c: {  	s0 =	sadd.s32 s7, s0;
	[sflag:s17] =	ssyncadd.s32 $0xFFFFF000  }
0x3d: {  	[tilespmem:s19], [sflag:$0x5] =	stream.linear.gather [hbm4b:s0+s26], $0x1000, $0x38;
	[tilespmem:$0x11000] =	vst v63  }
0x3e: {  	s29 =	sand.u32 $0x3E00, s26;
	_ =	swait.ge [sflag:s17], $0x1000  }
0x3f: {  	s30 =	sand.u32 $0x70, s26;
	s0 =	sshrl.u32 s29, $0x2;
	[sflag:s17] =	ssyncset.done $0x0  }
0x40: {  	s0 =	sor.u32 s30, s0;
	[sflag:s17] =	ssyncadd.s32 $0xFFFFF000  }
0x41: {  	v2 =	vld [tilespmem:s0+$0x0];
	_ =	sdelay $0x3  }
0x42: {  	s31 =	simm.s32 $0x40  }
0x43: {  	s9 =	simm.s32 $0x10;
	s10 =	sand.u32 $0x3E00, s31;
	s2 =	simm.s32 $0x80;
	v2 =	vshll.u32 v2, $0x1  }
.LBB2_5:
0x44: {  	p0 =	sne.s32 s2, $0x3FC0;
	s29 =	sand.u32 $0x70, s9;
	s10 =	sshrl.u32 s10, $0x2;
	v2 =	vor.u32 v0, v2  }
0x45: {  	[tilespmem:s0+$0x0] =	vst v2;
	s0 =	sor.u32 s29, s10  }
0x46: {  	v2 =	vld [tilespmem:s0+$0x0]  }
.Ltmp1:
0x47: {  	(pc) =	sbr.rel @p0 .LBB2_5-.Ltmp1, $2  }
0x48: {  	_ =	sdelay $0x2  }
0x49: {  	s9 =	sadd.s32 $0x10, s9;
	s10 =	sand.u32 $0x3E00, s2;
	s2 =	sadd.s32 $0x40, s2;
	v2 =	vshll.u32 v2, $0x1  }
0x4a: {  	s2 =	sand.u32 $0x70, s9;
	s11 =	sshrl.u32 s10, $0x2;
	v2 =	vor.u32 v0, v2  }
0x4b: {  	s2 =	sor.u32 s2, s11;
	[tilespmem:s0+$0x0] =	vst v2  }
0x4c: {  	v2 =	vld [tilespmem:s2+$0x0];
	_ =	sdelay $0x4  }
0x4d: {  	v2 =	vshll.u32 v2, $0x1  }
0x4e: {  	v2 =	vor.u32 v0, v2  }
0x4f: {  	s29 =	simm.s32 $0x0;
	s30 =	simm.s32 $0x2000;
	s31 =	simm.s32 $0x2080;
	[tilespmem:s2+$0x0] =	vst v2  }
0x50: {  	[tilespmem:s16], [sflag:$0x1] =	stream.indirect.gather [hbm4b:s5+s20], $0x40, s29, s20, $0xb8;
	[tilespmem:$0x11000] =	vst v63  }
.LBB2_7:
0x51: {  	p0 =	seq.s32 s29, $0x0  }
0x52: {  	s0 =	simm.s32 @!p0 $0x4  }
0x53: {  	_ =	swait.ge @!p0 [sflag:s0], $0x2000  }
0x54: {  	s2 =	sshll.u32 s29, $0x8;
	[sflag:s0] =	ssyncset.done @!p0 $0x0  }
0x55: {  	[sflag:s0] =	ssyncadd.s32 @!p0 $0xFFFFE000;
	s0 =	sor.u32 $0x80, s2  }
0x56: {  	v2 =	vmov s30;
	[tilespmem:s21], [sflag:$0x2] =	stream.indirect.gather [hbm4b:s5+s20], $0x40, s0, s20, $0xb8;
	[tilespmem:$0x11000] =	vst v63  }
0x57: {  	_ =	swait.ge [sflag:s22], $0x2000  }
0x58: {  	s9 =	simm.s32 $0x3200;
	[sflag:s22] =	ssyncset.done $0x0  }
0x59: {  	s10 =	simm.s32 $0x0;
	s2 =	sshll.u32 s29, $0xA;
	[sflag:s22] =	ssyncadd.s32 $0xFFFFE000  }
.LBB2_8:
0x5a: {  	s11 =	sshra.s32 s10, $0x2  }
0x5b: {  	v3 =	vld.idx.msk [tilespmem:v2+s11+$0x0 ss:$0x1], $0xffff;
	_ =	sdelay $0x1  }
0x5c: {  	v4 =	vld [tilespmem:s9+$0xFFFFFE00];
	_ =	sdelay $0x1  }
0x5d: {  	v43 =	vld [tilespmem:s9+$0xFFFFFE10]  }
0x5e: {  	v5 =	vbroadcast v3, $0x0  }
0x5f: {  	v44 =	vld [tilespmem:s9+$0xFFFFFE20]  }
0x60: {  	v4 =	vmul.f32 v5, v4  }
0x61: {  	v45 =	vld [tilespmem:s9+$0xFFFFFE30]  }
0x62: {  	[tilespmem:s9+$0xFFFFFE00] =	vst v4;
	v4 =	vmul.f32 v43, v5  }
0x63: {  	v46 =	vld [tilespmem:s9+$0xFFFFFE40]  }
0x64: {  	[tilespmem:s9+$0xFFFFFE10] =	vst v4;
	v4 =	vmul.f32 v44, v5  }
0x65: {  	v48 =	vld [tilespmem:s9+$0xFFFFFE50]  }
0x66: {  	v47 =	vbroadcast v3, $0x1;
	[tilespmem:s9+$0xFFFFFE20] =	vst v4;
	v4 =	vmul.f32 v45, v5  }
0x67: {  	v49 =	vld [tilespmem:s9+$0xFFFFFE60]  }
0x68: {  	[tilespmem:s9+$0xFFFFFE30] =	vst v4;
	v4 =	vmul.f32 v46, v47  }
0x69: {  	v50 =	vld [tilespmem:s9+$0xFFFFFE70]  }
0x6a: {  	[tilespmem:s9+$0xFFFFFE40] =	vst v4;
	v4 =	vmul.f32 v48, v47  }
0x6b: {  	v51 =	vld [tilespmem:s9+$0xFFFFFE80]  }
0x6c: {  	[tilespmem:s9+$0xFFFFFE50] =	vst v4;
	v4 =	vmul.f32 v49, v47  }
0x6d: {  	v53 =	vld [tilespmem:s9+$0xFFFFFE90]  }
0x6e: {  	v52 =	vbroadcast v3, $0x2;
	[tilespmem:s9+$0xFFFFFE60] =	vst v4;
	v4 =	vmul.f32 v50, v47  }
0x6f: {  	v54 =	vld [tilespmem:s9+$0xFFFFFEA0]  }
0x70: {  	[tilespmem:s9+$0xFFFFFE70] =	vst v4;
	v4 =	vmul.f32 v51, v52  }
0x71: {  	v55 =	vld [tilespmem:s9+$0xFFFFFEB0]  }
0x72: {  	[tilespmem:s9+$0xFFFFFE80] =	vst v4;
	v4 =	vmul.f32 v53, v52  }
0x73: {  	v56 =	vld [tilespmem:s9+$0xFFFFFEC0]  }
0x74: {  	[tilespmem:s9+$0xFFFFFE90] =	vst v4;
	v4 =	vmul.f32 v54, v52  }
0x75: {  	v58 =	vld [tilespmem:s9+$0xFFFFFED0]  }
0x76: {  	v57 =	vbroadcast v3, $0x3;
	[tilespmem:s9+$0xFFFFFEA0] =	vst v4;
	v4 =	vmul.f32 v55, v52  }
0x77: {  	v59 =	vld [tilespmem:s9+$0xFFFFFEE0]  }
0x78: {  	[tilespmem:s9+$0xFFFFFEB0] =	vst v4;
	v4 =	vmul.f32 v56, v57  }
0x79: {  	v60 =	vld [tilespmem:s9+$0xFFFFFEF0]  }
0x7a: {  	[tilespmem:s9+$0xFFFFFEC0] =	vst v4;
	v4 =	vmul.f32 v58, v57  }
0x7b: {  	v61 =	vld [tilespmem:s9+$0xFFFFFF00]  }
0x7c: {  	[tilespmem:s9+$0xFFFFFED0] =	vst v4;
	v4 =	vmul.f32 v59, v57  }
0x7d: {  	v63 =	vld [tilespmem:s9+$0xFFFFFF10]  }
0x7e: {  	v62 =	vbroadcast v3, $0x4;
	[tilespmem:s9+$0xFFFFFEE0] =	vst v4;
	v4 =	vmul.f32 v60, v57  }
0x7f: {  	v8 =	vld [tilespmem:s9+$0xFFFFFF20]  }
0x80: {  	[tilespmem:s9+$0xFFFFFEF0] =	vst v4;
	v4 =	vmul.f32 v61, v62  }
0x81: {  	v9 =	vld [tilespmem:s9+$0xFFFFFF30]  }
0x82: {  	[tilespmem:s9+$0xFFFFFF00] =	vst v4;
	v4 =	vmul.f32 v63, v62  }
0x83: {  	v10 =	vld [tilespmem:s9+$0xFFFFFF40]  }
0x84: {  	[tilespmem:s9+$0xFFFFFF10] =	vst v4;
	v4 =	vmul.f32 v8, v62  }
0x85: {  	v12 =	vld [tilespmem:s9+$0xFFFFFF50]  }
0x86: {  	v11 =	vbroadcast v3, $0x5;
	[tilespmem:s9+$0xFFFFFF20] =	vst v4;
	v4 =	vmul.f32 v9, v62  }
0x87: {  	v13 =	vld [tilespmem:s9+$0xFFFFFF60]  }
0x88: {  	[tilespmem:s9+$0xFFFFFF30] =	vst v4;
	v4 =	vmul.f32 v10, v11  }
0x89: {  	v14 =	vld [tilespmem:s9+$0xFFFFFF70]  }
0x8a: {  	[tilespmem:s9+$0xFFFFFF40] =	vst v4;
	v4 =	vmul.f32 v12, v11  }
0x8b: {  	v15 =	vld [tilespmem:s9+$0xFFFFFF80]  }
0x8c: {  	[tilespmem:s9+$0xFFFFFF50] =	vst v4;
	v4 =	vmul.f32 v13, v11  }
0x8d: {  	v17 =	vld [tilespmem:s9+$0xFFFFFF90]  }
0x8e: {  	v16 =	vbroadcast v3, $0x6;
	[tilespmem:s9+$0xFFFFFF60] =	vst v4;
	v4 =	vmul.f32 v14, v11  }
0x8f: {  	v18 =	vld [tilespmem:s9+$0xFFFFFFA0]  }
0x90: {  	[tilespmem:s9+$0xFFFFFF70] =	vst v4;
	v4 =	vmul.f32 v15, v16  }
0x91: {  	v19 =	vld [tilespmem:s9+$0xFFFFFFB0]  }
0x92: {  	[tilespmem:s9+$0xFFFFFF80] =	vst v4;
	v4 =	vmul.f32 v17, v16  }
0x93: {  	v20 =	vld [tilespmem:s9+$0xFFFFFFC0]  }
0x94: {  	[tilespmem:s9+$0xFFFFFF90] =	vst v4;
	v4 =	vmul.f32 v18, v16  }
0x95: {  	v22 =	vld [tilespmem:s9+$0xFFFFFFD0]  }
0x96: {  	v21 =	vbroadcast v3, $0x7;
	[tilespmem:s9+$0xFFFFFFA0] =	vst v4;
	v4 =	vmul.f32 v19, v16  }
0x97: {  	v23 =	vld [tilespmem:s9+$0xFFFFFFE0]  }
0x98: {  	[tilespmem:s9+$0xFFFFFFB0] =	vst v4;
	v4 =	vmul.f32 v20, v21  }
0x99: {  	v24 =	vld [tilespmem:s9+$0xFFFFFFF0]  }
0x9a: {  	[tilespmem:s9+$0xFFFFFFC0] =	vst v4;
	v4 =	vmul.f32 v22, v21  }
0x9b: {  	v25 =	vld [tilespmem:s9+$0x0]  }
0x9c: {  	[tilespmem:s9+$0xFFFFFFD0] =	vst v4;
	v4 =	vmul.f32 v23, v21  }
0x9d: {  	v27 =	vld [tilespmem:s9+$0x10]  }
0x9e: {  	v26 =	vbroadcast v3, $0x8;
	[tilespmem:s9+$0xFFFFFFE0] =	vst v4;
	v4 =	vmul.f32 v24, v21  }
0x9f: {  	v28 =	vld [tilespmem:s9+$0x20]  }
0xa0: {  	[tilespmem:s9+$0xFFFFFFF0] =	vst v4;
	v4 =	vmul.f32 v25, v26  }
0xa1: {  	v29 =	vld [tilespmem:s9+$0x30]  }
0xa2: {  	[tilespmem:s9+$0x0] =	vst v4;
	v4 =	vmul.f32 v27, v26  }
0xa3: {  	v30 =	vld [tilespmem:s9+$0x40]  }
0xa4: {  	[tilespmem:s9+$0x10] =	vst v4;
	v4 =	vmul.f32 v28, v26  }
0xa5: {  	v32 =	vld [tilespmem:s9+$0x50]  }
0xa6: {  	v31 =	vbroadcast v3, $0x9;
	[tilespmem:s9+$0x20] =	vst v4;
	v4 =	vmul.f32 v29, v26  }
0xa7: {  	v33 =	vld [tilespmem:s9+$0x60]  }
0xa8: {  	[tilespmem:s9+$0x30] =	vst v4;
	v4 =	vmul.f32 v30, v31  }
0xa9: {  	v34 =	vld [tilespmem:s9+$0x70]  }
0xaa: {  	[tilespmem:s9+$0x40] =	vst v4;
	v4 =	vmul.f32 v32, v31  }
0xab: {  	v35 =	vld [tilespmem:s9+$0x80]  }
0xac: {  	[tilespmem:s9+$0x50] =	vst v4;
	v4 =	vmul.f32 v33, v31  }
0xad: {  	v37 =	vld [tilespmem:s9+$0x90]  }
0xae: {  	v36 =	vbroadcast v3, $0xA;
	[tilespmem:s9+$0x60] =	vst v4;
	v4 =	vmul.f32 v34, v31  }
0xaf: {  	v38 =	vld [tilespmem:s9+$0xA0]  }
0xb0: {  	[tilespmem:s9+$0x70] =	vst v4;
	v4 =	vmul.f32 v35, v36  }
0xb1: {  	v39 =	vld [tilespmem:s9+$0xB0]  }
0xb2: {  	[tilespmem:s9+$0x80] =	vst v4;
	v4 =	vmul.f32 v37, v36  }
0xb3: {  	v40 =	vld [tilespmem:s9+$0xC0]  }
0xb4: {  	[tilespmem:s9+$0x90] =	vst v4;
	v4 =	vmul.f32 v38, v36  }
0xb5: {  	v42 =	vld [tilespmem:s9+$0xD0]  }
0xb6: {  	v41 =	vbroadcast v3, $0xB;
	[tilespmem:s9+$0xA0] =	vst v4;
	v4 =	vmul.f32 v39, v36  }
0xb7: {  	v43 =	vld [tilespmem:s9+$0xE0]  }
0xb8: {  	[tilespmem:s9+$0xB0] =	vst v4;
	v4 =	vmul.f32 v40, v41  }
0xb9: {  	v44 =	vld [tilespmem:s9+$0xF0]  }
0xba: {  	[tilespmem:s9+$0xC0] =	vst v4;
	v4 =	vmul.f32 v42, v41  }
0xbb: {  	v45 =	vld [tilespmem:s9+$0x100]  }
0xbc: {  	[tilespmem:s9+$0xD0] =	vst v4;
	v4 =	vmul.f32 v43, v41  }
0xbd: {  	v47 =	vld [tilespmem:s9+$0x110]  }
0xbe: {  	v46 =	vbroadcast v3, $0xC;
	[tilespmem:s9+$0xE0] =	vst v4;
	v4 =	vmul.f32 v44, v41  }
0xbf: {  	v48 =	vld [tilespmem:s9+$0x120]  }
0xc0: {  	[tilespmem:s9+$0xF0] =	vst v4;
	v4 =	vmul.f32 v45, v46  }
0xc1: {  	v49 =	vld [tilespmem:s9+$0x130]  }
0xc2: {  	[tilespmem:s9+$0x100] =	vst v4;
	v4 =	vmul.f32 v47, v46  }
0xc3: {  	v50 =	vld [tilespmem:s9+$0x140]  }
0xc4: {  	[tilespmem:s9+$0x110] =	vst v4;
	v4 =	vmul.f32 v48, v46  }
0xc5: {  	v52 =	vld [tilespmem:s9+$0x150]  }
0xc6: {  	v51 =	vbroadcast v3, $0xD;
	[tilespmem:s9+$0x120] =	vst v4;
	v4 =	vmul.f32 v49, v46  }
0xc7: {  	v53 =	vld [tilespmem:s9+$0x160]  }
0xc8: {  	[tilespmem:s9+$0x130] =	vst v4;
	v4 =	vmul.f32 v50, v51  }
0xc9: {  	v54 =	vld [tilespmem:s9+$0x170]  }
0xca: {  	[tilespmem:s9+$0x140] =	vst v4;
	v4 =	vmul.f32 v52, v51  }
0xcb: {  	v55 =	vld [tilespmem:s9+$0x180]  }
0xcc: {  	[tilespmem:s9+$0x150] =	vst v4;
	v4 =	vmul.f32 v53, v51  }
0xcd: {  	v57 =	vld [tilespmem:s9+$0x190]  }
0xce: {  	v56 =	vbroadcast v3, $0xE;
	[tilespmem:s9+$0x160] =	vst v4;
	v4 =	vmul.f32 v54, v51  }
0xcf: {  	v58 =	vld [tilespmem:s9+$0x1A0]  }
0xd0: {  	[tilespmem:s9+$0x170] =	vst v4;
	v4 =	vmul.f32 v55, v56  }
0xd1: {  	v59 =	vld [tilespmem:s9+$0x1B0]  }
0xd2: {  	[tilespmem:s9+$0x180] =	vst v4;
	v4 =	vmul.f32 v57, v56  }
0xd3: {  	v60 =	vld [tilespmem:s9+$0x1C0]  }
0xd4: {  	[tilespmem:s9+$0x190] =	vst v4;
	v4 =	vmul.f32 v58, v56  }
0xd5: {  	v61 =	vld [tilespmem:s9+$0x1D0]  }
0xd6: {  	v3 =	vbroadcast v3, $0xF;
	[tilespmem:s9+$0x1A0] =	vst v4;
	v4 =	vmul.f32 v59, v56  }
0xd7: {  	v62 =	vld [tilespmem:s9+$0x1E0]  }
0xd8: {  	v63 =	vld [tilespmem:s9+$0x1F0];
	[tilespmem:s9+$0x1B0] =	vst v4;
	v4 =	vmul.f32 v60, v3;
	_ =	sdelay $0x1  }
0xd9: {  	p0 =	sne.s32 s10, $0x1C0;
	[tilespmem:s9+$0x1C0] =	vst v4;
	v4 =	vmul.f32 v61, v3  }
.Ltmp2:
0xda: {  	_ = 	snop;
	(pc) =	sbr.rel @p0 .LBB2_8-.Ltmp2, $4  }
0xdb: {  	[tilespmem:s9+$0x1D0] =	vst v4;
	v4 =	vmul.f32 v62, v3  }
0xdc: {  	v3 =	vmul.f32 v63, v3  }
0xdd: {  	[tilespmem:s9+$0x1E0] =	vst v4  }
0xde: {  	s10 =	sadd.s32 $0x40, s10;
	[tilespmem:s9+$0x1F0] =	vst v3;
	s9 =	sadd.s32 $0x400, s9  }
0xdf: {  	s9 =	sshrl.u32 s2, $0x2  }
0xe0: {  	p0 =	seq.s32 s29, $0xF;
	s9 =	sadd.s32 $0x1000, s9  }
0xe1: {  	[spmem:s3] =	stream.indirect.scatter.add.f32 [tilespmem:s16], [sflag:$0x3], $0x40, s9, s20, $0xb8;
	[tilespmem:$0x11000] =	vst v63  }
0xe2: {  	s9 =	simm.s32 @!p0 $0x3  }
0xe3: {  	_ =	swait.ge @!p0 [sflag:s9], $0x2000  }
0xe4: {  	s2 =	sshrl.u32 @!p0 s2, $0x2;
	s10 =	simm.s32 @!p0 $0x3000;
	[sflag:s9] =	ssyncset.done @!p0 $0x0  }
0xe5: {  	s2 =	sadd.s32 @!p0 $0x100, s2;
	[sflag:s9] =	ssyncadd.s32 @!p0 $0xFFFFE000;
	s9 =	simm.s32 @!p0 $0x80  }
0xe6: {  	v2 =	vmov s31;
	[tilespmem:s10], [sflag:$0x1] =	stream.indirect.gather @!p0 [hbm4b:s5+s9], $0x40, s2, s9, $0xb8;
	[tilespmem:$0x11000] =	vst v63  }
0xe7: {  	_ =	swait.ge [sflag:s23], $0x2000  }
0xe8: {  	[sflag:s23] =	ssyncset.done $0x0  }
0xe9: {  	s2 =	simm.s32 $0x0;
	s9 =	simm.s32 $0x5200;
	[sflag:s23] =	ssyncadd.s32 $0xFFFFE000  }
.LBB2_10:
0xea: {  	s10 =	sshra.s32 s2, $0x2  }
0xeb: {  	v3 =	vld.idx.msk [tilespmem:v2+s10+$0x0 ss:$0x1], $0xffff;
	_ =	sdelay $0x1  }
0xec: {  	v4 =	vld [tilespmem:s9+$0xFFFFFE00];
	_ =	sdelay $0x1  }
0xed: {  	v43 =	vld [tilespmem:s9+$0xFFFFFE10]  }
0xee: {  	v5 =	vbroadcast v3, $0x0  }
0xef: {  	v44 =	vld [tilespmem:s9+$0xFFFFFE20]  }
0xf0: {  	v4 =	vmul.f32 v5, v4  }
0xf1: {  	v45 =	vld [tilespmem:s9+$0xFFFFFE30]  }
0xf2: {  	[tilespmem:s9+$0xFFFFFE00] =	vst v4;
	v4 =	vmul.f32 v43, v5  }
0xf3: {  	v46 =	vld [tilespmem:s9+$0xFFFFFE40]  }
0xf4: {  	[tilespmem:s9+$0xFFFFFE10] =	vst v4;
	v4 =	vmul.f32 v44, v5  }
0xf5: {  	v48 =	vld [tilespmem:s9+$0xFFFFFE50]  }
0xf6: {  	v47 =	vbroadcast v3, $0x1;
	[tilespmem:s9+$0xFFFFFE20] =	vst v4;
	v4 =	vmul.f32 v45, v5  }
0xf7: {  	v49 =	vld [tilespmem:s9+$0xFFFFFE60]  }
0xf8: {  	[tilespmem:s9+$0xFFFFFE30] =	vst v4;
	v4 =	vmul.f32 v46, v47  }
0xf9: {  	v50 =	vld [tilespmem:s9+$0xFFFFFE70]  }
0xfa: {  	[tilespmem:s9+$0xFFFFFE40] =	vst v4;
	v4 =	vmul.f32 v48, v47  }
0xfb: {  	v51 =	vld [tilespmem:s9+$0xFFFFFE80]  }
0xfc: {  	[tilespmem:s9+$0xFFFFFE50] =	vst v4;
	v4 =	vmul.f32 v49, v47  }
0xfd: {  	v53 =	vld [tilespmem:s9+$0xFFFFFE90]  }
0xfe: {  	v52 =	vbroadcast v3, $0x2;
	[tilespmem:s9+$0xFFFFFE60] =	vst v4;
	v4 =	vmul.f32 v50, v47  }
0xff: {  	v54 =	vld [tilespmem:s9+$0xFFFFFEA0]  }
0x100: {  	[tilespmem:s9+$0xFFFFFE70] =	vst v4;
	v4 =	vmul.f32 v51, v52  }
0x101: {  	v55 =	vld [tilespmem:s9+$0xFFFFFEB0]  }
0x102: {  	[tilespmem:s9+$0xFFFFFE80] =	vst v4;
	v4 =	vmul.f32 v53, v52  }
0x103: {  	v56 =	vld [tilespmem:s9+$0xFFFFFEC0]  }
0x104: {  	[tilespmem:s9+$0xFFFFFE90] =	vst v4;
	v4 =	vmul.f32 v54, v52  }
0x105: {  	v58 =	vld [tilespmem:s9+$0xFFFFFED0]  }
0x106: {  	v57 =	vbroadcast v3, $0x3;
	[tilespmem:s9+$0xFFFFFEA0] =	vst v4;
	v4 =	vmul.f32 v55, v52  }
0x107: {  	v59 =	vld [tilespmem:s9+$0xFFFFFEE0]  }
0x108: {  	[tilespmem:s9+$0xFFFFFEB0] =	vst v4;
	v4 =	vmul.f32 v56, v57  }
0x109: {  	v60 =	vld [tilespmem:s9+$0xFFFFFEF0]  }
0x10a: {  	[tilespmem:s9+$0xFFFFFEC0] =	vst v4;
	v4 =	vmul.f32 v58, v57  }
0x10b: {  	v61 =	vld [tilespmem:s9+$0xFFFFFF00]  }
0x10c: {  	[tilespmem:s9+$0xFFFFFED0] =	vst v4;
	v4 =	vmul.f32 v59, v57  }
0x10d: {  	v63 =	vld [tilespmem:s9+$0xFFFFFF10]  }
0x10e: {  	v62 =	vbroadcast v3, $0x4;
	[tilespmem:s9+$0xFFFFFEE0] =	vst v4;
	v4 =	vmul.f32 v60, v57  }
0x10f: {  	v8 =	vld [tilespmem:s9+$0xFFFFFF20]  }
0x110: {  	[tilespmem:s9+$0xFFFFFEF0] =	vst v4;
	v4 =	vmul.f32 v61, v62  }
0x111: {  	v9 =	vld [tilespmem:s9+$0xFFFFFF30]  }
0x112: {  	[tilespmem:s9+$0xFFFFFF00] =	vst v4;
	v4 =	vmul.f32 v63, v62  }
0x113: {  	v10 =	vld [tilespmem:s9+$0xFFFFFF40]  }
0x114: {  	[tilespmem:s9+$0xFFFFFF10] =	vst v4;
	v4 =	vmul.f32 v8, v62  }
0x115: {  	v12 =	vld [tilespmem:s9+$0xFFFFFF50]  }
0x116: {  	v11 =	vbroadcast v3, $0x5;
	[tilespmem:s9+$0xFFFFFF20] =	vst v4;
	v4 =	vmul.f32 v9, v62  }
0x117: {  	v13 =	vld [tilespmem:s9+$0xFFFFFF60]  }
0x118: {  	[tilespmem:s9+$0xFFFFFF30] =	vst v4;
	v4 =	vmul.f32 v10, v11  }
0x119: {  	v14 =	vld [tilespmem:s9+$0xFFFFFF70]  }
0x11a: {  	[tilespmem:s9+$0xFFFFFF40] =	vst v4;
	v4 =	vmul.f32 v12, v11  }
0x11b: {  	v15 =	vld [tilespmem:s9+$0xFFFFFF80]  }
0x11c: {  	[tilespmem:s9+$0xFFFFFF50] =	vst v4;
	v4 =	vmul.f32 v13, v11  }
0x11d: {  	v17 =	vld [tilespmem:s9+$0xFFFFFF90]  }
0x11e: {  	v16 =	vbroadcast v3, $0x6;
	[tilespmem:s9+$0xFFFFFF60] =	vst v4;
	v4 =	vmul.f32 v14, v11  }
0x11f: {  	v18 =	vld [tilespmem:s9+$0xFFFFFFA0]  }
0x120: {  	[tilespmem:s9+$0xFFFFFF70] =	vst v4;
	v4 =	vmul.f32 v15, v16  }
0x121: {  	v19 =	vld [tilespmem:s9+$0xFFFFFFB0]  }
0x122: {  	[tilespmem:s9+$0xFFFFFF80] =	vst v4;
	v4 =	vmul.f32 v17, v16  }
0x123: {  	v20 =	vld [tilespmem:s9+$0xFFFFFFC0]  }
0x124: {  	[tilespmem:s9+$0xFFFFFF90] =	vst v4;
	v4 =	vmul.f32 v18, v16  }
0x125: {  	v22 =	vld [tilespmem:s9+$0xFFFFFFD0]  }
0x126: {  	v21 =	vbroadcast v3, $0x7;
	[tilespmem:s9+$0xFFFFFFA0] =	vst v4;
	v4 =	vmul.f32 v19, v16  }
0x127: {  	v23 =	vld [tilespmem:s9+$0xFFFFFFE0]  }
0x128: {  	[tilespmem:s9+$0xFFFFFFB0] =	vst v4;
	v4 =	vmul.f32 v20, v21  }
0x129: {  	v24 =	vld [tilespmem:s9+$0xFFFFFFF0]  }
0x12a: {  	[tilespmem:s9+$0xFFFFFFC0] =	vst v4;
	v4 =	vmul.f32 v22, v21  }
0x12b: {  	v25 =	vld [tilespmem:s9+$0x0]  }
0x12c: {  	[tilespmem:s9+$0xFFFFFFD0] =	vst v4;
	v4 =	vmul.f32 v23, v21  }
0x12d: {  	v27 =	vld [tilespmem:s9+$0x10]  }
0x12e: {  	v26 =	vbroadcast v3, $0x8;
	[tilespmem:s9+$0xFFFFFFE0] =	vst v4;
	v4 =	vmul.f32 v24, v21  }
0x12f: {  	v28 =	vld [tilespmem:s9+$0x20]  }
0x130: {  	[tilespmem:s9+$0xFFFFFFF0] =	vst v4;
	v4 =	vmul.f32 v25, v26  }
0x131: {  	v29 =	vld [tilespmem:s9+$0x30]  }
0x132: {  	[tilespmem:s9+$0x0] =	vst v4;
	v4 =	vmul.f32 v27, v26  }
0x133: {  	v30 =	vld [tilespmem:s9+$0x40]  }
0x134: {  	[tilespmem:s9+$0x10] =	vst v4;
	v4 =	vmul.f32 v28, v26  }
0x135: {  	v32 =	vld [tilespmem:s9+$0x50]  }
0x136: {  	v31 =	vbroadcast v3, $0x9;
	[tilespmem:s9+$0x20] =	vst v4;
	v4 =	vmul.f32 v29, v26  }
0x137: {  	v33 =	vld [tilespmem:s9+$0x60]  }
0x138: {  	[tilespmem:s9+$0x30] =	vst v4;
	v4 =	vmul.f32 v30, v31  }
0x139: {  	v34 =	vld [tilespmem:s9+$0x70]  }
0x13a: {  	[tilespmem:s9+$0x40] =	vst v4;
	v4 =	vmul.f32 v32, v31  }
0x13b: {  	v35 =	vld [tilespmem:s9+$0x80]  }
0x13c: {  	[tilespmem:s9+$0x50] =	vst v4;
	v4 =	vmul.f32 v33, v31  }
0x13d: {  	v37 =	vld [tilespmem:s9+$0x90]  }
0x13e: {  	v36 =	vbroadcast v3, $0xA;
	[tilespmem:s9+$0x60] =	vst v4;
	v4 =	vmul.f32 v34, v31  }
0x13f: {  	v38 =	vld [tilespmem:s9+$0xA0]  }
0x140: {  	[tilespmem:s9+$0x70] =	vst v4;
	v4 =	vmul.f32 v35, v36  }
0x141: {  	v39 =	vld [tilespmem:s9+$0xB0]  }
0x142: {  	[tilespmem:s9+$0x80] =	vst v4;
	v4 =	vmul.f32 v37, v36  }
0x143: {  	v40 =	vld [tilespmem:s9+$0xC0]  }
0x144: {  	[tilespmem:s9+$0x90] =	vst v4;
	v4 =	vmul.f32 v38, v36  }
0x145: {  	v42 =	vld [tilespmem:s9+$0xD0]  }
0x146: {  	v41 =	vbroadcast v3, $0xB;
	[tilespmem:s9+$0xA0] =	vst v4;
	v4 =	vmul.f32 v39, v36  }
0x147: {  	v43 =	vld [tilespmem:s9+$0xE0]  }
0x148: {  	[tilespmem:s9+$0xB0] =	vst v4;
	v4 =	vmul.f32 v40, v41  }
0x149: {  	v44 =	vld [tilespmem:s9+$0xF0]  }
0x14a: {  	[tilespmem:s9+$0xC0] =	vst v4;
	v4 =	vmul.f32 v42, v41  }
0x14b: {  	v45 =	vld [tilespmem:s9+$0x100]  }
0x14c: {  	[tilespmem:s9+$0xD0] =	vst v4;
	v4 =	vmul.f32 v43, v41  }
0x14d: {  	v47 =	vld [tilespmem:s9+$0x110]  }
0x14e: {  	v46 =	vbroadcast v3, $0xC;
	[tilespmem:s9+$0xE0] =	vst v4;
	v4 =	vmul.f32 v44, v41  }
0x14f: {  	v48 =	vld [tilespmem:s9+$0x120]  }
0x150: {  	[tilespmem:s9+$0xF0] =	vst v4;
	v4 =	vmul.f32 v45, v46  }
0x151: {  	v49 =	vld [tilespmem:s9+$0x130]  }
0x152: {  	[tilespmem:s9+$0x100] =	vst v4;
	v4 =	vmul.f32 v47, v46  }
0x153: {  	v50 =	vld [tilespmem:s9+$0x140]  }
0x154: {  	[tilespmem:s9+$0x110] =	vst v4;
	v4 =	vmul.f32 v48, v46  }
0x155: {  	v52 =	vld [tilespmem:s9+$0x150]  }
0x156: {  	v51 =	vbroadcast v3, $0xD;
	[tilespmem:s9+$0x120] =	vst v4;
	v4 =	vmul.f32 v49, v46  }
0x157: {  	v53 =	vld [tilespmem:s9+$0x160]  }
0x158: {  	[tilespmem:s9+$0x130] =	vst v4;
	v4 =	vmul.f32 v50, v51  }
0x159: {  	v54 =	vld [tilespmem:s9+$0x170]  }
0x15a: {  	[tilespmem:s9+$0x140] =	vst v4;
	v4 =	vmul.f32 v52, v51  }
0x15b: {  	v55 =	vld [tilespmem:s9+$0x180]  }
0x15c: {  	[tilespmem:s9+$0x150] =	vst v4;
	v4 =	vmul.f32 v53, v51  }
0x15d: {  	v57 =	vld [tilespmem:s9+$0x190]  }
0x15e: {  	v56 =	vbroadcast v3, $0xE;
	[tilespmem:s9+$0x160] =	vst v4;
	v4 =	vmul.f32 v54, v51  }
0x15f: {  	v58 =	vld [tilespmem:s9+$0x1A0]  }
0x160: {  	[tilespmem:s9+$0x170] =	vst v4;
	v4 =	vmul.f32 v55, v56  }
0x161: {  	v59 =	vld [tilespmem:s9+$0x1B0]  }
0x162: {  	[tilespmem:s9+$0x180] =	vst v4;
	v4 =	vmul.f32 v57, v56  }
0x163: {  	v60 =	vld [tilespmem:s9+$0x1C0]  }
0x164: {  	[tilespmem:s9+$0x190] =	vst v4;
	v4 =	vmul.f32 v58, v56  }
0x165: {  	v61 =	vld [tilespmem:s9+$0x1D0]  }
0x166: {  	v3 =	vbroadcast v3, $0xF;
	[tilespmem:s9+$0x1A0] =	vst v4;
	v4 =	vmul.f32 v59, v56  }
0x167: {  	v62 =	vld [tilespmem:s9+$0x1E0]  }
0x168: {  	v63 =	vld [tilespmem:s9+$0x1F0];
	[tilespmem:s9+$0x1B0] =	vst v4;
	v4 =	vmul.f32 v60, v3;
	_ =	sdelay $0x1  }
0x169: {  	p0 =	sne.s32 s2, $0x1C0;
	[tilespmem:s9+$0x1C0] =	vst v4;
	v4 =	vmul.f32 v61, v3  }
.Ltmp3:
0x16a: {  	_ = 	snop;
	(pc) =	sbr.rel @p0 .LBB2_10-.Ltmp3, $4  }
0x16b: {  	[tilespmem:s9+$0x1D0] =	vst v4;
	v4 =	vmul.f32 v62, v3  }
0x16c: {  	v3 =	vmul.f32 v63, v3  }
0x16d: {  	[tilespmem:s9+$0x1E0] =	vst v4  }
0x16e: {  	s2 =	sadd.s32 $0x40, s2;
	[tilespmem:s9+$0x1F0] =	vst v3;
	s9 =	sadd.s32 $0x400, s9  }
0x16f: {  	s29 =	sadd.s32 $0x1, s29  }
0x170: {  	p0 =	sne.s32 s29, $0x10  }
.Ltmp4:
0x171: {  	_ = 	snop;
	(pc) =	sbr.rel @p0 .LBB2_7-.Ltmp4, $3  }
0x172: {  	_ =	sdelay $0x1  }
0x173: {  	s0 =	sadd.s32 $0x1000, s0;
	s30 =	sadd.s32 $0x100, s30;
	s31 =	sadd.s32 $0x100, s31  }
0x174: {  	[spmem:s3] =	stream.indirect.scatter.add.f32 [tilespmem:s21], [sflag:$0x4], $0x40, s0, s20, $0xb8;
	[tilespmem:$0x11000] =	vst v63  }
0x175: {  	s28 =	sadd.s32 $0x1, s28  }
0x176: {  	_ =	swait.ge [sflag:s24], $0x2000;
	p0 =	sne.s32 s28, $0x5  }
.Ltmp5:
0x177: {  	[sflag:s24] =	ssyncset.done $0x0;
	(pc) =	sbr.rel @p0 .LBB2_4-.Ltmp5, $4  }
0x178: {  	[sflag:s24] =	ssyncadd.s32 $0xFFFFE000  }
0x179: {  	_ =	swait.ge [sflag:s25], $0x2000  }
0x17a: {  	[sflag:s25] =	ssyncset.done $0x0  }
0x17b: {  	[sflag:s25] =	ssyncadd.s32 $0xFFFFE000  }
0x17c: {  	s0 =	stileid.u32;
	s4 =	sadd.s32 $0x1, s4  }
0x17d: {  	[bflag:$0x0] =	sbarrier.arrive $0xFFFF;
	s0 =	sshll.u32 s0, $0x6;
	p0 =	sne.s32 s4, s15  }
.Ltmp6:
0x17e: {  	s2 =	sshrl.u32 s8, $0x3;
	s0 =	sor.u32 $0x1C05, s0;
	(pc) =	sbr.rel @p0 .LBB2_1-.Ltmp6, $4  }
0x17f: {  	[hbm:s14], [sflag:s0] =	dma.local [spmem:s2], $0x1400  }
0x180: {  	_ =	swait.ge [sflag:s17], $0x1400  }
0x181: {  	[sflag:s17] =	ssyncset.done $0x0  }
0x182: {  	[sflag:s17] =	ssyncadd.s32 $0xFFFFEC00  }
0x183: {  	_ =	sfence.sel $0x180000  }
0x184: {  	[bflag:$0x0] =	sbarrier.arrive $0xFFFF  }
0x185: {  	_ =	strace $0x9000004D  }
0x186: {  	s0 =	stileid.u32;
	[bflag:$0x2] =	sbarrier.arrive $0xFFFF  }
0x187: {  	p0 =	sne.s32 s0, $0x0;
	s0 =	rddreg [dreg:$0x3]  }
0x188: {  	s0 =	sadd.s32 @!p0 $0x100000, s0  }
0x189: {  	[sflag:s0] =	ssyncadd.tile.s32 @!p0 $0x1;
	_ =	shalt  }
.Lfunc_end2:
_tile_overlayer_lowered:
.L_overlay_start_2:
0x18a: {  	(tag) =	ssettag $0x2  }
0x18b: {  	s0 =	rddreg [dreg:$0x0];
	s2 =	stileid.u32  }
0x18c: {  	s1 =	rddreg [dreg:$0x1];
	p0 =	sne.s32 s2, $0x0  }
0x18d: {  	s3 =	rddreg [dreg:$0x2];
	[bflag:$0x3] =	sbarrier.arrive $0xFFFF;
	s2 =	simm.s32 @!p0 $0x1C05  }
0x18e: {  	[timem:s3], [sflag:s2] =	dma.local @!p0 [hbm:s0], s1  }
0x18f: {  	s0 =	simm.s32 @!p0 $0x5  }
0x190: {  	_ =	swait.ge @!p0 [sflag:s0], s1  }
0x191: {  	s1 =	ssub.s32 @!p0 $0x0, s1;
	[sflag:s0] =	ssyncset.done @!p0 $0x0  }
0x192: {  	[sflag:s0] =	ssyncadd.s32 @!p0 s1  }
0x193: {  	[bflag:$0x3] =	sbarrier.arrive $0xFFFF  }
0x194: {  	_ =	shalt  }

// kernel: kernel.21.cloned.1.call-start
scs
__scs_entry_jumppad:
0x0: {  	(pc) =	sbr.rel $0x88, $3  }
0x1: {  	(tag) =	ssettag $0x0;
	lr =	simm.s32 $0x1  }
0x2: {  	[smem:$0x3F98] =	sst lr;
	_ =	strace $0xD0000000  }
0x3: {  	_ = 	snop  }
0x4: {  	_ = 	snop  }
0x5: {  	_ = 	snop  }
0x6: {  	_ = 	snop  }
0x7: {  	_ = 	snop  }
__scs_overlays_trampoline_lowered:
0x8: {  	[smem:$0x3FA7] =	sst s0  }
0x9: {  	[smem:$0x3FA8] =	sst s1  }
0xa: {  	[smem:$0x3FA9] =	sst s2  }
0xb: {  	[smem:$0x3FAA] =	sst s3  }
0xc: {  	[smem:$0x3FAB] =	sst s4  }
0xd: {  	[smem:$0x3FAC] =	sst s5  }
0xe: {  	[smem:$0x3FAD] =	sst s6  }
0xf: {  	[smem:$0x3FAE] =	sst s7  }
0x10: {  	[smem:$0x3FAF] =	sst s8  }
0x11: {  	[smem:$0x3FB0] =	sst s9;
	s0 =	simm.s32 @!p0 $0x0  }
0x12: {  	s1 =	sld [smem:$0x3F96];
	s0 =	simm.s32 @p0 $0x1  }
0x13: {  	[smem:$0x3FB1] =	sst s0;
	s0 =	simm.s32 @!p1 $0x0  }
0x14: {  	s2 =	sld [smem:$0x3F95];
	s0 =	simm.s32 @p1 $0x1  }
0x15: {  	[smem:$0x3FB2] =	sst s0;
	s0 =	simm.s32 @!p2 $0x0  }
0x16: {  	s3 =	sld [smem:$0x3FDB];
	s0 =	simm.s32 @p2 $0x1  }
0x17: {  	s4 =	simm.s32 $0x1BF5;
	[smem:$0x3FB4] =	sst s0  }
0x18: {  	s0 =	sld [smem:$0x3F97];
	_ =	swait.ge [sflag:s4], $0x0  }
0x19: {  	s7 =	sld [smem:$0x3F98]  }
0x1a: {  	s8 =	sadd.s32 $0xFFFFE003, lr  }
0x1b: {  	s9 =	sadd.s32 $0xFFFFFEF7, lr;
	s5 =	simm.s32 $0xFFFFFFFF;
	p2 =	slt.u32 s8, $0xFFFFF086  }
0x1c: {  	p1 =	slt.u32 s9, $0xF7A;
	s5 =	simm.s32 @!p2 $0x0  }
0x1d: {  	s5 =	simm.s32 @p1 $0x1;
	p0 =	seq.s32 s7, s2  }
0x1e: {  	s7 =	smul.u32 @!p0 $0xF7A, s2;
	p2 =	seq.s32 @!p0 s5, $0x0  }
0x1f: {  	s9 =	smul.u32 $0xF7A, s1;
	s8 =	simm.s32 @!p0 $0x1BF5;
	p2 =	por !p2, p0  }
0x20: {  	[sflag:s8] =	ssyncset.s32 @!p0 $0xFFFFF086;
	s6 =	sadd.s32 @!p0 s3, s7;
	s7 =	simm.s32 @!p0 $0x108  }
0x21: {  	s3 =	sadd.s32 s3, s9;
	s6 =	sadd.s32 @!p0 $0x88, s6;
	s7 =	simm.s32 @p2 $0x1082  }
0x22: {  	[simem:s7], [sflag:s8] =	dma.local @!p0 [hbm:s6], $0xF7A  }
0x23: {  	s9 =	sor.u32 $0xD0000000, s2;
	s6 =	simm.s32 $0x108;
	_ =	swait.ge @!p0 [sflag:s8], $0x0  }
0x24: {  	s3 =	sadd.s32 $0x88, s3;
	s6 =	simm.s32 @!p1 $0x1082;
	[sflag:s4] =	ssyncset.s32 $0xFFFFF086  }
0x25: {  	[simem:s6], [sflag:s4] =	dma.local [hbm:s3], $0xF7A  }
0x26: {  	[smem:$0x3F98] =	sst s1;
	(tag) =	ssettag s2;
	_ =	strace s9  }
0x27: {  	s1 =	sld [smem:$0x3FA8]  }
0x28: {  	s2 =	sld [smem:$0x3FA9]  }
0x29: {  	s4 =	sld [smem:$0x3FAB]  }
0x2a: {  	p0 =	seq.s32 s5, $0x0;
	s5 =	sld [smem:$0x3FAC]  }
0x2b: {  	s6 =	sld [smem:$0x3FAD]  }
0x2c: {  	s7 =	sld [smem:$0x3FAE]  }
0x2d: {  	s3 =	simm.s32 $0x108;
	s8 =	sld [smem:$0x3FAF]  }
0x2e: {  	s3 =	simm.s32 @!p0 $0x1082;
	s9 =	sld [smem:$0x3FB0]  }
0x2f: {  	lr =	sadd.s32 s0, s3;
	s0 =	sld [smem:$0x3FA7]  }
0x30: {  	s3 =	sld [smem:$0x3FAA]  }
0x31: {  	[smem:$0x3FB3] =	sst s10  }
0x32: {  	s10 =	sld [smem:$0x3FB1];
	_ =	sdelay $0x3  }
0x33: {  	p0 =	seq.s32 s10, $0x1;
	s10 =	sld [smem:$0x3FB3];
	_ =	sdelay $0x3  }
0x34: {  	[smem:$0x3FB3] =	sst s10  }
0x35: {  	s10 =	sld [smem:$0x3FB2];
	_ =	sdelay $0x3  }
0x36: {  	p1 =	seq.s32 s10, $0x1;
	s10 =	sld [smem:$0x3FB3];
	_ =	sdelay $0x3  }
0x37: {  	[smem:$0x3FB3] =	sst s10  }
0x38: {  	s10 =	sld [smem:$0x3FB4]  }
0x39: {  	_ = 	snop;
	(pc) =	sbr.ind lr, $3  }
0x3a: {  	_ = 	snop  }
0x3b: {  	_ = 	snop  }
0x3c: {  	p2 =	seq.s32 s10, $0x1;
	s10 =	sld [smem:$0x3FB3]  }
0x3d: {  	_ =	shalt  }
0x3e: {  	_ =	shalt  }
0x3f: {  	_ =	shalt  }
0x40: {  	_ =	shalt  }
0x41: {  	_ =	shalt  }
0x42: {  	_ =	shalt  }
0x43: {  	_ =	shalt  }
0x44: {  	_ =	shalt  }
0x45: {  	_ =	shalt  }
0x46: {  	_ =	shalt  }
0x47: {  	_ =	shalt  }
0x48: {  	_ =	shalt  }
0x49: {  	_ =	shalt  }
0x4a: {  	_ =	shalt  }
0x4b: {  	_ =	shalt  }
0x4c: {  	_ =	shalt  }
0x4d: {  	_ =	shalt  }
0x4e: {  	_ =	shalt  }
0x4f: {  	_ =	shalt  }
0x50: {  	_ =	shalt  }
0x51: {  	_ =	shalt  }
0x52: {  	_ =	shalt  }
0x53: {  	_ =	shalt  }
0x54: {  	_ =	shalt  }
0x55: {  	_ =	shalt  }
0x56: {  	_ =	shalt  }
0x57: {  	_ =	shalt  }
0x58: {  	_ =	shalt  }
0x59: {  	_ =	shalt  }
0x5a: {  	_ =	shalt  }
0x5b: {  	_ =	shalt  }
0x5c: {  	_ =	shalt  }
0x5d: {  	_ =	shalt  }
0x5e: {  	_ =	shalt  }
0x5f: {  	_ =	shalt  }
0x60: {  	_ =	shalt  }
0x61: {  	_ =	shalt  }
0x62: {  	_ =	shalt  }
0x63: {  	_ =	shalt  }
0x64: {  	_ =	shalt  }
0x65: {  	_ =	shalt  }
0x66: {  	_ =	shalt  }
0x67: {  	_ =	shalt  }
0x68: {  	_ =	shalt  }
0x69: {  	_ =	shalt  }
0x6a: {  	_ =	shalt  }
0x6b: {  	_ =	shalt  }
0x6c: {  	_ =	shalt  }
0x6d: {  	_ =	shalt  }
0x6e: {  	_ =	shalt  }
0x6f: {  	_ =	shalt  }
0x70: {  	_ =	shalt  }
0x71: {  	_ =	shalt  }
0x72: {  	_ =	shalt  }
0x73: {  	_ =	shalt  }
0x74: {  	_ =	shalt  }
0x75: {  	_ =	shalt  }
0x76: {  	_ =	shalt  }
0x77: {  	_ =	shalt  }
0x78: {  	_ =	shalt  }
0x79: {  	_ =	shalt  }
0x7a: {  	_ =	shalt  }
0x7b: {  	_ =	shalt  }
0x7c: {  	_ =	shalt  }
0x7d: {  	_ =	shalt  }
0x7e: {  	_ =	shalt  }
0x7f: {  	_ =	shalt  }
0x80: {  	_ =	shalt  }
0x81: {  	_ =	shalt  }
0x82: {  	_ =	shalt  }
0x83: {  	_ =	shalt  }
0x84: {  	_ =	shalt  }
0x85: {  	_ =	shalt  }
0x86: {  	_ =	shalt  }
0x87: {  	_ =	shalt  }
.Lfunc_end0:
.L_simem_size_0:
called_computation.3_lowered:
.L_overlay_start_0:
0x88: {  	s2 =	sld [smem:$0x3FD9]  }
0x89: {  	s3 =	sld [smem:$0x3FFE];
	_ =	sdelay $0x1  }
0x8a: {  	s1 =	srdreg.scid  }
0x8b: {  	s0 =	sand.u32 $0x1, s1  }
0x8c: {  	s17 =	sshll.u32 s0, $0xA;
	s2 =	sadd.s32 s3, s2  }
0x8d: {  	s2 =	sadd.s32 s2, s17  }
0x8e: {  	[smem:$0x3FBF] =	sst s2  }
0x8f: {  	_ = 	snop  }
0x90: {  	s2 =	sld [smem:$0x3FD0];
	(tm) =	ssettm $0x1  }
0x91: {  	s18 =	sld [smem:$0x3FFB];
	_ =	sdelay $0x3  }
0x92: {  	_ =	strace s18  }
0x93: {  	s3 =	sld [smem:$0x3FFC];
	_ =	sdelay $0x3  }
0x94: {  	_ =	strace s3  }
0x95: {  	s3 =	sld [smem:$0x3FFD];
	_ =	sdelay $0x3  }
0x96: {  	_ =	strace s3  }
0x97: {  	_ =	strace $0x8FFFFFFF  }
0x98: {  	s19 =	sld [smem:$0x3FDB];
	_ =	sdelay $0x1  }
0x99: {  	s4 =	simm.s32 $_scs_section_size  }
0x9a: {  	s5 =	simm.s32 $_size__tile_overlayer_lowered;
	s6 =	simm.s32 $_tile_overlayer_lowered  }
0x9b: {  	s22 =	simm.s32 $0x1BFF;
	s21 =	sshll.u32 s6, $0x1;
	s3 =	sadd.s32 s4, s19  }
0x9c: {  	s7 =	simm.s32 $0x0;
	s20 =	sshll.u32 s5, $0x1;
	s5 =	sadd.s32 s21, s3  }
0x9d: {  	[timem:s7], [sflag:s22] =	dma.local [hbm:s5], s20  }
0x9e: {  	_ =	swait.ge [sflag:s22], s20  }
0x9f: {  	s4 =	ssub.s32 $0x0, s20;
	[sflag:s22] =	ssyncset.done $0x0  }
0xa0: {  	[sflag:s22] =	ssyncadd.s32 s4;
	_ =	sdelay $0x1  }
0xa1: {  	s23 =	simm.s32 $0x1B8B  }
0xa2: {  	_ =	swait.ge [sflag:s23], $0x1  }
0xa3: {  	[sflag:s23] =	ssyncset.done $0x0  }
0xa4: {  	s25 =	simm.s32 $0x1B8E;
	s24 =	sld [smem:$0x3FFE];
	[sflag:s23] =	ssyncadd.s32 $0xFFFFFFFF  }
0xa5: {  	s26 =	simm.s32 $execute0_lowered;
	[smem:$0x3FD2] =	sst s25  }
0xa6: {  	s5 =	sshll.u32 s26, $0x1;
	_ =	strace $0x8000004F;
	[dreg:$0x1] =	wrdreg $0xFFFFFFFF  }
0xa7: {  	s28 =	simm.s32 $_size_execute0_lowered;
	s3 =	sadd.s32 s3, s5;
	[dreg:$0x0] =	wrdreg $0x0  }
0xa8: {  	s5 =	sshll.u32 s28, $0x1;
	[dreg:$0x2] =	wrdreg s3  }
0xa9: {  	[dreg:$0x3] =	wrdreg s5  }
0xaa: {  	[dreg:$0x4] =	wrdreg $0xC0  }
0xab: {  	_ =	task [dreg:s7], $0x5FFFF  }
0xac: {  	[dreg:$0x1] =	wrdreg $0xFFFFFFFF  }
0xad: {  	[dreg:$0x0] =	wrdreg $0x60  }
0xae: {  	[dreg:$0x2] =	wrdreg s24  }
0xaf: {  	[dreg:$0x3] =	wrdreg s2  }
0xb0: {  	[dreg:$0x4] =	wrdreg $0x70000  }
0xb1: {  	[dreg:$0x5] =	wrdreg $0x9  }
0xb2: {  	_ =	task.clear_ibuf [dreg:s7], $0x6FFFF;
	_ =	strace $0x9000004F  }
0xb3: {  	s29 =	simm.s32 $0x9;
	_ =	strace $0x80000051  }
0xb4: {  	_ =	swait.ge [sflag:s29], $0x1  }
0xb5: {  	[sflag:s29] =	ssyncadd.s32 $0xFFFFFFFF  }
0xb6: {  	_ =	strace $0x90000051  }
0xb7: {  	_ =	sfence  }
0xb8: {  	s30 =	sld [smem:$0x0];
	_ =	sdelay $0x2  }
0xb9: {  	s31 =	sshll.u32 s1, $0xD;
	s1 =	sshrl.u32 s1, $0x2  }
0xba: {  	s3 =	sand.u32 $0x4000, s31;
	s1 =	sadd.s32 s1, s30  }
0xbb: {  	s0 =	sor.u32 s3, s0;
	s1 =	sshll.u32 s1, $0x11  }
0xbc: {  	s0 =	sor.u32 s1, s0  }
0xbd: {  	s0 =	sadd.s32 $0x8F2B, s0  }
0xbe: {  	[sflag:s0] =	ssyncadd.remote.s32 $0x1  }
0xbf: {  	_ =	sfence.sel $0xFFFF  }
0xc0: {  	[dreg:$0x0] =	wrdreg $0xFFFFFFFF;
	(pc) =	sbr.abs _section_cstart, $3  }
0xc1: {  	[dreg:$0x1] =	wrdreg $0xFFFFFFFF  }
0xc2: {  	_ =	task.clear_ibuf [dreg:s7], $0x2FFFF;
	_ =	strace $0x9FFFFFFF  }
0xc3: {  	(tm) =	ssettm $0x7FFFFFFF  }
tec
execute0_lowered:
.L_overlay_start_1:
0x0: {  	(tag) =	ssettag $0x1  }
0x1: {  	s0 =	rddreg [dreg:$0x0]  }
0x2: {  	s1 =	rddreg [dreg:$0x1]  }
0x3: {  	s3 =	rddreg [dreg:$0x2]  }
0x4: {  	s4 =	simm.s32 $0x0;
	s2 =	srdreg.scid;
	s13 =	stileid.u32  }
0x5: {  	s16 =	simm.s32 $0x3000;
	s17 =	simm.s32 $0x5;
	s18 =	simm.s32 $0x1000  }
0x6: {  	s19 =	simm.s32 $0x2000;
	s20 =	simm.s32 $0x80;
	s21 =	simm.s32 $0x5000  }
0x7: {  	s22 =	simm.s32 $0x1;
	s23 =	simm.s32 $0x2;
	s24 =	simm.s32 $0x3  }
0x8: {  	s25 =	simm.s32 $0x4;
	s26 =	simm.s32 $0x0;
	s8 =	smul.u32 $0xA000, s13  }
0x9: {  	[smem:$0x7FF] =	sst s4;
	s2 =	sand.u32 $0x1, s2;
	s10 =	smul.u32 $0x28000, s13  }
0xa: {  	s5 =	sadd.s32 $0x22000, s0;
	s6 =	sadd.s32 $0x18000, s0;
	s13 =	smul.u32 $0x5000, s13  }
0xb: {  	s7 =	sadd.s32 $0x1C00, s0;
	s9 =	smul.u32 $0xA0000, s2;
	s11 =	ssub.s32 $0x2, s2  }
0xc: {  	_ =	strace $0x80000050;
	s12 =	sshrl.u32 s11, $0x1;
	s10 =	sshrl.u32 s10, $0x2  }
0xd: {  	s9 =	sadd.s32 s8, s9;
	s28 =	ssub.s32 s11, s12;
	s10 =	sadd.s32 s10, s3  }
0xe: {  	s8 =	sadd.s32 s8, s3;
	s9 =	sshrl.u32 s9, $0x3;
	s29 =	sadd.s32 $0x2000, s10  }
0xf: {  	s30 =	sadd.s32 $0x4000, s10;
	s31 =	sadd.s32 $0x6000, s10;
	[dreg:$0x4] =	wrdreg s29  }
0x10: {  	s12 =	sadd.s32 $0x8000, s10;
	s0 =	sadd.s32 s9, s0;
	[dreg:$0x5] =	wrdreg s30  }
0x11: {  	v1 =	vimm.f32 $0.0e+00;
	v0 =	vmov s2;
	s15 =	smax.u32 s28, $0x1;
	[dreg:$0x6] =	wrdreg s31;
	s14 =	sadd.s32 $0x181A00, s0  }
.LBB2_1:
0x12: {  	s2 =	simm.s32 $0x100;
	s0 =	simm.s32 $0x0  }
.LBB2_2:
0x13: {  	p0 =	sne.s32 s2, $0x7F00;
	[tilespmem:s0+$0x3030] =	vst v1;
	s9 =	smov.u32 s2;
	s2 =	sadd.s32 $0x100, s2  }
.Ltmp0:
0x14: {  	[tilespmem:s0+$0x3020] =	vst v1;
	(pc) =	sbr.rel @p0 .LBB2_2-.Ltmp0, $3  }
0x15: {  	[tilespmem:s0+$0x3000] =	vst v1  }
0x16: {  	[tilespmem:s0+$0x3010] =	vst v1;
	_ =	sdelay $0x1  }
0x17: {  	s0 =	sshra.s32 s9, $0x2  }
0x18: {  	[tilespmem:s0+$0x3030] =	vst v1  }
0x19: {  	[tilespmem:s0+$0x3020] =	vst v1  }
0x1a: {  	[tilespmem:s0+$0x3000] =	vst v1  }
0x1b: {  	[tilespmem:s0+$0x3010] =	vst v1  }
0x1c: {  	[spmem:s8] =	stream.linear.scatter [tilespmem:s16], [sflag:$0x5], $0x2000, $0x38;
	[tilespmem:$0x11000] =	vst v63  }
0x1d: {  	_ =	swait.ge [sflag:s17], $0x2000  }
0x1e: {  	[sflag:s17] =	ssyncset.done $0x0  }
0x1f: {  	s29 =	rddreg [dreg:$0x4];
	[sflag:s17] =	ssyncadd.s32 $0xFFFFE000  }
0x20: {  	[spmem:s29] =	stream.linear.scatter [tilespmem:s16], [sflag:$0x5], $0x2000, $0x38;
	[tilespmem:$0x11000] =	vst v63  }
0x21: {  	_ =	swait.ge [sflag:s17], $0x2000  }
0x22: {  	[sflag:s17] =	ssyncset.done $0x0  }
0x23: {  	s30 =	rddreg [dreg:$0x5];
	[sflag:s17] =	ssyncadd.s32 $0xFFFFE000  }
0x24: {  	[spmem:s30] =	stream.linear.scatter [tilespmem:s16], [sflag:$0x5], $0x2000, $0x38;
	[tilespmem:$0x11000] =	vst v63  }
0x25: {  	_ =	swait.ge [sflag:s17], $0x2000  }
0x26: {  	[sflag:s17] =	ssyncset.done $0x0  }
0x27: {  	s31 =	rddreg [dreg:$0x6];
	[sflag:s17] =	ssyncadd.s32 $0xFFFFE000  }
0x28: {  	[spmem:s31] =	stream.linear.scatter [tilespmem:s16], [sflag:$0x5], $0x2000, $0x38;
	[tilespmem:$0x11000] =	vst v63  }
0x29: {  	_ =	swait.ge [sflag:s17], $0x2000  }
0x2a: {  	[sflag:s17] =	ssyncset.done $0x0  }
0x2b: {  	[sflag:s17] =	ssyncadd.s32 $0xFFFFE000  }
0x2c: {  	[spmem:s12] =	stream.linear.scatter [tilespmem:s16], [sflag:$0x5], $0x2000, $0x38;
	[tilespmem:$0x11000] =	vst v63  }
0x2d: {  	_ =	swait.ge [sflag:s17], $0x2000  }
0x2e: {  	[sflag:s17] =	ssyncset.done $0x0  }
0x2f: {  	[sflag:s17] =	ssyncadd.s32 $0xFFFFE000  }
0x30: {  	s28 =	simm.s32 $0x0;
	[bflag:$0x0] =	sbarrier.arrive $0xFFFF  }
.LBB2_4:
0x31: {  	s0 =	sshll.u32 s28, $0xC  }
0x32: {  	s0 =	sadd.s32 s13, s0  }
0x33: {  	s0 =	sshrl.u32 s0, $0x3  }
0x34: {  	s2 =	sadd.s32 s1, s0  }
0x35: {  	[tilespmem:s26], [sflag:$0x5] =	stream.linear.gather [hbm4b:s2+s26], $0x1000, $0x38;
	[tilespmem:$0x11000] =	vst v63  }
0x36: {  	_ =	swait.ge [sflag:s17], $0x1000  }
0x37: {  	[sflag:s17] =	ssyncset.done $0x0  }
0x38: {  	s11 =	sadd.s32 s6, s0;
	[sflag:s17] =	ssyncadd.s32 $0xFFFFF000  }
0x39: {  	[tilespmem:s18], [sflag:$0x5] =	stream.linear.gather [hbm4b:s11+s26], $0x1000, $0x38;
	[tilespmem:$0x11000] =	vst v63  }
0x3a: {  	_ =	swait.ge [sflag:s17], $0x1000  }
0x3b: {  	[sflag:s17] =	ssyncset.done $0x0  }
0x3c: {  	s0 =	sadd.s32 s7, s0;
	[sflag:s17] =	ssyncadd.s32 $0xFFFFF000  }
0x3d: {  	[tilespmem:s19], [sflag:$0x5] =	stream.linear.gather [hbm4b:s0+s26], $0x1000, $0x38;
	[tilespmem:$0x11000] =	vst v63  }
0x3e: {  	s29 =	sand.u32 $0x3E00, s26;
	_ =	swait.ge [sflag:s17], $0x1000  }
0x3f: {  	s30 =	sand.u32 $0x70, s26;
	s0 =	sshrl.u32 s29, $0x2;
	[sflag:s17] =	ssyncset.done $0x0  }
0x40: {  	s0 =	sor.u32 s30, s0;
	[sflag:s17] =	ssyncadd.s32 $0xFFFFF000  }
0x41: {  	v2 =	vld [tilespmem:s0+$0x0];
	_ =	sdelay $0x3  }
0x42: {  	s31 =	simm.s32 $0x40  }
0x43: {  	s9 =	simm.s32 $0x10;
	s10 =	sand.u32 $0x3E00, s31;
	s2 =	simm.s32 $0x80;
	v2 =	vshll.u32 v2, $0x1  }
.LBB2_5:
0x44: {  	p0 =	sne.s32 s2, $0x3FC0;
	s29 =	sand.u32 $0x70, s9;
	s10 =	sshrl.u32 s10, $0x2;
	v2 =	vor.u32 v0, v2  }
0x45: {  	[tilespmem:s0+$0x0] =	vst v2;
	s0 =	sor.u32 s29, s10  }
0x46: {  	v2 =	vld [tilespmem:s0+$0x0]  }
.Ltmp1:
0x47: {  	(pc) =	sbr.rel @p0 .LBB2_5-.Ltmp1, $2  }
0x48: {  	_ =	sdelay $0x2  }
0x49: {  	s9 =	sadd.s32 $0x10, s9;
	s10 =	sand.u32 $0x3E00, s2;
	s2 =	sadd.s32 $0x40, s2;
	v2 =	vshll.u32 v2, $0x1  }
0x4a: {  	s2 =	sand.u32 $0x70, s9;
	s11 =	sshrl.u32 s10, $0x2;
	v2 =	vor.u32 v0, v2  }
0x4b: {  	s2 =	sor.u32 s2, s11;
	[tilespmem:s0+$0x0] =	vst v2  }
0x4c: {  	v2 =	vld [tilespmem:s2+$0x0];
	_ =	sdelay $0x4  }
0x4d: {  	v2 =	vshll.u32 v2, $0x1  }
0x4e: {  	v2 =	vor.u32 v0, v2  }
0x4f: {  	s29 =	simm.s32 $0x0;
	s30 =	simm.s32 $0x2000;
	s31 =	simm.s32 $0x2080;
	[tilespmem:s2+$0x0] =	vst v2  }
0x50: {  	[tilespmem:s16], [sflag:$0x1] =	stream.indirect.gather [hbm4b:s5+s20], $0x40, s29, s20, $0xb8;
	[tilespmem:$0x11000] =	vst v63  }
.LBB2_7:
0x51: {  	p0 =	seq.s32 s29, $0x0  }
0x52: {  	s0 =	simm.s32 @!p0 $0x4  }
0x53: {  	_ =	swait.ge @!p0 [sflag:s0], $0x2000  }
0x54: {  	s2 =	sshll.u32 s29, $0x8;
	[sflag:s0] =	ssyncset.done @!p0 $0x0  }
0x55: {  	[sflag:s0] =	ssyncadd.s32 @!p0 $0xFFFFE000;
	s0 =	sor.u32 $0x80, s2  }
0x56: {  	v2 =	vmov s30;
	[tilespmem:s21], [sflag:$0x2] =	stream.indirect.gather [hbm4b:s5+s20], $0x40, s0, s20, $0xb8;
	[tilespmem:$0x11000] =	vst v63  }
0x57: {  	_ =	swait.ge [sflag:s22], $0x2000  }
0x58: {  	s9 =	simm.s32 $0x3200;
	[sflag:s22] =	ssyncset.done $0x0  }
0x59: {  	s10 =	simm.s32 $0x0;
	s2 =	sshll.u32 s29, $0xA;
	[sflag:s22] =	ssyncadd.s32 $0xFFFFE000  }
.LBB2_8:
0x5a: {  	s11 =	sshra.s32 s10, $0x2  }
0x5b: {  	v3 =	vld.idx.msk [tilespmem:v2+s11+$0x0 ss:$0x1], $0xffff;
	_ =	sdelay $0x1  }
0x5c: {  	v4 =	vld [tilespmem:s9+$0xFFFFFE00];
	_ =	sdelay $0x1  }
0x5d: {  	v43 =	vld [tilespmem:s9+$0xFFFFFE10]  }
0x5e: {  	v5 =	vbroadcast v3, $0x0  }
0x5f: {  	v44 =	vld [tilespmem:s9+$0xFFFFFE20]  }
0x60: {  	v4 =	vmul.f32 v5, v4  }
0x61: {  	v45 =	vld [tilespmem:s9+$0xFFFFFE30]  }
0x62: {  	[tilespmem:s9+$0xFFFFFE00] =	vst v4;
	v4 =	vmul.f32 v43, v5  }
0x63: {  	v46 =	vld [tilespmem:s9+$0xFFFFFE40]  }
0x64: {  	[tilespmem:s9+$0xFFFFFE10] =	vst v4;
	v4 =	vmul.f32 v44, v5  }
0x65: {  	v48 =	vld [tilespmem:s9+$0xFFFFFE50]  }
0x66: {  	v47 =	vbroadcast v3, $0x1;
	[tilespmem:s9+$0xFFFFFE20] =	vst v4;
	v4 =	vmul.f32 v45, v5  }
0x67: {  	v49 =	vld [tilespmem:s9+$0xFFFFFE60]  }
0x68: {  	[tilespmem:s9+$0xFFFFFE30] =	vst v4;
	v4 =	vmul.f32 v46, v47  }
0x69: {  	v50 =	vld [tilespmem:s9+$0xFFFFFE70]  }
0x6a: {  	[tilespmem:s9+$0xFFFFFE40] =	vst v4;
	v4 =	vmul.f32 v48, v47  }
0x6b: {  	v51 =	vld [tilespmem:s9+$0xFFFFFE80]  }
0x6c: {  	[tilespmem:s9+$0xFFFFFE50] =	vst v4;
	v4 =	vmul.f32 v49, v47  }
0x6d: {  	v53 =	vld [tilespmem:s9+$0xFFFFFE90]  }
0x6e: {  	v52 =	vbroadcast v3, $0x2;
	[tilespmem:s9+$0xFFFFFE60] =	vst v4;
	v4 =	vmul.f32 v50, v47  }
0x6f: {  	v54 =	vld [tilespmem:s9+$0xFFFFFEA0]  }
0x70: {  	[tilespmem:s9+$0xFFFFFE70] =	vst v4;
	v4 =	vmul.f32 v51, v52  }
0x71: {  	v55 =	vld [tilespmem:s9+$0xFFFFFEB0]  }
0x72: {  	[tilespmem:s9+$0xFFFFFE80] =	vst v4;
	v4 =	vmul.f32 v53, v52  }
0x73: {  	v56 =	vld [tilespmem:s9+$0xFFFFFEC0]  }
0x74: {  	[tilespmem:s9+$0xFFFFFE90] =	vst v4;
	v4 =	vmul.f32 v54, v52  }
0x75: {  	v58 =	vld [tilespmem:s9+$0xFFFFFED0]  }
0x76: {  	v57 =	vbroadcast v3, $0x3;
	[tilespmem:s9+$0xFFFFFEA0] =	vst v4;
	v4 =	vmul.f32 v55, v52  }
0x77: {  	v59 =	vld [tilespmem:s9+$0xFFFFFEE0]  }
0x78: {  	[tilespmem:s9+$0xFFFFFEB0] =	vst v4;
	v4 =	vmul.f32 v56, v57  }
0x79: {  	v60 =	vld [tilespmem:s9+$0xFFFFFEF0]  }
0x7a: {  	[tilespmem:s9+$0xFFFFFEC0] =	vst v4;
	v4 =	vmul.f32 v58, v57  }
0x7b: {  	v61 =	vld [tilespmem:s9+$0xFFFFFF00]  }
0x7c: {  	[tilespmem:s9+$0xFFFFFED0] =	vst v4;
	v4 =	vmul.f32 v59, v57  }
0x7d: {  	v63 =	vld [tilespmem:s9+$0xFFFFFF10]  }
0x7e: {  	v62 =	vbroadcast v3, $0x4;
	[tilespmem:s9+$0xFFFFFEE0] =	vst v4;
	v4 =	vmul.f32 v60, v57  }
0x7f: {  	v8 =	vld [tilespmem:s9+$0xFFFFFF20]  }
0x80: {  	[tilespmem:s9+$0xFFFFFEF0] =	vst v4;
	v4 =	vmul.f32 v61, v62  }
0x81: {  	v9 =	vld [tilespmem:s9+$0xFFFFFF30]  }
0x82: {  	[tilespmem:s9+$0xFFFFFF00] =	vst v4;
	v4 =	vmul.f32 v63, v62  }
0x83: {  	v10 =	vld [tilespmem:s9+$0xFFFFFF40]  }
0x84: {  	[tilespmem:s9+$0xFFFFFF10] =	vst v4;
	v4 =	vmul.f32 v8, v62  }
0x85: {  	v12 =	vld [tilespmem:s9+$0xFFFFFF50]  }
0x86: {  	v11 =	vbroadcast v3, $0x5;
	[tilespmem:s9+$0xFFFFFF20] =	vst v4;
	v4 =	vmul.f32 v9, v62  }
0x87: {  	v13 =	vld [tilespmem:s9+$0xFFFFFF60]  }
0x88: {  	[tilespmem:s9+$0xFFFFFF30] =	vst v4;
	v4 =	vmul.f32 v10, v11  }
0x89: {  	v14 =	vld [tilespmem:s9+$0xFFFFFF70]  }
0x8a: {  	[tilespmem:s9+$0xFFFFFF40] =	vst v4;
	v4 =	vmul.f32 v12, v11  }
0x8b: {  	v15 =	vld [tilespmem:s9+$0xFFFFFF80]  }
0x8c: {  	[tilespmem:s9+$0xFFFFFF50] =	vst v4;
	v4 =	vmul.f32 v13, v11  }
0x8d: {  	v17 =	vld [tilespmem:s9+$0xFFFFFF90]  }
0x8e: {  	v16 =	vbroadcast v3, $0x6;
	[tilespmem:s9+$0xFFFFFF60] =	vst v4;
	v4 =	vmul.f32 v14, v11  }
0x8f: {  	v18 =	vld [tilespmem:s9+$0xFFFFFFA0]  }
0x90: {  	[tilespmem:s9+$0xFFFFFF70] =	vst v4;
	v4 =	vmul.f32 v15, v16  }
0x91: {  	v19 =	vld [tilespmem:s9+$0xFFFFFFB0]  }
0x92: {  	[tilespmem:s9+$0xFFFFFF80] =	vst v4;
	v4 =	vmul.f32 v17, v16  }
0x93: {  	v20 =	vld [tilespmem:s9+$0xFFFFFFC0]  }
0x94: {  	[tilespmem:s9+$0xFFFFFF90] =	vst v4;
	v4 =	vmul.f32 v18, v16  }
0x95: {  	v22 =	vld [tilespmem:s9+$0xFFFFFFD0]  }
0x96: {  	v21 =	vbroadcast v3, $0x7;
	[tilespmem:s9+$0xFFFFFFA0] =	vst v4;
	v4 =	vmul.f32 v19, v16  }
0x97: {  	v23 =	vld [tilespmem:s9+$0xFFFFFFE0]  }
0x98: {  	[tilespmem:s9+$0xFFFFFFB0] =	vst v4;
	v4 =	vmul.f32 v20, v21  }
0x99: {  	v24 =	vld [tilespmem:s9+$0xFFFFFFF0]  }
0x9a: {  	[tilespmem:s9+$0xFFFFFFC0] =	vst v4;
	v4 =	vmul.f32 v22, v21  }
0x9b: {  	v25 =	vld [tilespmem:s9+$0x0]  }
0x9c: {  	[tilespmem:s9+$0xFFFFFFD0] =	vst v4;
	v4 =	vmul.f32 v23, v21  }
0x9d: {  	v27 =	vld [tilespmem:s9+$0x10]  }
0x9e: {  	v26 =	vbroadcast v3, $0x8;
	[tilespmem:s9+$0xFFFFFFE0] =	vst v4;
	v4 =	vmul.f32 v24, v21  }
0x9f: {  	v28 =	vld [tilespmem:s9+$0x20]  }
0xa0: {  	[tilespmem:s9+$0xFFFFFFF0] =	vst v4;
	v4 =	vmul.f32 v25, v26  }
0xa1: {  	v29 =	vld [tilespmem:s9+$0x30]  }
0xa2: {  	[tilespmem:s9+$0x0] =	vst v4;
	v4 =	vmul.f32 v27, v26  }
0xa3: {  	v30 =	vld [tilespmem:s9+$0x40]  }
0xa4: {  	[tilespmem:s9+$0x10] =	vst v4;
	v4 =	vmul.f32 v28, v26  }
0xa5: {  	v32 =	vld [tilespmem:s9+$0x50]  }
0xa6: {  	v31 =	vbroadcast v3, $0x9;
	[tilespmem:s9+$0x20] =	vst v4;
	v4 =	vmul.f32 v29, v26  }
0xa7: {  	v33 =	vld [tilespmem:s9+$0x60]  }
0xa8: {  	[tilespmem:s9+$0x30] =	vst v4;
	v4 =	vmul.f32 v30, v31  }
0xa9: {  	v34 =	vld [tilespmem:s9+$0x70]  }
0xaa: {  	[tilespmem:s9+$0x40] =	vst v4;
	v4 =	vmul.f32 v32, v31  }
0xab: {  	v35 =	vld [tilespmem:s9+$0x80]  }
0xac: {  	[tilespmem:s9+$0x50] =	vst v4;
	v4 =	vmul.f32 v33, v31  }
0xad: {  	v37 =	vld [tilespmem:s9+$0x90]  }
0xae: {  	v36 =	vbroadcast v3, $0xA;
	[tilespmem:s9+$0x60] =	vst v4;
	v4 =	vmul.f32 v34, v31  }
0xaf: {  	v38 =	vld [tilespmem:s9+$0xA0]  }
0xb0: {  	[tilespmem:s9+$0x70] =	vst v4;
	v4 =	vmul.f32 v35, v36  }
0xb1: {  	v39 =	vld [tilespmem:s9+$0xB0]  }
0xb2: {  	[tilespmem:s9+$0x80] =	vst v4;
	v4 =	vmul.f32 v37, v36  }
0xb3: {  	v40 =	vld [tilespmem:s9+$0xC0]  }
0xb4: {  	[tilespmem:s9+$0x90] =	vst v4;
	v4 =	vmul.f32 v38, v36  }
0xb5: {  	v42 =	vld [tilespmem:s9+$0xD0]  }
0xb6: {  	v41 =	vbroadcast v3, $0xB;
	[tilespmem:s9+$0xA0] =	vst v4;
	v4 =	vmul.f32 v39, v36  }
0xb7: {  	v43 =	vld [tilespmem:s9+$0xE0]  }
0xb8: {  	[tilespmem:s9+$0xB0] =	vst v4;
	v4 =	vmul.f32 v40, v41  }
0xb9: {  	v44 =	vld [tilespmem:s9+$0xF0]  }
0xba: {  	[tilespmem:s9+$0xC0] =	vst v4;
	v4 =	vmul.f32 v42, v41  }
0xbb: {  	v45 =	vld [tilespmem:s9+$0x100]  }
0xbc: {  	[tilespmem:s9+$0xD0] =	vst v4;
	v4 =	vmul.f32 v43, v41  }
0xbd: {  	v47 =	vld [tilespmem:s9+$0x110]  }
0xbe: {  	v46 =	vbroadcast v3, $0xC;
	[tilespmem:s9+$0xE0] =	vst v4;
	v4 =	vmul.f32 v44, v41  }
0xbf: {  	v48 =	vld [tilespmem:s9+$0x120]  }
0xc0: {  	[tilespmem:s9+$0xF0] =	vst v4;
	v4 =	vmul.f32 v45, v46  }
0xc1: {  	v49 =	vld [tilespmem:s9+$0x130]  }
0xc2: {  	[tilespmem:s9+$0x100] =	vst v4;
	v4 =	vmul.f32 v47, v46  }
0xc3: {  	v50 =	vld [tilespmem:s9+$0x140]  }
0xc4: {  	[tilespmem:s9+$0x110] =	vst v4;
	v4 =	vmul.f32 v48, v46  }
0xc5: {  	v52 =	vld [tilespmem:s9+$0x150]  }
0xc6: {  	v51 =	vbroadcast v3, $0xD;
	[tilespmem:s9+$0x120] =	vst v4;
	v4 =	vmul.f32 v49, v46  }
0xc7: {  	v53 =	vld [tilespmem:s9+$0x160]  }
0xc8: {  	[tilespmem:s9+$0x130] =	vst v4;
	v4 =	vmul.f32 v50, v51  }
0xc9: {  	v54 =	vld [tilespmem:s9+$0x170]  }
0xca: {  	[tilespmem:s9+$0x140] =	vst v4;
	v4 =	vmul.f32 v52, v51  }
0xcb: {  	v55 =	vld [tilespmem:s9+$0x180]  }
0xcc: {  	[tilespmem:s9+$0x150] =	vst v4;
	v4 =	vmul.f32 v53, v51  }
0xcd: {  	v57 =	vld [tilespmem:s9+$0x190]  }
0xce: {  	v56 =	vbroadcast v3, $0xE;
	[tilespmem:s9+$0x160] =	vst v4;
	v4 =	vmul.f32 v54, v51  }
0xcf: {  	v58 =	vld [tilespmem:s9+$0x1A0]  }
0xd0: {  	[tilespmem:s9+$0x170] =	vst v4;
	v4 =	vmul.f32 v55, v56  }
0xd1: {  	v59 =	vld [tilespmem:s9+$0x1B0]  }
0xd2: {  	[tilespmem:s9+$0x180] =	vst v4;
	v4 =	vmul.f32 v57, v56  }
0xd3: {  	v60 =	vld [tilespmem:s9+$0x1C0]  }
0xd4: {  	[tilespmem:s9+$0x190] =	vst v4;
	v4 =	vmul.f32 v58, v56  }
0xd5: {  	v61 =	vld [tilespmem:s9+$0x1D0]  }
0xd6: {  	v3 =	vbroadcast v3, $0xF;
	[tilespmem:s9+$0x1A0] =	vst v4;
	v4 =	vmul.f32 v59, v56  }
0xd7: {  	v62 =	vld [tilespmem:s9+$0x1E0]  }
0xd8: {  	v63 =	vld [tilespmem:s9+$0x1F0];
	[tilespmem:s9+$0x1B0] =	vst v4;
	v4 =	vmul.f32 v60, v3;
	_ =	sdelay $0x1  }
0xd9: {  	p0 =	sne.s32 s10, $0x1C0;
	[tilespmem:s9+$0x1C0] =	vst v4;
	v4 =	vmul.f32 v61, v3  }
.Ltmp2:
0xda: {  	_ = 	snop;
	(pc) =	sbr.rel @p0 .LBB2_8-.Ltmp2, $4  }
0xdb: {  	[tilespmem:s9+$0x1D0] =	vst v4;
	v4 =	vmul.f32 v62, v3  }
0xdc: {  	v3 =	vmul.f32 v63, v3  }
0xdd: {  	[tilespmem:s9+$0x1E0] =	vst v4  }
0xde: {  	s10 =	sadd.s32 $0x40, s10;
	[tilespmem:s9+$0x1F0] =	vst v3;
	s9 =	sadd.s32 $0x400, s9  }
0xdf: {  	s9 =	sshrl.u32 s2, $0x2  }
0xe0: {  	p0 =	seq.s32 s29, $0xF;
	s9 =	sadd.s32 $0x1000, s9  }
0xe1: {  	[spmem:s3] =	stream.indirect.scatter.add.f32 [tilespmem:s16], [sflag:$0x3], $0x40, s9, s20, $0xb8;
	[tilespmem:$0x11000] =	vst v63  }
0xe2: {  	s9 =	simm.s32 @!p0 $0x3  }
0xe3: {  	_ =	swait.ge @!p0 [sflag:s9], $0x2000  }
0xe4: {  	s2 =	sshrl.u32 @!p0 s2, $0x2;
	s10 =	simm.s32 @!p0 $0x3000;
	[sflag:s9] =	ssyncset.done @!p0 $0x0  }
0xe5: {  	s2 =	sadd.s32 @!p0 $0x100, s2;
	[sflag:s9] =	ssyncadd.s32 @!p0 $0xFFFFE000;
	s9 =	simm.s32 @!p0 $0x80  }
0xe6: {  	v2 =	vmov s31;
	[tilespmem:s10], [sflag:$0x1] =	stream.indirect.gather @!p0 [hbm4b:s5+s9], $0x40, s2, s9, $0xb8;
	[tilespmem:$0x11000] =	vst v63  }
0xe7: {  	_ =	swait.ge [sflag:s23], $0x2000  }
0xe8: {  	[sflag:s23] =	ssyncset.done $0x0  }
0xe9: {  	s2 =	simm.s32 $0x0;
	s9 =	simm.s32 $0x5200;
	[sflag:s23] =	ssyncadd.s32 $0xFFFFE000  }
.LBB2_10:
0xea: {  	s10 =	sshra.s32 s2, $0x2  }
0xeb: {  	v3 =	vld.idx.msk [tilespmem:v2+s10+$0x0 ss:$0x1], $0xffff;
	_ =	sdelay $0x1  }
0xec: {  	v4 =	vld [tilespmem:s9+$0xFFFFFE00];
	_ =	sdelay $0x1  }
0xed: {  	v43 =	vld [tilespmem:s9+$0xFFFFFE10]  }
0xee: {  	v5 =	vbroadcast v3, $0x0  }
0xef: {  	v44 =	vld [tilespmem:s9+$0xFFFFFE20]  }
0xf0: {  	v4 =	vmul.f32 v5, v4  }
0xf1: {  	v45 =	vld [tilespmem:s9+$0xFFFFFE30]  }
0xf2: {  	[tilespmem:s9+$0xFFFFFE00] =	vst v4;
	v4 =	vmul.f32 v43, v5  }
0xf3: {  	v46 =	vld [tilespmem:s9+$0xFFFFFE40]  }
0xf4: {  	[tilespmem:s9+$0xFFFFFE10] =	vst v4;
	v4 =	vmul.f32 v44, v5  }
0xf5: {  	v48 =	vld [tilespmem:s9+$0xFFFFFE50]  }
0xf6: {  	v47 =	vbroadcast v3, $0x1;
	[tilespmem:s9+$0xFFFFFE20] =	vst v4;
	v4 =	vmul.f32 v45, v5  }
0xf7: {  	v49 =	vld [tilespmem:s9+$0xFFFFFE60]  }
0xf8: {  	[tilespmem:s9+$0xFFFFFE30] =	vst v4;
	v4 =	vmul.f32 v46, v47  }
0xf9: {  	v50 =	vld [tilespmem:s9+$0xFFFFFE70]  }
0xfa: {  	[tilespmem:s9+$0xFFFFFE40] =	vst v4;
	v4 =	vmul.f32 v48, v47  }
0xfb: {  	v51 =	vld [tilespmem:s9+$0xFFFFFE80]  }
0xfc: {  	[tilespmem:s9+$0xFFFFFE50] =	vst v4;
	v4 =	vmul.f32 v49, v47  }
0xfd: {  	v53 =	vld [tilespmem:s9+$0xFFFFFE90]  }
0xfe: {  	v52 =	vbroadcast v3, $0x2;
	[tilespmem:s9+$0xFFFFFE60] =	vst v4;
	v4 =	vmul.f32 v50, v47  }
0xff: {  	v54 =	vld [tilespmem:s9+$0xFFFFFEA0]  }
0x100: {  	[tilespmem:s9+$0xFFFFFE70] =	vst v4;
	v4 =	vmul.f32 v51, v52  }
0x101: {  	v55 =	vld [tilespmem:s9+$0xFFFFFEB0]  }
0x102: {  	[tilespmem:s9+$0xFFFFFE80] =	vst v4;
	v4 =	vmul.f32 v53, v52  }
0x103: {  	v56 =	vld [tilespmem:s9+$0xFFFFFEC0]  }
0x104: {  	[tilespmem:s9+$0xFFFFFE90] =	vst v4;
	v4 =	vmul.f32 v54, v52  }
0x105: {  	v58 =	vld [tilespmem:s9+$0xFFFFFED0]  }
0x106: {  	v57 =	vbroadcast v3, $0x3;
	[tilespmem:s9+$0xFFFFFEA0] =	vst v4;
	v4 =	vmul.f32 v55, v52  }
0x107: {  	v59 =	vld [tilespmem:s9+$0xFFFFFEE0]  }
0x108: {  	[tilespmem:s9+$0xFFFFFEB0] =	vst v4;
	v4 =	vmul.f32 v56, v57  }
0x109: {  	v60 =	vld [tilespmem:s9+$0xFFFFFEF0]  }
0x10a: {  	[tilespmem:s9+$0xFFFFFEC0] =	vst v4;
	v4 =	vmul.f32 v58, v57  }
0x10b: {  	v61 =	vld [tilespmem:s9+$0xFFFFFF00]  }
0x10c: {  	[tilespmem:s9+$0xFFFFFED0] =	vst v4;
	v4 =	vmul.f32 v59, v57  }
0x10d: {  	v63 =	vld [tilespmem:s9+$0xFFFFFF10]  }
0x10e: {  	v62 =	vbroadcast v3, $0x4;
	[tilespmem:s9+$0xFFFFFEE0] =	vst v4;
	v4 =	vmul.f32 v60, v57  }
0x10f: {  	v8 =	vld [tilespmem:s9+$0xFFFFFF20]  }
0x110: {  	[tilespmem:s9+$0xFFFFFEF0] =	vst v4;
	v4 =	vmul.f32 v61, v62  }
0x111: {  	v9 =	vld [tilespmem:s9+$0xFFFFFF30]  }
0x112: {  	[tilespmem:s9+$0xFFFFFF00] =	vst v4;
	v4 =	vmul.f32 v63, v62  }
0x113: {  	v10 =	vld [tilespmem:s9+$0xFFFFFF40]  }
0x114: {  	[tilespmem:s9+$0xFFFFFF10] =	vst v4;
	v4 =	vmul.f32 v8, v62  }
0x115: {  	v12 =	vld [tilespmem:s9+$0xFFFFFF50]  }
0x116: {  	v11 =	vbroadcast v3, $0x5;
	[tilespmem:s9+$0xFFFFFF20] =	vst v4;
	v4 =	vmul.f32 v9, v62  }
0x117: {  	v13 =	vld [tilespmem:s9+$0xFFFFFF60]  }
0x118: {  	[tilespmem:s9+$0xFFFFFF30] =	vst v4;
	v4 =	vmul.f32 v10, v11  }
0x119: {  	v14 =	vld [tilespmem:s9+$0xFFFFFF70]  }
0x11a: {  	[tilespmem:s9+$0xFFFFFF40] =	vst v4;
	v4 =	vmul.f32 v12, v11  }
0x11b: {  	v15 =	vld [tilespmem:s9+$0xFFFFFF80]  }
0x11c: {  	[tilespmem:s9+$0xFFFFFF50] =	vst v4;
	v4 =	vmul.f32 v13, v11  }
0x11d: {  	v17 =	vld [tilespmem:s9+$0xFFFFFF90]  }
0x11e: {  	v16 =	vbroadcast v3, $0x6;
	[tilespmem:s9+$0xFFFFFF60] =	vst v4;
	v4 =	vmul.f32 v14, v11  }
0x11f: {  	v18 =	vld [tilespmem:s9+$0xFFFFFFA0]  }
0x120: {  	[tilespmem:s9+$0xFFFFFF70] =	vst v4;
	v4 =	vmul.f32 v15, v16  }
0x121: {  	v19 =	vld [tilespmem:s9+$0xFFFFFFB0]  }
0x122: {  	[tilespmem:s9+$0xFFFFFF80] =	vst v4;
	v4 =	vmul.f32 v17, v16  }
0x123: {  	v20 =	vld [tilespmem:s9+$0xFFFFFFC0]  }
0x124: {  	[tilespmem:s9+$0xFFFFFF90] =	vst v4;
	v4 =	vmul.f32 v18, v16  }
0x125: {  	v22 =	vld [tilespmem:s9+$0xFFFFFFD0]  }
0x126: {  	v21 =	vbroadcast v3, $0x7;
	[tilespmem:s9+$0xFFFFFFA0] =	vst v4;
	v4 =	vmul.f32 v19, v16  }
0x127: {  	v23 =	vld [tilespmem:s9+$0xFFFFFFE0]  }
0x128: {  	[tilespmem:s9+$0xFFFFFFB0] =	vst v4;
	v4 =	vmul.f32 v20, v21  }
0x129: {  	v24 =	vld [tilespmem:s9+$0xFFFFFFF0]  }
0x12a: {  	[tilespmem:s9+$0xFFFFFFC0] =	vst v4;
	v4 =	vmul.f32 v22, v21  }
0x12b: {  	v25 =	vld [tilespmem:s9+$0x0]  }
0x12c: {  	[tilespmem:s9+$0xFFFFFFD0] =	vst v4;
	v4 =	vmul.f32 v23, v21  }
0x12d: {  	v27 =	vld [tilespmem:s9+$0x10]  }
0x12e: {  	v26 =	vbroadcast v3, $0x8;
	[tilespmem:s9+$0xFFFFFFE0] =	vst v4;
	v4 =	vmul.f32 v24, v21  }
0x12f: {  	v28 =	vld [tilespmem:s9+$0x20]  }
0x130: {  	[tilespmem:s9+$0xFFFFFFF0] =	vst v4;
	v4 =	vmul.f32 v25, v26  }
0x131: {  	v29 =	vld [tilespmem:s9+$0x30]  }
0x132: {  	[tilespmem:s9+$0x0] =	vst v4;
	v4 =	vmul.f32 v27, v26  }
0x133: {  	v30 =	vld [tilespmem:s9+$0x40]  }
0x134: {  	[tilespmem:s9+$0x10] =	vst v4;
	v4 =	vmul.f32 v28, v26  }
0x135: {  	v32 =	vld [tilespmem:s9+$0x50]  }
0x136: {  	v31 =	vbroadcast v3, $0x9;
	[tilespmem:s9+$0x20] =	vst v4;
	v4 =	vmul.f32 v29, v26  }
0x137: {  	v33 =	vld [tilespmem:s9+$0x60]  }
0x138: {  	[tilespmem:s9+$0x30] =	vst v4;
	v4 =	vmul.f32 v30, v31  }
0x139: {  	v34 =	vld [tilespmem:s9+$0x70]  }
0x13a: {  	[tilespmem:s9+$0x40] =	vst v4;
	v4 =	vmul.f32 v32, v31  }
0x13b: {  	v35 =	vld [tilespmem:s9+$0x80]  }
0x13c: {  	[tilespmem:s9+$0x50] =	vst v4;
	v4 =	vmul.f32 v33, v31  }
0x13d: {  	v37 =	vld [tilespmem:s9+$0x90]  }
0x13e: {  	v36 =	vbroadcast v3, $0xA;
	[tilespmem:s9+$0x60] =	vst v4;
	v4 =	vmul.f32 v34, v31  }
0x13f: {  	v38 =	vld [tilespmem:s9+$0xA0]  }
0x140: {  	[tilespmem:s9+$0x70] =	vst v4;
	v4 =	vmul.f32 v35, v36  }
0x141: {  	v39 =	vld [tilespmem:s9+$0xB0]  }
0x142: {  	[tilespmem:s9+$0x80] =	vst v4;
	v4 =	vmul.f32 v37, v36  }
0x143: {  	v40 =	vld [tilespmem:s9+$0xC0]  }
0x144: {  	[tilespmem:s9+$0x90] =	vst v4;
	v4 =	vmul.f32 v38, v36  }
0x145: {  	v42 =	vld [tilespmem:s9+$0xD0]  }
0x146: {  	v41 =	vbroadcast v3, $0xB;
	[tilespmem:s9+$0xA0] =	vst v4;
	v4 =	vmul.f32 v39, v36  }
0x147: {  	v43 =	vld [tilespmem:s9+$0xE0]  }
0x148: {  	[tilespmem:s9+$0xB0] =	vst v4;
	v4 =	vmul.f32 v40, v41  }
0x149: {  	v44 =	vld [tilespmem:s9+$0xF0]  }
0x14a: {  	[tilespmem:s9+$0xC0] =	vst v4;
	v4 =	vmul.f32 v42, v41  }
0x14b: {  	v45 =	vld [tilespmem:s9+$0x100]  }
0x14c: {  	[tilespmem:s9+$0xD0] =	vst v4;
	v4 =	vmul.f32 v43, v41  }
0x14d: {  	v47 =	vld [tilespmem:s9+$0x110]  }
0x14e: {  	v46 =	vbroadcast v3, $0xC;
	[tilespmem:s9+$0xE0] =	vst v4;
	v4 =	vmul.f32 v44, v41  }
0x14f: {  	v48 =	vld [tilespmem:s9+$0x120]  }
0x150: {  	[tilespmem:s9+$0xF0] =	vst v4;
	v4 =	vmul.f32 v45, v46  }
0x151: {  	v49 =	vld [tilespmem:s9+$0x130]  }
0x152: {  	[tilespmem:s9+$0x100] =	vst v4;
	v4 =	vmul.f32 v47, v46  }
0x153: {  	v50 =	vld [tilespmem:s9+$0x140]  }
0x154: {  	[tilespmem:s9+$0x110] =	vst v4;
	v4 =	vmul.f32 v48, v46  }
0x155: {  	v52 =	vld [tilespmem:s9+$0x150]  }
0x156: {  	v51 =	vbroadcast v3, $0xD;
	[tilespmem:s9+$0x120] =	vst v4;
	v4 =	vmul.f32 v49, v46  }
0x157: {  	v53 =	vld [tilespmem:s9+$0x160]  }
0x158: {  	[tilespmem:s9+$0x130] =	vst v4;
	v4 =	vmul.f32 v50, v51  }
0x159: {  	v54 =	vld [tilespmem:s9+$0x170]  }
0x15a: {  	[tilespmem:s9+$0x140] =	vst v4;
	v4 =	vmul.f32 v52, v51  }
0x15b: {  	v55 =	vld [tilespmem:s9+$0x180]  }
0x15c: {  	[tilespmem:s9+$0x150] =	vst v4;
	v4 =	vmul.f32 v53, v51  }
0x15d: {  	v57 =	vld [tilespmem:s9+$0x190]  }
0x15e: {  	v56 =	vbroadcast v3, $0xE;
	[tilespmem:s9+$0x160] =	vst v4;
	v4 =	vmul.f32 v54, v51  }
0x15f: {  	v58 =	vld [tilespmem:s9+$0x1A0]  }
0x160: {  	[tilespmem:s9+$0x170] =	vst v4;
	v4 =	vmul.f32 v55, v56  }
0x161: {  	v59 =	vld [tilespmem:s9+$0x1B0]  }
0x162: {  	[tilespmem:s9+$0x180] =	vst v4;
	v4 =	vmul.f32 v57, v56  }
0x163: {  	v60 =	vld [tilespmem:s9+$0x1C0]  }
0x164: {  	[tilespmem:s9+$0x190] =	vst v4;
	v4 =	vmul.f32 v58, v56  }
0x165: {  	v61 =	vld [tilespmem:s9+$0x1D0]  }
0x166: {  	v3 =	vbroadcast v3, $0xF;
	[tilespmem:s9+$0x1A0] =	vst v4;
	v4 =	vmul.f32 v59, v56  }
0x167: {  	v62 =	vld [tilespmem:s9+$0x1E0]  }
0x168: {  	v63 =	vld [tilespmem:s9+$0x1F0];
	[tilespmem:s9+$0x1B0] =	vst v4;
	v4 =	vmul.f32 v60, v3;
	_ =	sdelay $0x1  }
0x169: {  	p0 =	sne.s32 s2, $0x1C0;
	[tilespmem:s9+$0x1C0] =	vst v4;
	v4 =	vmul.f32 v61, v3  }
.Ltmp3:
0x16a: {  	_ = 	snop;
	(pc) =	sbr.rel @p0 .LBB2_10-.Ltmp3, $4  }
0x16b: {  	[tilespmem:s9+$0x1D0] =	vst v4;
	v4 =	vmul.f32 v62, v3  }
0x16c: {  	v3 =	vmul.f32 v63, v3  }
0x16d: {  	[tilespmem:s9+$0x1E0] =	vst v4  }
0x16e: {  	s2 =	sadd.s32 $0x40, s2;
	[tilespmem:s9+$0x1F0] =	vst v3;
	s9 =	sadd.s32 $0x400, s9  }
0x16f: {  	s29 =	sadd.s32 $0x1, s29  }
0x170: {  	p0 =	sne.s32 s29, $0x10  }
.Ltmp4:
0x171: {  	_ = 	snop;
	(pc) =	sbr.rel @p0 .LBB2_7-.Ltmp4, $3  }
0x172: {  	_ =	sdelay $0x1  }
0x173: {  	s0 =	sadd.s32 $0x1000, s0;
	s30 =	sadd.s32 $0x100, s30;
	s31 =	sadd.s32 $0x100, s31  }
0x174: {  	[spmem:s3] =	stream.indirect.scatter.add.f32 [tilespmem:s21], [sflag:$0x4], $0x40, s0, s20, $0xb8;
	[tilespmem:$0x11000] =	vst v63  }
0x175: {  	s28 =	sadd.s32 $0x1, s28  }
0x176: {  	_ =	swait.ge [sflag:s24], $0x2000;
	p0 =	sne.s32 s28, $0x5  }
.Ltmp5:
0x177: {  	[sflag:s24] =	ssyncset.done $0x0;
	(pc) =	sbr.rel @p0 .LBB2_4-.Ltmp5, $4  }
0x178: {  	[sflag:s24] =	ssyncadd.s32 $0xFFFFE000  }
0x179: {  	_ =	swait.ge [sflag:s25], $0x2000  }
0x17a: {  	[sflag:s25] =	ssyncset.done $0x0  }
0x17b: {  	[sflag:s25] =	ssyncadd.s32 $0xFFFFE000  }
0x17c: {  	s0 =	stileid.u32;
	s4 =	sadd.s32 $0x1, s4  }
0x17d: {  	[bflag:$0x0] =	sbarrier.arrive $0xFFFF;
	s0 =	sshll.u32 s0, $0x6;
	p0 =	sne.s32 s4, s15  }
.Ltmp6:
0x17e: {  	s2 =	sshrl.u32 s8, $0x3;
	s0 =	sor.u32 $0x1C05, s0;
	(pc) =	sbr.rel @p0 .LBB2_1-.Ltmp6, $4  }
0x17f: {  	[hbm:s14], [sflag:s0] =	dma.local [spmem:s2], $0x1400  }
0x180: {  	_ =	swait.ge [sflag:s17], $0x1400  }
0x181: {  	[sflag:s17] =	ssyncset.done $0x0  }
0x182: {  	[sflag:s17] =	ssyncadd.s32 $0xFFFFEC00  }
0x183: {  	_ =	sfence.sel $0x180000  }
0x184: {  	[bflag:$0x0] =	sbarrier.arrive $0xFFFF  }
0x185: {  	_ =	strace $0x90000050  }
0x186: {  	s0 =	stileid.u32;
	[bflag:$0x2] =	sbarrier.arrive $0xFFFF  }
0x187: {  	p0 =	sne.s32 s0, $0x0;
	s0 =	rddreg [dreg:$0x3]  }
0x188: {  	s0 =	sadd.s32 @!p0 $0x100000, s0  }
0x189: {  	[sflag:s0] =	ssyncadd.tile.s32 @!p0 $0x1;
	_ =	shalt  }
.Lfunc_end2:
_tile_overlayer_lowered:
.L_overlay_start_2:
0x18a: {  	(tag) =	ssettag $0x2  }
0x18b: {  	s0 =	rddreg [dreg:$0x0];
	s2 =	stileid.u32  }
0x18c: {  	s1 =	rddreg [dreg:$0x1];
	p0 =	sne.s32 s2, $0x0  }
0x18d: {  	s3 =	rddreg [dreg:$0x2];
	[bflag:$0x3] =	sbarrier.arrive $0xFFFF;
	s2 =	simm.s32 @!p0 $0x1C05  }
0x18e: {  	[timem:s3], [sflag:s2] =	dma.local @!p0 [hbm:s0], s1  }
0x18f: {  	s0 =	simm.s32 @!p0 $0x5  }
0x190: {  	_ =	swait.ge @!p0 [sflag:s0], s1  }
0x191: {  	s1 =	ssub.s32 @!p0 $0x0, s1;
	[sflag:s0] =	ssyncset.done @!p0 $0x0  }
0x192: {  	[sflag:s0] =	ssyncadd.s32 @!p0 s1  }
0x193: {  	[bflag:$0x3] =	sbarrier.arrive $0xFFFF  }
0x194: {  	_ =	shalt  }

</sc_bundles>
